<compile_context>
chip_gen: v7x
topology: tpu7x:2x2x1
jax: 0.10.2.dev20260603
libtpu: 0.0.44.dev20260713+nightly
codegen_flags: <defaults>
</compile_context>

<pallas_src>
import jax
import jax.numpy as jnp
from jax import lax
from jax.experimental import pallas as pl
from jax.experimental.pallas import tpu as pltpu
from jax.experimental.pallas import tpu_sc as plsc

N_NODES = 10000
N_EDGES = 320000
D_IN = 128
D_HID = 256
DQ = 64
NQ = 4

NC = 2
NS = 16
CHUNK = 112
NJ = 180
NJH = NJ // 4
E_PAD = NS * NJ * CHUNK
N_ACC = 10240
ZROWS = N_ACC // NS

ROW_BLK = 2000


def _embed_body(x_ref, we_ref, be_ref, wm_ref, h_ref, hm4_ref):
    h = jnp.maximum(
        jnp.dot(x_ref[...], we_ref[...], preferred_element_type=jnp.float32)
        + be_ref[...],
        0.0,
    )
    hm = jnp.dot(h, wm_ref[...], preferred_element_type=jnp.float32)
    h_ref[...] = h
    for q in range(NQ):
        hm4_ref[q] = hm[:, q * DQ:(q + 1) * DQ]


def _embed(x, W_embed, b_embed, W_msg):
    grid = (N_NODES // ROW_BLK,)
    return pl.pallas_call(
        _embed_body,
        grid=grid,
        in_specs=[
            pl.BlockSpec((ROW_BLK, D_IN), lambda i: (i, 0)),
            pl.BlockSpec((D_IN, D_HID), lambda i: (0, 0)),
            pl.BlockSpec((1, D_HID), lambda i: (0, 0)),
            pl.BlockSpec((D_HID, D_HID), lambda i: (0, 0)),
        ],
        out_specs=[
            pl.BlockSpec((ROW_BLK, D_HID), lambda i: (i, 0)),
            pl.BlockSpec((NQ, ROW_BLK, DQ), lambda i: (0, i, 0)),
        ],
        out_shape=[
            jax.ShapeDtypeStruct((N_NODES, D_HID), jnp.float32),
            jax.ShapeDtypeStruct((NQ, N_ACC, DQ), jnp.float32),
        ],
    )(x, W_embed, b_embed, W_msg)


NBUF = 5


def _agg_body(hm4, srcr, dstr, zr, agg4, src_v, dst_v, rows_v, table, acc,
              gs0, gs1, gs2, gs3, gs4, ss0, ss1, ss2, ss3, ss4):
    c = lax.axis_index("c")
    s = lax.axis_index("s")
    gsems = [gs0, gs1, gs2, gs3, gs4]
    ssems = [ss0, ss1, ss2, ss3, ss4]

    def gather(j, b):
        pltpu.async_copy(table.at[src_v.at[j]], rows_v.at[b], gsems[b])

    def drain_gather(j, b):
        pltpu.make_async_copy(
            table.at[src_v.at[j]], rows_v.at[b], gsems[b]).wait()

    def scatter(j, b):
        pltpu.async_copy(rows_v.at[b], acc.at[dst_v.at[j]], ssems[b], add=True)

    def drain_scatter(j, b):
        pltpu.make_async_copy(
            rows_v.at[b], acc.at[dst_v.at[j]], ssems[b]).wait()

    for qp in range(NQ // NC):
        q = NC * c + qp
        pltpu.sync_copy(hm4.at[q].at[pl.ds(s * ZROWS, ZROWS)],
                        table.at[pl.ds(s * ZROWS, ZROWS)])
        pltpu.sync_copy(zr, acc.at[pl.ds(s * ZROWS, ZROWS)])
        plsc.subcore_barrier()

        for p in range(NJ // NJH):
            pltpu.sync_copy(srcr.at[s].at[pl.ds(p * NJH, NJH)], src_v)
            pltpu.sync_copy(dstr.at[s].at[pl.ds(p * NJH, NJH)], dst_v)

            for b in range(NBUF - 1):
                gather(b, b)

            def body4(jj, carry):
                for b in range(NBUF):
                    j = NBUF * jj + b
                    drain_gather(j, b)
                    scatter(j, b)

                    @pl.when(j >= 1)
                    def _():
                        drain_scatter(j - 1, (b - 1) % NBUF)

                    @pl.when(j + NBUF - 1 <= NJH - 1)
                    def _():
                        gather(j + NBUF - 1, (b + NBUF - 1) % NBUF)
                return carry

            lax.fori_loop(0, NJH // NBUF, body4, 0)
            drain_scatter(NJH - 1, (NJH - 1) % NBUF)

        plsc.subcore_barrier()
        pltpu.sync_copy(acc.at[pl.ds(s * ZROWS, ZROWS)],
                        agg4.at[q].at[pl.ds(s * ZROWS, ZROWS)])
        plsc.subcore_barrier()


def _aggregate(hm4, src_r, dst_r, zeros_blk):
    mesh = plsc.VectorSubcoreMesh(
        core_axis_name="c", subcore_axis_name="s", num_cores=NC, num_subcores=NS)
    k = pl.kernel(
        _agg_body,
        out_type=jax.ShapeDtypeStruct((NQ, N_ACC, DQ), jnp.float32),
        mesh=mesh,
        scratch_types=[
            pltpu.VMEM((NJH, CHUNK), jnp.int32),
            pltpu.VMEM((NJH, CHUNK), jnp.int32),
            pltpu.VMEM((NBUF, CHUNK, DQ), jnp.float32),
            pltpu.VMEM_SHARED((N_ACC, DQ), jnp.float32),
            pltpu.VMEM_SHARED((N_ACC, DQ), jnp.float32),
        ] + [pltpu.SemaphoreType.DMA] * (2 * NBUF),
        compiler_params=pltpu.CompilerParams(use_tc_tiling_on_sc=False),
    )
    return k(hm4, src_r, dst_r, zeros_blk)


def _out_body(h_ref, agg4_ref, wo_ref, bo_ref, out_ref):
    acc = jnp.dot(h_ref[...], wo_ref[:D_HID], preferred_element_type=jnp.float32)
    for q in range(NQ):
        acc += jnp.dot(
            agg4_ref[q],
            wo_ref[D_HID + q * DQ:D_HID + (q + 1) * DQ],
            preferred_element_type=jnp.float32,
        )
    out_ref[...] = jnp.maximum(acc + bo_ref[...], 0.0)


def _output_mlp(h, agg4, W_out, b_out):
    grid = (N_NODES // ROW_BLK,)
    return pl.pallas_call(
        _out_body,
        grid=grid,
        in_specs=[
            pl.BlockSpec((ROW_BLK, D_HID), lambda i: (i, 0)),
            pl.BlockSpec((NQ, ROW_BLK, DQ), lambda i: (0, i, 0)),
            pl.BlockSpec((2 * D_HID, D_HID), lambda i: (0, 0)),
            pl.BlockSpec((1, D_HID), lambda i: (0, 0)),
        ],
        out_specs=pl.BlockSpec((ROW_BLK, D_HID), lambda i: (i, 0)),
        out_shape=jax.ShapeDtypeStruct((N_NODES, D_HID), jnp.float32),
    )(h, agg4, W_out, b_out)


@jax.jit
def kernel(x, edge_index, W_embed, b_embed, W_msg, W_out, b_out):
    src = edge_index[0]
    dst = edge_index[1]
    pad = E_PAD - N_EDGES
    src_r = jnp.concatenate([src, jnp.zeros((pad,), jnp.int32)]).reshape(
        NS, NJ, CHUNK)
    dst_r = jnp.concatenate(
        [dst, jnp.full((pad,), N_NODES, jnp.int32)]).reshape(NS, NJ, CHUNK)
    zeros_blk = jnp.zeros((ZROWS, DQ), jnp.float32)

    h, hm4 = _embed(x, W_embed, b_embed[None], W_msg)
    agg4 = _aggregate(hm4, src_r, dst_r, zeros_blk)
    return _output_mlp(h, agg4, W_out, b_out[None])

# --- scband reference (transcript-rebuilt; emitter-appended) ---
"""Pipeline reference for scband-model-11716670784015 (READ-ONLY COPY).

The authoritative reference and input builder live on the scoring server;
editing this copy changes nothing except your own understanding.
"""

import jax, jax.numpy as jnp
import numpy as np

N_NODES = 10000
N_EDGES = 320000
D_IN = 128
D_HID = 256


def setup_inputs(seed: int = 0) -> dict:
    key = jax.random.key(seed)
    k1, k2, k3, k4, k5, k6 = jax.random.split(key, 6)
    x = jax.random.normal(k1, (N_NODES, D_IN), dtype=jnp.float32)
    edge_index = jax.random.randint(k2, (2, N_EDGES), 0, N_NODES, dtype=jnp.int32)
    # learned parameters (input embedding MLP, message transform, output MLP)
    W_embed = jax.random.normal(k3, (D_IN, D_HID), dtype=jnp.float32) * 0.05
    b_embed = jnp.zeros((D_HID,), dtype=jnp.float32)
    W_msg = jax.random.normal(k4, (D_HID, D_HID), dtype=jnp.float32) * 0.05
    W_out = jax.random.normal(k5, (2 * D_HID, D_HID), dtype=jnp.float32) * 0.05
    b_out = jnp.zeros((D_HID,), dtype=jnp.float32)
    return {"x": x, "edge_index": edge_index, "W_embed": W_embed,
            "b_embed": b_embed, "W_msg": W_msg, "W_out": W_out, "b_out": b_out}


def reference(x, edge_index, W_embed, b_embed, W_msg, W_out, b_out):
    # Input embedding MLP (human_inp_embedding / obj_inp_embedding analogue)
    h = jax.nn.relu(x @ W_embed + b_embed)
    # Message transform at source nodes
    h_msg = h @ W_msg
    src = edge_index[0]
    dst = edge_index[1]
    # Gather messages along edges (copy_from_src_to_dst / update_all analogue)
    m = jnp.take(h_msg, src, axis=0)
    # Scatter-add aggregation at destination nodes (fn.sum reduce)
    agg = jax.ops.segment_sum(m, dst, num_segments=N_NODES)
    # Node update combining self features and aggregated messages
    out = jax.nn.relu(jnp.concatenate([h, agg], axis=-1) @ W_out + b_out)
    return out

if __name__ == "__main__":
    import jax
    _d = setup_inputs()
    print(jax.jit(kernel)(*tuple(_d.values())))

</pallas_src>

<mosaic_0001>
#map = affine_map<(d0, d1) -> (0, 0, 0)>
#map1 = affine_map<(d0, d1) -> (0, 0)>
module attributes {stable_mosaic.version = 14 : i64} {
  func.func @_agg_body(%arg0: i32, %arg1: i32, %arg2: memref<4x10240x64xf32, #tpu.memory_space<hbm>>, %arg3: memref<16x180x112xi32, #tpu.memory_space<hbm>>, %arg4: memref<16x180x112xi32, #tpu.memory_space<hbm>>, %arg5: memref<640x64xf32, #tpu.memory_space<hbm>>, %arg6: memref<4x10240x64xf32, #tpu.memory_space<hbm>>, %arg7: memref<45x112xi32, #tpu.memory_space<vmem>>, %arg8: memref<45x112xi32, #tpu.memory_space<vmem>>, %arg9: memref<5x112x64xf32, #tpu.memory_space<vmem>>, %arg10: memref<10240x64xf32, #tpu.memory_space<vmem_shared>>, %arg11: memref<10240x64xf32, #tpu.memory_space<vmem_shared>>, %arg12: memref<!tpu.dma_semaphore, #tpu.memory_space<semaphore_mem>>, %arg13: memref<!tpu.dma_semaphore, #tpu.memory_space<semaphore_mem>>, %arg14: memref<!tpu.dma_semaphore, #tpu.memory_space<semaphore_mem>>, %arg15: memref<!tpu.dma_semaphore, #tpu.memory_space<semaphore_mem>>, %arg16: memref<!tpu.dma_semaphore, #tpu.memory_space<semaphore_mem>>, %arg17: memref<!tpu.dma_semaphore, #tpu.memory_space<semaphore_mem>>, %arg18: memref<!tpu.dma_semaphore, #tpu.memory_space<semaphore_mem>>, %arg19: memref<!tpu.dma_semaphore, #tpu.memory_space<semaphore_mem>>, %arg20: memref<!tpu.dma_semaphore, #tpu.memory_space<semaphore_mem>>, %arg21: memref<!tpu.dma_semaphore, #tpu.memory_space<semaphore_mem>>) attributes {dimension_semantics = [#tpu.dimension_semantics<core_parallel>, #tpu.dimension_semantics<subcore_parallel>], iteration_bounds = array<i64: 2, 16>, scalar_prefetch = 0 : i64, scratch_operands = 15 : i64, tpu.core_type = #tpu.core_type<sc_vector_subcore>, window_params = [{transform_indices = #map}, {transform_indices = #map}, {transform_indices = #map}, {transform_indices = #map1}, {transform_indices = #map}]} {
    %mul3A = arith.constant 2 : i32
    %mul3A_0 = arith.muli %mul3A, %arg0 : i32
    %add3A = arith.constant 0 : i32
    %add3A_1 = arith.addi %mul3A_0, %add3A : i32
    %mul3A_2 = arith.constant 640 : i32
    %mul3A_3 = arith.muli %arg1, %mul3A_2 : i32
    %mul3A_4 = arith.constant 640 : i32
    %mul3A_5 = arith.muli %arg1, %mul3A_4 : i32
    "tpu.region"() ({
      %run_scoped3A = tpu.sem_alloc : memref<!tpu.dma_semaphore, #tpu.memory_space<semaphore_mem>>
      %dma_start3A_556 = arith.constant 0 : i32
      %dma_start3A_557 = tpu.memref_slice %arg10[%mul3A_5, %dma_start3A_556] : memref<10240x64xf32, #tpu.memory_space<vmem_shared>> -> memref<640x64xf32, #tpu.memory_space<vmem_shared>>
      %dma_start3A_558 = arith.constant 0 : i32
      %dma_start3A_559 = arith.constant 0 : i32
      %dma_start3A_560 = tpu.memref_slice %arg2[%add3A_1, %dma_start3A_558, %dma_start3A_559] : memref<4x10240x64xf32, #tpu.memory_space<hbm>> -> memref<1x10240x64xf32, #tpu.memory_space<hbm>>
      %dma_start3A_561 = tpu.memref_squeeze %dma_start3A_560 : memref<1x10240x64xf32, #tpu.memory_space<hbm>> -> memref<10240x64xf32, #tpu.memory_space<hbm>>
      %dma_start3A_562 = arith.constant 0 : i32
      %dma_start3A_563 = tpu.memref_slice %dma_start3A_561[%mul3A_3, %dma_start3A_562] : memref<10240x64xf32, #tpu.memory_space<hbm>> -> memref<640x64xf32, #tpu.memory_space<hbm>>
      tpu.enqueue_dma source(%dma_start3A_563 : memref<640x64xf32, #tpu.memory_space<hbm>>) target(%dma_start3A_557 : memref<640x64xf32, #tpu.memory_space<vmem_shared>>) target_semaphore(%run_scoped3A : memref<!tpu.dma_semaphore, #tpu.memory_space<semaphore_mem>>)
      %dma_wait3A_564 = arith.constant 0 : i32
      %dma_wait3A_565 = tpu.memref_slice %arg10[%mul3A_5, %dma_wait3A_564] : memref<10240x64xf32, #tpu.memory_space<vmem_shared>> -> memref<640x64xf32, #tpu.memory_space<vmem_shared>>
      %dma_wait3A_566 = arith.constant 0 : i32
      %dma_wait3A_567 = arith.constant 0 : i32
      %dma_wait3A_568 = tpu.memref_slice %arg2[%add3A_1, %dma_wait3A_566, %dma_wait3A_567] : memref<4x10240x64xf32, #tpu.memory_space<hbm>> -> memref<1x10240x64xf32, #tpu.memory_space<hbm>>
      %dma_wait3A_569 = tpu.memref_squeeze %dma_wait3A_568 : memref<1x10240x64xf32, #tpu.memory_space<hbm>> -> memref<10240x64xf32, #tpu.memory_space<hbm>>
      %dma_wait3A_570 = arith.constant 0 : i32
      %dma_wait3A_571 = tpu.memref_slice %dma_wait3A_569[%mul3A_3, %dma_wait3A_570] : memref<10240x64xf32, #tpu.memory_space<hbm>> -> memref<640x64xf32, #tpu.memory_space<hbm>>
      tpu.wait_dma2 semaphore(%run_scoped3A : memref<!tpu.dma_semaphore, #tpu.memory_space<semaphore_mem>>) src(%dma_wait3A_571 : memref<640x64xf32, #tpu.memory_space<hbm>>) dst(%dma_wait3A_565 : memref<640x64xf32, #tpu.memory_space<vmem_shared>>)
      tpu.yield
    }) : () -> ()
    %mul3A_6 = arith.constant 640 : i32
    %mul3A_7 = arith.muli %arg1, %mul3A_6 : i32
    "tpu.region"() ({
      %run_scoped3A = tpu.sem_alloc : memref<!tpu.dma_semaphore, #tpu.memory_space<semaphore_mem>>
      %dma_start3A_556 = arith.constant 0 : i32
      %dma_start3A_557 = tpu.memref_slice %arg11[%mul3A_7, %dma_start3A_556] : memref<10240x64xf32, #tpu.memory_space<vmem_shared>> -> memref<640x64xf32, #tpu.memory_space<vmem_shared>>
      tpu.enqueue_dma source(%arg5 : memref<640x64xf32, #tpu.memory_space<hbm>>) target(%dma_start3A_557 : memref<640x64xf32, #tpu.memory_space<vmem_shared>>) target_semaphore(%run_scoped3A : memref<!tpu.dma_semaphore, #tpu.memory_space<semaphore_mem>>)
      %dma_wait3A_558 = arith.constant 0 : i32
      %dma_wait3A_559 = tpu.memref_slice %arg11[%mul3A_7, %dma_wait3A_558] : memref<10240x64xf32, #tpu.memory_space<vmem_shared>> -> memref<640x64xf32, #tpu.memory_space<vmem_shared>>
      tpu.wait_dma2 semaphore(%run_scoped3A : memref<!tpu.dma_semaphore, #tpu.memory_space<semaphore_mem>>) src(%arg5 : memref<640x64xf32, #tpu.memory_space<hbm>>) dst(%dma_wait3A_559 : memref<640x64xf32, #tpu.memory_space<vmem_shared>>)
      tpu.yield
    }) : () -> ()
    %barrier3A = arith.constant 0 : index
    tpu.barrier barrier_id(%barrier3A)
    "tpu.region"() ({
      %run_scoped3A = tpu.sem_alloc : memref<!tpu.dma_semaphore, #tpu.memory_space<semaphore_mem>>
      %dma_start3A_556 = arith.constant 0 : i32
      %dma_start3A_557 = arith.constant 0 : i32
      %dma_start3A_558 = tpu.memref_slice %arg3[%arg1, %dma_start3A_556, %dma_start3A_557] : memref<16x180x112xi32, #tpu.memory_space<hbm>> -> memref<1x180x112xi32, #tpu.memory_space<hbm>>
      %dma_start3A_559 = tpu.memref_squeeze %dma_start3A_558 : memref<1x180x112xi32, #tpu.memory_space<hbm>> -> memref<180x112xi32, #tpu.memory_space<hbm>>
      %dma_start3A_560 = arith.constant 0 : i32
      %dma_start3A_561 = arith.constant 0 : i32
      %dma_start3A_562 = tpu.memref_slice %dma_start3A_559[%dma_start3A_560, %dma_start3A_561] : memref<180x112xi32, #tpu.memory_space<hbm>> -> memref<45x112xi32, #tpu.memory_space<hbm>>
      %dma_start3A_563 = arith.constant 0 : i32
      %dma_start3A_564 = arith.constant 0 : i32
      %dma_start3A_565 = tpu.memref_slice %arg3[%arg1, %dma_start3A_563, %dma_start3A_564] : memref<16x180x112xi32, #tpu.memory_space<hbm>> -> memref<1x180x112xi32, #tpu.memory_space<hbm>>
      %dma_start3A_566 = tpu.memref_squeeze %dma_start3A_565 : memref<1x180x112xi32, #tpu.memory_space<hbm>> -> memref<180x112xi32, #tpu.memory_space<hbm>>
      %dma_start3A_567 = arith.constant 0 : i32
      %dma_start3A_568 = arith.constant 0 : i32
      %dma_start3A_569 = tpu.memref_slice %dma_start3A_566[%dma_start3A_567, %dma_start3A_568] : memref<180x112xi32, #tpu.memory_space<hbm>> -> memref<45x112xi32, #tpu.memory_space<hbm>>
      tpu.enqueue_dma source(%dma_start3A_569 : memref<45x112xi32, #tpu.memory_space<hbm>>) target(%arg7 : memref<45x112xi32, #tpu.memory_space<vmem>>) target_semaphore(%run_scoped3A : memref<!tpu.dma_semaphore, #tpu.memory_space<semaphore_mem>>)
      %dma_wait3A_570 = arith.constant 0 : i32
      %dma_wait3A_571 = arith.constant 0 : i32
      %dma_wait3A_572 = tpu.memref_slice %arg3[%arg1, %dma_wait3A_570, %dma_wait3A_571] : memref<16x180x112xi32, #tpu.memory_space<hbm>> -> memref<1x180x112xi32, #tpu.memory_space<hbm>>
      %dma_wait3A_573 = tpu.memref_squeeze %dma_wait3A_572 : memref<1x180x112xi32, #tpu.memory_space<hbm>> -> memref<180x112xi32, #tpu.memory_space<hbm>>
      %dma_wait3A_574 = arith.constant 0 : i32
      %dma_wait3A_575 = arith.constant 0 : i32
      %dma_wait3A_576 = tpu.memref_slice %dma_wait3A_573[%dma_wait3A_574, %dma_wait3A_575] : memref<180x112xi32, #tpu.memory_space<hbm>> -> memref<45x112xi32, #tpu.memory_space<hbm>>
      %dma_wait3A_577 = arith.constant 0 : i32
      %dma_wait3A_578 = arith.constant 0 : i32
      %dma_wait3A_579 = tpu.memref_slice %arg3[%arg1, %dma_wait3A_577, %dma_wait3A_578] : memref<16x180x112xi32, #tpu.memory_space<hbm>> -> memref<1x180x112xi32, #tpu.memory_space<hbm>>
      %dma_wait3A_580 = tpu.memref_squeeze %dma_wait3A_579 : memref<1x180x112xi32, #tpu.memory_space<hbm>> -> memref<180x112xi32, #tpu.memory_space<hbm>>
      %dma_wait3A_581 = arith.constant 0 : i32
      %dma_wait3A_582 = arith.constant 0 : i32
      %dma_wait3A_583 = tpu.memref_slice %dma_wait3A_580[%dma_wait3A_581, %dma_wait3A_582] : memref<180x112xi32, #tpu.memory_space<hbm>> -> memref<45x112xi32, #tpu.memory_space<hbm>>
      tpu.wait_dma2 semaphore(%run_scoped3A : memref<!tpu.dma_semaphore, #tpu.memory_space<semaphore_mem>>) src(%dma_wait3A_583 : memref<45x112xi32, #tpu.memory_space<hbm>>) dst(%arg7 : memref<45x112xi32, #tpu.memory_space<vmem>>)
      tpu.yield
    }) : () -> ()
    "tpu.region"() ({
      %run_scoped3A = tpu.sem_alloc : memref<!tpu.dma_semaphore, #tpu.memory_space<semaphore_mem>>
      %dma_start3A_556 = arith.constant 0 : i32
      %dma_start3A_557 = arith.constant 0 : i32
      %dma_start3A_558 = tpu.memref_slice %arg4[%arg1, %dma_start3A_556, %dma_start3A_557] : memref<16x180x112xi32, #tpu.memory_space<hbm>> -> memref<1x180x112xi32, #tpu.memory_space<hbm>>
      %dma_start3A_559 = tpu.memref_squeeze %dma_start3A_558 : memref<1x180x112xi32, #tpu.memory_space<hbm>> -> memref<180x112xi32, #tpu.memory_space<hbm>>
      %dma_start3A_560 = arith.constant 0 : i32
      %dma_start3A_561 = arith.constant 0 : i32
      %dma_start3A_562 = tpu.memref_slice %dma_start3A_559[%dma_start3A_560, %dma_start3A_561] : memref<180x112xi32, #tpu.memory_space<hbm>> -> memref<45x112xi32, #tpu.memory_space<hbm>>
      %dma_start3A_563 = arith.constant 0 : i32
      %dma_start3A_564 = arith.constant 0 : i32
      %dma_start3A_565 = tpu.memref_slice %arg4[%arg1, %dma_start3A_563, %dma_start3A_564] : memref<16x180x112xi32, #tpu.memory_space<hbm>> -> memref<1x180x112xi32, #tpu.memory_space<hbm>>
      %dma_start3A_566 = tpu.memref_squeeze %dma_start3A_565 : memref<1x180x112xi32, #tpu.memory_space<hbm>> -> memref<180x112xi32, #tpu.memory_space<hbm>>
      %dma_start3A_567 = arith.constant 0 : i32
      %dma_start3A_568 = arith.constant 0 : i32
      %dma_start3A_569 = tpu.memref_slice %dma_start3A_566[%dma_start3A_567, %dma_start3A_568] : memref<180x112xi32, #tpu.memory_space<hbm>> -> memref<45x112xi32, #tpu.memory_space<hbm>>
      tpu.enqueue_dma source(%dma_start3A_569 : memref<45x112xi32, #tpu.memory_space<hbm>>) target(%arg8 : memref<45x112xi32, #tpu.memory_space<vmem>>) target_semaphore(%run_scoped3A : memref<!tpu.dma_semaphore, #tpu.memory_space<semaphore_mem>>)
      %dma_wait3A_570 = arith.constant 0 : i32
      %dma_wait3A_571 = arith.constant 0 : i32
      %dma_wait3A_572 = tpu.memref_slice %arg4[%arg1, %dma_wait3A_570, %dma_wait3A_571] : memref<16x180x112xi32, #tpu.memory_space<hbm>> -> memref<1x180x112xi32, #tpu.memory_space<hbm>>
      %dma_wait3A_573 = tpu.memref_squeeze %dma_wait3A_572 : memref<1x180x112xi32, #tpu.memory_space<hbm>> -> memref<180x112xi32, #tpu.memory_space<hbm>>
      %dma_wait3A_574 = arith.constant 0 : i32
      %dma_wait3A_575 = arith.constant 0 : i32
      %dma_wait3A_576 = tpu.memref_slice %dma_wait3A_573[%dma_wait3A_574, %dma_wait3A_575] : memref<180x112xi32, #tpu.memory_space<hbm>> -> memref<45x112xi32, #tpu.memory_space<hbm>>
      %dma_wait3A_577 = arith.constant 0 : i32
      %dma_wait3A_578 = arith.constant 0 : i32
      %dma_wait3A_579 = tpu.memref_slice %arg4[%arg1, %dma_wait3A_577, %dma_wait3A_578] : memref<16x180x112xi32, #tpu.memory_space<hbm>> -> memref<1x180x112xi32, #tpu.memory_space<hbm>>
      %dma_wait3A_580 = tpu.memref_squeeze %dma_wait3A_579 : memref<1x180x112xi32, #tpu.memory_space<hbm>> -> memref<180x112xi32, #tpu.memory_space<hbm>>
      %dma_wait3A_581 = arith.constant 0 : i32
      %dma_wait3A_582 = arith.constant 0 : i32
      %dma_wait3A_583 = tpu.memref_slice %dma_wait3A_580[%dma_wait3A_581, %dma_wait3A_582] : memref<180x112xi32, #tpu.memory_space<hbm>> -> memref<45x112xi32, #tpu.memory_space<hbm>>
      tpu.wait_dma2 semaphore(%run_scoped3A : memref<!tpu.dma_semaphore, #tpu.memory_space<semaphore_mem>>) src(%dma_wait3A_583 : memref<45x112xi32, #tpu.memory_space<hbm>>) dst(%arg8 : memref<45x112xi32, #tpu.memory_space<vmem>>)
      tpu.yield
    }) : () -> ()
    %dma_start3A = arith.constant 0 : i32
    %dma_start3A_8 = arith.constant 0 : i32
    %dma_start3A_9 = arith.constant 0 : i32
    %dma_start3A_10 = arith.constant 0 : i32
    %dma_start3A_11 = tpu.memref_slice %arg9[%dma_start3A_8, %dma_start3A_9, %dma_start3A_10] : memref<5x112x64xf32, #tpu.memory_space<vmem>> -> memref<1x112x64xf32, #tpu.memory_space<vmem>>
    %dma_start3A_12 = tpu.memref_squeeze %dma_start3A_11 : memref<1x112x64xf32, #tpu.memory_space<vmem>> -> memref<112x64xf32, #tpu.memory_space<vmem>>
    %dma_start3A_13 = arith.constant 0 : i32
    %dma_start3A_14 = tpu.memref_slice %arg7[%dma_start3A, %dma_start3A_13] : memref<45x112xi32, #tpu.memory_space<vmem>> -> memref<1x112xi32, #tpu.memory_space<vmem>>
    %dma_start3A_15 = tpu.memref_squeeze %dma_start3A_14 : memref<1x112xi32, #tpu.memory_space<vmem>> -> memref<112xi32, #tpu.memory_space<vmem>>
    %dma_start3A_16 = arith.constant 0 : i32
    %dma_start3A_17 = arith.constant 0 : i32
    %dma_start3A_18 = tpu.memref_slice %arg10[%dma_start3A_16, %dma_start3A_17] : memref<10240x64xf32, #tpu.memory_space<vmem_shared>> -> memref<10240x64xf32, #tpu.memory_space<vmem_shared>>
    tpu.enqueue_indirect_dma source(%dma_start3A_18 : memref<10240x64xf32, #tpu.memory_space<vmem_shared>>) target(%dma_start3A_12 : memref<112x64xf32, #tpu.memory_space<vmem>>) offsets(%dma_start3A_15 : memref<112xi32, #tpu.memory_space<vmem>>) semaphore(%arg12 : memref<!tpu.dma_semaphore, #tpu.memory_space<semaphore_mem>>)
    %dma_start3A_19 = arith.constant 1 : i32
    %dma_start3A_20 = arith.constant 1 : i32
    %dma_start3A_21 = arith.constant 0 : i32
    %dma_start3A_22 = arith.constant 0 : i32
    %dma_start3A_23 = tpu.memref_slice %arg9[%dma_start3A_20, %dma_start3A_21, %dma_start3A_22] : memref<5x112x64xf32, #tpu.memory_space<vmem>> -> memref<1x112x64xf32, #tpu.memory_space<vmem>>
    %dma_start3A_24 = tpu.memref_squeeze %dma_start3A_23 : memref<1x112x64xf32, #tpu.memory_space<vmem>> -> memref<112x64xf32, #tpu.memory_space<vmem>>
    %dma_start3A_25 = arith.constant 0 : i32
    %dma_start3A_26 = tpu.memref_slice %arg7[%dma_start3A_19, %dma_start3A_25] : memref<45x112xi32, #tpu.memory_space<vmem>> -> memref<1x112xi32, #tpu.memory_space<vmem>>
    %dma_start3A_27 = tpu.memref_squeeze %dma_start3A_26 : memref<1x112xi32, #tpu.memory_space<vmem>> -> memref<112xi32, #tpu.memory_space<vmem>>
    %dma_start3A_28 = arith.constant 0 : i32
    %dma_start3A_29 = arith.constant 0 : i32
    %dma_start3A_30 = tpu.memref_slice %arg10[%dma_start3A_28, %dma_start3A_29] : memref<10240x64xf32, #tpu.memory_space<vmem_shared>> -> memref<10240x64xf32, #tpu.memory_space<vmem_shared>>
    tpu.enqueue_indirect_dma source(%dma_start3A_30 : memref<10240x64xf32, #tpu.memory_space<vmem_shared>>) target(%dma_start3A_24 : memref<112x64xf32, #tpu.memory_space<vmem>>) offsets(%dma_start3A_27 : memref<112xi32, #tpu.memory_space<vmem>>) semaphore(%arg13 : memref<!tpu.dma_semaphore, #tpu.memory_space<semaphore_mem>>)
    %dma_start3A_31 = arith.constant 2 : i32
    %dma_start3A_32 = arith.constant 2 : i32
    %dma_start3A_33 = arith.constant 0 : i32
    %dma_start3A_34 = arith.constant 0 : i32
    %dma_start3A_35 = tpu.memref_slice %arg9[%dma_start3A_32, %dma_start3A_33, %dma_start3A_34] : memref<5x112x64xf32, #tpu.memory_space<vmem>> -> memref<1x112x64xf32, #tpu.memory_space<vmem>>
    %dma_start3A_36 = tpu.memref_squeeze %dma_start3A_35 : memref<1x112x64xf32, #tpu.memory_space<vmem>> -> memref<112x64xf32, #tpu.memory_space<vmem>>
    %dma_start3A_37 = arith.constant 0 : i32
    %dma_start3A_38 = tpu.memref_slice %arg7[%dma_start3A_31, %dma_start3A_37] : memref<45x112xi32, #tpu.memory_space<vmem>> -> memref<1x112xi32, #tpu.memory_space<vmem>>
    %dma_start3A_39 = tpu.memref_squeeze %dma_start3A_38 : memref<1x112xi32, #tpu.memory_space<vmem>> -> memref<112xi32, #tpu.memory_space<vmem>>
    %dma_start3A_40 = arith.constant 0 : i32
    %dma_start3A_41 = arith.constant 0 : i32
    %dma_start3A_42 = tpu.memref_slice %arg10[%dma_start3A_40, %dma_start3A_41] : memref<10240x64xf32, #tpu.memory_space<vmem_shared>> -> memref<10240x64xf32, #tpu.memory_space<vmem_shared>>
    tpu.enqueue_indirect_dma source(%dma_start3A_42 : memref<10240x64xf32, #tpu.memory_space<vmem_shared>>) target(%dma_start3A_36 : memref<112x64xf32, #tpu.memory_space<vmem>>) offsets(%dma_start3A_39 : memref<112xi32, #tpu.memory_space<vmem>>) semaphore(%arg14 : memref<!tpu.dma_semaphore, #tpu.memory_space<semaphore_mem>>)
    %dma_start3A_43 = arith.constant 3 : i32
    %dma_start3A_44 = arith.constant 3 : i32
    %dma_start3A_45 = arith.constant 0 : i32
    %dma_start3A_46 = arith.constant 0 : i32
    %dma_start3A_47 = tpu.memref_slice %arg9[%dma_start3A_44, %dma_start3A_45, %dma_start3A_46] : memref<5x112x64xf32, #tpu.memory_space<vmem>> -> memref<1x112x64xf32, #tpu.memory_space<vmem>>
    %dma_start3A_48 = tpu.memref_squeeze %dma_start3A_47 : memref<1x112x64xf32, #tpu.memory_space<vmem>> -> memref<112x64xf32, #tpu.memory_space<vmem>>
    %dma_start3A_49 = arith.constant 0 : i32
    %dma_start3A_50 = tpu.memref_slice %arg7[%dma_start3A_43, %dma_start3A_49] : memref<45x112xi32, #tpu.memory_space<vmem>> -> memref<1x112xi32, #tpu.memory_space<vmem>>
    %dma_start3A_51 = tpu.memref_squeeze %dma_start3A_50 : memref<1x112xi32, #tpu.memory_space<vmem>> -> memref<112xi32, #tpu.memory_space<vmem>>
    %dma_start3A_52 = arith.constant 0 : i32
    %dma_start3A_53 = arith.constant 0 : i32
    %dma_start3A_54 = tpu.memref_slice %arg10[%dma_start3A_52, %dma_start3A_53] : memref<10240x64xf32, #tpu.memory_space<vmem_shared>> -> memref<10240x64xf32, #tpu.memory_space<vmem_shared>>
    tpu.enqueue_indirect_dma source(%dma_start3A_54 : memref<10240x64xf32, #tpu.memory_space<vmem_shared>>) target(%dma_start3A_48 : memref<112x64xf32, #tpu.memory_space<vmem>>) offsets(%dma_start3A_51 : memref<112xi32, #tpu.memory_space<vmem>>) semaphore(%arg15 : memref<!tpu.dma_semaphore, #tpu.memory_space<semaphore_mem>>)
    %scan3A = arith.constant 0 : i32
    %scan3A_55 = arith.constant 0 : i32
    %scan3A_56 = arith.constant 9 : i32
    %scan3A_57 = arith.addi %scan3A_55, %scan3A_56 : i32
    %scan3A_58 = arith.constant 1 : i32
    scf.for %scan3A_556 = %scan3A_55 to %scan3A_57 step %scan3A_58  : i32 {
      %mul3A_557 = arith.constant 5 : i32
      %mul3A_558 = arith.muli %mul3A_557, %scan3A_556 : i32
      %add3A_559 = arith.constant 0 : i32
      %add3A_560 = arith.addi %mul3A_558, %add3A_559 : i32
      %dma_wait3A_561 = arith.constant 0 : i32
      %dma_wait3A_562 = arith.constant 0 : i32
      %dma_wait3A_563 = arith.constant 0 : i32
      %dma_wait3A_564 = tpu.memref_slice %arg9[%dma_wait3A_561, %dma_wait3A_562, %dma_wait3A_563] : memref<5x112x64xf32, #tpu.memory_space<vmem>> -> memref<1x112x64xf32, #tpu.memory_space<vmem>>
      %dma_wait3A_565 = tpu.memref_squeeze %dma_wait3A_564 : memref<1x112x64xf32, #tpu.memory_space<vmem>> -> memref<112x64xf32, #tpu.memory_space<vmem>>
      %dma_wait3A_566 = arith.constant 0 : i32
      %dma_wait3A_567 = tpu.memref_slice %arg7[%add3A_560, %dma_wait3A_566] : memref<45x112xi32, #tpu.memory_space<vmem>> -> memref<1x112xi32, #tpu.memory_space<vmem>>
      %dma_wait3A_568 = tpu.memref_squeeze %dma_wait3A_567 : memref<1x112xi32, #tpu.memory_space<vmem>> -> memref<112xi32, #tpu.memory_space<vmem>>
      %dma_wait3A_569 = arith.constant 0 : i32
      %dma_wait3A_570 = arith.constant 0 : i32
      %dma_wait3A_571 = tpu.memref_slice %arg10[%dma_wait3A_569, %dma_wait3A_570] : memref<10240x64xf32, #tpu.memory_space<vmem_shared>> -> memref<10240x64xf32, #tpu.memory_space<vmem_shared>>
      tpu.wait_indirect_dma semaphore(%arg12 : memref<!tpu.dma_semaphore, #tpu.memory_space<semaphore_mem>>) src(%dma_wait3A_571 : memref<10240x64xf32, #tpu.memory_space<vmem_shared>>) dst(%dma_wait3A_565 : memref<112x64xf32, #tpu.memory_space<vmem>>)
      %dma_start3A_572 = arith.constant 0 : i32
      %dma_start3A_573 = arith.constant 0 : i32
      %dma_start3A_574 = arith.constant 0 : i32
      %dma_start3A_575 = tpu.memref_slice %arg9[%dma_start3A_572, %dma_start3A_573, %dma_start3A_574] : memref<5x112x64xf32, #tpu.memory_space<vmem>> -> memref<1x112x64xf32, #tpu.memory_space<vmem>>
      %dma_start3A_576 = tpu.memref_squeeze %dma_start3A_575 : memref<1x112x64xf32, #tpu.memory_space<vmem>> -> memref<112x64xf32, #tpu.memory_space<vmem>>
      %dma_start3A_577 = arith.constant 0 : i32
      %dma_start3A_578 = tpu.memref_slice %arg8[%add3A_560, %dma_start3A_577] : memref<45x112xi32, #tpu.memory_space<vmem>> -> memref<1x112xi32, #tpu.memory_space<vmem>>
      %dma_start3A_579 = tpu.memref_squeeze %dma_start3A_578 : memref<1x112xi32, #tpu.memory_space<vmem>> -> memref<112xi32, #tpu.memory_space<vmem>>
      %dma_start3A_580 = arith.constant 0 : i32
      %dma_start3A_581 = arith.constant 0 : i32
      %dma_start3A_582 = tpu.memref_slice %arg11[%dma_start3A_580, %dma_start3A_581] : memref<10240x64xf32, #tpu.memory_space<vmem_shared>> -> memref<10240x64xf32, #tpu.memory_space<vmem_shared>>
      tpu.enqueue_indirect_dma source(%dma_start3A_576 : memref<112x64xf32, #tpu.memory_space<vmem>>) target(%dma_start3A_582 : memref<10240x64xf32, #tpu.memory_space<vmem_shared>>) offsets(%dma_start3A_579 : memref<112xi32, #tpu.memory_space<vmem>>) semaphore(%arg17 : memref<!tpu.dma_semaphore, #tpu.memory_space<semaphore_mem>>) {add = true}
      %ge3A = arith.constant 1 : i32
      %ge3A_583 = arith.cmpi sge, %add3A_560, %ge3A : i32
      %convert_element_type3A = arith.extui %ge3A_583 : i1 to i32
      %cond3A = arith.constant 0 : i32
      %cond3A_584 = arith.cmpi ne, %convert_element_type3A, %cond3A : i32
      scf.if %cond3A_584 {
        %sub3A_752 = arith.constant 1 : i32
        %sub3A_753 = arith.subi %add3A_560, %sub3A_752 : i32
        %dma_wait3A_754 = arith.constant 4 : i32
        %dma_wait3A_755 = arith.constant 0 : i32
        %dma_wait3A_756 = arith.constant 0 : i32
        %dma_wait3A_757 = tpu.memref_slice %arg9[%dma_wait3A_754, %dma_wait3A_755, %dma_wait3A_756] : memref<5x112x64xf32, #tpu.memory_space<vmem>> -> memref<1x112x64xf32, #tpu.memory_space<vmem>>
        %dma_wait3A_758 = tpu.memref_squeeze %dma_wait3A_757 : memref<1x112x64xf32, #tpu.memory_space<vmem>> -> memref<112x64xf32, #tpu.memory_space<vmem>>
        %dma_wait3A_759 = arith.constant 0 : i32
        %dma_wait3A_760 = tpu.memref_slice %arg8[%sub3A_753, %dma_wait3A_759] : memref<45x112xi32, #tpu.memory_space<vmem>> -> memref<1x112xi32, #tpu.memory_space<vmem>>
        %dma_wait3A_761 = tpu.memref_squeeze %dma_wait3A_760 : memref<1x112xi32, #tpu.memory_space<vmem>> -> memref<112xi32, #tpu.memory_space<vmem>>
        %dma_wait3A_762 = arith.constant 0 : i32
        %dma_wait3A_763 = arith.constant 0 : i32
        %dma_wait3A_764 = tpu.memref_slice %arg11[%dma_wait3A_762, %dma_wait3A_763] : memref<10240x64xf32, #tpu.memory_space<vmem_shared>> -> memref<10240x64xf32, #tpu.memory_space<vmem_shared>>
        tpu.wait_indirect_dma semaphore(%arg21 : memref<!tpu.dma_semaphore, #tpu.memory_space<semaphore_mem>>) src(%dma_wait3A_758 : memref<112x64xf32, #tpu.memory_space<vmem>>) dst(%dma_wait3A_764 : memref<10240x64xf32, #tpu.memory_space<vmem_shared>>)
      } else {
      }
      %add3A_585 = arith.constant 5 : i32
      %add3A_586 = arith.addi %add3A_560, %add3A_585 : i32
      %sub3A = arith.constant 1 : i32
      %sub3A_587 = arith.subi %add3A_586, %sub3A : i32
      %le3A = arith.constant 44 : i32
      %le3A_588 = arith.cmpi sle, %sub3A_587, %le3A : i32
      %convert_element_type3A_589 = arith.extui %le3A_588 : i1 to i32
      %cond3A_590 = arith.constant 0 : i32
      %cond3A_591 = arith.cmpi ne, %convert_element_type3A_589, %cond3A_590 : i32
      scf.if %cond3A_591 {
        %add3A_752 = arith.constant 5 : i32
        %add3A_753 = arith.addi %add3A_560, %add3A_752 : i32
        %sub3A_754 = arith.constant 1 : i32
        %sub3A_755 = arith.subi %add3A_753, %sub3A_754 : i32
        %dma_start3A_756 = arith.constant 4 : i32
        %dma_start3A_757 = arith.constant 0 : i32
        %dma_start3A_758 = arith.constant 0 : i32
        %dma_start3A_759 = tpu.memref_slice %arg9[%dma_start3A_756, %dma_start3A_757, %dma_start3A_758] : memref<5x112x64xf32, #tpu.memory_space<vmem>> -> memref<1x112x64xf32, #tpu.memory_space<vmem>>
        %dma_start3A_760 = tpu.memref_squeeze %dma_start3A_759 : memref<1x112x64xf32, #tpu.memory_space<vmem>> -> memref<112x64xf32, #tpu.memory_space<vmem>>
        %dma_start3A_761 = arith.constant 0 : i32
        %dma_start3A_762 = tpu.memref_slice %arg7[%sub3A_755, %dma_start3A_761] : memref<45x112xi32, #tpu.memory_space<vmem>> -> memref<1x112xi32, #tpu.memory_space<vmem>>
        %dma_start3A_763 = tpu.memref_squeeze %dma_start3A_762 : memref<1x112xi32, #tpu.memory_space<vmem>> -> memref<112xi32, #tpu.memory_space<vmem>>
        %dma_start3A_764 = arith.constant 0 : i32
        %dma_start3A_765 = arith.constant 0 : i32
        %dma_start3A_766 = tpu.memref_slice %arg10[%dma_start3A_764, %dma_start3A_765] : memref<10240x64xf32, #tpu.memory_space<vmem_shared>> -> memref<10240x64xf32, #tpu.memory_space<vmem_shared>>
        tpu.enqueue_indirect_dma source(%dma_start3A_766 : memref<10240x64xf32, #tpu.memory_space<vmem_shared>>) target(%dma_start3A_760 : memref<112x64xf32, #tpu.memory_space<vmem>>) offsets(%dma_start3A_763 : memref<112xi32, #tpu.memory_space<vmem>>) semaphore(%arg16 : memref<!tpu.dma_semaphore, #tpu.memory_space<semaphore_mem>>)
      } else {
      }
      %mul3A_592 = arith.constant 5 : i32
      %mul3A_593 = arith.muli %mul3A_592, %scan3A_556 : i32
      %add3A_594 = arith.constant 1 : i32
      %add3A_595 = arith.addi %mul3A_593, %add3A_594 : i32
      %dma_wait3A_596 = arith.constant 1 : i32
      %dma_wait3A_597 = arith.constant 0 : i32
      %dma_wait3A_598 = arith.constant 0 : i32
      %dma_wait3A_599 = tpu.memref_slice %arg9[%dma_wait3A_596, %dma_wait3A_597, %dma_wait3A_598] : memref<5x112x64xf32, #tpu.memory_space<vmem>> -> memref<1x112x64xf32, #tpu.memory_space<vmem>>
      %dma_wait3A_600 = tpu.memref_squeeze %dma_wait3A_599 : memref<1x112x64xf32, #tpu.memory_space<vmem>> -> memref<112x64xf32, #tpu.memory_space<vmem>>
      %dma_wait3A_601 = arith.constant 0 : i32
      %dma_wait3A_602 = tpu.memref_slice %arg7[%add3A_595, %dma_wait3A_601] : memref<45x112xi32, #tpu.memory_space<vmem>> -> memref<1x112xi32, #tpu.memory_space<vmem>>
      %dma_wait3A_603 = tpu.memref_squeeze %dma_wait3A_602 : memref<1x112xi32, #tpu.memory_space<vmem>> -> memref<112xi32, #tpu.memory_space<vmem>>
      %dma_wait3A_604 = arith.constant 0 : i32
      %dma_wait3A_605 = arith.constant 0 : i32
      %dma_wait3A_606 = tpu.memref_slice %arg10[%dma_wait3A_604, %dma_wait3A_605] : memref<10240x64xf32, #tpu.memory_space<vmem_shared>> -> memref<10240x64xf32, #tpu.memory_space<vmem_shared>>
      tpu.wait_indirect_dma semaphore(%arg13 : memref<!tpu.dma_semaphore, #tpu.memory_space<semaphore_mem>>) src(%dma_wait3A_606 : memref<10240x64xf32, #tpu.memory_space<vmem_shared>>) dst(%dma_wait3A_600 : memref<112x64xf32, #tpu.memory_space<vmem>>)
      %dma_start3A_607 = arith.constant 1 : i32
      %dma_start3A_608 = arith.constant 0 : i32
      %dma_start3A_609 = arith.constant 0 : i32
      %dma_start3A_610 = tpu.memref_slice %arg9[%dma_start3A_607, %dma_start3A_608, %dma_start3A_609] : memref<5x112x64xf32, #tpu.memory_space<vmem>> -> memref<1x112x64xf32, #tpu.memory_space<vmem>>
      %dma_start3A_611 = tpu.memref_squeeze %dma_start3A_610 : memref<1x112x64xf32, #tpu.memory_space<vmem>> -> memref<112x64xf32, #tpu.memory_space<vmem>>
      %dma_start3A_612 = arith.constant 0 : i32
      %dma_start3A_613 = tpu.memref_slice %arg8[%add3A_595, %dma_start3A_612] : memref<45x112xi32, #tpu.memory_space<vmem>> -> memref<1x112xi32, #tpu.memory_space<vmem>>
      %dma_start3A_614 = tpu.memref_squeeze %dma_start3A_613 : memref<1x112xi32, #tpu.memory_space<vmem>> -> memref<112xi32, #tpu.memory_space<vmem>>
      %dma_start3A_615 = arith.constant 0 : i32
      %dma_start3A_616 = arith.constant 0 : i32
      %dma_start3A_617 = tpu.memref_slice %arg11[%dma_start3A_615, %dma_start3A_616] : memref<10240x64xf32, #tpu.memory_space<vmem_shared>> -> memref<10240x64xf32, #tpu.memory_space<vmem_shared>>
      tpu.enqueue_indirect_dma source(%dma_start3A_611 : memref<112x64xf32, #tpu.memory_space<vmem>>) target(%dma_start3A_617 : memref<10240x64xf32, #tpu.memory_space<vmem_shared>>) offsets(%dma_start3A_614 : memref<112xi32, #tpu.memory_space<vmem>>) semaphore(%arg18 : memref<!tpu.dma_semaphore, #tpu.memory_space<semaphore_mem>>) {add = true}
      %ge3A_618 = arith.constant 1 : i32
      %ge3A_619 = arith.cmpi sge, %add3A_595, %ge3A_618 : i32
      %convert_element_type3A_620 = arith.extui %ge3A_619 : i1 to i32
      %cond3A_621 = arith.constant 0 : i32
      %cond3A_622 = arith.cmpi ne, %convert_element_type3A_620, %cond3A_621 : i32
      scf.if %cond3A_622 {
        %sub3A_752 = arith.constant 1 : i32
        %sub3A_753 = arith.subi %add3A_595, %sub3A_752 : i32
        %dma_wait3A_754 = arith.constant 0 : i32
        %dma_wait3A_755 = arith.constant 0 : i32
        %dma_wait3A_756 = arith.constant 0 : i32
        %dma_wait3A_757 = tpu.memref_slice %arg9[%dma_wait3A_754, %dma_wait3A_755, %dma_wait3A_756] : memref<5x112x64xf32, #tpu.memory_space<vmem>> -> memref<1x112x64xf32, #tpu.memory_space<vmem>>
        %dma_wait3A_758 = tpu.memref_squeeze %dma_wait3A_757 : memref<1x112x64xf32, #tpu.memory_space<vmem>> -> memref<112x64xf32, #tpu.memory_space<vmem>>
        %dma_wait3A_759 = arith.constant 0 : i32
        %dma_wait3A_760 = tpu.memref_slice %arg8[%sub3A_753, %dma_wait3A_759] : memref<45x112xi32, #tpu.memory_space<vmem>> -> memref<1x112xi32, #tpu.memory_space<vmem>>
        %dma_wait3A_761 = tpu.memref_squeeze %dma_wait3A_760 : memref<1x112xi32, #tpu.memory_space<vmem>> -> memref<112xi32, #tpu.memory_space<vmem>>
        %dma_wait3A_762 = arith.constant 0 : i32
        %dma_wait3A_763 = arith.constant 0 : i32
        %dma_wait3A_764 = tpu.memref_slice %arg11[%dma_wait3A_762, %dma_wait3A_763] : memref<10240x64xf32, #tpu.memory_space<vmem_shared>> -> memref<10240x64xf32, #tpu.memory_space<vmem_shared>>
        tpu.wait_indirect_dma semaphore(%arg17 : memref<!tpu.dma_semaphore, #tpu.memory_space<semaphore_mem>>) src(%dma_wait3A_758 : memref<112x64xf32, #tpu.memory_space<vmem>>) dst(%dma_wait3A_764 : memref<10240x64xf32, #tpu.memory_space<vmem_shared>>)
      } else {
      }
      %add3A_623 = arith.constant 5 : i32
      %add3A_624 = arith.addi %add3A_595, %add3A_623 : i32
      %sub3A_625 = arith.constant 1 : i32
      %sub3A_626 = arith.subi %add3A_624, %sub3A_625 : i32
      %le3A_627 = arith.constant 44 : i32
      %le3A_628 = arith.cmpi sle, %sub3A_626, %le3A_627 : i32
      %convert_element_type3A_629 = arith.extui %le3A_628 : i1 to i32
      %cond3A_630 = arith.constant 0 : i32
      %cond3A_631 = arith.cmpi ne, %convert_element_type3A_629, %cond3A_630 : i32
      scf.if %cond3A_631 {
        %add3A_752 = arith.constant 5 : i32
        %add3A_753 = arith.addi %add3A_595, %add3A_752 : i32
        %sub3A_754 = arith.constant 1 : i32
        %sub3A_755 = arith.subi %add3A_753, %sub3A_754 : i32
        %dma_start3A_756 = arith.constant 0 : i32
        %dma_start3A_757 = arith.constant 0 : i32
        %dma_start3A_758 = arith.constant 0 : i32
        %dma_start3A_759 = tpu.memref_slice %arg9[%dma_start3A_756, %dma_start3A_757, %dma_start3A_758] : memref<5x112x64xf32, #tpu.memory_space<vmem>> -> memref<1x112x64xf32, #tpu.memory_space<vmem>>
        %dma_start3A_760 = tpu.memref_squeeze %dma_start3A_759 : memref<1x112x64xf32, #tpu.memory_space<vmem>> -> memref<112x64xf32, #tpu.memory_space<vmem>>
        %dma_start3A_761 = arith.constant 0 : i32
        %dma_start3A_762 = tpu.memref_slice %arg7[%sub3A_755, %dma_start3A_761] : memref<45x112xi32, #tpu.memory_space<vmem>> -> memref<1x112xi32, #tpu.memory_space<vmem>>
        %dma_start3A_763 = tpu.memref_squeeze %dma_start3A_762 : memref<1x112xi32, #tpu.memory_space<vmem>> -> memref<112xi32, #tpu.memory_space<vmem>>
        %dma_start3A_764 = arith.constant 0 : i32
        %dma_start3A_765 = arith.constant 0 : i32
        %dma_start3A_766 = tpu.memref_slice %arg10[%dma_start3A_764, %dma_start3A_765] : memref<10240x64xf32, #tpu.memory_space<vmem_shared>> -> memref<10240x64xf32, #tpu.memory_space<vmem_shared>>
        tpu.enqueue_indirect_dma source(%dma_start3A_766 : memref<10240x64xf32, #tpu.memory_space<vmem_shared>>) target(%dma_start3A_760 : memref<112x64xf32, #tpu.memory_space<vmem>>) offsets(%dma_start3A_763 : memref<112xi32, #tpu.memory_space<vmem>>) semaphore(%arg12 : memref<!tpu.dma_semaphore, #tpu.memory_space<semaphore_mem>>)
      } else {
      }
      %mul3A_632 = arith.constant 5 : i32
      %mul3A_633 = arith.muli %mul3A_632, %scan3A_556 : i32
      %add3A_634 = arith.constant 2 : i32
      %add3A_635 = arith.addi %mul3A_633, %add3A_634 : i32
      %dma_wait3A_636 = arith.constant 2 : i32
      %dma_wait3A_637 = arith.constant 0 : i32
      %dma_wait3A_638 = arith.constant 0 : i32
      %dma_wait3A_639 = tpu.memref_slice %arg9[%dma_wait3A_636, %dma_wait3A_637, %dma_wait3A_638] : memref<5x112x64xf32, #tpu.memory_space<vmem>> -> memref<1x112x64xf32, #tpu.memory_space<vmem>>
      %dma_wait3A_640 = tpu.memref_squeeze %dma_wait3A_639 : memref<1x112x64xf32, #tpu.memory_space<vmem>> -> memref<112x64xf32, #tpu.memory_space<vmem>>
      %dma_wait3A_641 = arith.constant 0 : i32
      %dma_wait3A_642 = tpu.memref_slice %arg7[%add3A_635, %dma_wait3A_641] : memref<45x112xi32, #tpu.memory_space<vmem>> -> memref<1x112xi32, #tpu.memory_space<vmem>>
      %dma_wait3A_643 = tpu.memref_squeeze %dma_wait3A_642 : memref<1x112xi32, #tpu.memory_space<vmem>> -> memref<112xi32, #tpu.memory_space<vmem>>
      %dma_wait3A_644 = arith.constant 0 : i32
      %dma_wait3A_645 = arith.constant 0 : i32
      %dma_wait3A_646 = tpu.memref_slice %arg10[%dma_wait3A_644, %dma_wait3A_645] : memref<10240x64xf32, #tpu.memory_space<vmem_shared>> -> memref<10240x64xf32, #tpu.memory_space<vmem_shared>>
      tpu.wait_indirect_dma semaphore(%arg14 : memref<!tpu.dma_semaphore, #tpu.memory_space<semaphore_mem>>) src(%dma_wait3A_646 : memref<10240x64xf32, #tpu.memory_space<vmem_shared>>) dst(%dma_wait3A_640 : memref<112x64xf32, #tpu.memory_space<vmem>>)
      %dma_start3A_647 = arith.constant 2 : i32
      %dma_start3A_648 = arith.constant 0 : i32
      %dma_start3A_649 = arith.constant 0 : i32
      %dma_start3A_650 = tpu.memref_slice %arg9[%dma_start3A_647, %dma_start3A_648, %dma_start3A_649] : memref<5x112x64xf32, #tpu.memory_space<vmem>> -> memref<1x112x64xf32, #tpu.memory_space<vmem>>
      %dma_start3A_651 = tpu.memref_squeeze %dma_start3A_650 : memref<1x112x64xf32, #tpu.memory_space<vmem>> -> memref<112x64xf32, #tpu.memory_space<vmem>>
      %dma_start3A_652 = arith.constant 0 : i32
      %dma_start3A_653 = tpu.memref_slice %arg8[%add3A_635, %dma_start3A_652] : memref<45x112xi32, #tpu.memory_space<vmem>> -> memref<1x112xi32, #tpu.memory_space<vmem>>
      %dma_start3A_654 = tpu.memref_squeeze %dma_start3A_653 : memref<1x112xi32, #tpu.memory_space<vmem>> -> memref<112xi32, #tpu.memory_space<vmem>>
      %dma_start3A_655 = arith.constant 0 : i32
      %dma_start3A_656 = arith.constant 0 : i32
      %dma_start3A_657 = tpu.memref_slice %arg11[%dma_start3A_655, %dma_start3A_656] : memref<10240x64xf32, #tpu.memory_space<vmem_shared>> -> memref<10240x64xf32, #tpu.memory_space<vmem_shared>>
      tpu.enqueue_indirect_dma source(%dma_start3A_651 : memref<112x64xf32, #tpu.memory_space<vmem>>) target(%dma_start3A_657 : memref<10240x64xf32, #tpu.memory_space<vmem_shared>>) offsets(%dma_start3A_654 : memref<112xi32, #tpu.memory_space<vmem>>) semaphore(%arg19 : memref<!tpu.dma_semaphore, #tpu.memory_space<semaphore_mem>>) {add = true}
      %ge3A_658 = arith.constant 1 : i32
      %ge3A_659 = arith.cmpi sge, %add3A_635, %ge3A_658 : i32
      %convert_element_type3A_660 = arith.extui %ge3A_659 : i1 to i32
      %cond3A_661 = arith.constant 0 : i32
      %cond3A_662 = arith.cmpi ne, %convert_element_type3A_660, %cond3A_661 : i32
      scf.if %cond3A_662 {
        %sub3A_752 = arith.constant 1 : i32
        %sub3A_753 = arith.subi %add3A_635, %sub3A_752 : i32
        %dma_wait3A_754 = arith.constant 1 : i32
        %dma_wait3A_755 = arith.constant 0 : i32
        %dma_wait3A_756 = arith.constant 0 : i32
        %dma_wait3A_757 = tpu.memref_slice %arg9[%dma_wait3A_754, %dma_wait3A_755, %dma_wait3A_756] : memref<5x112x64xf32, #tpu.memory_space<vmem>> -> memref<1x112x64xf32, #tpu.memory_space<vmem>>
        %dma_wait3A_758 = tpu.memref_squeeze %dma_wait3A_757 : memref<1x112x64xf32, #tpu.memory_space<vmem>> -> memref<112x64xf32, #tpu.memory_space<vmem>>
        %dma_wait3A_759 = arith.constant 0 : i32
        %dma_wait3A_760 = tpu.memref_slice %arg8[%sub3A_753, %dma_wait3A_759] : memref<45x112xi32, #tpu.memory_space<vmem>> -> memref<1x112xi32, #tpu.memory_space<vmem>>
        %dma_wait3A_761 = tpu.memref_squeeze %dma_wait3A_760 : memref<1x112xi32, #tpu.memory_space<vmem>> -> memref<112xi32, #tpu.memory_space<vmem>>
        %dma_wait3A_762 = arith.constant 0 : i32
        %dma_wait3A_763 = arith.constant 0 : i32
        %dma_wait3A_764 = tpu.memref_slice %arg11[%dma_wait3A_762, %dma_wait3A_763] : memref<10240x64xf32, #tpu.memory_space<vmem_shared>> -> memref<10240x64xf32, #tpu.memory_space<vmem_shared>>
        tpu.wait_indirect_dma semaphore(%arg18 : memref<!tpu.dma_semaphore, #tpu.memory_space<semaphore_mem>>) src(%dma_wait3A_758 : memref<112x64xf32, #tpu.memory_space<vmem>>) dst(%dma_wait3A_764 : memref<10240x64xf32, #tpu.memory_space<vmem_shared>>)
      } else {
      }
      %add3A_663 = arith.constant 5 : i32
      %add3A_664 = arith.addi %add3A_635, %add3A_663 : i32
      %sub3A_665 = arith.constant 1 : i32
      %sub3A_666 = arith.subi %add3A_664, %sub3A_665 : i32
      %le3A_667 = arith.constant 44 : i32
      %le3A_668 = arith.cmpi sle, %sub3A_666, %le3A_667 : i32
      %convert_element_type3A_669 = arith.extui %le3A_668 : i1 to i32
      %cond3A_670 = arith.constant 0 : i32
      %cond3A_671 = arith.cmpi ne, %convert_element_type3A_669, %cond3A_670 : i32
      scf.if %cond3A_671 {
        %add3A_752 = arith.constant 5 : i32
        %add3A_753 = arith.addi %add3A_635, %add3A_752 : i32
        %sub3A_754 = arith.constant 1 : i32
        %sub3A_755 = arith.subi %add3A_753, %sub3A_754 : i32
        %dma_start3A_756 = arith.constant 1 : i32
        %dma_start3A_757 = arith.constant 0 : i32
        %dma_start3A_758 = arith.constant 0 : i32
        %dma_start3A_759 = tpu.memref_slice %arg9[%dma_start3A_756, %dma_start3A_757, %dma_start3A_758] : memref<5x112x64xf32, #tpu.memory_space<vmem>> -> memref<1x112x64xf32, #tpu.memory_space<vmem>>
        %dma_start3A_760 = tpu.memref_squeeze %dma_start3A_759 : memref<1x112x64xf32, #tpu.memory_space<vmem>> -> memref<112x64xf32, #tpu.memory_space<vmem>>
        %dma_start3A_761 = arith.constant 0 : i32
        %dma_start3A_762 = tpu.memref_slice %arg7[%sub3A_755, %dma_start3A_761] : memref<45x112xi32, #tpu.memory_space<vmem>> -> memref<1x112xi32, #tpu.memory_space<vmem>>
        %dma_start3A_763 = tpu.memref_squeeze %dma_start3A_762 : memref<1x112xi32, #tpu.memory_space<vmem>> -> memref<112xi32, #tpu.memory_space<vmem>>
        %dma_start3A_764 = arith.constant 0 : i32
        %dma_start3A_765 = arith.constant 0 : i32
        %dma_start3A_766 = tpu.memref_slice %arg10[%dma_start3A_764, %dma_start3A_765] : memref<10240x64xf32, #tpu.memory_space<vmem_shared>> -> memref<10240x64xf32, #tpu.memory_space<vmem_shared>>
        tpu.enqueue_indirect_dma source(%dma_start3A_766 : memref<10240x64xf32, #tpu.memory_space<vmem_shared>>) target(%dma_start3A_760 : memref<112x64xf32, #tpu.memory_space<vmem>>) offsets(%dma_start3A_763 : memref<112xi32, #tpu.memory_space<vmem>>) semaphore(%arg13 : memref<!tpu.dma_semaphore, #tpu.memory_space<semaphore_mem>>)
      } else {
      }
      %mul3A_672 = arith.constant 5 : i32
      %mul3A_673 = arith.muli %mul3A_672, %scan3A_556 : i32
      %add3A_674 = arith.constant 3 : i32
      %add3A_675 = arith.addi %mul3A_673, %add3A_674 : i32
      %dma_wait3A_676 = arith.constant 3 : i32
      %dma_wait3A_677 = arith.constant 0 : i32
      %dma_wait3A_678 = arith.constant 0 : i32
      %dma_wait3A_679 = tpu.memref_slice %arg9[%dma_wait3A_676, %dma_wait3A_677, %dma_wait3A_678] : memref<5x112x64xf32, #tpu.memory_space<vmem>> -> memref<1x112x64xf32, #tpu.memory_space<vmem>>
      %dma_wait3A_680 = tpu.memref_squeeze %dma_wait3A_679 : memref<1x112x64xf32, #tpu.memory_space<vmem>> -> memref<112x64xf32, #tpu.memory_space<vmem>>
      %dma_wait3A_681 = arith.constant 0 : i32
      %dma_wait3A_682 = tpu.memref_slice %arg7[%add3A_675, %dma_wait3A_681] : memref<45x112xi32, #tpu.memory_space<vmem>> -> memref<1x112xi32, #tpu.memory_space<vmem>>
      %dma_wait3A_683 = tpu.memref_squeeze %dma_wait3A_682 : memref<1x112xi32, #tpu.memory_space<vmem>> -> memref<112xi32, #tpu.memory_space<vmem>>
      %dma_wait3A_684 = arith.constant 0 : i32
      %dma_wait3A_685 = arith.constant 0 : i32
      %dma_wait3A_686 = tpu.memref_slice %arg10[%dma_wait3A_684, %dma_wait3A_685] : memref<10240x64xf32, #tpu.memory_space<vmem_shared>> -> memref<10240x64xf32, #tpu.memory_space<vmem_shared>>
      tpu.wait_indirect_dma semaphore(%arg15 : memref<!tpu.dma_semaphore, #tpu.memory_space<semaphore_mem>>) src(%dma_wait3A_686 : memref<10240x64xf32, #tpu.memory_space<vmem_shared>>) dst(%dma_wait3A_680 : memref<112x64xf32, #tpu.memory_space<vmem>>)
      %dma_start3A_687 = arith.constant 3 : i32
      %dma_start3A_688 = arith.constant 0 : i32
      %dma_start3A_689 = arith.constant 0 : i32
      %dma_start3A_690 = tpu.memref_slice %arg9[%dma_start3A_687, %dma_start3A_688, %dma_start3A_689] : memref<5x112x64xf32, #tpu.memory_space<vmem>> -> memref<1x112x64xf32, #tpu.memory_space<vmem>>
      %dma_start3A_691 = tpu.memref_squeeze %dma_start3A_690 : memref<1x112x64xf32, #tpu.memory_space<vmem>> -> memref<112x64xf32, #tpu.memory_space<vmem>>
      %dma_start3A_692 = arith.constant 0 : i32
      %dma_start3A_693 = tpu.memref_slice %arg8[%add3A_675, %dma_start3A_692] : memref<45x112xi32, #tpu.memory_space<vmem>> -> memref<1x112xi32, #tpu.memory_space<vmem>>
      %dma_start3A_694 = tpu.memref_squeeze %dma_start3A_693 : memref<1x112xi32, #tpu.memory_space<vmem>> -> memref<112xi32, #tpu.memory_space<vmem>>
      %dma_start3A_695 = arith.constant 0 : i32
      %dma_start3A_696 = arith.constant 0 : i32
      %dma_start3A_697 = tpu.memref_slice %arg11[%dma_start3A_695, %dma_start3A_696] : memref<10240x64xf32, #tpu.memory_space<vmem_shared>> -> memref<10240x64xf32, #tpu.memory_space<vmem_shared>>
      tpu.enqueue_indirect_dma source(%dma_start3A_691 : memref<112x64xf32, #tpu.memory_space<vmem>>) target(%dma_start3A_697 : memref<10240x64xf32, #tpu.memory_space<vmem_shared>>) offsets(%dma_start3A_694 : memref<112xi32, #tpu.memory_space<vmem>>) semaphore(%arg20 : memref<!tpu.dma_semaphore, #tpu.memory_space<semaphore_mem>>) {add = true}
      %ge3A_698 = arith.constant 1 : i32
      %ge3A_699 = arith.cmpi sge, %add3A_675, %ge3A_698 : i32
      %convert_element_type3A_700 = arith.extui %ge3A_699 : i1 to i32
      %cond3A_701 = arith.constant 0 : i32
      %cond3A_702 = arith.cmpi ne, %convert_element_type3A_700, %cond3A_701 : i32
      scf.if %cond3A_702 {
        %sub3A_752 = arith.constant 1 : i32
        %sub3A_753 = arith.subi %add3A_675, %sub3A_752 : i32
        %dma_wait3A_754 = arith.constant 2 : i32
        %dma_wait3A_755 = arith.constant 0 : i32
        %dma_wait3A_756 = arith.constant 0 : i32
        %dma_wait3A_757 = tpu.memref_slice %arg9[%dma_wait3A_754, %dma_wait3A_755, %dma_wait3A_756] : memref<5x112x64xf32, #tpu.memory_space<vmem>> -> memref<1x112x64xf32, #tpu.memory_space<vmem>>
        %dma_wait3A_758 = tpu.memref_squeeze %dma_wait3A_757 : memref<1x112x64xf32, #tpu.memory_space<vmem>> -> memref<112x64xf32, #tpu.memory_space<vmem>>
        %dma_wait3A_759 = arith.constant 0 : i32
        %dma_wait3A_760 = tpu.memref_slice %arg8[%sub3A_753, %dma_wait3A_759] : memref<45x112xi32, #tpu.memory_space<vmem>> -> memref<1x112xi32, #tpu.memory_space<vmem>>
        %dma_wait3A_761 = tpu.memref_squeeze %dma_wait3A_760 : memref<1x112xi32, #tpu.memory_space<vmem>> -> memref<112xi32, #tpu.memory_space<vmem>>
        %dma_wait3A_762 = arith.constant 0 : i32
        %dma_wait3A_763 = arith.constant 0 : i32
        %dma_wait3A_764 = tpu.memref_slice %arg11[%dma_wait3A_762, %dma_wait3A_763] : memref<10240x64xf32, #tpu.memory_space<vmem_shared>> -> memref<10240x64xf32, #tpu.memory_space<vmem_shared>>
        tpu.wait_indirect_dma semaphore(%arg19 : memref<!tpu.dma_semaphore, #tpu.memory_space<semaphore_mem>>) src(%dma_wait3A_758 : memref<112x64xf32, #tpu.memory_space<vmem>>) dst(%dma_wait3A_764 : memref<10240x64xf32, #tpu.memory_space<vmem_shared>>)
      } else {
      }
      %add3A_703 = arith.constant 5 : i32
      %add3A_704 = arith.addi %add3A_675, %add3A_703 : i32
      %sub3A_705 = arith.constant 1 : i32
      %sub3A_706 = arith.subi %add3A_704, %sub3A_705 : i32
      %le3A_707 = arith.constant 44 : i32
      %le3A_708 = arith.cmpi sle, %sub3A_706, %le3A_707 : i32
      %convert_element_type3A_709 = arith.extui %le3A_708 : i1 to i32
      %cond3A_710 = arith.constant 0 : i32
      %cond3A_711 = arith.cmpi ne, %convert_element_type3A_709, %cond3A_710 : i32
      scf.if %cond3A_711 {
        %add3A_752 = arith.constant 5 : i32
        %add3A_753 = arith.addi %add3A_675, %add3A_752 : i32
        %sub3A_754 = arith.constant 1 : i32
        %sub3A_755 = arith.subi %add3A_753, %sub3A_754 : i32
        %dma_start3A_756 = arith.constant 2 : i32
        %dma_start3A_757 = arith.constant 0 : i32
        %dma_start3A_758 = arith.constant 0 : i32
        %dma_start3A_759 = tpu.memref_slice %arg9[%dma_start3A_756, %dma_start3A_757, %dma_start3A_758] : memref<5x112x64xf32, #tpu.memory_space<vmem>> -> memref<1x112x64xf32, #tpu.memory_space<vmem>>
        %dma_start3A_760 = tpu.memref_squeeze %dma_start3A_759 : memref<1x112x64xf32, #tpu.memory_space<vmem>> -> memref<112x64xf32, #tpu.memory_space<vmem>>
        %dma_start3A_761 = arith.constant 0 : i32
        %dma_start3A_762 = tpu.memref_slice %arg7[%sub3A_755, %dma_start3A_761] : memref<45x112xi32, #tpu.memory_space<vmem>> -> memref<1x112xi32, #tpu.memory_space<vmem>>
        %dma_start3A_763 = tpu.memref_squeeze %dma_start3A_762 : memref<1x112xi32, #tpu.memory_space<vmem>> -> memref<112xi32, #tpu.memory_space<vmem>>
        %dma_start3A_764 = arith.constant 0 : i32
        %dma_start3A_765 = arith.constant 0 : i32
        %dma_start3A_766 = tpu.memref_slice %arg10[%dma_start3A_764, %dma_start3A_765] : memref<10240x64xf32, #tpu.memory_space<vmem_shared>> -> memref<10240x64xf32, #tpu.memory_space<vmem_shared>>
        tpu.enqueue_indirect_dma source(%dma_start3A_766 : memref<10240x64xf32, #tpu.memory_space<vmem_shared>>) target(%dma_start3A_760 : memref<112x64xf32, #tpu.memory_space<vmem>>) offsets(%dma_start3A_763 : memref<112xi32, #tpu.memory_space<vmem>>) semaphore(%arg14 : memref<!tpu.dma_semaphore, #tpu.memory_space<semaphore_mem>>)
      } else {
      }
      %mul3A_712 = arith.constant 5 : i32
      %mul3A_713 = arith.muli %mul3A_712, %scan3A_556 : i32
      %add3A_714 = arith.constant 4 : i32
      %add3A_715 = arith.addi %mul3A_713, %add3A_714 : i32
      %dma_wait3A_716 = arith.constant 4 : i32
      %dma_wait3A_717 = arith.constant 0 : i32
      %dma_wait3A_718 = arith.constant 0 : i32
      %dma_wait3A_719 = tpu.memref_slice %arg9[%dma_wait3A_716, %dma_wait3A_717, %dma_wait3A_718] : memref<5x112x64xf32, #tpu.memory_space<vmem>> -> memref<1x112x64xf32, #tpu.memory_space<vmem>>
      %dma_wait3A_720 = tpu.memref_squeeze %dma_wait3A_719 : memref<1x112x64xf32, #tpu.memory_space<vmem>> -> memref<112x64xf32, #tpu.memory_space<vmem>>
      %dma_wait3A_721 = arith.constant 0 : i32
      %dma_wait3A_722 = tpu.memref_slice %arg7[%add3A_715, %dma_wait3A_721] : memref<45x112xi32, #tpu.memory_space<vmem>> -> memref<1x112xi32, #tpu.memory_space<vmem>>
      %dma_wait3A_723 = tpu.memref_squeeze %dma_wait3A_722 : memref<1x112xi32, #tpu.memory_space<vmem>> -> memref<112xi32, #tpu.memory_space<vmem>>
      %dma_wait3A_724 = arith.constant 0 : i32
      %dma_wait3A_725 = arith.constant 0 : i32
      %dma_wait3A_726 = tpu.memref_slice %arg10[%dma_wait3A_724, %dma_wait3A_725] : memref<10240x64xf32, #tpu.memory_space<vmem_shared>> -> memref<10240x64xf32, #tpu.memory_space<vmem_shared>>
      tpu.wait_indirect_dma semaphore(%arg16 : memref<!tpu.dma_semaphore, #tpu.memory_space<semaphore_mem>>) src(%dma_wait3A_726 : memref<10240x64xf32, #tpu.memory_space<vmem_shared>>) dst(%dma_wait3A_720 : memref<112x64xf32, #tpu.memory_space<vmem>>)
      %dma_start3A_727 = arith.constant 4 : i32
      %dma_start3A_728 = arith.constant 0 : i32
      %dma_start3A_729 = arith.constant 0 : i32
      %dma_start3A_730 = tpu.memref_slice %arg9[%dma_start3A_727, %dma_start3A_728, %dma_start3A_729] : memref<5x112x64xf32, #tpu.memory_space<vmem>> -> memref<1x112x64xf32, #tpu.memory_space<vmem>>
      %dma_start3A_731 = tpu.memref_squeeze %dma_start3A_730 : memref<1x112x64xf32, #tpu.memory_space<vmem>> -> memref<112x64xf32, #tpu.memory_space<vmem>>
      %dma_start3A_732 = arith.constant 0 : i32
      %dma_start3A_733 = tpu.memref_slice %arg8[%add3A_715, %dma_start3A_732] : memref<45x112xi32, #tpu.memory_space<vmem>> -> memref<1x112xi32, #tpu.memory_space<vmem>>
      %dma_start3A_734 = tpu.memref_squeeze %dma_start3A_733 : memref<1x112xi32, #tpu.memory_space<vmem>> -> memref<112xi32, #tpu.memory_space<vmem>>
      %dma_start3A_735 = arith.constant 0 : i32
      %dma_start3A_736 = arith.constant 0 : i32
      %dma_start3A_737 = tpu.memref_slice %arg11[%dma_start3A_735, %dma_start3A_736] : memref<10240x64xf32, #tpu.memory_space<vmem_shared>> -> memref<10240x64xf32, #tpu.memory_space<vmem_shared>>
      tpu.enqueue_indirect_dma source(%dma_start3A_731 : memref<112x64xf32, #tpu.memory_space<vmem>>) target(%dma_start3A_737 : memref<10240x64xf32, #tpu.memory_space<vmem_shared>>) offsets(%dma_start3A_734 : memref<112xi32, #tpu.memory_space<vmem>>) semaphore(%arg21 : memref<!tpu.dma_semaphore, #tpu.memory_space<semaphore_mem>>) {add = true}
      %ge3A_738 = arith.constant 1 : i32
      %ge3A_739 = arith.cmpi sge, %add3A_715, %ge3A_738 : i32
      %convert_element_type3A_740 = arith.extui %ge3A_739 : i1 to i32
      %cond3A_741 = arith.constant 0 : i32
      %cond3A_742 = arith.cmpi ne, %convert_element_type3A_740, %cond3A_741 : i32
      scf.if %cond3A_742 {
        %sub3A_752 = arith.constant 1 : i32
        %sub3A_753 = arith.subi %add3A_715, %sub3A_752 : i32
        %dma_wait3A_754 = arith.constant 3 : i32
        %dma_wait3A_755 = arith.constant 0 : i32
        %dma_wait3A_756 = arith.constant 0 : i32
        %dma_wait3A_757 = tpu.memref_slice %arg9[%dma_wait3A_754, %dma_wait3A_755, %dma_wait3A_756] : memref<5x112x64xf32, #tpu.memory_space<vmem>> -> memref<1x112x64xf32, #tpu.memory_space<vmem>>
        %dma_wait3A_758 = tpu.memref_squeeze %dma_wait3A_757 : memref<1x112x64xf32, #tpu.memory_space<vmem>> -> memref<112x64xf32, #tpu.memory_space<vmem>>
        %dma_wait3A_759 = arith.constant 0 : i32
        %dma_wait3A_760 = tpu.memref_slice %arg8[%sub3A_753, %dma_wait3A_759] : memref<45x112xi32, #tpu.memory_space<vmem>> -> memref<1x112xi32, #tpu.memory_space<vmem>>
        %dma_wait3A_761 = tpu.memref_squeeze %dma_wait3A_760 : memref<1x112xi32, #tpu.memory_space<vmem>> -> memref<112xi32, #tpu.memory_space<vmem>>
        %dma_wait3A_762 = arith.constant 0 : i32
        %dma_wait3A_763 = arith.constant 0 : i32
        %dma_wait3A_764 = tpu.memref_slice %arg11[%dma_wait3A_762, %dma_wait3A_763] : memref<10240x64xf32, #tpu.memory_space<vmem_shared>> -> memref<10240x64xf32, #tpu.memory_space<vmem_shared>>
        tpu.wait_indirect_dma semaphore(%arg20 : memref<!tpu.dma_semaphore, #tpu.memory_space<semaphore_mem>>) src(%dma_wait3A_758 : memref<112x64xf32, #tpu.memory_space<vmem>>) dst(%dma_wait3A_764 : memref<10240x64xf32, #tpu.memory_space<vmem_shared>>)
      } else {
      }
      %add3A_743 = arith.constant 5 : i32
      %add3A_744 = arith.addi %add3A_715, %add3A_743 : i32
      %sub3A_745 = arith.constant 1 : i32
      %sub3A_746 = arith.subi %add3A_744, %sub3A_745 : i32
      %le3A_747 = arith.constant 44 : i32
      %le3A_748 = arith.cmpi sle, %sub3A_746, %le3A_747 : i32
      %convert_element_type3A_749 = arith.extui %le3A_748 : i1 to i32
      %cond3A_750 = arith.constant 0 : i32
      %cond3A_751 = arith.cmpi ne, %convert_element_type3A_749, %cond3A_750 : i32
      scf.if %cond3A_751 {
        %add3A_752 = arith.constant 5 : i32
        %add3A_753 = arith.addi %add3A_715, %add3A_752 : i32
        %sub3A_754 = arith.constant 1 : i32
        %sub3A_755 = arith.subi %add3A_753, %sub3A_754 : i32
        %dma_start3A_756 = arith.constant 3 : i32
        %dma_start3A_757 = arith.constant 0 : i32
        %dma_start3A_758 = arith.constant 0 : i32
        %dma_start3A_759 = tpu.memref_slice %arg9[%dma_start3A_756, %dma_start3A_757, %dma_start3A_758] : memref<5x112x64xf32, #tpu.memory_space<vmem>> -> memref<1x112x64xf32, #tpu.memory_space<vmem>>
        %dma_start3A_760 = tpu.memref_squeeze %dma_start3A_759 : memref<1x112x64xf32, #tpu.memory_space<vmem>> -> memref<112x64xf32, #tpu.memory_space<vmem>>
        %dma_start3A_761 = arith.constant 0 : i32
        %dma_start3A_762 = tpu.memref_slice %arg7[%sub3A_755, %dma_start3A_761] : memref<45x112xi32, #tpu.memory_space<vmem>> -> memref<1x112xi32, #tpu.memory_space<vmem>>
        %dma_start3A_763 = tpu.memref_squeeze %dma_start3A_762 : memref<1x112xi32, #tpu.memory_space<vmem>> -> memref<112xi32, #tpu.memory_space<vmem>>
        %dma_start3A_764 = arith.constant 0 : i32
        %dma_start3A_765 = arith.constant 0 : i32
        %dma_start3A_766 = tpu.memref_slice %arg10[%dma_start3A_764, %dma_start3A_765] : memref<10240x64xf32, #tpu.memory_space<vmem_shared>> -> memref<10240x64xf32, #tpu.memory_space<vmem_shared>>
        tpu.enqueue_indirect_dma source(%dma_start3A_766 : memref<10240x64xf32, #tpu.memory_space<vmem_shared>>) target(%dma_start3A_760 : memref<112x64xf32, #tpu.memory_space<vmem>>) offsets(%dma_start3A_763 : memref<112xi32, #tpu.memory_space<vmem>>) semaphore(%arg15 : memref<!tpu.dma_semaphore, #tpu.memory_space<semaphore_mem>>)
      } else {
      }
    }
    %scan3A_59 = arith.constant 9 : i32
    %dma_wait3A = arith.constant 4 : i32
    %dma_wait3A_60 = arith.constant 44 : i32
    %dma_wait3A_61 = arith.constant 0 : i32
    %dma_wait3A_62 = arith.constant 0 : i32
    %dma_wait3A_63 = tpu.memref_slice %arg9[%dma_wait3A, %dma_wait3A_61, %dma_wait3A_62] : memref<5x112x64xf32, #tpu.memory_space<vmem>> -> memref<1x112x64xf32, #tpu.memory_space<vmem>>
    %dma_wait3A_64 = tpu.memref_squeeze %dma_wait3A_63 : memref<1x112x64xf32, #tpu.memory_space<vmem>> -> memref<112x64xf32, #tpu.memory_space<vmem>>
    %dma_wait3A_65 = arith.constant 0 : i32
    %dma_wait3A_66 = tpu.memref_slice %arg8[%dma_wait3A_60, %dma_wait3A_65] : memref<45x112xi32, #tpu.memory_space<vmem>> -> memref<1x112xi32, #tpu.memory_space<vmem>>
    %dma_wait3A_67 = tpu.memref_squeeze %dma_wait3A_66 : memref<1x112xi32, #tpu.memory_space<vmem>> -> memref<112xi32, #tpu.memory_space<vmem>>
    %dma_wait3A_68 = arith.constant 0 : i32
    %dma_wait3A_69 = arith.constant 0 : i32
    %dma_wait3A_70 = tpu.memref_slice %arg11[%dma_wait3A_68, %dma_wait3A_69] : memref<10240x64xf32, #tpu.memory_space<vmem_shared>> -> memref<10240x64xf32, #tpu.memory_space<vmem_shared>>
    tpu.wait_indirect_dma semaphore(%arg21 : memref<!tpu.dma_semaphore, #tpu.memory_space<semaphore_mem>>) src(%dma_wait3A_64 : memref<112x64xf32, #tpu.memory_space<vmem>>) dst(%dma_wait3A_70 : memref<10240x64xf32, #tpu.memory_space<vmem_shared>>)
    "tpu.region"() ({
      %run_scoped3A = tpu.sem_alloc : memref<!tpu.dma_semaphore, #tpu.memory_space<semaphore_mem>>
      %dma_start3A_556 = arith.constant 0 : i32
      %dma_start3A_557 = arith.constant 0 : i32
      %dma_start3A_558 = tpu.memref_slice %arg3[%arg1, %dma_start3A_556, %dma_start3A_557] : memref<16x180x112xi32, #tpu.memory_space<hbm>> -> memref<1x180x112xi32, #tpu.memory_space<hbm>>
      %dma_start3A_559 = tpu.memref_squeeze %dma_start3A_558 : memref<1x180x112xi32, #tpu.memory_space<hbm>> -> memref<180x112xi32, #tpu.memory_space<hbm>>
      %dma_start3A_560 = arith.constant 45 : i32
      %dma_start3A_561 = arith.constant 0 : i32
      %dma_start3A_562 = tpu.memref_slice %dma_start3A_559[%dma_start3A_560, %dma_start3A_561] : memref<180x112xi32, #tpu.memory_space<hbm>> -> memref<45x112xi32, #tpu.memory_space<hbm>>
      %dma_start3A_563 = arith.constant 0 : i32
      %dma_start3A_564 = arith.constant 0 : i32
      %dma_start3A_565 = tpu.memref_slice %arg3[%arg1, %dma_start3A_563, %dma_start3A_564] : memref<16x180x112xi32, #tpu.memory_space<hbm>> -> memref<1x180x112xi32, #tpu.memory_space<hbm>>
      %dma_start3A_566 = tpu.memref_squeeze %dma_start3A_565 : memref<1x180x112xi32, #tpu.memory_space<hbm>> -> memref<180x112xi32, #tpu.memory_space<hbm>>
      %dma_start3A_567 = arith.constant 45 : i32
      %dma_start3A_568 = arith.constant 0 : i32
      %dma_start3A_569 = tpu.memref_slice %dma_start3A_566[%dma_start3A_567, %dma_start3A_568] : memref<180x112xi32, #tpu.memory_space<hbm>> -> memref<45x112xi32, #tpu.memory_space<hbm>>
      tpu.enqueue_dma source(%dma_start3A_569 : memref<45x112xi32, #tpu.memory_space<hbm>>) target(%arg7 : memref<45x112xi32, #tpu.memory_space<vmem>>) target_semaphore(%run_scoped3A : memref<!tpu.dma_semaphore, #tpu.memory_space<semaphore_mem>>)
      %dma_wait3A_570 = arith.constant 0 : i32
      %dma_wait3A_571 = arith.constant 0 : i32
      %dma_wait3A_572 = tpu.memref_slice %arg3[%arg1, %dma_wait3A_570, %dma_wait3A_571] : memref<16x180x112xi32, #tpu.memory_space<hbm>> -> memref<1x180x112xi32, #tpu.memory_space<hbm>>
      %dma_wait3A_573 = tpu.memref_squeeze %dma_wait3A_572 : memref<1x180x112xi32, #tpu.memory_space<hbm>> -> memref<180x112xi32, #tpu.memory_space<hbm>>
      %dma_wait3A_574 = arith.constant 45 : i32
      %dma_wait3A_575 = arith.constant 0 : i32
      %dma_wait3A_576 = tpu.memref_slice %dma_wait3A_573[%dma_wait3A_574, %dma_wait3A_575] : memref<180x112xi32, #tpu.memory_space<hbm>> -> memref<45x112xi32, #tpu.memory_space<hbm>>
      %dma_wait3A_577 = arith.constant 0 : i32
      %dma_wait3A_578 = arith.constant 0 : i32
      %dma_wait3A_579 = tpu.memref_slice %arg3[%arg1, %dma_wait3A_577, %dma_wait3A_578] : memref<16x180x112xi32, #tpu.memory_space<hbm>> -> memref<1x180x112xi32, #tpu.memory_space<hbm>>
      %dma_wait3A_580 = tpu.memref_squeeze %dma_wait3A_579 : memref<1x180x112xi32, #tpu.memory_space<hbm>> -> memref<180x112xi32, #tpu.memory_space<hbm>>
      %dma_wait3A_581 = arith.constant 45 : i32
      %dma_wait3A_582 = arith.constant 0 : i32
      %dma_wait3A_583 = tpu.memref_slice %dma_wait3A_580[%dma_wait3A_581, %dma_wait3A_582] : memref<180x112xi32, #tpu.memory_space<hbm>> -> memref<45x112xi32, #tpu.memory_space<hbm>>
      tpu.wait_dma2 semaphore(%run_scoped3A : memref<!tpu.dma_semaphore, #tpu.memory_space<semaphore_mem>>) src(%dma_wait3A_583 : memref<45x112xi32, #tpu.memory_space<hbm>>) dst(%arg7 : memref<45x112xi32, #tpu.memory_space<vmem>>)
      tpu.yield
    }) : () -> ()
    "tpu.region"() ({
      %run_scoped3A = tpu.sem_alloc : memref<!tpu.dma_semaphore, #tpu.memory_space<semaphore_mem>>
      %dma_start3A_556 = arith.constant 0 : i32
      %dma_start3A_557 = arith.constant 0 : i32
      %dma_start3A_558 = tpu.memref_slice %arg4[%arg1, %dma_start3A_556, %dma_start3A_557] : memref<16x180x112xi32, #tpu.memory_space<hbm>> -> memref<1x180x112xi32, #tpu.memory_space<hbm>>
      %dma_start3A_559 = tpu.memref_squeeze %dma_start3A_558 : memref<1x180x112xi32, #tpu.memory_space<hbm>> -> memref<180x112xi32, #tpu.memory_space<hbm>>
      %dma_start3A_560 = arith.constant 45 : i32
      %dma_start3A_561 = arith.constant 0 : i32
      %dma_start3A_562 = tpu.memref_slice %dma_start3A_559[%dma_start3A_560, %dma_start3A_561] : memref<180x112xi32, #tpu.memory_space<hbm>> -> memref<45x112xi32, #tpu.memory_space<hbm>>
      %dma_start3A_563 = arith.constant 0 : i32
      %dma_start3A_564 = arith.constant 0 : i32
      %dma_start3A_565 = tpu.memref_slice %arg4[%arg1, %dma_start3A_563, %dma_start3A_564] : memref<16x180x112xi32, #tpu.memory_space<hbm>> -> memref<1x180x112xi32, #tpu.memory_space<hbm>>
      %dma_start3A_566 = tpu.memref_squeeze %dma_start3A_565 : memref<1x180x112xi32, #tpu.memory_space<hbm>> -> memref<180x112xi32, #tpu.memory_space<hbm>>
      %dma_start3A_567 = arith.constant 45 : i32
      %dma_start3A_568 = arith.constant 0 : i32
      %dma_start3A_569 = tpu.memref_slice %dma_start3A_566[%dma_start3A_567, %dma_start3A_568] : memref<180x112xi32, #tpu.memory_space<hbm>> -> memref<45x112xi32, #tpu.memory_space<hbm>>
      tpu.enqueue_dma source(%dma_start3A_569 : memref<45x112xi32, #tpu.memory_space<hbm>>) target(%arg8 : memref<45x112xi32, #tpu.memory_space<vmem>>) target_semaphore(%run_scoped3A : memref<!tpu.dma_semaphore, #tpu.memory_space<semaphore_mem>>)
      %dma_wait3A_570 = arith.constant 0 : i32
      %dma_wait3A_571 = arith.constant 0 : i32
      %dma_wait3A_572 = tpu.memref_slice %arg4[%arg1, %dma_wait3A_570, %dma_wait3A_571] : memref<16x180x112xi32, #tpu.memory_space<hbm>> -> memref<1x180x112xi32, #tpu.memory_space<hbm>>
      %dma_wait3A_573 = tpu.memref_squeeze %dma_wait3A_572 : memref<1x180x112xi32, #tpu.memory_space<hbm>> -> memref<180x112xi32, #tpu.memory_space<hbm>>
      %dma_wait3A_574 = arith.constant 45 : i32
      %dma_wait3A_575 = arith.constant 0 : i32
      %dma_wait3A_576 = tpu.memref_slice %dma_wait3A_573[%dma_wait3A_574, %dma_wait3A_575] : memref<180x112xi32, #tpu.memory_space<hbm>> -> memref<45x112xi32, #tpu.memory_space<hbm>>
      %dma_wait3A_577 = arith.constant 0 : i32
      %dma_wait3A_578 = arith.constant 0 : i32
      %dma_wait3A_579 = tpu.memref_slice %arg4[%arg1, %dma_wait3A_577, %dma_wait3A_578] : memref<16x180x112xi32, #tpu.memory_space<hbm>> -> memref<1x180x112xi32, #tpu.memory_space<hbm>>
      %dma_wait3A_580 = tpu.memref_squeeze %dma_wait3A_579 : memref<1x180x112xi32, #tpu.memory_space<hbm>> -> memref<180x112xi32, #tpu.memory_space<hbm>>
      %dma_wait3A_581 = arith.constant 45 : i32
      %dma_wait3A_582 = arith.constant 0 : i32
      %dma_wait3A_583 = tpu.memref_slice %dma_wait3A_580[%dma_wait3A_581, %dma_wait3A_582] : memref<180x112xi32, #tpu.memory_space<hbm>> -> memref<45x112xi32, #tpu.memory_space<hbm>>
      tpu.wait_dma2 semaphore(%run_scoped3A : memref<!tpu.dma_semaphore, #tpu.memory_space<semaphore_mem>>) src(%dma_wait3A_583 : memref<45x112xi32, #tpu.memory_space<hbm>>) dst(%arg8 : memref<45x112xi32, #tpu.memory_space<vmem>>)
      tpu.yield
    }) : () -> ()
    %dma_start3A_71 = arith.constant 0 : i32
    %dma_start3A_72 = arith.constant 0 : i32
    %dma_start3A_73 = arith.constant 0 : i32
    %dma_start3A_74 = arith.constant 0 : i32
    %dma_start3A_75 = tpu.memref_slice %arg9[%dma_start3A_72, %dma_start3A_73, %dma_start3A_74] : memref<5x112x64xf32, #tpu.memory_space<vmem>> -> memref<1x112x64xf32, #tpu.memory_space<vmem>>
    %dma_start3A_76 = tpu.memref_squeeze %dma_start3A_75 : memref<1x112x64xf32, #tpu.memory_space<vmem>> -> memref<112x64xf32, #tpu.memory_space<vmem>>
    %dma_start3A_77 = arith.constant 0 : i32
    %dma_start3A_78 = tpu.memref_slice %arg7[%dma_start3A_71, %dma_start3A_77] : memref<45x112xi32, #tpu.memory_space<vmem>> -> memref<1x112xi32, #tpu.memory_space<vmem>>
    %dma_start3A_79 = tpu.memref_squeeze %dma_start3A_78 : memref<1x112xi32, #tpu.memory_space<vmem>> -> memref<112xi32, #tpu.memory_space<vmem>>
    %dma_start3A_80 = arith.constant 0 : i32
    %dma_start3A_81 = arith.constant 0 : i32
    %dma_start3A_82 = tpu.memref_slice %arg10[%dma_start3A_80, %dma_start3A_81] : memref<10240x64xf32, #tpu.memory_space<vmem_shared>> -> memref<10240x64xf32, #tpu.memory_space<vmem_shared>>
    tpu.enqueue_indirect_dma source(%dma_start3A_82 : memref<10240x64xf32, #tpu.memory_space<vmem_shared>>) target(%dma_start3A_76 : memref<112x64xf32, #tpu.memory_space<vmem>>) offsets(%dma_start3A_79 : memref<112xi32, #tpu.memory_space<vmem>>) semaphore(%arg12 : memref<!tpu.dma_semaphore, #tpu.memory_space<semaphore_mem>>)
    %dma_start3A_83 = arith.constant 1 : i32
    %dma_start3A_84 = arith.constant 1 : i32
    %dma_start3A_85 = arith.constant 0 : i32
    %dma_start3A_86 = arith.constant 0 : i32
    %dma_start3A_87 = tpu.memref_slice %arg9[%dma_start3A_84, %dma_start3A_85, %dma_start3A_86] : memref<5x112x64xf32, #tpu.memory_space<vmem>> -> memref<1x112x64xf32, #tpu.memory_space<vmem>>
    %dma_start3A_88 = tpu.memref_squeeze %dma_start3A_87 : memref<1x112x64xf32, #tpu.memory_space<vmem>> -> memref<112x64xf32, #tpu.memory_space<vmem>>
    %dma_start3A_89 = arith.constant 0 : i32
    %dma_start3A_90 = tpu.memref_slice %arg7[%dma_start3A_83, %dma_start3A_89] : memref<45x112xi32, #tpu.memory_space<vmem>> -> memref<1x112xi32, #tpu.memory_space<vmem>>
    %dma_start3A_91 = tpu.memref_squeeze %dma_start3A_90 : memref<1x112xi32, #tpu.memory_space<vmem>> -> memref<112xi32, #tpu.memory_space<vmem>>
    %dma_start3A_92 = arith.constant 0 : i32
    %dma_start3A_93 = arith.constant 0 : i32
    %dma_start3A_94 = tpu.memref_slice %arg10[%dma_start3A_92, %dma_start3A_93] : memref<10240x64xf32, #tpu.memory_space<vmem_shared>> -> memref<10240x64xf32, #tpu.memory_space<vmem_shared>>
    tpu.enqueue_indirect_dma source(%dma_start3A_94 : memref<10240x64xf32, #tpu.memory_space<vmem_shared>>) target(%dma_start3A_88 : memref<112x64xf32, #tpu.memory_space<vmem>>) offsets(%dma_start3A_91 : memref<112xi32, #tpu.memory_space<vmem>>) semaphore(%arg13 : memref<!tpu.dma_semaphore, #tpu.memory_space<semaphore_mem>>)
    %dma_start3A_95 = arith.constant 2 : i32
    %dma_start3A_96 = arith.constant 2 : i32
    %dma_start3A_97 = arith.constant 0 : i32
    %dma_start3A_98 = arith.constant 0 : i32
    %dma_start3A_99 = tpu.memref_slice %arg9[%dma_start3A_96, %dma_start3A_97, %dma_start3A_98] : memref<5x112x64xf32, #tpu.memory_space<vmem>> -> memref<1x112x64xf32, #tpu.memory_space<vmem>>
    %dma_start3A_100 = tpu.memref_squeeze %dma_start3A_99 : memref<1x112x64xf32, #tpu.memory_space<vmem>> -> memref<112x64xf32, #tpu.memory_space<vmem>>
    %dma_start3A_101 = arith.constant 0 : i32
    %dma_start3A_102 = tpu.memref_slice %arg7[%dma_start3A_95, %dma_start3A_101] : memref<45x112xi32, #tpu.memory_space<vmem>> -> memref<1x112xi32, #tpu.memory_space<vmem>>
    %dma_start3A_103 = tpu.memref_squeeze %dma_start3A_102 : memref<1x112xi32, #tpu.memory_space<vmem>> -> memref<112xi32, #tpu.memory_space<vmem>>
    %dma_start3A_104 = arith.constant 0 : i32
    %dma_start3A_105 = arith.constant 0 : i32
    %dma_start3A_106 = tpu.memref_slice %arg10[%dma_start3A_104, %dma_start3A_105] : memref<10240x64xf32, #tpu.memory_space<vmem_shared>> -> memref<10240x64xf32, #tpu.memory_space<vmem_shared>>
    tpu.enqueue_indirect_dma source(%dma_start3A_106 : memref<10240x64xf32, #tpu.memory_space<vmem_shared>>) target(%dma_start3A_100 : memref<112x64xf32, #tpu.memory_space<vmem>>) offsets(%dma_start3A_103 : memref<112xi32, #tpu.memory_space<vmem>>) semaphore(%arg14 : memref<!tpu.dma_semaphore, #tpu.memory_space<semaphore_mem>>)
    %dma_start3A_107 = arith.constant 3 : i32
    %dma_start3A_108 = arith.constant 3 : i32
    %dma_start3A_109 = arith.constant 0 : i32
    %dma_start3A_110 = arith.constant 0 : i32
    %dma_start3A_111 = tpu.memref_slice %arg9[%dma_start3A_108, %dma_start3A_109, %dma_start3A_110] : memref<5x112x64xf32, #tpu.memory_space<vmem>> -> memref<1x112x64xf32, #tpu.memory_space<vmem>>
    %dma_start3A_112 = tpu.memref_squeeze %dma_start3A_111 : memref<1x112x64xf32, #tpu.memory_space<vmem>> -> memref<112x64xf32, #tpu.memory_space<vmem>>
    %dma_start3A_113 = arith.constant 0 : i32
    %dma_start3A_114 = tpu.memref_slice %arg7[%dma_start3A_107, %dma_start3A_113] : memref<45x112xi32, #tpu.memory_space<vmem>> -> memref<1x112xi32, #tpu.memory_space<vmem>>
    %dma_start3A_115 = tpu.memref_squeeze %dma_start3A_114 : memref<1x112xi32, #tpu.memory_space<vmem>> -> memref<112xi32, #tpu.memory_space<vmem>>
    %dma_start3A_116 = arith.constant 0 : i32
    %dma_start3A_117 = arith.constant 0 : i32
    %dma_start3A_118 = tpu.memref_slice %arg10[%dma_start3A_116, %dma_start3A_117] : memref<10240x64xf32, #tpu.memory_space<vmem_shared>> -> memref<10240x64xf32, #tpu.memory_space<vmem_shared>>
    tpu.enqueue_indirect_dma source(%dma_start3A_118 : memref<10240x64xf32, #tpu.memory_space<vmem_shared>>) target(%dma_start3A_112 : memref<112x64xf32, #tpu.memory_space<vmem>>) offsets(%dma_start3A_115 : memref<112xi32, #tpu.memory_space<vmem>>) semaphore(%arg15 : memref<!tpu.dma_semaphore, #tpu.memory_space<semaphore_mem>>)
    %scan3A_119 = arith.constant 0 : i32
    %scan3A_120 = arith.constant 0 : i32
    %scan3A_121 = arith.constant 9 : i32
    %scan3A_122 = arith.addi %scan3A_120, %scan3A_121 : i32
    %scan3A_123 = arith.constant 1 : i32
    scf.for %scan3A_556 = %scan3A_120 to %scan3A_122 step %scan3A_123  : i32 {
      %mul3A_557 = arith.constant 5 : i32
      %mul3A_558 = arith.muli %mul3A_557, %scan3A_556 : i32
      %add3A_559 = arith.constant 0 : i32
      %add3A_560 = arith.addi %mul3A_558, %add3A_559 : i32
      %dma_wait3A_561 = arith.constant 0 : i32
      %dma_wait3A_562 = arith.constant 0 : i32
      %dma_wait3A_563 = arith.constant 0 : i32
      %dma_wait3A_564 = tpu.memref_slice %arg9[%dma_wait3A_561, %dma_wait3A_562, %dma_wait3A_563] : memref<5x112x64xf32, #tpu.memory_space<vmem>> -> memref<1x112x64xf32, #tpu.memory_space<vmem>>
      %dma_wait3A_565 = tpu.memref_squeeze %dma_wait3A_564 : memref<1x112x64xf32, #tpu.memory_space<vmem>> -> memref<112x64xf32, #tpu.memory_space<vmem>>
      %dma_wait3A_566 = arith.constant 0 : i32
      %dma_wait3A_567 = tpu.memref_slice %arg7[%add3A_560, %dma_wait3A_566] : memref<45x112xi32, #tpu.memory_space<vmem>> -> memref<1x112xi32, #tpu.memory_space<vmem>>
      %dma_wait3A_568 = tpu.memref_squeeze %dma_wait3A_567 : memref<1x112xi32, #tpu.memory_space<vmem>> -> memref<112xi32, #tpu.memory_space<vmem>>
      %dma_wait3A_569 = arith.constant 0 : i32
      %dma_wait3A_570 = arith.constant 0 : i32
      %dma_wait3A_571 = tpu.memref_slice %arg10[%dma_wait3A_569, %dma_wait3A_570] : memref<10240x64xf32, #tpu.memory_space<vmem_shared>> -> memref<10240x64xf32, #tpu.memory_space<vmem_shared>>
      tpu.wait_indirect_dma semaphore(%arg12 : memref<!tpu.dma_semaphore, #tpu.memory_space<semaphore_mem>>) src(%dma_wait3A_571 : memref<10240x64xf32, #tpu.memory_space<vmem_shared>>) dst(%dma_wait3A_565 : memref<112x64xf32, #tpu.memory_space<vmem>>)
      %dma_start3A_572 = arith.constant 0 : i32
      %dma_start3A_573 = arith.constant 0 : i32
      %dma_start3A_574 = arith.constant 0 : i32
      %dma_start3A_575 = tpu.memref_slice %arg9[%dma_start3A_572, %dma_start3A_573, %dma_start3A_574] : memref<5x112x64xf32, #tpu.memory_space<vmem>> -> memref<1x112x64xf32, #tpu.memory_space<vmem>>
      %dma_start3A_576 = tpu.memref_squeeze %dma_start3A_575 : memref<1x112x64xf32, #tpu.memory_space<vmem>> -> memref<112x64xf32, #tpu.memory_space<vmem>>
      %dma_start3A_577 = arith.constant 0 : i32
      %dma_start3A_578 = tpu.memref_slice %arg8[%add3A_560, %dma_start3A_577] : memref<45x112xi32, #tpu.memory_space<vmem>> -> memref<1x112xi32, #tpu.memory_space<vmem>>
      %dma_start3A_579 = tpu.memref_squeeze %dma_start3A_578 : memref<1x112xi32, #tpu.memory_space<vmem>> -> memref<112xi32, #tpu.memory_space<vmem>>
      %dma_start3A_580 = arith.constant 0 : i32
      %dma_start3A_581 = arith.constant 0 : i32
      %dma_start3A_582 = tpu.memref_slice %arg11[%dma_start3A_580, %dma_start3A_581] : memref<10240x64xf32, #tpu.memory_space<vmem_shared>> -> memref<10240x64xf32, #tpu.memory_space<vmem_shared>>
      tpu.enqueue_indirect_dma source(%dma_start3A_576 : memref<112x64xf32, #tpu.memory_space<vmem>>) target(%dma_start3A_582 : memref<10240x64xf32, #tpu.memory_space<vmem_shared>>) offsets(%dma_start3A_579 : memref<112xi32, #tpu.memory_space<vmem>>) semaphore(%arg17 : memref<!tpu.dma_semaphore, #tpu.memory_space<semaphore_mem>>) {add = true}
      %ge3A = arith.constant 1 : i32
      %ge3A_583 = arith.cmpi sge, %add3A_560, %ge3A : i32
      %convert_element_type3A = arith.extui %ge3A_583 : i1 to i32
      %cond3A = arith.constant 0 : i32
      %cond3A_584 = arith.cmpi ne, %convert_element_type3A, %cond3A : i32
      scf.if %cond3A_584 {
        %sub3A_752 = arith.constant 1 : i32
        %sub3A_753 = arith.subi %add3A_560, %sub3A_752 : i32
        %dma_wait3A_754 = arith.constant 4 : i32
        %dma_wait3A_755 = arith.constant 0 : i32
        %dma_wait3A_756 = arith.constant 0 : i32
        %dma_wait3A_757 = tpu.memref_slice %arg9[%dma_wait3A_754, %dma_wait3A_755, %dma_wait3A_756] : memref<5x112x64xf32, #tpu.memory_space<vmem>> -> memref<1x112x64xf32, #tpu.memory_space<vmem>>
        %dma_wait3A_758 = tpu.memref_squeeze %dma_wait3A_757 : memref<1x112x64xf32, #tpu.memory_space<vmem>> -> memref<112x64xf32, #tpu.memory_space<vmem>>
        %dma_wait3A_759 = arith.constant 0 : i32
        %dma_wait3A_760 = tpu.memref_slice %arg8[%sub3A_753, %dma_wait3A_759] : memref<45x112xi32, #tpu.memory_space<vmem>> -> memref<1x112xi32, #tpu.memory_space<vmem>>
        %dma_wait3A_761 = tpu.memref_squeeze %dma_wait3A_760 : memref<1x112xi32, #tpu.memory_space<vmem>> -> memref<112xi32, #tpu.memory_space<vmem>>
        %dma_wait3A_762 = arith.constant 0 : i32
        %dma_wait3A_763 = arith.constant 0 : i32
        %dma_wait3A_764 = tpu.memref_slice %arg11[%dma_wait3A_762, %dma_wait3A_763] : memref<10240x64xf32, #tpu.memory_space<vmem_shared>> -> memref<10240x64xf32, #tpu.memory_space<vmem_shared>>
        tpu.wait_indirect_dma semaphore(%arg21 : memref<!tpu.dma_semaphore, #tpu.memory_space<semaphore_mem>>) src(%dma_wait3A_758 : memref<112x64xf32, #tpu.memory_space<vmem>>) dst(%dma_wait3A_764 : memref<10240x64xf32, #tpu.memory_space<vmem_shared>>)
      } else {
      }
      %add3A_585 = arith.constant 5 : i32
      %add3A_586 = arith.addi %add3A_560, %add3A_585 : i32
      %sub3A = arith.constant 1 : i32
      %sub3A_587 = arith.subi %add3A_586, %sub3A : i32
      %le3A = arith.constant 44 : i32
      %le3A_588 = arith.cmpi sle, %sub3A_587, %le3A : i32
      %convert_element_type3A_589 = arith.extui %le3A_588 : i1 to i32
      %cond3A_590 = arith.constant 0 : i32
      %cond3A_591 = arith.cmpi ne, %convert_element_type3A_589, %cond3A_590 : i32
      scf.if %cond3A_591 {
        %add3A_752 = arith.constant 5 : i32
        %add3A_753 = arith.addi %add3A_560, %add3A_752 : i32
        %sub3A_754 = arith.constant 1 : i32
        %sub3A_755 = arith.subi %add3A_753, %sub3A_754 : i32
        %dma_start3A_756 = arith.constant 4 : i32
        %dma_start3A_757 = arith.constant 0 : i32
        %dma_start3A_758 = arith.constant 0 : i32
        %dma_start3A_759 = tpu.memref_slice %arg9[%dma_start3A_756, %dma_start3A_757, %dma_start3A_758] : memref<5x112x64xf32, #tpu.memory_space<vmem>> -> memref<1x112x64xf32, #tpu.memory_space<vmem>>
        %dma_start3A_760 = tpu.memref_squeeze %dma_start3A_759 : memref<1x112x64xf32, #tpu.memory_space<vmem>> -> memref<112x64xf32, #tpu.memory_space<vmem>>
        %dma_start3A_761 = arith.constant 0 : i32
        %dma_start3A_762 = tpu.memref_slice %arg7[%sub3A_755, %dma_start3A_761] : memref<45x112xi32, #tpu.memory_space<vmem>> -> memref<1x112xi32, #tpu.memory_space<vmem>>
        %dma_start3A_763 = tpu.memref_squeeze %dma_start3A_762 : memref<1x112xi32, #tpu.memory_space<vmem>> -> memref<112xi32, #tpu.memory_space<vmem>>
        %dma_start3A_764 = arith.constant 0 : i32
        %dma_start3A_765 = arith.constant 0 : i32
        %dma_start3A_766 = tpu.memref_slice %arg10[%dma_start3A_764, %dma_start3A_765] : memref<10240x64xf32, #tpu.memory_space<vmem_shared>> -> memref<10240x64xf32, #tpu.memory_space<vmem_shared>>
        tpu.enqueue_indirect_dma source(%dma_start3A_766 : memref<10240x64xf32, #tpu.memory_space<vmem_shared>>) target(%dma_start3A_760 : memref<112x64xf32, #tpu.memory_space<vmem>>) offsets(%dma_start3A_763 : memref<112xi32, #tpu.memory_space<vmem>>) semaphore(%arg16 : memref<!tpu.dma_semaphore, #tpu.memory_space<semaphore_mem>>)
      } else {
      }
      %mul3A_592 = arith.constant 5 : i32
      %mul3A_593 = arith.muli %mul3A_592, %scan3A_556 : i32
      %add3A_594 = arith.constant 1 : i32
      %add3A_595 = arith.addi %mul3A_593, %add3A_594 : i32
      %dma_wait3A_596 = arith.constant 1 : i32
      %dma_wait3A_597 = arith.constant 0 : i32
      %dma_wait3A_598 = arith.constant 0 : i32
      %dma_wait3A_599 = tpu.memref_slice %arg9[%dma_wait3A_596, %dma_wait3A_597, %dma_wait3A_598] : memref<5x112x64xf32, #tpu.memory_space<vmem>> -> memref<1x112x64xf32, #tpu.memory_space<vmem>>
      %dma_wait3A_600 = tpu.memref_squeeze %dma_wait3A_599 : memref<1x112x64xf32, #tpu.memory_space<vmem>> -> memref<112x64xf32, #tpu.memory_space<vmem>>
      %dma_wait3A_601 = arith.constant 0 : i32
      %dma_wait3A_602 = tpu.memref_slice %arg7[%add3A_595, %dma_wait3A_601] : memref<45x112xi32, #tpu.memory_space<vmem>> -> memref<1x112xi32, #tpu.memory_space<vmem>>
      %dma_wait3A_603 = tpu.memref_squeeze %dma_wait3A_602 : memref<1x112xi32, #tpu.memory_space<vmem>> -> memref<112xi32, #tpu.memory_space<vmem>>
      %dma_wait3A_604 = arith.constant 0 : i32
      %dma_wait3A_605 = arith.constant 0 : i32
      %dma_wait3A_606 = tpu.memref_slice %arg10[%dma_wait3A_604, %dma_wait3A_605] : memref<10240x64xf32, #tpu.memory_space<vmem_shared>> -> memref<10240x64xf32, #tpu.memory_space<vmem_shared>>
      tpu.wait_indirect_dma semaphore(%arg13 : memref<!tpu.dma_semaphore, #tpu.memory_space<semaphore_mem>>) src(%dma_wait3A_606 : memref<10240x64xf32, #tpu.memory_space<vmem_shared>>) dst(%dma_wait3A_600 : memref<112x64xf32, #tpu.memory_space<vmem>>)
      %dma_start3A_607 = arith.constant 1 : i32
      %dma_start3A_608 = arith.constant 0 : i32
      %dma_start3A_609 = arith.constant 0 : i32
      %dma_start3A_610 = tpu.memref_slice %arg9[%dma_start3A_607, %dma_start3A_608, %dma_start3A_609] : memref<5x112x64xf32, #tpu.memory_space<vmem>> -> memref<1x112x64xf32, #tpu.memory_space<vmem>>
      %dma_start3A_611 = tpu.memref_squeeze %dma_start3A_610 : memref<1x112x64xf32, #tpu.memory_space<vmem>> -> memref<112x64xf32, #tpu.memory_space<vmem>>
      %dma_start3A_612 = arith.constant 0 : i32
      %dma_start3A_613 = tpu.memref_slice %arg8[%add3A_595, %dma_start3A_612] : memref<45x112xi32, #tpu.memory_space<vmem>> -> memref<1x112xi32, #tpu.memory_space<vmem>>
      %dma_start3A_614 = tpu.memref_squeeze %dma_start3A_613 : memref<1x112xi32, #tpu.memory_space<vmem>> -> memref<112xi32, #tpu.memory_space<vmem>>
      %dma_start3A_615 = arith.constant 0 : i32
      %dma_start3A_616 = arith.constant 0 : i32
      %dma_start3A_617 = tpu.memref_slice %arg11[%dma_start3A_615, %dma_start3A_616] : memref<10240x64xf32, #tpu.memory_space<vmem_shared>> -> memref<10240x64xf32, #tpu.memory_space<vmem_shared>>
      tpu.enqueue_indirect_dma source(%dma_start3A_611 : memref<112x64xf32, #tpu.memory_space<vmem>>) target(%dma_start3A_617 : memref<10240x64xf32, #tpu.memory_space<vmem_shared>>) offsets(%dma_start3A_614 : memref<112xi32, #tpu.memory_space<vmem>>) semaphore(%arg18 : memref<!tpu.dma_semaphore, #tpu.memory_space<semaphore_mem>>) {add = true}
      %ge3A_618 = arith.constant 1 : i32
      %ge3A_619 = arith.cmpi sge, %add3A_595, %ge3A_618 : i32
      %convert_element_type3A_620 = arith.extui %ge3A_619 : i1 to i32
      %cond3A_621 = arith.constant 0 : i32
      %cond3A_622 = arith.cmpi ne, %convert_element_type3A_620, %cond3A_621 : i32
      scf.if %cond3A_622 {
        %sub3A_752 = arith.constant 1 : i32
        %sub3A_753 = arith.subi %add3A_595, %sub3A_752 : i32
        %dma_wait3A_754 = arith.constant 0 : i32
        %dma_wait3A_755 = arith.constant 0 : i32
        %dma_wait3A_756 = arith.constant 0 : i32
        %dma_wait3A_757 = tpu.memref_slice %arg9[%dma_wait3A_754, %dma_wait3A_755, %dma_wait3A_756] : memref<5x112x64xf32, #tpu.memory_space<vmem>> -> memref<1x112x64xf32, #tpu.memory_space<vmem>>
        %dma_wait3A_758 = tpu.memref_squeeze %dma_wait3A_757 : memref<1x112x64xf32, #tpu.memory_space<vmem>> -> memref<112x64xf32, #tpu.memory_space<vmem>>
        %dma_wait3A_759 = arith.constant 0 : i32
        %dma_wait3A_760 = tpu.memref_slice %arg8[%sub3A_753, %dma_wait3A_759] : memref<45x112xi32, #tpu.memory_space<vmem>> -> memref<1x112xi32, #tpu.memory_space<vmem>>
        %dma_wait3A_761 = tpu.memref_squeeze %dma_wait3A_760 : memref<1x112xi32, #tpu.memory_space<vmem>> -> memref<112xi32, #tpu.memory_space<vmem>>
        %dma_wait3A_762 = arith.constant 0 : i32
        %dma_wait3A_763 = arith.constant 0 : i32
        %dma_wait3A_764 = tpu.memref_slice %arg11[%dma_wait3A_762, %dma_wait3A_763] : memref<10240x64xf32, #tpu.memory_space<vmem_shared>> -> memref<10240x64xf32, #tpu.memory_space<vmem_shared>>
        tpu.wait_indirect_dma semaphore(%arg17 : memref<!tpu.dma_semaphore, #tpu.memory_space<semaphore_mem>>) src(%dma_wait3A_758 : memref<112x64xf32, #tpu.memory_space<vmem>>) dst(%dma_wait3A_764 : memref<10240x64xf32, #tpu.memory_space<vmem_shared>>)
      } else {
      }
      %add3A_623 = arith.constant 5 : i32
      %add3A_624 = arith.addi %add3A_595, %add3A_623 : i32
      %sub3A_625 = arith.constant 1 : i32
      %sub3A_626 = arith.subi %add3A_624, %sub3A_625 : i32
      %le3A_627 = arith.constant 44 : i32
      %le3A_628 = arith.cmpi sle, %sub3A_626, %le3A_627 : i32
      %convert_element_type3A_629 = arith.extui %le3A_628 : i1 to i32
      %cond3A_630 = arith.constant 0 : i32
      %cond3A_631 = arith.cmpi ne, %convert_element_type3A_629, %cond3A_630 : i32
      scf.if %cond3A_631 {
        %add3A_752 = arith.constant 5 : i32
        %add3A_753 = arith.addi %add3A_595, %add3A_752 : i32
        %sub3A_754 = arith.constant 1 : i32
        %sub3A_755 = arith.subi %add3A_753, %sub3A_754 : i32
        %dma_start3A_756 = arith.constant 0 : i32
        %dma_start3A_757 = arith.constant 0 : i32
        %dma_start3A_758 = arith.constant 0 : i32
        %dma_start3A_759 = tpu.memref_slice %arg9[%dma_start3A_756, %dma_start3A_757, %dma_start3A_758] : memref<5x112x64xf32, #tpu.memory_space<vmem>> -> memref<1x112x64xf32, #tpu.memory_space<vmem>>
        %dma_start3A_760 = tpu.memref_squeeze %dma_start3A_759 : memref<1x112x64xf32, #tpu.memory_space<vmem>> -> memref<112x64xf32, #tpu.memory_space<vmem>>
        %dma_start3A_761 = arith.constant 0 : i32
        %dma_start3A_762 = tpu.memref_slice %arg7[%sub3A_755, %dma_start3A_761] : memref<45x112xi32, #tpu.memory_space<vmem>> -> memref<1x112xi32, #tpu.memory_space<vmem>>
        %dma_start3A_763 = tpu.memref_squeeze %dma_start3A_762 : memref<1x112xi32, #tpu.memory_space<vmem>> -> memref<112xi32, #tpu.memory_space<vmem>>
        %dma_start3A_764 = arith.constant 0 : i32
        %dma_start3A_765 = arith.constant 0 : i32
        %dma_start3A_766 = tpu.memref_slice %arg10[%dma_start3A_764, %dma_start3A_765] : memref<10240x64xf32, #tpu.memory_space<vmem_shared>> -> memref<10240x64xf32, #tpu.memory_space<vmem_shared>>
        tpu.enqueue_indirect_dma source(%dma_start3A_766 : memref<10240x64xf32, #tpu.memory_space<vmem_shared>>) target(%dma_start3A_760 : memref<112x64xf32, #tpu.memory_space<vmem>>) offsets(%dma_start3A_763 : memref<112xi32, #tpu.memory_space<vmem>>) semaphore(%arg12 : memref<!tpu.dma_semaphore, #tpu.memory_space<semaphore_mem>>)
      } else {
      }
      %mul3A_632 = arith.constant 5 : i32
      %mul3A_633 = arith.muli %mul3A_632, %scan3A_556 : i32
      %add3A_634 = arith.constant 2 : i32
      %add3A_635 = arith.addi %mul3A_633, %add3A_634 : i32
      %dma_wait3A_636 = arith.constant 2 : i32
      %dma_wait3A_637 = arith.constant 0 : i32
      %dma_wait3A_638 = arith.constant 0 : i32
      %dma_wait3A_639 = tpu.memref_slice %arg9[%dma_wait3A_636, %dma_wait3A_637, %dma_wait3A_638] : memref<5x112x64xf32, #tpu.memory_space<vmem>> -> memref<1x112x64xf32, #tpu.memory_space<vmem>>
      %dma_wait3A_640 = tpu.memref_squeeze %dma_wait3A_639 : memref<1x112x64xf32, #tpu.memory_space<vmem>> -> memref<112x64xf32, #tpu.memory_space<vmem>>
      %dma_wait3A_641 = arith.constant 0 : i32
      %dma_wait3A_642 = tpu.memref_slice %arg7[%add3A_635, %dma_wait3A_641] : memref<45x112xi32, #tpu.memory_space<vmem>> -> memref<1x112xi32, #tpu.memory_space<vmem>>
      %dma_wait3A_643 = tpu.memref_squeeze %dma_wait3A_642 : memref<1x112xi32, #tpu.memory_space<vmem>> -> memref<112xi32, #tpu.memory_space<vmem>>
      %dma_wait3A_644 = arith.constant 0 : i32
      %dma_wait3A_645 = arith.constant 0 : i32
      %dma_wait3A_646 = tpu.memref_slice %arg10[%dma_wait3A_644, %dma_wait3A_645] : memref<10240x64xf32, #tpu.memory_space<vmem_shared>> -> memref<10240x64xf32, #tpu.memory_space<vmem_shared>>
      tpu.wait_indirect_dma semaphore(%arg14 : memref<!tpu.dma_semaphore, #tpu.memory_space<semaphore_mem>>) src(%dma_wait3A_646 : memref<10240x64xf32, #tpu.memory_space<vmem_shared>>) dst(%dma_wait3A_640 : memref<112x64xf32, #tpu.memory_space<vmem>>)
      %dma_start3A_647 = arith.constant 2 : i32
      %dma_start3A_648 = arith.constant 0 : i32
      %dma_start3A_649 = arith.constant 0 : i32
      %dma_start3A_650 = tpu.memref_slice %arg9[%dma_start3A_647, %dma_start3A_648, %dma_start3A_649] : memref<5x112x64xf32, #tpu.memory_space<vmem>> -> memref<1x112x64xf32, #tpu.memory_space<vmem>>
      %dma_start3A_651 = tpu.memref_squeeze %dma_start3A_650 : memref<1x112x64xf32, #tpu.memory_space<vmem>> -> memref<112x64xf32, #tpu.memory_space<vmem>>
      %dma_start3A_652 = arith.constant 0 : i32
      %dma_start3A_653 = tpu.memref_slice %arg8[%add3A_635, %dma_start3A_652] : memref<45x112xi32, #tpu.memory_space<vmem>> -> memref<1x112xi32, #tpu.memory_space<vmem>>
      %dma_start3A_654 = tpu.memref_squeeze %dma_start3A_653 : memref<1x112xi32, #tpu.memory_space<vmem>> -> memref<112xi32, #tpu.memory_space<vmem>>
      %dma_start3A_655 = arith.constant 0 : i32
      %dma_start3A_656 = arith.constant 0 : i32
      %dma_start3A_657 = tpu.memref_slice %arg11[%dma_start3A_655, %dma_start3A_656] : memref<10240x64xf32, #tpu.memory_space<vmem_shared>> -> memref<10240x64xf32, #tpu.memory_space<vmem_shared>>
      tpu.enqueue_indirect_dma source(%dma_start3A_651 : memref<112x64xf32, #tpu.memory_space<vmem>>) target(%dma_start3A_657 : memref<10240x64xf32, #tpu.memory_space<vmem_shared>>) offsets(%dma_start3A_654 : memref<112xi32, #tpu.memory_space<vmem>>) semaphore(%arg19 : memref<!tpu.dma_semaphore, #tpu.memory_space<semaphore_mem>>) {add = true}
      %ge3A_658 = arith.constant 1 : i32
      %ge3A_659 = arith.cmpi sge, %add3A_635, %ge3A_658 : i32
      %convert_element_type3A_660 = arith.extui %ge3A_659 : i1 to i32
      %cond3A_661 = arith.constant 0 : i32
      %cond3A_662 = arith.cmpi ne, %convert_element_type3A_660, %cond3A_661 : i32
      scf.if %cond3A_662 {
        %sub3A_752 = arith.constant 1 : i32
        %sub3A_753 = arith.subi %add3A_635, %sub3A_752 : i32
        %dma_wait3A_754 = arith.constant 1 : i32
        %dma_wait3A_755 = arith.constant 0 : i32
        %dma_wait3A_756 = arith.constant 0 : i32
        %dma_wait3A_757 = tpu.memref_slice %arg9[%dma_wait3A_754, %dma_wait3A_755, %dma_wait3A_756] : memref<5x112x64xf32, #tpu.memory_space<vmem>> -> memref<1x112x64xf32, #tpu.memory_space<vmem>>
        %dma_wait3A_758 = tpu.memref_squeeze %dma_wait3A_757 : memref<1x112x64xf32, #tpu.memory_space<vmem>> -> memref<112x64xf32, #tpu.memory_space<vmem>>
        %dma_wait3A_759 = arith.constant 0 : i32
        %dma_wait3A_760 = tpu.memref_slice %arg8[%sub3A_753, %dma_wait3A_759] : memref<45x112xi32, #tpu.memory_space<vmem>> -> memref<1x112xi32, #tpu.memory_space<vmem>>
        %dma_wait3A_761 = tpu.memref_squeeze %dma_wait3A_760 : memref<1x112xi32, #tpu.memory_space<vmem>> -> memref<112xi32, #tpu.memory_space<vmem>>
        %dma_wait3A_762 = arith.constant 0 : i32
        %dma_wait3A_763 = arith.constant 0 : i32
        %dma_wait3A_764 = tpu.memref_slice %arg11[%dma_wait3A_762, %dma_wait3A_763] : memref<10240x64xf32, #tpu.memory_space<vmem_shared>> -> memref<10240x64xf32, #tpu.memory_space<vmem_shared>>
        tpu.wait_indirect_dma semaphore(%arg18 : memref<!tpu.dma_semaphore, #tpu.memory_space<semaphore_mem>>) src(%dma_wait3A_758 : memref<112x64xf32, #tpu.memory_space<vmem>>) dst(%dma_wait3A_764 : memref<10240x64xf32, #tpu.memory_space<vmem_shared>>)
      } else {
      }
      %add3A_663 = arith.constant 5 : i32
      %add3A_664 = arith.addi %add3A_635, %add3A_663 : i32
      %sub3A_665 = arith.constant 1 : i32
      %sub3A_666 = arith.subi %add3A_664, %sub3A_665 : i32
      %le3A_667 = arith.constant 44 : i32
      %le3A_668 = arith.cmpi sle, %sub3A_666, %le3A_667 : i32
      %convert_element_type3A_669 = arith.extui %le3A_668 : i1 to i32
      %cond3A_670 = arith.constant 0 : i32
      %cond3A_671 = arith.cmpi ne, %convert_element_type3A_669, %cond3A_670 : i32
      scf.if %cond3A_671 {
        %add3A_752 = arith.constant 5 : i32
        %add3A_753 = arith.addi %add3A_635, %add3A_752 : i32
        %sub3A_754 = arith.constant 1 : i32
        %sub3A_755 = arith.subi %add3A_753, %sub3A_754 : i32
        %dma_start3A_756 = arith.constant 1 : i32
        %dma_start3A_757 = arith.constant 0 : i32
        %dma_start3A_758 = arith.constant 0 : i32
        %dma_start3A_759 = tpu.memref_slice %arg9[%dma_start3A_756, %dma_start3A_757, %dma_start3A_758] : memref<5x112x64xf32, #tpu.memory_space<vmem>> -> memref<1x112x64xf32, #tpu.memory_space<vmem>>
        %dma_start3A_760 = tpu.memref_squeeze %dma_start3A_759 : memref<1x112x64xf32, #tpu.memory_space<vmem>> -> memref<112x64xf32, #tpu.memory_space<vmem>>
        %dma_start3A_761 = arith.constant 0 : i32
        %dma_start3A_762 = tpu.memref_slice %arg7[%sub3A_755, %dma_start3A_761] : memref<45x112xi32, #tpu.memory_space<vmem>> -> memref<1x112xi32, #tpu.memory_space<vmem>>
        %dma_start3A_763 = tpu.memref_squeeze %dma_start3A_762 : memref<1x112xi32, #tpu.memory_space<vmem>> -> memref<112xi32, #tpu.memory_space<vmem>>
        %dma_start3A_764 = arith.constant 0 : i32
        %dma_start3A_765 = arith.constant 0 : i32
        %dma_start3A_766 = tpu.memref_slice %arg10[%dma_start3A_764, %dma_start3A_765] : memref<10240x64xf32, #tpu.memory_space<vmem_shared>> -> memref<10240x64xf32, #tpu.memory_space<vmem_shared>>
        tpu.enqueue_indirect_dma source(%dma_start3A_766 : memref<10240x64xf32, #tpu.memory_space<vmem_shared>>) target(%dma_start3A_760 : memref<112x64xf32, #tpu.memory_space<vmem>>) offsets(%dma_start3A_763 : memref<112xi32, #tpu.memory_space<vmem>>) semaphore(%arg13 : memref<!tpu.dma_semaphore, #tpu.memory_space<semaphore_mem>>)
      } else {
      }
      %mul3A_672 = arith.constant 5 : i32
      %mul3A_673 = arith.muli %mul3A_672, %scan3A_556 : i32
      %add3A_674 = arith.constant 3 : i32
      %add3A_675 = arith.addi %mul3A_673, %add3A_674 : i32
      %dma_wait3A_676 = arith.constant 3 : i32
      %dma_wait3A_677 = arith.constant 0 : i32
      %dma_wait3A_678 = arith.constant 0 : i32
      %dma_wait3A_679 = tpu.memref_slice %arg9[%dma_wait3A_676, %dma_wait3A_677, %dma_wait3A_678] : memref<5x112x64xf32, #tpu.memory_space<vmem>> -> memref<1x112x64xf32, #tpu.memory_space<vmem>>
      %dma_wait3A_680 = tpu.memref_squeeze %dma_wait3A_679 : memref<1x112x64xf32, #tpu.memory_space<vmem>> -> memref<112x64xf32, #tpu.memory_space<vmem>>
      %dma_wait3A_681 = arith.constant 0 : i32
      %dma_wait3A_682 = tpu.memref_slice %arg7[%add3A_675, %dma_wait3A_681] : memref<45x112xi32, #tpu.memory_space<vmem>> -> memref<1x112xi32, #tpu.memory_space<vmem>>
      %dma_wait3A_683 = tpu.memref_squeeze %dma_wait3A_682 : memref<1x112xi32, #tpu.memory_space<vmem>> -> memref<112xi32, #tpu.memory_space<vmem>>
      %dma_wait3A_684 = arith.constant 0 : i32
      %dma_wait3A_685 = arith.constant 0 : i32
      %dma_wait3A_686 = tpu.memref_slice %arg10[%dma_wait3A_684, %dma_wait3A_685] : memref<10240x64xf32, #tpu.memory_space<vmem_shared>> -> memref<10240x64xf32, #tpu.memory_space<vmem_shared>>
      tpu.wait_indirect_dma semaphore(%arg15 : memref<!tpu.dma_semaphore, #tpu.memory_space<semaphore_mem>>) src(%dma_wait3A_686 : memref<10240x64xf32, #tpu.memory_space<vmem_shared>>) dst(%dma_wait3A_680 : memref<112x64xf32, #tpu.memory_space<vmem>>)
      %dma_start3A_687 = arith.constant 3 : i32
      %dma_start3A_688 = arith.constant 0 : i32
      %dma_start3A_689 = arith.constant 0 : i32
      %dma_start3A_690 = tpu.memref_slice %arg9[%dma_start3A_687, %dma_start3A_688, %dma_start3A_689] : memref<5x112x64xf32, #tpu.memory_space<vmem>> -> memref<1x112x64xf32, #tpu.memory_space<vmem>>
      %dma_start3A_691 = tpu.memref_squeeze %dma_start3A_690 : memref<1x112x64xf32, #tpu.memory_space<vmem>> -> memref<112x64xf32, #tpu.memory_space<vmem>>
      %dma_start3A_692 = arith.constant 0 : i32
      %dma_start3A_693 = tpu.memref_slice %arg8[%add3A_675, %dma_start3A_692] : memref<45x112xi32, #tpu.memory_space<vmem>> -> memref<1x112xi32, #tpu.memory_space<vmem>>
      %dma_start3A_694 = tpu.memref_squeeze %dma_start3A_693 : memref<1x112xi32, #tpu.memory_space<vmem>> -> memref<112xi32, #tpu.memory_space<vmem>>
      %dma_start3A_695 = arith.constant 0 : i32
      %dma_start3A_696 = arith.constant 0 : i32
      %dma_start3A_697 = tpu.memref_slice %arg11[%dma_start3A_695, %dma_start3A_696] : memref<10240x64xf32, #tpu.memory_space<vmem_shared>> -> memref<10240x64xf32, #tpu.memory_space<vmem_shared>>
      tpu.enqueue_indirect_dma source(%dma_start3A_691 : memref<112x64xf32, #tpu.memory_space<vmem>>) target(%dma_start3A_697 : memref<10240x64xf32, #tpu.memory_space<vmem_shared>>) offsets(%dma_start3A_694 : memref<112xi32, #tpu.memory_space<vmem>>) semaphore(%arg20 : memref<!tpu.dma_semaphore, #tpu.memory_space<semaphore_mem>>) {add = true}
      %ge3A_698 = arith.constant 1 : i32
      %ge3A_699 = arith.cmpi sge, %add3A_675, %ge3A_698 : i32
      %convert_element_type3A_700 = arith.extui %ge3A_699 : i1 to i32
      %cond3A_701 = arith.constant 0 : i32
      %cond3A_702 = arith.cmpi ne, %convert_element_type3A_700, %cond3A_701 : i32
      scf.if %cond3A_702 {
        %sub3A_752 = arith.constant 1 : i32
        %sub3A_753 = arith.subi %add3A_675, %sub3A_752 : i32
        %dma_wait3A_754 = arith.constant 2 : i32
        %dma_wait3A_755 = arith.constant 0 : i32
        %dma_wait3A_756 = arith.constant 0 : i32
        %dma_wait3A_757 = tpu.memref_slice %arg9[%dma_wait3A_754, %dma_wait3A_755, %dma_wait3A_756] : memref<5x112x64xf32, #tpu.memory_space<vmem>> -> memref<1x112x64xf32, #tpu.memory_space<vmem>>
        %dma_wait3A_758 = tpu.memref_squeeze %dma_wait3A_757 : memref<1x112x64xf32, #tpu.memory_space<vmem>> -> memref<112x64xf32, #tpu.memory_space<vmem>>
        %dma_wait3A_759 = arith.constant 0 : i32
        %dma_wait3A_760 = tpu.memref_slice %arg8[%sub3A_753, %dma_wait3A_759] : memref<45x112xi32, #tpu.memory_space<vmem>> -> memref<1x112xi32, #tpu.memory_space<vmem>>
        %dma_wait3A_761 = tpu.memref_squeeze %dma_wait3A_760 : memref<1x112xi32, #tpu.memory_space<vmem>> -> memref<112xi32, #tpu.memory_space<vmem>>
        %dma_wait3A_762 = arith.constant 0 : i32
        %dma_wait3A_763 = arith.constant 0 : i32
        %dma_wait3A_764 = tpu.memref_slice %arg11[%dma_wait3A_762, %dma_wait3A_763] : memref<10240x64xf32, #tpu.memory_space<vmem_shared>> -> memref<10240x64xf32, #tpu.memory_space<vmem_shared>>
        tpu.wait_indirect_dma semaphore(%arg19 : memref<!tpu.dma_semaphore, #tpu.memory_space<semaphore_mem>>) src(%dma_wait3A_758 : memref<112x64xf32, #tpu.memory_space<vmem>>) dst(%dma_wait3A_764 : memref<10240x64xf32, #tpu.memory_space<vmem_shared>>)
      } else {
      }
      %add3A_703 = arith.constant 5 : i32
      %add3A_704 = arith.addi %add3A_675, %add3A_703 : i32
      %sub3A_705 = arith.constant 1 : i32
      %sub3A_706 = arith.subi %add3A_704, %sub3A_705 : i32
      %le3A_707 = arith.constant 44 : i32
      %le3A_708 = arith.cmpi sle, %sub3A_706, %le3A_707 : i32
      %convert_element_type3A_709 = arith.extui %le3A_708 : i1 to i32
      %cond3A_710 = arith.constant 0 : i32
      %cond3A_711 = arith.cmpi ne, %convert_element_type3A_709, %cond3A_710 : i32
      scf.if %cond3A_711 {
        %add3A_752 = arith.constant 5 : i32
        %add3A_753 = arith.addi %add3A_675, %add3A_752 : i32
        %sub3A_754 = arith.constant 1 : i32
        %sub3A_755 = arith.subi %add3A_753, %sub3A_754 : i32
        %dma_start3A_756 = arith.constant 2 : i32
        %dma_start3A_757 = arith.constant 0 : i32
        %dma_start3A_758 = arith.constant 0 : i32
        %dma_start3A_759 = tpu.memref_slice %arg9[%dma_start3A_756, %dma_start3A_757, %dma_start3A_758] : memref<5x112x64xf32, #tpu.memory_space<vmem>> -> memref<1x112x64xf32, #tpu.memory_space<vmem>>
        %dma_start3A_760 = tpu.memref_squeeze %dma_start3A_759 : memref<1x112x64xf32, #tpu.memory_space<vmem>> -> memref<112x64xf32, #tpu.memory_space<vmem>>
        %dma_start3A_761 = arith.constant 0 : i32
        %dma_start3A_762 = tpu.memref_slice %arg7[%sub3A_755, %dma_start3A_761] : memref<45x112xi32, #tpu.memory_space<vmem>> -> memref<1x112xi32, #tpu.memory_space<vmem>>
        %dma_start3A_763 = tpu.memref_squeeze %dma_start3A_762 : memref<1x112xi32, #tpu.memory_space<vmem>> -> memref<112xi32, #tpu.memory_space<vmem>>
        %dma_start3A_764 = arith.constant 0 : i32
        %dma_start3A_765 = arith.constant 0 : i32
        %dma_start3A_766 = tpu.memref_slice %arg10[%dma_start3A_764, %dma_start3A_765] : memref<10240x64xf32, #tpu.memory_space<vmem_shared>> -> memref<10240x64xf32, #tpu.memory_space<vmem_shared>>
        tpu.enqueue_indirect_dma source(%dma_start3A_766 : memref<10240x64xf32, #tpu.memory_space<vmem_shared>>) target(%dma_start3A_760 : memref<112x64xf32, #tpu.memory_space<vmem>>) offsets(%dma_start3A_763 : memref<112xi32, #tpu.memory_space<vmem>>) semaphore(%arg14 : memref<!tpu.dma_semaphore, #tpu.memory_space<semaphore_mem>>)
      } else {
      }
      %mul3A_712 = arith.constant 5 : i32
      %mul3A_713 = arith.muli %mul3A_712, %scan3A_556 : i32
      %add3A_714 = arith.constant 4 : i32
      %add3A_715 = arith.addi %mul3A_713, %add3A_714 : i32
      %dma_wait3A_716 = arith.constant 4 : i32
      %dma_wait3A_717 = arith.constant 0 : i32
      %dma_wait3A_718 = arith.constant 0 : i32
      %dma_wait3A_719 = tpu.memref_slice %arg9[%dma_wait3A_716, %dma_wait3A_717, %dma_wait3A_718] : memref<5x112x64xf32, #tpu.memory_space<vmem>> -> memref<1x112x64xf32, #tpu.memory_space<vmem>>
      %dma_wait3A_720 = tpu.memref_squeeze %dma_wait3A_719 : memref<1x112x64xf32, #tpu.memory_space<vmem>> -> memref<112x64xf32, #tpu.memory_space<vmem>>
      %dma_wait3A_721 = arith.constant 0 : i32
      %dma_wait3A_722 = tpu.memref_slice %arg7[%add3A_715, %dma_wait3A_721] : memref<45x112xi32, #tpu.memory_space<vmem>> -> memref<1x112xi32, #tpu.memory_space<vmem>>
      %dma_wait3A_723 = tpu.memref_squeeze %dma_wait3A_722 : memref<1x112xi32, #tpu.memory_space<vmem>> -> memref<112xi32, #tpu.memory_space<vmem>>
      %dma_wait3A_724 = arith.constant 0 : i32
      %dma_wait3A_725 = arith.constant 0 : i32
      %dma_wait3A_726 = tpu.memref_slice %arg10[%dma_wait3A_724, %dma_wait3A_725] : memref<10240x64xf32, #tpu.memory_space<vmem_shared>> -> memref<10240x64xf32, #tpu.memory_space<vmem_shared>>
      tpu.wait_indirect_dma semaphore(%arg16 : memref<!tpu.dma_semaphore, #tpu.memory_space<semaphore_mem>>) src(%dma_wait3A_726 : memref<10240x64xf32, #tpu.memory_space<vmem_shared>>) dst(%dma_wait3A_720 : memref<112x64xf32, #tpu.memory_space<vmem>>)
      %dma_start3A_727 = arith.constant 4 : i32
      %dma_start3A_728 = arith.constant 0 : i32
      %dma_start3A_729 = arith.constant 0 : i32
      %dma_start3A_730 = tpu.memref_slice %arg9[%dma_start3A_727, %dma_start3A_728, %dma_start3A_729] : memref<5x112x64xf32, #tpu.memory_space<vmem>> -> memref<1x112x64xf32, #tpu.memory_space<vmem>>
      %dma_start3A_731 = tpu.memref_squeeze %dma_start3A_730 : memref<1x112x64xf32, #tpu.memory_space<vmem>> -> memref<112x64xf32, #tpu.memory_space<vmem>>
      %dma_start3A_732 = arith.constant 0 : i32
      %dma_start3A_733 = tpu.memref_slice %arg8[%add3A_715, %dma_start3A_732] : memref<45x112xi32, #tpu.memory_space<vmem>> -> memref<1x112xi32, #tpu.memory_space<vmem>>
      %dma_start3A_734 = tpu.memref_squeeze %dma_start3A_733 : memref<1x112xi32, #tpu.memory_space<vmem>> -> memref<112xi32, #tpu.memory_space<vmem>>
      %dma_start3A_735 = arith.constant 0 : i32
      %dma_start3A_736 = arith.constant 0 : i32
      %dma_start3A_737 = tpu.memref_slice %arg11[%dma_start3A_735, %dma_start3A_736] : memref<10240x64xf32, #tpu.memory_space<vmem_shared>> -> memref<10240x64xf32, #tpu.memory_space<vmem_shared>>
      tpu.enqueue_indirect_dma source(%dma_start3A_731 : memref<112x64xf32, #tpu.memory_space<vmem>>) target(%dma_start3A_737 : memref<10240x64xf32, #tpu.memory_space<vmem_shared>>) offsets(%dma_start3A_734 : memref<112xi32, #tpu.memory_space<vmem>>) semaphore(%arg21 : memref<!tpu.dma_semaphore, #tpu.memory_space<semaphore_mem>>) {add = true}
      %ge3A_738 = arith.constant 1 : i32
      %ge3A_739 = arith.cmpi sge, %add3A_715, %ge3A_738 : i32
      %convert_element_type3A_740 = arith.extui %ge3A_739 : i1 to i32
      %cond3A_741 = arith.constant 0 : i32
      %cond3A_742 = arith.cmpi ne, %convert_element_type3A_740, %cond3A_741 : i32
      scf.if %cond3A_742 {
        %sub3A_752 = arith.constant 1 : i32
        %sub3A_753 = arith.subi %add3A_715, %sub3A_752 : i32
        %dma_wait3A_754 = arith.constant 3 : i32
        %dma_wait3A_755 = arith.constant 0 : i32
        %dma_wait3A_756 = arith.constant 0 : i32
        %dma_wait3A_757 = tpu.memref_slice %arg9[%dma_wait3A_754, %dma_wait3A_755, %dma_wait3A_756] : memref<5x112x64xf32, #tpu.memory_space<vmem>> -> memref<1x112x64xf32, #tpu.memory_space<vmem>>
        %dma_wait3A_758 = tpu.memref_squeeze %dma_wait3A_757 : memref<1x112x64xf32, #tpu.memory_space<vmem>> -> memref<112x64xf32, #tpu.memory_space<vmem>>
        %dma_wait3A_759 = arith.constant 0 : i32
        %dma_wait3A_760 = tpu.memref_slice %arg8[%sub3A_753, %dma_wait3A_759] : memref<45x112xi32, #tpu.memory_space<vmem>> -> memref<1x112xi32, #tpu.memory_space<vmem>>
        %dma_wait3A_761 = tpu.memref_squeeze %dma_wait3A_760 : memref<1x112xi32, #tpu.memory_space<vmem>> -> memref<112xi32, #tpu.memory_space<vmem>>
        %dma_wait3A_762 = arith.constant 0 : i32
        %dma_wait3A_763 = arith.constant 0 : i32
        %dma_wait3A_764 = tpu.memref_slice %arg11[%dma_wait3A_762, %dma_wait3A_763] : memref<10240x64xf32, #tpu.memory_space<vmem_shared>> -> memref<10240x64xf32, #tpu.memory_space<vmem_shared>>
        tpu.wait_indirect_dma semaphore(%arg20 : memref<!tpu.dma_semaphore, #tpu.memory_space<semaphore_mem>>) src(%dma_wait3A_758 : memref<112x64xf32, #tpu.memory_space<vmem>>) dst(%dma_wait3A_764 : memref<10240x64xf32, #tpu.memory_space<vmem_shared>>)
      } else {
      }
      %add3A_743 = arith.constant 5 : i32
      %add3A_744 = arith.addi %add3A_715, %add3A_743 : i32
      %sub3A_745 = arith.constant 1 : i32
      %sub3A_746 = arith.subi %add3A_744, %sub3A_745 : i32
      %le3A_747 = arith.constant 44 : i32
      %le3A_748 = arith.cmpi sle, %sub3A_746, %le3A_747 : i32
      %convert_element_type3A_749 = arith.extui %le3A_748 : i1 to i32
      %cond3A_750 = arith.constant 0 : i32
      %cond3A_751 = arith.cmpi ne, %convert_element_type3A_749, %cond3A_750 : i32
      scf.if %cond3A_751 {
        %add3A_752 = arith.constant 5 : i32
        %add3A_753 = arith.addi %add3A_715, %add3A_752 : i32
        %sub3A_754 = arith.constant 1 : i32
        %sub3A_755 = arith.subi %add3A_753, %sub3A_754 : i32
        %dma_start3A_756 = arith.constant 3 : i32
        %dma_start3A_757 = arith.constant 0 : i32
        %dma_start3A_758 = arith.constant 0 : i32
        %dma_start3A_759 = tpu.memref_slice %arg9[%dma_start3A_756, %dma_start3A_757, %dma_start3A_758] : memref<5x112x64xf32, #tpu.memory_space<vmem>> -> memref<1x112x64xf32, #tpu.memory_space<vmem>>
        %dma_start3A_760 = tpu.memref_squeeze %dma_start3A_759 : memref<1x112x64xf32, #tpu.memory_space<vmem>> -> memref<112x64xf32, #tpu.memory_space<vmem>>
        %dma_start3A_761 = arith.constant 0 : i32
        %dma_start3A_762 = tpu.memref_slice %arg7[%sub3A_755, %dma_start3A_761] : memref<45x112xi32, #tpu.memory_space<vmem>> -> memref<1x112xi32, #tpu.memory_space<vmem>>
        %dma_start3A_763 = tpu.memref_squeeze %dma_start3A_762 : memref<1x112xi32, #tpu.memory_space<vmem>> -> memref<112xi32, #tpu.memory_space<vmem>>
        %dma_start3A_764 = arith.constant 0 : i32
        %dma_start3A_765 = arith.constant 0 : i32
        %dma_start3A_766 = tpu.memref_slice %arg10[%dma_start3A_764, %dma_start3A_765] : memref<10240x64xf32, #tpu.memory_space<vmem_shared>> -> memref<10240x64xf32, #tpu.memory_space<vmem_shared>>
        tpu.enqueue_indirect_dma source(%dma_start3A_766 : memref<10240x64xf32, #tpu.memory_space<vmem_shared>>) target(%dma_start3A_760 : memref<112x64xf32, #tpu.memory_space<vmem>>) offsets(%dma_start3A_763 : memref<112xi32, #tpu.memory_space<vmem>>) semaphore(%arg15 : memref<!tpu.dma_semaphore, #tpu.memory_space<semaphore_mem>>)
      } else {
      }
    }
    %scan3A_124 = arith.constant 9 : i32
    %dma_wait3A_125 = arith.constant 4 : i32
    %dma_wait3A_126 = arith.constant 44 : i32
    %dma_wait3A_127 = arith.constant 0 : i32
    %dma_wait3A_128 = arith.constant 0 : i32
    %dma_wait3A_129 = tpu.memref_slice %arg9[%dma_wait3A_125, %dma_wait3A_127, %dma_wait3A_128] : memref<5x112x64xf32, #tpu.memory_space<vmem>> -> memref<1x112x64xf32, #tpu.memory_space<vmem>>
    %dma_wait3A_130 = tpu.memref_squeeze %dma_wait3A_129 : memref<1x112x64xf32, #tpu.memory_space<vmem>> -> memref<112x64xf32, #tpu.memory_space<vmem>>
    %dma_wait3A_131 = arith.constant 0 : i32
    %dma_wait3A_132 = tpu.memref_slice %arg8[%dma_wait3A_126, %dma_wait3A_131] : memref<45x112xi32, #tpu.memory_space<vmem>> -> memref<1x112xi32, #tpu.memory_space<vmem>>
    %dma_wait3A_133 = tpu.memref_squeeze %dma_wait3A_132 : memref<1x112xi32, #tpu.memory_space<vmem>> -> memref<112xi32, #tpu.memory_space<vmem>>
    %dma_wait3A_134 = arith.constant 0 : i32
    %dma_wait3A_135 = arith.constant 0 : i32
    %dma_wait3A_136 = tpu.memref_slice %arg11[%dma_wait3A_134, %dma_wait3A_135] : memref<10240x64xf32, #tpu.memory_space<vmem_shared>> -> memref<10240x64xf32, #tpu.memory_space<vmem_shared>>
    tpu.wait_indirect_dma semaphore(%arg21 : memref<!tpu.dma_semaphore, #tpu.memory_space<semaphore_mem>>) src(%dma_wait3A_130 : memref<112x64xf32, #tpu.memory_space<vmem>>) dst(%dma_wait3A_136 : memref<10240x64xf32, #tpu.memory_space<vmem_shared>>)
    "tpu.region"() ({
      %run_scoped3A = tpu.sem_alloc : memref<!tpu.dma_semaphore, #tpu.memory_space<semaphore_mem>>
      %dma_start3A_556 = arith.constant 0 : i32
      %dma_start3A_557 = arith.constant 0 : i32
      %dma_start3A_558 = tpu.memref_slice %arg3[%arg1, %dma_start3A_556, %dma_start3A_557] : memref<16x180x112xi32, #tpu.memory_space<hbm>> -> memref<1x180x112xi32, #tpu.memory_space<hbm>>
      %dma_start3A_559 = tpu.memref_squeeze %dma_start3A_558 : memref<1x180x112xi32, #tpu.memory_space<hbm>> -> memref<180x112xi32, #tpu.memory_space<hbm>>
      %dma_start3A_560 = arith.constant 90 : i32
      %dma_start3A_561 = arith.constant 0 : i32
      %dma_start3A_562 = tpu.memref_slice %dma_start3A_559[%dma_start3A_560, %dma_start3A_561] : memref<180x112xi32, #tpu.memory_space<hbm>> -> memref<45x112xi32, #tpu.memory_space<hbm>>
      %dma_start3A_563 = arith.constant 0 : i32
      %dma_start3A_564 = arith.constant 0 : i32
      %dma_start3A_565 = tpu.memref_slice %arg3[%arg1, %dma_start3A_563, %dma_start3A_564] : memref<16x180x112xi32, #tpu.memory_space<hbm>> -> memref<1x180x112xi32, #tpu.memory_space<hbm>>
      %dma_start3A_566 = tpu.memref_squeeze %dma_start3A_565 : memref<1x180x112xi32, #tpu.memory_space<hbm>> -> memref<180x112xi32, #tpu.memory_space<hbm>>
      %dma_start3A_567 = arith.constant 90 : i32
      %dma_start3A_568 = arith.constant 0 : i32
      %dma_start3A_569 = tpu.memref_slice %dma_start3A_566[%dma_start3A_567, %dma_start3A_568] : memref<180x112xi32, #tpu.memory_space<hbm>> -> memref<45x112xi32, #tpu.memory_space<hbm>>
      tpu.enqueue_dma source(%dma_start3A_569 : memref<45x112xi32, #tpu.memory_space<hbm>>) target(%arg7 : memref<45x112xi32, #tpu.memory_space<vmem>>) target_semaphore(%run_scoped3A : memref<!tpu.dma_semaphore, #tpu.memory_space<semaphore_mem>>)
      %dma_wait3A_570 = arith.constant 0 : i32
      %dma_wait3A_571 = arith.constant 0 : i32
      %dma_wait3A_572 = tpu.memref_slice %arg3[%arg1, %dma_wait3A_570, %dma_wait3A_571] : memref<16x180x112xi32, #tpu.memory_space<hbm>> -> memref<1x180x112xi32, #tpu.memory_space<hbm>>
      %dma_wait3A_573 = tpu.memref_squeeze %dma_wait3A_572 : memref<1x180x112xi32, #tpu.memory_space<hbm>> -> memref<180x112xi32, #tpu.memory_space<hbm>>
      %dma_wait3A_574 = arith.constant 90 : i32
      %dma_wait3A_575 = arith.constant 0 : i32
      %dma_wait3A_576 = tpu.memref_slice %dma_wait3A_573[%dma_wait3A_574, %dma_wait3A_575] : memref<180x112xi32, #tpu.memory_space<hbm>> -> memref<45x112xi32, #tpu.memory_space<hbm>>
      %dma_wait3A_577 = arith.constant 0 : i32
      %dma_wait3A_578 = arith.constant 0 : i32
      %dma_wait3A_579 = tpu.memref_slice %arg3[%arg1, %dma_wait3A_577, %dma_wait3A_578] : memref<16x180x112xi32, #tpu.memory_space<hbm>> -> memref<1x180x112xi32, #tpu.memory_space<hbm>>
      %dma_wait3A_580 = tpu.memref_squeeze %dma_wait3A_579 : memref<1x180x112xi32, #tpu.memory_space<hbm>> -> memref<180x112xi32, #tpu.memory_space<hbm>>
      %dma_wait3A_581 = arith.constant 90 : i32
      %dma_wait3A_582 = arith.constant 0 : i32
      %dma_wait3A_583 = tpu.memref_slice %dma_wait3A_580[%dma_wait3A_581, %dma_wait3A_582] : memref<180x112xi32, #tpu.memory_space<hbm>> -> memref<45x112xi32, #tpu.memory_space<hbm>>
      tpu.wait_dma2 semaphore(%run_scoped3A : memref<!tpu.dma_semaphore, #tpu.memory_space<semaphore_mem>>) src(%dma_wait3A_583 : memref<45x112xi32, #tpu.memory_space<hbm>>) dst(%arg7 : memref<45x112xi32, #tpu.memory_space<vmem>>)
      tpu.yield
    }) : () -> ()
    "tpu.region"() ({
      %run_scoped3A = tpu.sem_alloc : memref<!tpu.dma_semaphore, #tpu.memory_space<semaphore_mem>>
      %dma_start3A_556 = arith.constant 0 : i32
      %dma_start3A_557 = arith.constant 0 : i32
      %dma_start3A_558 = tpu.memref_slice %arg4[%arg1, %dma_start3A_556, %dma_start3A_557] : memref<16x180x112xi32, #tpu.memory_space<hbm>> -> memref<1x180x112xi32, #tpu.memory_space<hbm>>
      %dma_start3A_559 = tpu.memref_squeeze %dma_start3A_558 : memref<1x180x112xi32, #tpu.memory_space<hbm>> -> memref<180x112xi32, #tpu.memory_space<hbm>>
      %dma_start3A_560 = arith.constant 90 : i32
      %dma_start3A_561 = arith.constant 0 : i32
      %dma_start3A_562 = tpu.memref_slice %dma_start3A_559[%dma_start3A_560, %dma_start3A_561] : memref<180x112xi32, #tpu.memory_space<hbm>> -> memref<45x112xi32, #tpu.memory_space<hbm>>
      %dma_start3A_563 = arith.constant 0 : i32
      %dma_start3A_564 = arith.constant 0 : i32
      %dma_start3A_565 = tpu.memref_slice %arg4[%arg1, %dma_start3A_563, %dma_start3A_564] : memref<16x180x112xi32, #tpu.memory_space<hbm>> -> memref<1x180x112xi32, #tpu.memory_space<hbm>>
      %dma_start3A_566 = tpu.memref_squeeze %dma_start3A_565 : memref<1x180x112xi32, #tpu.memory_space<hbm>> -> memref<180x112xi32, #tpu.memory_space<hbm>>
      %dma_start3A_567 = arith.constant 90 : i32
      %dma_start3A_568 = arith.constant 0 : i32
      %dma_start3A_569 = tpu.memref_slice %dma_start3A_566[%dma_start3A_567, %dma_start3A_568] : memref<180x112xi32, #tpu.memory_space<hbm>> -> memref<45x112xi32, #tpu.memory_space<hbm>>
      tpu.enqueue_dma source(%dma_start3A_569 : memref<45x112xi32, #tpu.memory_space<hbm>>) target(%arg8 : memref<45x112xi32, #tpu.memory_space<vmem>>) target_semaphore(%run_scoped3A : memref<!tpu.dma_semaphore, #tpu.memory_space<semaphore_mem>>)
      %dma_wait3A_570 = arith.constant 0 : i32
      %dma_wait3A_571 = arith.constant 0 : i32
      %dma_wait3A_572 = tpu.memref_slice %arg4[%arg1, %dma_wait3A_570, %dma_wait3A_571] : memref<16x180x112xi32, #tpu.memory_space<hbm>> -> memref<1x180x112xi32, #tpu.memory_space<hbm>>
      %dma_wait3A_573 = tpu.memref_squeeze %dma_wait3A_572 : memref<1x180x112xi32, #tpu.memory_space<hbm>> -> memref<180x112xi32, #tpu.memory_space<hbm>>
      %dma_wait3A_574 = arith.constant 90 : i32
      %dma_wait3A_575 = arith.constant 0 : i32
      %dma_wait3A_576 = tpu.memref_slice %dma_wait3A_573[%dma_wait3A_574, %dma_wait3A_575] : memref<180x112xi32, #tpu.memory_space<hbm>> -> memref<45x112xi32, #tpu.memory_space<hbm>>
      %dma_wait3A_577 = arith.constant 0 : i32
      %dma_wait3A_578 = arith.constant 0 : i32
      %dma_wait3A_579 = tpu.memref_slice %arg4[%arg1, %dma_wait3A_577, %dma_wait3A_578] : memref<16x180x112xi32, #tpu.memory_space<hbm>> -> memref<1x180x112xi32, #tpu.memory_space<hbm>>
      %dma_wait3A_580 = tpu.memref_squeeze %dma_wait3A_579 : memref<1x180x112xi32, #tpu.memory_space<hbm>> -> memref<180x112xi32, #tpu.memory_space<hbm>>
      %dma_wait3A_581 = arith.constant 90 : i32
      %dma_wait3A_582 = arith.constant 0 : i32
      %dma_wait3A_583 = tpu.memref_slice %dma_wait3A_580[%dma_wait3A_581, %dma_wait3A_582] : memref<180x112xi32, #tpu.memory_space<hbm>> -> memref<45x112xi32, #tpu.memory_space<hbm>>
      tpu.wait_dma2 semaphore(%run_scoped3A : memref<!tpu.dma_semaphore, #tpu.memory_space<semaphore_mem>>) src(%dma_wait3A_583 : memref<45x112xi32, #tpu.memory_space<hbm>>) dst(%arg8 : memref<45x112xi32, #tpu.memory_space<vmem>>)
      tpu.yield
    }) : () -> ()
    %dma_start3A_137 = arith.constant 0 : i32
    %dma_start3A_138 = arith.constant 0 : i32
    %dma_start3A_139 = arith.constant 0 : i32
    %dma_start3A_140 = arith.constant 0 : i32
    %dma_start3A_141 = tpu.memref_slice %arg9[%dma_start3A_138, %dma_start3A_139, %dma_start3A_140] : memref<5x112x64xf32, #tpu.memory_space<vmem>> -> memref<1x112x64xf32, #tpu.memory_space<vmem>>
    %dma_start3A_142 = tpu.memref_squeeze %dma_start3A_141 : memref<1x112x64xf32, #tpu.memory_space<vmem>> -> memref<112x64xf32, #tpu.memory_space<vmem>>
    %dma_start3A_143 = arith.constant 0 : i32
    %dma_start3A_144 = tpu.memref_slice %arg7[%dma_start3A_137, %dma_start3A_143] : memref<45x112xi32, #tpu.memory_space<vmem>> -> memref<1x112xi32, #tpu.memory_space<vmem>>
    %dma_start3A_145 = tpu.memref_squeeze %dma_start3A_144 : memref<1x112xi32, #tpu.memory_space<vmem>> -> memref<112xi32, #tpu.memory_space<vmem>>
    %dma_start3A_146 = arith.constant 0 : i32
    %dma_start3A_147 = arith.constant 0 : i32
    %dma_start3A_148 = tpu.memref_slice %arg10[%dma_start3A_146, %dma_start3A_147] : memref<10240x64xf32, #tpu.memory_space<vmem_shared>> -> memref<10240x64xf32, #tpu.memory_space<vmem_shared>>
    tpu.enqueue_indirect_dma source(%dma_start3A_148 : memref<10240x64xf32, #tpu.memory_space<vmem_shared>>) target(%dma_start3A_142 : memref<112x64xf32, #tpu.memory_space<vmem>>) offsets(%dma_start3A_145 : memref<112xi32, #tpu.memory_space<vmem>>) semaphore(%arg12 : memref<!tpu.dma_semaphore, #tpu.memory_space<semaphore_mem>>)
    %dma_start3A_149 = arith.constant 1 : i32
    %dma_start3A_150 = arith.constant 1 : i32
    %dma_start3A_151 = arith.constant 0 : i32
    %dma_start3A_152 = arith.constant 0 : i32
    %dma_start3A_153 = tpu.memref_slice %arg9[%dma_start3A_150, %dma_start3A_151, %dma_start3A_152] : memref<5x112x64xf32, #tpu.memory_space<vmem>> -> memref<1x112x64xf32, #tpu.memory_space<vmem>>
    %dma_start3A_154 = tpu.memref_squeeze %dma_start3A_153 : memref<1x112x64xf32, #tpu.memory_space<vmem>> -> memref<112x64xf32, #tpu.memory_space<vmem>>
    %dma_start3A_155 = arith.constant 0 : i32
    %dma_start3A_156 = tpu.memref_slice %arg7[%dma_start3A_149, %dma_start3A_155] : memref<45x112xi32, #tpu.memory_space<vmem>> -> memref<1x112xi32, #tpu.memory_space<vmem>>
    %dma_start3A_157 = tpu.memref_squeeze %dma_start3A_156 : memref<1x112xi32, #tpu.memory_space<vmem>> -> memref<112xi32, #tpu.memory_space<vmem>>
    %dma_start3A_158 = arith.constant 0 : i32
    %dma_start3A_159 = arith.constant 0 : i32
    %dma_start3A_160 = tpu.memref_slice %arg10[%dma_start3A_158, %dma_start3A_159] : memref<10240x64xf32, #tpu.memory_space<vmem_shared>> -> memref<10240x64xf32, #tpu.memory_space<vmem_shared>>
    tpu.enqueue_indirect_dma source(%dma_start3A_160 : memref<10240x64xf32, #tpu.memory_space<vmem_shared>>) target(%dma_start3A_154 : memref<112x64xf32, #tpu.memory_space<vmem>>) offsets(%dma_start3A_157 : memref<112xi32, #tpu.memory_space<vmem>>) semaphore(%arg13 : memref<!tpu.dma_semaphore, #tpu.memory_space<semaphore_mem>>)
    %dma_start3A_161 = arith.constant 2 : i32
    %dma_start3A_162 = arith.constant 2 : i32
    %dma_start3A_163 = arith.constant 0 : i32
    %dma_start3A_164 = arith.constant 0 : i32
    %dma_start3A_165 = tpu.memref_slice %arg9[%dma_start3A_162, %dma_start3A_163, %dma_start3A_164] : memref<5x112x64xf32, #tpu.memory_space<vmem>> -> memref<1x112x64xf32, #tpu.memory_space<vmem>>
    %dma_start3A_166 = tpu.memref_squeeze %dma_start3A_165 : memref<1x112x64xf32, #tpu.memory_space<vmem>> -> memref<112x64xf32, #tpu.memory_space<vmem>>
    %dma_start3A_167 = arith.constant 0 : i32
    %dma_start3A_168 = tpu.memref_slice %arg7[%dma_start3A_161, %dma_start3A_167] : memref<45x112xi32, #tpu.memory_space<vmem>> -> memref<1x112xi32, #tpu.memory_space<vmem>>
    %dma_start3A_169 = tpu.memref_squeeze %dma_start3A_168 : memref<1x112xi32, #tpu.memory_space<vmem>> -> memref<112xi32, #tpu.memory_space<vmem>>
    %dma_start3A_170 = arith.constant 0 : i32
    %dma_start3A_171 = arith.constant 0 : i32
    %dma_start3A_172 = tpu.memref_slice %arg10[%dma_start3A_170, %dma_start3A_171] : memref<10240x64xf32, #tpu.memory_space<vmem_shared>> -> memref<10240x64xf32, #tpu.memory_space<vmem_shared>>
    tpu.enqueue_indirect_dma source(%dma_start3A_172 : memref<10240x64xf32, #tpu.memory_space<vmem_shared>>) target(%dma_start3A_166 : memref<112x64xf32, #tpu.memory_space<vmem>>) offsets(%dma_start3A_169 : memref<112xi32, #tpu.memory_space<vmem>>) semaphore(%arg14 : memref<!tpu.dma_semaphore, #tpu.memory_space<semaphore_mem>>)
    %dma_start3A_173 = arith.constant 3 : i32
    %dma_start3A_174 = arith.constant 3 : i32
    %dma_start3A_175 = arith.constant 0 : i32
    %dma_start3A_176 = arith.constant 0 : i32
    %dma_start3A_177 = tpu.memref_slice %arg9[%dma_start3A_174, %dma_start3A_175, %dma_start3A_176] : memref<5x112x64xf32, #tpu.memory_space<vmem>> -> memref<1x112x64xf32, #tpu.memory_space<vmem>>
    %dma_start3A_178 = tpu.memref_squeeze %dma_start3A_177 : memref<1x112x64xf32, #tpu.memory_space<vmem>> -> memref<112x64xf32, #tpu.memory_space<vmem>>
    %dma_start3A_179 = arith.constant 0 : i32
    %dma_start3A_180 = tpu.memref_slice %arg7[%dma_start3A_173, %dma_start3A_179] : memref<45x112xi32, #tpu.memory_space<vmem>> -> memref<1x112xi32, #tpu.memory_space<vmem>>
    %dma_start3A_181 = tpu.memref_squeeze %dma_start3A_180 : memref<1x112xi32, #tpu.memory_space<vmem>> -> memref<112xi32, #tpu.memory_space<vmem>>
    %dma_start3A_182 = arith.constant 0 : i32
    %dma_start3A_183 = arith.constant 0 : i32
    %dma_start3A_184 = tpu.memref_slice %arg10[%dma_start3A_182, %dma_start3A_183] : memref<10240x64xf32, #tpu.memory_space<vmem_shared>> -> memref<10240x64xf32, #tpu.memory_space<vmem_shared>>
    tpu.enqueue_indirect_dma source(%dma_start3A_184 : memref<10240x64xf32, #tpu.memory_space<vmem_shared>>) target(%dma_start3A_178 : memref<112x64xf32, #tpu.memory_space<vmem>>) offsets(%dma_start3A_181 : memref<112xi32, #tpu.memory_space<vmem>>) semaphore(%arg15 : memref<!tpu.dma_semaphore, #tpu.memory_space<semaphore_mem>>)
    %scan3A_185 = arith.constant 0 : i32
    %scan3A_186 = arith.constant 0 : i32
    %scan3A_187 = arith.constant 9 : i32
    %scan3A_188 = arith.addi %scan3A_186, %scan3A_187 : i32
    %scan3A_189 = arith.constant 1 : i32
    scf.for %scan3A_556 = %scan3A_186 to %scan3A_188 step %scan3A_189  : i32 {
      %mul3A_557 = arith.constant 5 : i32
      %mul3A_558 = arith.muli %mul3A_557, %scan3A_556 : i32
      %add3A_559 = arith.constant 0 : i32
      %add3A_560 = arith.addi %mul3A_558, %add3A_559 : i32
      %dma_wait3A_561 = arith.constant 0 : i32
      %dma_wait3A_562 = arith.constant 0 : i32
      %dma_wait3A_563 = arith.constant 0 : i32
      %dma_wait3A_564 = tpu.memref_slice %arg9[%dma_wait3A_561, %dma_wait3A_562, %dma_wait3A_563] : memref<5x112x64xf32, #tpu.memory_space<vmem>> -> memref<1x112x64xf32, #tpu.memory_space<vmem>>
      %dma_wait3A_565 = tpu.memref_squeeze %dma_wait3A_564 : memref<1x112x64xf32, #tpu.memory_space<vmem>> -> memref<112x64xf32, #tpu.memory_space<vmem>>
      %dma_wait3A_566 = arith.constant 0 : i32
      %dma_wait3A_567 = tpu.memref_slice %arg7[%add3A_560, %dma_wait3A_566] : memref<45x112xi32, #tpu.memory_space<vmem>> -> memref<1x112xi32, #tpu.memory_space<vmem>>
      %dma_wait3A_568 = tpu.memref_squeeze %dma_wait3A_567 : memref<1x112xi32, #tpu.memory_space<vmem>> -> memref<112xi32, #tpu.memory_space<vmem>>
      %dma_wait3A_569 = arith.constant 0 : i32
      %dma_wait3A_570 = arith.constant 0 : i32
      %dma_wait3A_571 = tpu.memref_slice %arg10[%dma_wait3A_569, %dma_wait3A_570] : memref<10240x64xf32, #tpu.memory_space<vmem_shared>> -> memref<10240x64xf32, #tpu.memory_space<vmem_shared>>
      tpu.wait_indirect_dma semaphore(%arg12 : memref<!tpu.dma_semaphore, #tpu.memory_space<semaphore_mem>>) src(%dma_wait3A_571 : memref<10240x64xf32, #tpu.memory_space<vmem_shared>>) dst(%dma_wait3A_565 : memref<112x64xf32, #tpu.memory_space<vmem>>)
      %dma_start3A_572 = arith.constant 0 : i32
      %dma_start3A_573 = arith.constant 0 : i32
      %dma_start3A_574 = arith.constant 0 : i32
      %dma_start3A_575 = tpu.memref_slice %arg9[%dma_start3A_572, %dma_start3A_573, %dma_start3A_574] : memref<5x112x64xf32, #tpu.memory_space<vmem>> -> memref<1x112x64xf32, #tpu.memory_space<vmem>>
      %dma_start3A_576 = tpu.memref_squeeze %dma_start3A_575 : memref<1x112x64xf32, #tpu.memory_space<vmem>> -> memref<112x64xf32, #tpu.memory_space<vmem>>
      %dma_start3A_577 = arith.constant 0 : i32
      %dma_start3A_578 = tpu.memref_slice %arg8[%add3A_560, %dma_start3A_577] : memref<45x112xi32, #tpu.memory_space<vmem>> -> memref<1x112xi32, #tpu.memory_space<vmem>>
      %dma_start3A_579 = tpu.memref_squeeze %dma_start3A_578 : memref<1x112xi32, #tpu.memory_space<vmem>> -> memref<112xi32, #tpu.memory_space<vmem>>
      %dma_start3A_580 = arith.constant 0 : i32
      %dma_start3A_581 = arith.constant 0 : i32
      %dma_start3A_582 = tpu.memref_slice %arg11[%dma_start3A_580, %dma_start3A_581] : memref<10240x64xf32, #tpu.memory_space<vmem_shared>> -> memref<10240x64xf32, #tpu.memory_space<vmem_shared>>
      tpu.enqueue_indirect_dma source(%dma_start3A_576 : memref<112x64xf32, #tpu.memory_space<vmem>>) target(%dma_start3A_582 : memref<10240x64xf32, #tpu.memory_space<vmem_shared>>) offsets(%dma_start3A_579 : memref<112xi32, #tpu.memory_space<vmem>>) semaphore(%arg17 : memref<!tpu.dma_semaphore, #tpu.memory_space<semaphore_mem>>) {add = true}
      %ge3A = arith.constant 1 : i32
      %ge3A_583 = arith.cmpi sge, %add3A_560, %ge3A : i32
      %convert_element_type3A = arith.extui %ge3A_583 : i1 to i32
      %cond3A = arith.constant 0 : i32
      %cond3A_584 = arith.cmpi ne, %convert_element_type3A, %cond3A : i32
      scf.if %cond3A_584 {
        %sub3A_752 = arith.constant 1 : i32
        %sub3A_753 = arith.subi %add3A_560, %sub3A_752 : i32
        %dma_wait3A_754 = arith.constant 4 : i32
        %dma_wait3A_755 = arith.constant 0 : i32
        %dma_wait3A_756 = arith.constant 0 : i32
        %dma_wait3A_757 = tpu.memref_slice %arg9[%dma_wait3A_754, %dma_wait3A_755, %dma_wait3A_756] : memref<5x112x64xf32, #tpu.memory_space<vmem>> -> memref<1x112x64xf32, #tpu.memory_space<vmem>>
        %dma_wait3A_758 = tpu.memref_squeeze %dma_wait3A_757 : memref<1x112x64xf32, #tpu.memory_space<vmem>> -> memref<112x64xf32, #tpu.memory_space<vmem>>
        %dma_wait3A_759 = arith.constant 0 : i32
        %dma_wait3A_760 = tpu.memref_slice %arg8[%sub3A_753, %dma_wait3A_759] : memref<45x112xi32, #tpu.memory_space<vmem>> -> memref<1x112xi32, #tpu.memory_space<vmem>>
        %dma_wait3A_761 = tpu.memref_squeeze %dma_wait3A_760 : memref<1x112xi32, #tpu.memory_space<vmem>> -> memref<112xi32, #tpu.memory_space<vmem>>
        %dma_wait3A_762 = arith.constant 0 : i32
        %dma_wait3A_763 = arith.constant 0 : i32
        %dma_wait3A_764 = tpu.memref_slice %arg11[%dma_wait3A_762, %dma_wait3A_763] : memref<10240x64xf32, #tpu.memory_space<vmem_shared>> -> memref<10240x64xf32, #tpu.memory_space<vmem_shared>>
        tpu.wait_indirect_dma semaphore(%arg21 : memref<!tpu.dma_semaphore, #tpu.memory_space<semaphore_mem>>) src(%dma_wait3A_758 : memref<112x64xf32, #tpu.memory_space<vmem>>) dst(%dma_wait3A_764 : memref<10240x64xf32, #tpu.memory_space<vmem_shared>>)
      } else {
      }
      %add3A_585 = arith.constant 5 : i32
      %add3A_586 = arith.addi %add3A_560, %add3A_585 : i32
      %sub3A = arith.constant 1 : i32
      %sub3A_587 = arith.subi %add3A_586, %sub3A : i32
      %le3A = arith.constant 44 : i32
      %le3A_588 = arith.cmpi sle, %sub3A_587, %le3A : i32
      %convert_element_type3A_589 = arith.extui %le3A_588 : i1 to i32
      %cond3A_590 = arith.constant 0 : i32
      %cond3A_591 = arith.cmpi ne, %convert_element_type3A_589, %cond3A_590 : i32
      scf.if %cond3A_591 {
        %add3A_752 = arith.constant 5 : i32
        %add3A_753 = arith.addi %add3A_560, %add3A_752 : i32
        %sub3A_754 = arith.constant 1 : i32
        %sub3A_755 = arith.subi %add3A_753, %sub3A_754 : i32
        %dma_start3A_756 = arith.constant 4 : i32
        %dma_start3A_757 = arith.constant 0 : i32
        %dma_start3A_758 = arith.constant 0 : i32
        %dma_start3A_759 = tpu.memref_slice %arg9[%dma_start3A_756, %dma_start3A_757, %dma_start3A_758] : memref<5x112x64xf32, #tpu.memory_space<vmem>> -> memref<1x112x64xf32, #tpu.memory_space<vmem>>
        %dma_start3A_760 = tpu.memref_squeeze %dma_start3A_759 : memref<1x112x64xf32, #tpu.memory_space<vmem>> -> memref<112x64xf32, #tpu.memory_space<vmem>>
        %dma_start3A_761 = arith.constant 0 : i32
        %dma_start3A_762 = tpu.memref_slice %arg7[%sub3A_755, %dma_start3A_761] : memref<45x112xi32, #tpu.memory_space<vmem>> -> memref<1x112xi32, #tpu.memory_space<vmem>>
        %dma_start3A_763 = tpu.memref_squeeze %dma_start3A_762 : memref<1x112xi32, #tpu.memory_space<vmem>> -> memref<112xi32, #tpu.memory_space<vmem>>
        %dma_start3A_764 = arith.constant 0 : i32
        %dma_start3A_765 = arith.constant 0 : i32
        %dma_start3A_766 = tpu.memref_slice %arg10[%dma_start3A_764, %dma_start3A_765] : memref<10240x64xf32, #tpu.memory_space<vmem_shared>> -> memref<10240x64xf32, #tpu.memory_space<vmem_shared>>
        tpu.enqueue_indirect_dma source(%dma_start3A_766 : memref<10240x64xf32, #tpu.memory_space<vmem_shared>>) target(%dma_start3A_760 : memref<112x64xf32, #tpu.memory_space<vmem>>) offsets(%dma_start3A_763 : memref<112xi32, #tpu.memory_space<vmem>>) semaphore(%arg16 : memref<!tpu.dma_semaphore, #tpu.memory_space<semaphore_mem>>)
      } else {
      }
      %mul3A_592 = arith.constant 5 : i32
      %mul3A_593 = arith.muli %mul3A_592, %scan3A_556 : i32
      %add3A_594 = arith.constant 1 : i32
      %add3A_595 = arith.addi %mul3A_593, %add3A_594 : i32
      %dma_wait3A_596 = arith.constant 1 : i32
      %dma_wait3A_597 = arith.constant 0 : i32
      %dma_wait3A_598 = arith.constant 0 : i32
      %dma_wait3A_599 = tpu.memref_slice %arg9[%dma_wait3A_596, %dma_wait3A_597, %dma_wait3A_598] : memref<5x112x64xf32, #tpu.memory_space<vmem>> -> memref<1x112x64xf32, #tpu.memory_space<vmem>>
      %dma_wait3A_600 = tpu.memref_squeeze %dma_wait3A_599 : memref<1x112x64xf32, #tpu.memory_space<vmem>> -> memref<112x64xf32, #tpu.memory_space<vmem>>
      %dma_wait3A_601 = arith.constant 0 : i32
      %dma_wait3A_602 = tpu.memref_slice %arg7[%add3A_595, %dma_wait3A_601] : memref<45x112xi32, #tpu.memory_space<vmem>> -> memref<1x112xi32, #tpu.memory_space<vmem>>
      %dma_wait3A_603 = tpu.memref_squeeze %dma_wait3A_602 : memref<1x112xi32, #tpu.memory_space<vmem>> -> memref<112xi32, #tpu.memory_space<vmem>>
      %dma_wait3A_604 = arith.constant 0 : i32
      %dma_wait3A_605 = arith.constant 0 : i32
      %dma_wait3A_606 = tpu.memref_slice %arg10[%dma_wait3A_604, %dma_wait3A_605] : memref<10240x64xf32, #tpu.memory_space<vmem_shared>> -> memref<10240x64xf32, #tpu.memory_space<vmem_shared>>
      tpu.wait_indirect_dma semaphore(%arg13 : memref<!tpu.dma_semaphore, #tpu.memory_space<semaphore_mem>>) src(%dma_wait3A_606 : memref<10240x64xf32, #tpu.memory_space<vmem_shared>>) dst(%dma_wait3A_600 : memref<112x64xf32, #tpu.memory_space<vmem>>)
      %dma_start3A_607 = arith.constant 1 : i32
      %dma_start3A_608 = arith.constant 0 : i32
      %dma_start3A_609 = arith.constant 0 : i32
      %dma_start3A_610 = tpu.memref_slice %arg9[%dma_start3A_607, %dma_start3A_608, %dma_start3A_609] : memref<5x112x64xf32, #tpu.memory_space<vmem>> -> memref<1x112x64xf32, #tpu.memory_space<vmem>>
      %dma_start3A_611 = tpu.memref_squeeze %dma_start3A_610 : memref<1x112x64xf32, #tpu.memory_space<vmem>> -> memref<112x64xf32, #tpu.memory_space<vmem>>
      %dma_start3A_612 = arith.constant 0 : i32
      %dma_start3A_613 = tpu.memref_slice %arg8[%add3A_595, %dma_start3A_612] : memref<45x112xi32, #tpu.memory_space<vmem>> -> memref<1x112xi32, #tpu.memory_space<vmem>>
      %dma_start3A_614 = tpu.memref_squeeze %dma_start3A_613 : memref<1x112xi32, #tpu.memory_space<vmem>> -> memref<112xi32, #tpu.memory_space<vmem>>
      %dma_start3A_615 = arith.constant 0 : i32
      %dma_start3A_616 = arith.constant 0 : i32
      %dma_start3A_617 = tpu.memref_slice %arg11[%dma_start3A_615, %dma_start3A_616] : memref<10240x64xf32, #tpu.memory_space<vmem_shared>> -> memref<10240x64xf32, #tpu.memory_space<vmem_shared>>
      tpu.enqueue_indirect_dma source(%dma_start3A_611 : memref<112x64xf32, #tpu.memory_space<vmem>>) target(%dma_start3A_617 : memref<10240x64xf32, #tpu.memory_space<vmem_shared>>) offsets(%dma_start3A_614 : memref<112xi32, #tpu.memory_space<vmem>>) semaphore(%arg18 : memref<!tpu.dma_semaphore, #tpu.memory_space<semaphore_mem>>) {add = true}
      %ge3A_618 = arith.constant 1 : i32
      %ge3A_619 = arith.cmpi sge, %add3A_595, %ge3A_618 : i32
      %convert_element_type3A_620 = arith.extui %ge3A_619 : i1 to i32
      %cond3A_621 = arith.constant 0 : i32
      %cond3A_622 = arith.cmpi ne, %convert_element_type3A_620, %cond3A_621 : i32
      scf.if %cond3A_622 {
        %sub3A_752 = arith.constant 1 : i32
        %sub3A_753 = arith.subi %add3A_595, %sub3A_752 : i32
        %dma_wait3A_754 = arith.constant 0 : i32
        %dma_wait3A_755 = arith.constant 0 : i32
        %dma_wait3A_756 = arith.constant 0 : i32
        %dma_wait3A_757 = tpu.memref_slice %arg9[%dma_wait3A_754, %dma_wait3A_755, %dma_wait3A_756] : memref<5x112x64xf32, #tpu.memory_space<vmem>> -> memref<1x112x64xf32, #tpu.memory_space<vmem>>
        %dma_wait3A_758 = tpu.memref_squeeze %dma_wait3A_757 : memref<1x112x64xf32, #tpu.memory_space<vmem>> -> memref<112x64xf32, #tpu.memory_space<vmem>>
        %dma_wait3A_759 = arith.constant 0 : i32
        %dma_wait3A_760 = tpu.memref_slice %arg8[%sub3A_753, %dma_wait3A_759] : memref<45x112xi32, #tpu.memory_space<vmem>> -> memref<1x112xi32, #tpu.memory_space<vmem>>
        %dma_wait3A_761 = tpu.memref_squeeze %dma_wait3A_760 : memref<1x112xi32, #tpu.memory_space<vmem>> -> memref<112xi32, #tpu.memory_space<vmem>>
        %dma_wait3A_762 = arith.constant 0 : i32
        %dma_wait3A_763 = arith.constant 0 : i32
        %dma_wait3A_764 = tpu.memref_slice %arg11[%dma_wait3A_762, %dma_wait3A_763] : memref<10240x64xf32, #tpu.memory_space<vmem_shared>> -> memref<10240x64xf32, #tpu.memory_space<vmem_shared>>
        tpu.wait_indirect_dma semaphore(%arg17 : memref<!tpu.dma_semaphore, #tpu.memory_space<semaphore_mem>>) src(%dma_wait3A_758 : memref<112x64xf32, #tpu.memory_space<vmem>>) dst(%dma_wait3A_764 : memref<10240x64xf32, #tpu.memory_space<vmem_shared>>)
      } else {
      }
      %add3A_623 = arith.constant 5 : i32
      %add3A_624 = arith.addi %add3A_595, %add3A_623 : i32
      %sub3A_625 = arith.constant 1 : i32
      %sub3A_626 = arith.subi %add3A_624, %sub3A_625 : i32
      %le3A_627 = arith.constant 44 : i32
      %le3A_628 = arith.cmpi sle, %sub3A_626, %le3A_627 : i32
      %convert_element_type3A_629 = arith.extui %le3A_628 : i1 to i32
      %cond3A_630 = arith.constant 0 : i32
      %cond3A_631 = arith.cmpi ne, %convert_element_type3A_629, %cond3A_630 : i32
      scf.if %cond3A_631 {
        %add3A_752 = arith.constant 5 : i32
        %add3A_753 = arith.addi %add3A_595, %add3A_752 : i32
        %sub3A_754 = arith.constant 1 : i32
        %sub3A_755 = arith.subi %add3A_753, %sub3A_754 : i32
        %dma_start3A_756 = arith.constant 0 : i32
        %dma_start3A_757 = arith.constant 0 : i32
        %dma_start3A_758 = arith.constant 0 : i32
        %dma_start3A_759 = tpu.memref_slice %arg9[%dma_start3A_756, %dma_start3A_757, %dma_start3A_758] : memref<5x112x64xf32, #tpu.memory_space<vmem>> -> memref<1x112x64xf32, #tpu.memory_space<vmem>>
        %dma_start3A_760 = tpu.memref_squeeze %dma_start3A_759 : memref<1x112x64xf32, #tpu.memory_space<vmem>> -> memref<112x64xf32, #tpu.memory_space<vmem>>
        %dma_start3A_761 = arith.constant 0 : i32
        %dma_start3A_762 = tpu.memref_slice %arg7[%sub3A_755, %dma_start3A_761] : memref<45x112xi32, #tpu.memory_space<vmem>> -> memref<1x112xi32, #tpu.memory_space<vmem>>
        %dma_start3A_763 = tpu.memref_squeeze %dma_start3A_762 : memref<1x112xi32, #tpu.memory_space<vmem>> -> memref<112xi32, #tpu.memory_space<vmem>>
        %dma_start3A_764 = arith.constant 0 : i32
        %dma_start3A_765 = arith.constant 0 : i32
        %dma_start3A_766 = tpu.memref_slice %arg10[%dma_start3A_764, %dma_start3A_765] : memref<10240x64xf32, #tpu.memory_space<vmem_shared>> -> memref<10240x64xf32, #tpu.memory_space<vmem_shared>>
        tpu.enqueue_indirect_dma source(%dma_start3A_766 : memref<10240x64xf32, #tpu.memory_space<vmem_shared>>) target(%dma_start3A_760 : memref<112x64xf32, #tpu.memory_space<vmem>>) offsets(%dma_start3A_763 : memref<112xi32, #tpu.memory_space<vmem>>) semaphore(%arg12 : memref<!tpu.dma_semaphore, #tpu.memory_space<semaphore_mem>>)
      } else {
      }
      %mul3A_632 = arith.constant 5 : i32
      %mul3A_633 = arith.muli %mul3A_632, %scan3A_556 : i32
      %add3A_634 = arith.constant 2 : i32
      %add3A_635 = arith.addi %mul3A_633, %add3A_634 : i32
      %dma_wait3A_636 = arith.constant 2 : i32
      %dma_wait3A_637 = arith.constant 0 : i32
      %dma_wait3A_638 = arith.constant 0 : i32
      %dma_wait3A_639 = tpu.memref_slice %arg9[%dma_wait3A_636, %dma_wait3A_637, %dma_wait3A_638] : memref<5x112x64xf32, #tpu.memory_space<vmem>> -> memref<1x112x64xf32, #tpu.memory_space<vmem>>
      %dma_wait3A_640 = tpu.memref_squeeze %dma_wait3A_639 : memref<1x112x64xf32, #tpu.memory_space<vmem>> -> memref<112x64xf32, #tpu.memory_space<vmem>>
      %dma_wait3A_641 = arith.constant 0 : i32
      %dma_wait3A_642 = tpu.memref_slice %arg7[%add3A_635, %dma_wait3A_641] : memref<45x112xi32, #tpu.memory_space<vmem>> -> memref<1x112xi32, #tpu.memory_space<vmem>>
      %dma_wait3A_643 = tpu.memref_squeeze %dma_wait3A_642 : memref<1x112xi32, #tpu.memory_space<vmem>> -> memref<112xi32, #tpu.memory_space<vmem>>
      %dma_wait3A_644 = arith.constant 0 : i32
      %dma_wait3A_645 = arith.constant 0 : i32
      %dma_wait3A_646 = tpu.memref_slice %arg10[%dma_wait3A_644, %dma_wait3A_645] : memref<10240x64xf32, #tpu.memory_space<vmem_shared>> -> memref<10240x64xf32, #tpu.memory_space<vmem_shared>>
      tpu.wait_indirect_dma semaphore(%arg14 : memref<!tpu.dma_semaphore, #tpu.memory_space<semaphore_mem>>) src(%dma_wait3A_646 : memref<10240x64xf32, #tpu.memory_space<vmem_shared>>) dst(%dma_wait3A_640 : memref<112x64xf32, #tpu.memory_space<vmem>>)
      %dma_start3A_647 = arith.constant 2 : i32
      %dma_start3A_648 = arith.constant 0 : i32
      %dma_start3A_649 = arith.constant 0 : i32
      %dma_start3A_650 = tpu.memref_slice %arg9[%dma_start3A_647, %dma_start3A_648, %dma_start3A_649] : memref<5x112x64xf32, #tpu.memory_space<vmem>> -> memref<1x112x64xf32, #tpu.memory_space<vmem>>
      %dma_start3A_651 = tpu.memref_squeeze %dma_start3A_650 : memref<1x112x64xf32, #tpu.memory_space<vmem>> -> memref<112x64xf32, #tpu.memory_space<vmem>>
      %dma_start3A_652 = arith.constant 0 : i32
      %dma_start3A_653 = tpu.memref_slice %arg8[%add3A_635, %dma_start3A_652] : memref<45x112xi32, #tpu.memory_space<vmem>> -> memref<1x112xi32, #tpu.memory_space<vmem>>
      %dma_start3A_654 = tpu.memref_squeeze %dma_start3A_653 : memref<1x112xi32, #tpu.memory_space<vmem>> -> memref<112xi32, #tpu.memory_space<vmem>>
      %dma_start3A_655 = arith.constant 0 : i32
      %dma_start3A_656 = arith.constant 0 : i32
      %dma_start3A_657 = tpu.memref_slice %arg11[%dma_start3A_655, %dma_start3A_656] : memref<10240x64xf32, #tpu.memory_space<vmem_shared>> -> memref<10240x64xf32, #tpu.memory_space<vmem_shared>>
      tpu.enqueue_indirect_dma source(%dma_start3A_651 : memref<112x64xf32, #tpu.memory_space<vmem>>) target(%dma_start3A_657 : memref<10240x64xf32, #tpu.memory_space<vmem_shared>>) offsets(%dma_start3A_654 : memref<112xi32, #tpu.memory_space<vmem>>) semaphore(%arg19 : memref<!tpu.dma_semaphore, #tpu.memory_space<semaphore_mem>>) {add = true}
      %ge3A_658 = arith.constant 1 : i32
      %ge3A_659 = arith.cmpi sge, %add3A_635, %ge3A_658 : i32
      %convert_element_type3A_660 = arith.extui %ge3A_659 : i1 to i32
      %cond3A_661 = arith.constant 0 : i32
      %cond3A_662 = arith.cmpi ne, %convert_element_type3A_660, %cond3A_661 : i32
      scf.if %cond3A_662 {
        %sub3A_752 = arith.constant 1 : i32
        %sub3A_753 = arith.subi %add3A_635, %sub3A_752 : i32
        %dma_wait3A_754 = arith.constant 1 : i32
        %dma_wait3A_755 = arith.constant 0 : i32
        %dma_wait3A_756 = arith.constant 0 : i32
        %dma_wait3A_757 = tpu.memref_slice %arg9[%dma_wait3A_754, %dma_wait3A_755, %dma_wait3A_756] : memref<5x112x64xf32, #tpu.memory_space<vmem>> -> memref<1x112x64xf32, #tpu.memory_space<vmem>>
        %dma_wait3A_758 = tpu.memref_squeeze %dma_wait3A_757 : memref<1x112x64xf32, #tpu.memory_space<vmem>> -> memref<112x64xf32, #tpu.memory_space<vmem>>
        %dma_wait3A_759 = arith.constant 0 : i32
        %dma_wait3A_760 = tpu.memref_slice %arg8[%sub3A_753, %dma_wait3A_759] : memref<45x112xi32, #tpu.memory_space<vmem>> -> memref<1x112xi32, #tpu.memory_space<vmem>>
        %dma_wait3A_761 = tpu.memref_squeeze %dma_wait3A_760 : memref<1x112xi32, #tpu.memory_space<vmem>> -> memref<112xi32, #tpu.memory_space<vmem>>
        %dma_wait3A_762 = arith.constant 0 : i32
        %dma_wait3A_763 = arith.constant 0 : i32
        %dma_wait3A_764 = tpu.memref_slice %arg11[%dma_wait3A_762, %dma_wait3A_763] : memref<10240x64xf32, #tpu.memory_space<vmem_shared>> -> memref<10240x64xf32, #tpu.memory_space<vmem_shared>>
        tpu.wait_indirect_dma semaphore(%arg18 : memref<!tpu.dma_semaphore, #tpu.memory_space<semaphore_mem>>) src(%dma_wait3A_758 : memref<112x64xf32, #tpu.memory_space<vmem>>) dst(%dma_wait3A_764 : memref<10240x64xf32, #tpu.memory_space<vmem_shared>>)
      } else {
      }
      %add3A_663 = arith.constant 5 : i32
      %add3A_664 = arith.addi %add3A_635, %add3A_663 : i32
      %sub3A_665 = arith.constant 1 : i32
      %sub3A_666 = arith.subi %add3A_664, %sub3A_665 : i32
      %le3A_667 = arith.constant 44 : i32
      %le3A_668 = arith.cmpi sle, %sub3A_666, %le3A_667 : i32
      %convert_element_type3A_669 = arith.extui %le3A_668 : i1 to i32
      %cond3A_670 = arith.constant 0 : i32
      %cond3A_671 = arith.cmpi ne, %convert_element_type3A_669, %cond3A_670 : i32
      scf.if %cond3A_671 {
        %add3A_752 = arith.constant 5 : i32
        %add3A_753 = arith.addi %add3A_635, %add3A_752 : i32
        %sub3A_754 = arith.constant 1 : i32
        %sub3A_755 = arith.subi %add3A_753, %sub3A_754 : i32
        %dma_start3A_756 = arith.constant 1 : i32
        %dma_start3A_757 = arith.constant 0 : i32
        %dma_start3A_758 = arith.constant 0 : i32
        %dma_start3A_759 = tpu.memref_slice %arg9[%dma_start3A_756, %dma_start3A_757, %dma_start3A_758] : memref<5x112x64xf32, #tpu.memory_space<vmem>> -> memref<1x112x64xf32, #tpu.memory_space<vmem>>
        %dma_start3A_760 = tpu.memref_squeeze %dma_start3A_759 : memref<1x112x64xf32, #tpu.memory_space<vmem>> -> memref<112x64xf32, #tpu.memory_space<vmem>>
        %dma_start3A_761 = arith.constant 0 : i32
        %dma_start3A_762 = tpu.memref_slice %arg7[%sub3A_755, %dma_start3A_761] : memref<45x112xi32, #tpu.memory_space<vmem>> -> memref<1x112xi32, #tpu.memory_space<vmem>>
        %dma_start3A_763 = tpu.memref_squeeze %dma_start3A_762 : memref<1x112xi32, #tpu.memory_space<vmem>> -> memref<112xi32, #tpu.memory_space<vmem>>
        %dma_start3A_764 = arith.constant 0 : i32
        %dma_start3A_765 = arith.constant 0 : i32
        %dma_start3A_766 = tpu.memref_slice %arg10[%dma_start3A_764, %dma_start3A_765] : memref<10240x64xf32, #tpu.memory_space<vmem_shared>> -> memref<10240x64xf32, #tpu.memory_space<vmem_shared>>
        tpu.enqueue_indirect_dma source(%dma_start3A_766 : memref<10240x64xf32, #tpu.memory_space<vmem_shared>>) target(%dma_start3A_760 : memref<112x64xf32, #tpu.memory_space<vmem>>) offsets(%dma_start3A_763 : memref<112xi32, #tpu.memory_space<vmem>>) semaphore(%arg13 : memref<!tpu.dma_semaphore, #tpu.memory_space<semaphore_mem>>)
      } else {
      }
      %mul3A_672 = arith.constant 5 : i32
      %mul3A_673 = arith.muli %mul3A_672, %scan3A_556 : i32
      %add3A_674 = arith.constant 3 : i32
      %add3A_675 = arith.addi %mul3A_673, %add3A_674 : i32
      %dma_wait3A_676 = arith.constant 3 : i32
      %dma_wait3A_677 = arith.constant 0 : i32
      %dma_wait3A_678 = arith.constant 0 : i32
      %dma_wait3A_679 = tpu.memref_slice %arg9[%dma_wait3A_676, %dma_wait3A_677, %dma_wait3A_678] : memref<5x112x64xf32, #tpu.memory_space<vmem>> -> memref<1x112x64xf32, #tpu.memory_space<vmem>>
      %dma_wait3A_680 = tpu.memref_squeeze %dma_wait3A_679 : memref<1x112x64xf32, #tpu.memory_space<vmem>> -> memref<112x64xf32, #tpu.memory_space<vmem>>
      %dma_wait3A_681 = arith.constant 0 : i32
      %dma_wait3A_682 = tpu.memref_slice %arg7[%add3A_675, %dma_wait3A_681] : memref<45x112xi32, #tpu.memory_space<vmem>> -> memref<1x112xi32, #tpu.memory_space<vmem>>
      %dma_wait3A_683 = tpu.memref_squeeze %dma_wait3A_682 : memref<1x112xi32, #tpu.memory_space<vmem>> -> memref<112xi32, #tpu.memory_space<vmem>>
      %dma_wait3A_684 = arith.constant 0 : i32
      %dma_wait3A_685 = arith.constant 0 : i32
      %dma_wait3A_686 = tpu.memref_slice %arg10[%dma_wait3A_684, %dma_wait3A_685] : memref<10240x64xf32, #tpu.memory_space<vmem_shared>> -> memref<10240x64xf32, #tpu.memory_space<vmem_shared>>
      tpu.wait_indirect_dma semaphore(%arg15 : memref<!tpu.dma_semaphore, #tpu.memory_space<semaphore_mem>>) src(%dma_wait3A_686 : memref<10240x64xf32, #tpu.memory_space<vmem_shared>>) dst(%dma_wait3A_680 : memref<112x64xf32, #tpu.memory_space<vmem>>)
      %dma_start3A_687 = arith.constant 3 : i32
      %dma_start3A_688 = arith.constant 0 : i32
      %dma_start3A_689 = arith.constant 0 : i32
      %dma_start3A_690 = tpu.memref_slice %arg9[%dma_start3A_687, %dma_start3A_688, %dma_start3A_689] : memref<5x112x64xf32, #tpu.memory_space<vmem>> -> memref<1x112x64xf32, #tpu.memory_space<vmem>>
      %dma_start3A_691 = tpu.memref_squeeze %dma_start3A_690 : memref<1x112x64xf32, #tpu.memory_space<vmem>> -> memref<112x64xf32, #tpu.memory_space<vmem>>
      %dma_start3A_692 = arith.constant 0 : i32
      %dma_start3A_693 = tpu.memref_slice %arg8[%add3A_675, %dma_start3A_692] : memref<45x112xi32, #tpu.memory_space<vmem>> -> memref<1x112xi32, #tpu.memory_space<vmem>>
      %dma_start3A_694 = tpu.memref_squeeze %dma_start3A_693 : memref<1x112xi32, #tpu.memory_space<vmem>> -> memref<112xi32, #tpu.memory_space<vmem>>
      %dma_start3A_695 = arith.constant 0 : i32
      %dma_start3A_696 = arith.constant 0 : i32
      %dma_start3A_697 = tpu.memref_slice %arg11[%dma_start3A_695, %dma_start3A_696] : memref<10240x64xf32, #tpu.memory_space<vmem_shared>> -> memref<10240x64xf32, #tpu.memory_space<vmem_shared>>
      tpu.enqueue_indirect_dma source(%dma_start3A_691 : memref<112x64xf32, #tpu.memory_space<vmem>>) target(%dma_start3A_697 : memref<10240x64xf32, #tpu.memory_space<vmem_shared>>) offsets(%dma_start3A_694 : memref<112xi32, #tpu.memory_space<vmem>>) semaphore(%arg20 : memref<!tpu.dma_semaphore, #tpu.memory_space<semaphore_mem>>) {add = true}
      %ge3A_698 = arith.constant 1 : i32
      %ge3A_699 = arith.cmpi sge, %add3A_675, %ge3A_698 : i32
      %convert_element_type3A_700 = arith.extui %ge3A_699 : i1 to i32
      %cond3A_701 = arith.constant 0 : i32
      %cond3A_702 = arith.cmpi ne, %convert_element_type3A_700, %cond3A_701 : i32
      scf.if %cond3A_702 {
        %sub3A_752 = arith.constant 1 : i32
        %sub3A_753 = arith.subi %add3A_675, %sub3A_752 : i32
        %dma_wait3A_754 = arith.constant 2 : i32
        %dma_wait3A_755 = arith.constant 0 : i32
        %dma_wait3A_756 = arith.constant 0 : i32
        %dma_wait3A_757 = tpu.memref_slice %arg9[%dma_wait3A_754, %dma_wait3A_755, %dma_wait3A_756] : memref<5x112x64xf32, #tpu.memory_space<vmem>> -> memref<1x112x64xf32, #tpu.memory_space<vmem>>
        %dma_wait3A_758 = tpu.memref_squeeze %dma_wait3A_757 : memref<1x112x64xf32, #tpu.memory_space<vmem>> -> memref<112x64xf32, #tpu.memory_space<vmem>>
        %dma_wait3A_759 = arith.constant 0 : i32
        %dma_wait3A_760 = tpu.memref_slice %arg8[%sub3A_753, %dma_wait3A_759] : memref<45x112xi32, #tpu.memory_space<vmem>> -> memref<1x112xi32, #tpu.memory_space<vmem>>
        %dma_wait3A_761 = tpu.memref_squeeze %dma_wait3A_760 : memref<1x112xi32, #tpu.memory_space<vmem>> -> memref<112xi32, #tpu.memory_space<vmem>>
        %dma_wait3A_762 = arith.constant 0 : i32
        %dma_wait3A_763 = arith.constant 0 : i32
        %dma_wait3A_764 = tpu.memref_slice %arg11[%dma_wait3A_762, %dma_wait3A_763] : memref<10240x64xf32, #tpu.memory_space<vmem_shared>> -> memref<10240x64xf32, #tpu.memory_space<vmem_shared>>
        tpu.wait_indirect_dma semaphore(%arg19 : memref<!tpu.dma_semaphore, #tpu.memory_space<semaphore_mem>>) src(%dma_wait3A_758 : memref<112x64xf32, #tpu.memory_space<vmem>>) dst(%dma_wait3A_764 : memref<10240x64xf32, #tpu.memory_space<vmem_shared>>)
      } else {
      }
      %add3A_703 = arith.constant 5 : i32
      %add3A_704 = arith.addi %add3A_675, %add3A_703 : i32
      %sub3A_705 = arith.constant 1 : i32
      %sub3A_706 = arith.subi %add3A_704, %sub3A_705 : i32
      %le3A_707 = arith.constant 44 : i32
      %le3A_708 = arith.cmpi sle, %sub3A_706, %le3A_707 : i32
      %convert_element_type3A_709 = arith.extui %le3A_708 : i1 to i32
      %cond3A_710 = arith.constant 0 : i32
      %cond3A_711 = arith.cmpi ne, %convert_element_type3A_709, %cond3A_710 : i32
      scf.if %cond3A_711 {
        %add3A_752 = arith.constant 5 : i32
        %add3A_753 = arith.addi %add3A_675, %add3A_752 : i32
        %sub3A_754 = arith.constant 1 : i32
        %sub3A_755 = arith.subi %add3A_753, %sub3A_754 : i32
        %dma_start3A_756 = arith.constant 2 : i32
        %dma_start3A_757 = arith.constant 0 : i32
        %dma_start3A_758 = arith.constant 0 : i32
        %dma_start3A_759 = tpu.memref_slice %arg9[%dma_start3A_756, %dma_start3A_757, %dma_start3A_758] : memref<5x112x64xf32, #tpu.memory_space<vmem>> -> memref<1x112x64xf32, #tpu.memory_space<vmem>>
        %dma_start3A_760 = tpu.memref_squeeze %dma_start3A_759 : memref<1x112x64xf32, #tpu.memory_space<vmem>> -> memref<112x64xf32, #tpu.memory_space<vmem>>
        %dma_start3A_761 = arith.constant 0 : i32
        %dma_start3A_762 = tpu.memref_slice %arg7[%sub3A_755, %dma_start3A_761] : memref<45x112xi32, #tpu.memory_space<vmem>> -> memref<1x112xi32, #tpu.memory_space<vmem>>
        %dma_start3A_763 = tpu.memref_squeeze %dma_start3A_762 : memref<1x112xi32, #tpu.memory_space<vmem>> -> memref<112xi32, #tpu.memory_space<vmem>>
        %dma_start3A_764 = arith.constant 0 : i32
        %dma_start3A_765 = arith.constant 0 : i32
        %dma_start3A_766 = tpu.memref_slice %arg10[%dma_start3A_764, %dma_start3A_765] : memref<10240x64xf32, #tpu.memory_space<vmem_shared>> -> memref<10240x64xf32, #tpu.memory_space<vmem_shared>>
        tpu.enqueue_indirect_dma source(%dma_start3A_766 : memref<10240x64xf32, #tpu.memory_space<vmem_shared>>) target(%dma_start3A_760 : memref<112x64xf32, #tpu.memory_space<vmem>>) offsets(%dma_start3A_763 : memref<112xi32, #tpu.memory_space<vmem>>) semaphore(%arg14 : memref<!tpu.dma_semaphore, #tpu.memory_space<semaphore_mem>>)
      } else {
      }
      %mul3A_712 = arith.constant 5 : i32
      %mul3A_713 = arith.muli %mul3A_712, %scan3A_556 : i32
      %add3A_714 = arith.constant 4 : i32
      %add3A_715 = arith.addi %mul3A_713, %add3A_714 : i32
      %dma_wait3A_716 = arith.constant 4 : i32
      %dma_wait3A_717 = arith.constant 0 : i32
      %dma_wait3A_718 = arith.constant 0 : i32
      %dma_wait3A_719 = tpu.memref_slice %arg9[%dma_wait3A_716, %dma_wait3A_717, %dma_wait3A_718] : memref<5x112x64xf32, #tpu.memory_space<vmem>> -> memref<1x112x64xf32, #tpu.memory_space<vmem>>
      %dma_wait3A_720 = tpu.memref_squeeze %dma_wait3A_719 : memref<1x112x64xf32, #tpu.memory_space<vmem>> -> memref<112x64xf32, #tpu.memory_space<vmem>>
      %dma_wait3A_721 = arith.constant 0 : i32
      %dma_wait3A_722 = tpu.memref_slice %arg7[%add3A_715, %dma_wait3A_721] : memref<45x112xi32, #tpu.memory_space<vmem>> -> memref<1x112xi32, #tpu.memory_space<vmem>>
      %dma_wait3A_723 = tpu.memref_squeeze %dma_wait3A_722 : memref<1x112xi32, #tpu.memory_space<vmem>> -> memref<112xi32, #tpu.memory_space<vmem>>
      %dma_wait3A_724 = arith.constant 0 : i32
      %dma_wait3A_725 = arith.constant 0 : i32
      %dma_wait3A_726 = tpu.memref_slice %arg10[%dma_wait3A_724, %dma_wait3A_725] : memref<10240x64xf32, #tpu.memory_space<vmem_shared>> -> memref<10240x64xf32, #tpu.memory_space<vmem_shared>>
      tpu.wait_indirect_dma semaphore(%arg16 : memref<!tpu.dma_semaphore, #tpu.memory_space<semaphore_mem>>) src(%dma_wait3A_726 : memref<10240x64xf32, #tpu.memory_space<vmem_shared>>) dst(%dma_wait3A_720 : memref<112x64xf32, #tpu.memory_space<vmem>>)
      %dma_start3A_727 = arith.constant 4 : i32
      %dma_start3A_728 = arith.constant 0 : i32
      %dma_start3A_729 = arith.constant 0 : i32
      %dma_start3A_730 = tpu.memref_slice %arg9[%dma_start3A_727, %dma_start3A_728, %dma_start3A_729] : memref<5x112x64xf32, #tpu.memory_space<vmem>> -> memref<1x112x64xf32, #tpu.memory_space<vmem>>
      %dma_start3A_731 = tpu.memref_squeeze %dma_start3A_730 : memref<1x112x64xf32, #tpu.memory_space<vmem>> -> memref<112x64xf32, #tpu.memory_space<vmem>>
      %dma_start3A_732 = arith.constant 0 : i32
      %dma_start3A_733 = tpu.memref_slice %arg8[%add3A_715, %dma_start3A_732] : memref<45x112xi32, #tpu.memory_space<vmem>> -> memref<1x112xi32, #tpu.memory_space<vmem>>
      %dma_start3A_734 = tpu.memref_squeeze %dma_start3A_733 : memref<1x112xi32, #tpu.memory_space<vmem>> -> memref<112xi32, #tpu.memory_space<vmem>>
      %dma_start3A_735 = arith.constant 0 : i32
      %dma_start3A_736 = arith.constant 0 : i32
      %dma_start3A_737 = tpu.memref_slice %arg11[%dma_start3A_735, %dma_start3A_736] : memref<10240x64xf32, #tpu.memory_space<vmem_shared>> -> memref<10240x64xf32, #tpu.memory_space<vmem_shared>>
      tpu.enqueue_indirect_dma source(%dma_start3A_731 : memref<112x64xf32, #tpu.memory_space<vmem>>) target(%dma_start3A_737 : memref<10240x64xf32, #tpu.memory_space<vmem_shared>>) offsets(%dma_start3A_734 : memref<112xi32, #tpu.memory_space<vmem>>) semaphore(%arg21 : memref<!tpu.dma_semaphore, #tpu.memory_space<semaphore_mem>>) {add = true}
      %ge3A_738 = arith.constant 1 : i32
      %ge3A_739 = arith.cmpi sge, %add3A_715, %ge3A_738 : i32
      %convert_element_type3A_740 = arith.extui %ge3A_739 : i1 to i32
      %cond3A_741 = arith.constant 0 : i32
      %cond3A_742 = arith.cmpi ne, %convert_element_type3A_740, %cond3A_741 : i32
      scf.if %cond3A_742 {
        %sub3A_752 = arith.constant 1 : i32
        %sub3A_753 = arith.subi %add3A_715, %sub3A_752 : i32
        %dma_wait3A_754 = arith.constant 3 : i32
        %dma_wait3A_755 = arith.constant 0 : i32
        %dma_wait3A_756 = arith.constant 0 : i32
        %dma_wait3A_757 = tpu.memref_slice %arg9[%dma_wait3A_754, %dma_wait3A_755, %dma_wait3A_756] : memref<5x112x64xf32, #tpu.memory_space<vmem>> -> memref<1x112x64xf32, #tpu.memory_space<vmem>>
        %dma_wait3A_758 = tpu.memref_squeeze %dma_wait3A_757 : memref<1x112x64xf32, #tpu.memory_space<vmem>> -> memref<112x64xf32, #tpu.memory_space<vmem>>
        %dma_wait3A_759 = arith.constant 0 : i32
        %dma_wait3A_760 = tpu.memref_slice %arg8[%sub3A_753, %dma_wait3A_759] : memref<45x112xi32, #tpu.memory_space<vmem>> -> memref<1x112xi32, #tpu.memory_space<vmem>>
        %dma_wait3A_761 = tpu.memref_squeeze %dma_wait3A_760 : memref<1x112xi32, #tpu.memory_space<vmem>> -> memref<112xi32, #tpu.memory_space<vmem>>
        %dma_wait3A_762 = arith.constant 0 : i32
        %dma_wait3A_763 = arith.constant 0 : i32
        %dma_wait3A_764 = tpu.memref_slice %arg11[%dma_wait3A_762, %dma_wait3A_763] : memref<10240x64xf32, #tpu.memory_space<vmem_shared>> -> memref<10240x64xf32, #tpu.memory_space<vmem_shared>>
        tpu.wait_indirect_dma semaphore(%arg20 : memref<!tpu.dma_semaphore, #tpu.memory_space<semaphore_mem>>) src(%dma_wait3A_758 : memref<112x64xf32, #tpu.memory_space<vmem>>) dst(%dma_wait3A_764 : memref<10240x64xf32, #tpu.memory_space<vmem_shared>>)
      } else {
      }
      %add3A_743 = arith.constant 5 : i32
      %add3A_744 = arith.addi %add3A_715, %add3A_743 : i32
      %sub3A_745 = arith.constant 1 : i32
      %sub3A_746 = arith.subi %add3A_744, %sub3A_745 : i32
      %le3A_747 = arith.constant 44 : i32
      %le3A_748 = arith.cmpi sle, %sub3A_746, %le3A_747 : i32
      %convert_element_type3A_749 = arith.extui %le3A_748 : i1 to i32
      %cond3A_750 = arith.constant 0 : i32
      %cond3A_751 = arith.cmpi ne, %convert_element_type3A_749, %cond3A_750 : i32
      scf.if %cond3A_751 {
        %add3A_752 = arith.constant 5 : i32
        %add3A_753 = arith.addi %add3A_715, %add3A_752 : i32
        %sub3A_754 = arith.constant 1 : i32
        %sub3A_755 = arith.subi %add3A_753, %sub3A_754 : i32
        %dma_start3A_756 = arith.constant 3 : i32
        %dma_start3A_757 = arith.constant 0 : i32
        %dma_start3A_758 = arith.constant 0 : i32
        %dma_start3A_759 = tpu.memref_slice %arg9[%dma_start3A_756, %dma_start3A_757, %dma_start3A_758] : memref<5x112x64xf32, #tpu.memory_space<vmem>> -> memref<1x112x64xf32, #tpu.memory_space<vmem>>
        %dma_start3A_760 = tpu.memref_squeeze %dma_start3A_759 : memref<1x112x64xf32, #tpu.memory_space<vmem>> -> memref<112x64xf32, #tpu.memory_space<vmem>>
        %dma_start3A_761 = arith.constant 0 : i32
        %dma_start3A_762 = tpu.memref_slice %arg7[%sub3A_755, %dma_start3A_761] : memref<45x112xi32, #tpu.memory_space<vmem>> -> memref<1x112xi32, #tpu.memory_space<vmem>>
        %dma_start3A_763 = tpu.memref_squeeze %dma_start3A_762 : memref<1x112xi32, #tpu.memory_space<vmem>> -> memref<112xi32, #tpu.memory_space<vmem>>
        %dma_start3A_764 = arith.constant 0 : i32
        %dma_start3A_765 = arith.constant 0 : i32
        %dma_start3A_766 = tpu.memref_slice %arg10[%dma_start3A_764, %dma_start3A_765] : memref<10240x64xf32, #tpu.memory_space<vmem_shared>> -> memref<10240x64xf32, #tpu.memory_space<vmem_shared>>
        tpu.enqueue_indirect_dma source(%dma_start3A_766 : memref<10240x64xf32, #tpu.memory_space<vmem_shared>>) target(%dma_start3A_760 : memref<112x64xf32, #tpu.memory_space<vmem>>) offsets(%dma_start3A_763 : memref<112xi32, #tpu.memory_space<vmem>>) semaphore(%arg15 : memref<!tpu.dma_semaphore, #tpu.memory_space<semaphore_mem>>)
      } else {
      }
    }
    %scan3A_190 = arith.constant 9 : i32
    %dma_wait3A_191 = arith.constant 4 : i32
    %dma_wait3A_192 = arith.constant 44 : i32
    %dma_wait3A_193 = arith.constant 0 : i32
    %dma_wait3A_194 = arith.constant 0 : i32
    %dma_wait3A_195 = tpu.memref_slice %arg9[%dma_wait3A_191, %dma_wait3A_193, %dma_wait3A_194] : memref<5x112x64xf32, #tpu.memory_space<vmem>> -> memref<1x112x64xf32, #tpu.memory_space<vmem>>
    %dma_wait3A_196 = tpu.memref_squeeze %dma_wait3A_195 : memref<1x112x64xf32, #tpu.memory_space<vmem>> -> memref<112x64xf32, #tpu.memory_space<vmem>>
    %dma_wait3A_197 = arith.constant 0 : i32
    %dma_wait3A_198 = tpu.memref_slice %arg8[%dma_wait3A_192, %dma_wait3A_197] : memref<45x112xi32, #tpu.memory_space<vmem>> -> memref<1x112xi32, #tpu.memory_space<vmem>>
    %dma_wait3A_199 = tpu.memref_squeeze %dma_wait3A_198 : memref<1x112xi32, #tpu.memory_space<vmem>> -> memref<112xi32, #tpu.memory_space<vmem>>
    %dma_wait3A_200 = arith.constant 0 : i32
    %dma_wait3A_201 = arith.constant 0 : i32
    %dma_wait3A_202 = tpu.memref_slice %arg11[%dma_wait3A_200, %dma_wait3A_201] : memref<10240x64xf32, #tpu.memory_space<vmem_shared>> -> memref<10240x64xf32, #tpu.memory_space<vmem_shared>>
    tpu.wait_indirect_dma semaphore(%arg21 : memref<!tpu.dma_semaphore, #tpu.memory_space<semaphore_mem>>) src(%dma_wait3A_196 : memref<112x64xf32, #tpu.memory_space<vmem>>) dst(%dma_wait3A_202 : memref<10240x64xf32, #tpu.memory_space<vmem_shared>>)
    "tpu.region"() ({
      %run_scoped3A = tpu.sem_alloc : memref<!tpu.dma_semaphore, #tpu.memory_space<semaphore_mem>>
      %dma_start3A_556 = arith.constant 0 : i32
      %dma_start3A_557 = arith.constant 0 : i32
      %dma_start3A_558 = tpu.memref_slice %arg3[%arg1, %dma_start3A_556, %dma_start3A_557] : memref<16x180x112xi32, #tpu.memory_space<hbm>> -> memref<1x180x112xi32, #tpu.memory_space<hbm>>
      %dma_start3A_559 = tpu.memref_squeeze %dma_start3A_558 : memref<1x180x112xi32, #tpu.memory_space<hbm>> -> memref<180x112xi32, #tpu.memory_space<hbm>>
      %dma_start3A_560 = arith.constant 135 : i32
      %dma_start3A_561 = arith.constant 0 : i32
      %dma_start3A_562 = tpu.memref_slice %dma_start3A_559[%dma_start3A_560, %dma_start3A_561] : memref<180x112xi32, #tpu.memory_space<hbm>> -> memref<45x112xi32, #tpu.memory_space<hbm>>
      %dma_start3A_563 = arith.constant 0 : i32
      %dma_start3A_564 = arith.constant 0 : i32
      %dma_start3A_565 = tpu.memref_slice %arg3[%arg1, %dma_start3A_563, %dma_start3A_564] : memref<16x180x112xi32, #tpu.memory_space<hbm>> -> memref<1x180x112xi32, #tpu.memory_space<hbm>>
      %dma_start3A_566 = tpu.memref_squeeze %dma_start3A_565 : memref<1x180x112xi32, #tpu.memory_space<hbm>> -> memref<180x112xi32, #tpu.memory_space<hbm>>
      %dma_start3A_567 = arith.constant 135 : i32
      %dma_start3A_568 = arith.constant 0 : i32
      %dma_start3A_569 = tpu.memref_slice %dma_start3A_566[%dma_start3A_567, %dma_start3A_568] : memref<180x112xi32, #tpu.memory_space<hbm>> -> memref<45x112xi32, #tpu.memory_space<hbm>>
      tpu.enqueue_dma source(%dma_start3A_569 : memref<45x112xi32, #tpu.memory_space<hbm>>) target(%arg7 : memref<45x112xi32, #tpu.memory_space<vmem>>) target_semaphore(%run_scoped3A : memref<!tpu.dma_semaphore, #tpu.memory_space<semaphore_mem>>)
      %dma_wait3A_570 = arith.constant 0 : i32
      %dma_wait3A_571 = arith.constant 0 : i32
      %dma_wait3A_572 = tpu.memref_slice %arg3[%arg1, %dma_wait3A_570, %dma_wait3A_571] : memref<16x180x112xi32, #tpu.memory_space<hbm>> -> memref<1x180x112xi32, #tpu.memory_space<hbm>>
      %dma_wait3A_573 = tpu.memref_squeeze %dma_wait3A_572 : memref<1x180x112xi32, #tpu.memory_space<hbm>> -> memref<180x112xi32, #tpu.memory_space<hbm>>
      %dma_wait3A_574 = arith.constant 135 : i32
      %dma_wait3A_575 = arith.constant 0 : i32
      %dma_wait3A_576 = tpu.memref_slice %dma_wait3A_573[%dma_wait3A_574, %dma_wait3A_575] : memref<180x112xi32, #tpu.memory_space<hbm>> -> memref<45x112xi32, #tpu.memory_space<hbm>>
      %dma_wait3A_577 = arith.constant 0 : i32
      %dma_wait3A_578 = arith.constant 0 : i32
      %dma_wait3A_579 = tpu.memref_slice %arg3[%arg1, %dma_wait3A_577, %dma_wait3A_578] : memref<16x180x112xi32, #tpu.memory_space<hbm>> -> memref<1x180x112xi32, #tpu.memory_space<hbm>>
      %dma_wait3A_580 = tpu.memref_squeeze %dma_wait3A_579 : memref<1x180x112xi32, #tpu.memory_space<hbm>> -> memref<180x112xi32, #tpu.memory_space<hbm>>
      %dma_wait3A_581 = arith.constant 135 : i32
      %dma_wait3A_582 = arith.constant 0 : i32
      %dma_wait3A_583 = tpu.memref_slice %dma_wait3A_580[%dma_wait3A_581, %dma_wait3A_582] : memref<180x112xi32, #tpu.memory_space<hbm>> -> memref<45x112xi32, #tpu.memory_space<hbm>>
      tpu.wait_dma2 semaphore(%run_scoped3A : memref<!tpu.dma_semaphore, #tpu.memory_space<semaphore_mem>>) src(%dma_wait3A_583 : memref<45x112xi32, #tpu.memory_space<hbm>>) dst(%arg7 : memref<45x112xi32, #tpu.memory_space<vmem>>)
      tpu.yield
    }) : () -> ()
    "tpu.region"() ({
      %run_scoped3A = tpu.sem_alloc : memref<!tpu.dma_semaphore, #tpu.memory_space<semaphore_mem>>
      %dma_start3A_556 = arith.constant 0 : i32
      %dma_start3A_557 = arith.constant 0 : i32
      %dma_start3A_558 = tpu.memref_slice %arg4[%arg1, %dma_start3A_556, %dma_start3A_557] : memref<16x180x112xi32, #tpu.memory_space<hbm>> -> memref<1x180x112xi32, #tpu.memory_space<hbm>>
      %dma_start3A_559 = tpu.memref_squeeze %dma_start3A_558 : memref<1x180x112xi32, #tpu.memory_space<hbm>> -> memref<180x112xi32, #tpu.memory_space<hbm>>
      %dma_start3A_560 = arith.constant 135 : i32
      %dma_start3A_561 = arith.constant 0 : i32
      %dma_start3A_562 = tpu.memref_slice %dma_start3A_559[%dma_start3A_560, %dma_start3A_561] : memref<180x112xi32, #tpu.memory_space<hbm>> -> memref<45x112xi32, #tpu.memory_space<hbm>>
      %dma_start3A_563 = arith.constant 0 : i32
      %dma_start3A_564 = arith.constant 0 : i32
      %dma_start3A_565 = tpu.memref_slice %arg4[%arg1, %dma_start3A_563, %dma_start3A_564] : memref<16x180x112xi32, #tpu.memory_space<hbm>> -> memref<1x180x112xi32, #tpu.memory_space<hbm>>
      %dma_start3A_566 = tpu.memref_squeeze %dma_start3A_565 : memref<1x180x112xi32, #tpu.memory_space<hbm>> -> memref<180x112xi32, #tpu.memory_space<hbm>>
      %dma_start3A_567 = arith.constant 135 : i32
      %dma_start3A_568 = arith.constant 0 : i32
      %dma_start3A_569 = tpu.memref_slice %dma_start3A_566[%dma_start3A_567, %dma_start3A_568] : memref<180x112xi32, #tpu.memory_space<hbm>> -> memref<45x112xi32, #tpu.memory_space<hbm>>
      tpu.enqueue_dma source(%dma_start3A_569 : memref<45x112xi32, #tpu.memory_space<hbm>>) target(%arg8 : memref<45x112xi32, #tpu.memory_space<vmem>>) target_semaphore(%run_scoped3A : memref<!tpu.dma_semaphore, #tpu.memory_space<semaphore_mem>>)
      %dma_wait3A_570 = arith.constant 0 : i32
      %dma_wait3A_571 = arith.constant 0 : i32
      %dma_wait3A_572 = tpu.memref_slice %arg4[%arg1, %dma_wait3A_570, %dma_wait3A_571] : memref<16x180x112xi32, #tpu.memory_space<hbm>> -> memref<1x180x112xi32, #tpu.memory_space<hbm>>
      %dma_wait3A_573 = tpu.memref_squeeze %dma_wait3A_572 : memref<1x180x112xi32, #tpu.memory_space<hbm>> -> memref<180x112xi32, #tpu.memory_space<hbm>>
      %dma_wait3A_574 = arith.constant 135 : i32
      %dma_wait3A_575 = arith.constant 0 : i32
      %dma_wait3A_576 = tpu.memref_slice %dma_wait3A_573[%dma_wait3A_574, %dma_wait3A_575] : memref<180x112xi32, #tpu.memory_space<hbm>> -> memref<45x112xi32, #tpu.memory_space<hbm>>
      %dma_wait3A_577 = arith.constant 0 : i32
      %dma_wait3A_578 = arith.constant 0 : i32
      %dma_wait3A_579 = tpu.memref_slice %arg4[%arg1, %dma_wait3A_577, %dma_wait3A_578] : memref<16x180x112xi32, #tpu.memory_space<hbm>> -> memref<1x180x112xi32, #tpu.memory_space<hbm>>
      %dma_wait3A_580 = tpu.memref_squeeze %dma_wait3A_579 : memref<1x180x112xi32, #tpu.memory_space<hbm>> -> memref<180x112xi32, #tpu.memory_space<hbm>>
      %dma_wait3A_581 = arith.constant 135 : i32
      %dma_wait3A_582 = arith.constant 0 : i32
      %dma_wait3A_583 = tpu.memref_slice %dma_wait3A_580[%dma_wait3A_581, %dma_wait3A_582] : memref<180x112xi32, #tpu.memory_space<hbm>> -> memref<45x112xi32, #tpu.memory_space<hbm>>
      tpu.wait_dma2 semaphore(%run_scoped3A : memref<!tpu.dma_semaphore, #tpu.memory_space<semaphore_mem>>) src(%dma_wait3A_583 : memref<45x112xi32, #tpu.memory_space<hbm>>) dst(%arg8 : memref<45x112xi32, #tpu.memory_space<vmem>>)
      tpu.yield
    }) : () -> ()
    %dma_start3A_203 = arith.constant 0 : i32
    %dma_start3A_204 = arith.constant 0 : i32
    %dma_start3A_205 = arith.constant 0 : i32
    %dma_start3A_206 = arith.constant 0 : i32
    %dma_start3A_207 = tpu.memref_slice %arg9[%dma_start3A_204, %dma_start3A_205, %dma_start3A_206] : memref<5x112x64xf32, #tpu.memory_space<vmem>> -> memref<1x112x64xf32, #tpu.memory_space<vmem>>
    %dma_start3A_208 = tpu.memref_squeeze %dma_start3A_207 : memref<1x112x64xf32, #tpu.memory_space<vmem>> -> memref<112x64xf32, #tpu.memory_space<vmem>>
    %dma_start3A_209 = arith.constant 0 : i32
    %dma_start3A_210 = tpu.memref_slice %arg7[%dma_start3A_203, %dma_start3A_209] : memref<45x112xi32, #tpu.memory_space<vmem>> -> memref<1x112xi32, #tpu.memory_space<vmem>>
    %dma_start3A_211 = tpu.memref_squeeze %dma_start3A_210 : memref<1x112xi32, #tpu.memory_space<vmem>> -> memref<112xi32, #tpu.memory_space<vmem>>
    %dma_start3A_212 = arith.constant 0 : i32
    %dma_start3A_213 = arith.constant 0 : i32
    %dma_start3A_214 = tpu.memref_slice %arg10[%dma_start3A_212, %dma_start3A_213] : memref<10240x64xf32, #tpu.memory_space<vmem_shared>> -> memref<10240x64xf32, #tpu.memory_space<vmem_shared>>
    tpu.enqueue_indirect_dma source(%dma_start3A_214 : memref<10240x64xf32, #tpu.memory_space<vmem_shared>>) target(%dma_start3A_208 : memref<112x64xf32, #tpu.memory_space<vmem>>) offsets(%dma_start3A_211 : memref<112xi32, #tpu.memory_space<vmem>>) semaphore(%arg12 : memref<!tpu.dma_semaphore, #tpu.memory_space<semaphore_mem>>)
    %dma_start3A_215 = arith.constant 1 : i32
    %dma_start3A_216 = arith.constant 1 : i32
    %dma_start3A_217 = arith.constant 0 : i32
    %dma_start3A_218 = arith.constant 0 : i32
    %dma_start3A_219 = tpu.memref_slice %arg9[%dma_start3A_216, %dma_start3A_217, %dma_start3A_218] : memref<5x112x64xf32, #tpu.memory_space<vmem>> -> memref<1x112x64xf32, #tpu.memory_space<vmem>>
    %dma_start3A_220 = tpu.memref_squeeze %dma_start3A_219 : memref<1x112x64xf32, #tpu.memory_space<vmem>> -> memref<112x64xf32, #tpu.memory_space<vmem>>
    %dma_start3A_221 = arith.constant 0 : i32
    %dma_start3A_222 = tpu.memref_slice %arg7[%dma_start3A_215, %dma_start3A_221] : memref<45x112xi32, #tpu.memory_space<vmem>> -> memref<1x112xi32, #tpu.memory_space<vmem>>
    %dma_start3A_223 = tpu.memref_squeeze %dma_start3A_222 : memref<1x112xi32, #tpu.memory_space<vmem>> -> memref<112xi32, #tpu.memory_space<vmem>>
    %dma_start3A_224 = arith.constant 0 : i32
    %dma_start3A_225 = arith.constant 0 : i32
    %dma_start3A_226 = tpu.memref_slice %arg10[%dma_start3A_224, %dma_start3A_225] : memref<10240x64xf32, #tpu.memory_space<vmem_shared>> -> memref<10240x64xf32, #tpu.memory_space<vmem_shared>>
    tpu.enqueue_indirect_dma source(%dma_start3A_226 : memref<10240x64xf32, #tpu.memory_space<vmem_shared>>) target(%dma_start3A_220 : memref<112x64xf32, #tpu.memory_space<vmem>>) offsets(%dma_start3A_223 : memref<112xi32, #tpu.memory_space<vmem>>) semaphore(%arg13 : memref<!tpu.dma_semaphore, #tpu.memory_space<semaphore_mem>>)
    %dma_start3A_227 = arith.constant 2 : i32
    %dma_start3A_228 = arith.constant 2 : i32
    %dma_start3A_229 = arith.constant 0 : i32
    %dma_start3A_230 = arith.constant 0 : i32
    %dma_start3A_231 = tpu.memref_slice %arg9[%dma_start3A_228, %dma_start3A_229, %dma_start3A_230] : memref<5x112x64xf32, #tpu.memory_space<vmem>> -> memref<1x112x64xf32, #tpu.memory_space<vmem>>
    %dma_start3A_232 = tpu.memref_squeeze %dma_start3A_231 : memref<1x112x64xf32, #tpu.memory_space<vmem>> -> memref<112x64xf32, #tpu.memory_space<vmem>>
    %dma_start3A_233 = arith.constant 0 : i32
    %dma_start3A_234 = tpu.memref_slice %arg7[%dma_start3A_227, %dma_start3A_233] : memref<45x112xi32, #tpu.memory_space<vmem>> -> memref<1x112xi32, #tpu.memory_space<vmem>>
    %dma_start3A_235 = tpu.memref_squeeze %dma_start3A_234 : memref<1x112xi32, #tpu.memory_space<vmem>> -> memref<112xi32, #tpu.memory_space<vmem>>
    %dma_start3A_236 = arith.constant 0 : i32
    %dma_start3A_237 = arith.constant 0 : i32
    %dma_start3A_238 = tpu.memref_slice %arg10[%dma_start3A_236, %dma_start3A_237] : memref<10240x64xf32, #tpu.memory_space<vmem_shared>> -> memref<10240x64xf32, #tpu.memory_space<vmem_shared>>
    tpu.enqueue_indirect_dma source(%dma_start3A_238 : memref<10240x64xf32, #tpu.memory_space<vmem_shared>>) target(%dma_start3A_232 : memref<112x64xf32, #tpu.memory_space<vmem>>) offsets(%dma_start3A_235 : memref<112xi32, #tpu.memory_space<vmem>>) semaphore(%arg14 : memref<!tpu.dma_semaphore, #tpu.memory_space<semaphore_mem>>)
    %dma_start3A_239 = arith.constant 3 : i32
    %dma_start3A_240 = arith.constant 3 : i32
    %dma_start3A_241 = arith.constant 0 : i32
    %dma_start3A_242 = arith.constant 0 : i32
    %dma_start3A_243 = tpu.memref_slice %arg9[%dma_start3A_240, %dma_start3A_241, %dma_start3A_242] : memref<5x112x64xf32, #tpu.memory_space<vmem>> -> memref<1x112x64xf32, #tpu.memory_space<vmem>>
    %dma_start3A_244 = tpu.memref_squeeze %dma_start3A_243 : memref<1x112x64xf32, #tpu.memory_space<vmem>> -> memref<112x64xf32, #tpu.memory_space<vmem>>
    %dma_start3A_245 = arith.constant 0 : i32
    %dma_start3A_246 = tpu.memref_slice %arg7[%dma_start3A_239, %dma_start3A_245] : memref<45x112xi32, #tpu.memory_space<vmem>> -> memref<1x112xi32, #tpu.memory_space<vmem>>
    %dma_start3A_247 = tpu.memref_squeeze %dma_start3A_246 : memref<1x112xi32, #tpu.memory_space<vmem>> -> memref<112xi32, #tpu.memory_space<vmem>>
    %dma_start3A_248 = arith.constant 0 : i32
    %dma_start3A_249 = arith.constant 0 : i32
    %dma_start3A_250 = tpu.memref_slice %arg10[%dma_start3A_248, %dma_start3A_249] : memref<10240x64xf32, #tpu.memory_space<vmem_shared>> -> memref<10240x64xf32, #tpu.memory_space<vmem_shared>>
    tpu.enqueue_indirect_dma source(%dma_start3A_250 : memref<10240x64xf32, #tpu.memory_space<vmem_shared>>) target(%dma_start3A_244 : memref<112x64xf32, #tpu.memory_space<vmem>>) offsets(%dma_start3A_247 : memref<112xi32, #tpu.memory_space<vmem>>) semaphore(%arg15 : memref<!tpu.dma_semaphore, #tpu.memory_space<semaphore_mem>>)
    %scan3A_251 = arith.constant 0 : i32
    %scan3A_252 = arith.constant 0 : i32
    %scan3A_253 = arith.constant 9 : i32
    %scan3A_254 = arith.addi %scan3A_252, %scan3A_253 : i32
    %scan3A_255 = arith.constant 1 : i32
    scf.for %scan3A_556 = %scan3A_252 to %scan3A_254 step %scan3A_255  : i32 {
      %mul3A_557 = arith.constant 5 : i32
      %mul3A_558 = arith.muli %mul3A_557, %scan3A_556 : i32
      %add3A_559 = arith.constant 0 : i32
      %add3A_560 = arith.addi %mul3A_558, %add3A_559 : i32
      %dma_wait3A_561 = arith.constant 0 : i32
      %dma_wait3A_562 = arith.constant 0 : i32
      %dma_wait3A_563 = arith.constant 0 : i32
      %dma_wait3A_564 = tpu.memref_slice %arg9[%dma_wait3A_561, %dma_wait3A_562, %dma_wait3A_563] : memref<5x112x64xf32, #tpu.memory_space<vmem>> -> memref<1x112x64xf32, #tpu.memory_space<vmem>>
      %dma_wait3A_565 = tpu.memref_squeeze %dma_wait3A_564 : memref<1x112x64xf32, #tpu.memory_space<vmem>> -> memref<112x64xf32, #tpu.memory_space<vmem>>
      %dma_wait3A_566 = arith.constant 0 : i32
      %dma_wait3A_567 = tpu.memref_slice %arg7[%add3A_560, %dma_wait3A_566] : memref<45x112xi32, #tpu.memory_space<vmem>> -> memref<1x112xi32, #tpu.memory_space<vmem>>
      %dma_wait3A_568 = tpu.memref_squeeze %dma_wait3A_567 : memref<1x112xi32, #tpu.memory_space<vmem>> -> memref<112xi32, #tpu.memory_space<vmem>>
      %dma_wait3A_569 = arith.constant 0 : i32
      %dma_wait3A_570 = arith.constant 0 : i32
      %dma_wait3A_571 = tpu.memref_slice %arg10[%dma_wait3A_569, %dma_wait3A_570] : memref<10240x64xf32, #tpu.memory_space<vmem_shared>> -> memref<10240x64xf32, #tpu.memory_space<vmem_shared>>
      tpu.wait_indirect_dma semaphore(%arg12 : memref<!tpu.dma_semaphore, #tpu.memory_space<semaphore_mem>>) src(%dma_wait3A_571 : memref<10240x64xf32, #tpu.memory_space<vmem_shared>>) dst(%dma_wait3A_565 : memref<112x64xf32, #tpu.memory_space<vmem>>)
      %dma_start3A_572 = arith.constant 0 : i32
      %dma_start3A_573 = arith.constant 0 : i32
      %dma_start3A_574 = arith.constant 0 : i32
      %dma_start3A_575 = tpu.memref_slice %arg9[%dma_start3A_572, %dma_start3A_573, %dma_start3A_574] : memref<5x112x64xf32, #tpu.memory_space<vmem>> -> memref<1x112x64xf32, #tpu.memory_space<vmem>>
      %dma_start3A_576 = tpu.memref_squeeze %dma_start3A_575 : memref<1x112x64xf32, #tpu.memory_space<vmem>> -> memref<112x64xf32, #tpu.memory_space<vmem>>
      %dma_start3A_577 = arith.constant 0 : i32
      %dma_start3A_578 = tpu.memref_slice %arg8[%add3A_560, %dma_start3A_577] : memref<45x112xi32, #tpu.memory_space<vmem>> -> memref<1x112xi32, #tpu.memory_space<vmem>>
      %dma_start3A_579 = tpu.memref_squeeze %dma_start3A_578 : memref<1x112xi32, #tpu.memory_space<vmem>> -> memref<112xi32, #tpu.memory_space<vmem>>
      %dma_start3A_580 = arith.constant 0 : i32
      %dma_start3A_581 = arith.constant 0 : i32
      %dma_start3A_582 = tpu.memref_slice %arg11[%dma_start3A_580, %dma_start3A_581] : memref<10240x64xf32, #tpu.memory_space<vmem_shared>> -> memref<10240x64xf32, #tpu.memory_space<vmem_shared>>
      tpu.enqueue_indirect_dma source(%dma_start3A_576 : memref<112x64xf32, #tpu.memory_space<vmem>>) target(%dma_start3A_582 : memref<10240x64xf32, #tpu.memory_space<vmem_shared>>) offsets(%dma_start3A_579 : memref<112xi32, #tpu.memory_space<vmem>>) semaphore(%arg17 : memref<!tpu.dma_semaphore, #tpu.memory_space<semaphore_mem>>) {add = true}
      %ge3A = arith.constant 1 : i32
      %ge3A_583 = arith.cmpi sge, %add3A_560, %ge3A : i32
      %convert_element_type3A = arith.extui %ge3A_583 : i1 to i32
      %cond3A = arith.constant 0 : i32
      %cond3A_584 = arith.cmpi ne, %convert_element_type3A, %cond3A : i32
      scf.if %cond3A_584 {
        %sub3A_752 = arith.constant 1 : i32
        %sub3A_753 = arith.subi %add3A_560, %sub3A_752 : i32
        %dma_wait3A_754 = arith.constant 4 : i32
        %dma_wait3A_755 = arith.constant 0 : i32
        %dma_wait3A_756 = arith.constant 0 : i32
        %dma_wait3A_757 = tpu.memref_slice %arg9[%dma_wait3A_754, %dma_wait3A_755, %dma_wait3A_756] : memref<5x112x64xf32, #tpu.memory_space<vmem>> -> memref<1x112x64xf32, #tpu.memory_space<vmem>>
        %dma_wait3A_758 = tpu.memref_squeeze %dma_wait3A_757 : memref<1x112x64xf32, #tpu.memory_space<vmem>> -> memref<112x64xf32, #tpu.memory_space<vmem>>
        %dma_wait3A_759 = arith.constant 0 : i32
        %dma_wait3A_760 = tpu.memref_slice %arg8[%sub3A_753, %dma_wait3A_759] : memref<45x112xi32, #tpu.memory_space<vmem>> -> memref<1x112xi32, #tpu.memory_space<vmem>>
        %dma_wait3A_761 = tpu.memref_squeeze %dma_wait3A_760 : memref<1x112xi32, #tpu.memory_space<vmem>> -> memref<112xi32, #tpu.memory_space<vmem>>
        %dma_wait3A_762 = arith.constant 0 : i32
        %dma_wait3A_763 = arith.constant 0 : i32
        %dma_wait3A_764 = tpu.memref_slice %arg11[%dma_wait3A_762, %dma_wait3A_763] : memref<10240x64xf32, #tpu.memory_space<vmem_shared>> -> memref<10240x64xf32, #tpu.memory_space<vmem_shared>>
        tpu.wait_indirect_dma semaphore(%arg21 : memref<!tpu.dma_semaphore, #tpu.memory_space<semaphore_mem>>) src(%dma_wait3A_758 : memref<112x64xf32, #tpu.memory_space<vmem>>) dst(%dma_wait3A_764 : memref<10240x64xf32, #tpu.memory_space<vmem_shared>>)
      } else {
      }
      %add3A_585 = arith.constant 5 : i32
      %add3A_586 = arith.addi %add3A_560, %add3A_585 : i32
      %sub3A = arith.constant 1 : i32
      %sub3A_587 = arith.subi %add3A_586, %sub3A : i32
      %le3A = arith.constant 44 : i32
      %le3A_588 = arith.cmpi sle, %sub3A_587, %le3A : i32
      %convert_element_type3A_589 = arith.extui %le3A_588 : i1 to i32
      %cond3A_590 = arith.constant 0 : i32
      %cond3A_591 = arith.cmpi ne, %convert_element_type3A_589, %cond3A_590 : i32
      scf.if %cond3A_591 {
        %add3A_752 = arith.constant 5 : i32
        %add3A_753 = arith.addi %add3A_560, %add3A_752 : i32
        %sub3A_754 = arith.constant 1 : i32
        %sub3A_755 = arith.subi %add3A_753, %sub3A_754 : i32
        %dma_start3A_756 = arith.constant 4 : i32
        %dma_start3A_757 = arith.constant 0 : i32
        %dma_start3A_758 = arith.constant 0 : i32
        %dma_start3A_759 = tpu.memref_slice %arg9[%dma_start3A_756, %dma_start3A_757, %dma_start3A_758] : memref<5x112x64xf32, #tpu.memory_space<vmem>> -> memref<1x112x64xf32, #tpu.memory_space<vmem>>
        %dma_start3A_760 = tpu.memref_squeeze %dma_start3A_759 : memref<1x112x64xf32, #tpu.memory_space<vmem>> -> memref<112x64xf32, #tpu.memory_space<vmem>>
        %dma_start3A_761 = arith.constant 0 : i32
        %dma_start3A_762 = tpu.memref_slice %arg7[%sub3A_755, %dma_start3A_761] : memref<45x112xi32, #tpu.memory_space<vmem>> -> memref<1x112xi32, #tpu.memory_space<vmem>>
        %dma_start3A_763 = tpu.memref_squeeze %dma_start3A_762 : memref<1x112xi32, #tpu.memory_space<vmem>> -> memref<112xi32, #tpu.memory_space<vmem>>
        %dma_start3A_764 = arith.constant 0 : i32
        %dma_start3A_765 = arith.constant 0 : i32
        %dma_start3A_766 = tpu.memref_slice %arg10[%dma_start3A_764, %dma_start3A_765] : memref<10240x64xf32, #tpu.memory_space<vmem_shared>> -> memref<10240x64xf32, #tpu.memory_space<vmem_shared>>
        tpu.enqueue_indirect_dma source(%dma_start3A_766 : memref<10240x64xf32, #tpu.memory_space<vmem_shared>>) target(%dma_start3A_760 : memref<112x64xf32, #tpu.memory_space<vmem>>) offsets(%dma_start3A_763 : memref<112xi32, #tpu.memory_space<vmem>>) semaphore(%arg16 : memref<!tpu.dma_semaphore, #tpu.memory_space<semaphore_mem>>)
      } else {
      }
      %mul3A_592 = arith.constant 5 : i32
      %mul3A_593 = arith.muli %mul3A_592, %scan3A_556 : i32
      %add3A_594 = arith.constant 1 : i32
      %add3A_595 = arith.addi %mul3A_593, %add3A_594 : i32
      %dma_wait3A_596 = arith.constant 1 : i32
      %dma_wait3A_597 = arith.constant 0 : i32
      %dma_wait3A_598 = arith.constant 0 : i32
      %dma_wait3A_599 = tpu.memref_slice %arg9[%dma_wait3A_596, %dma_wait3A_597, %dma_wait3A_598] : memref<5x112x64xf32, #tpu.memory_space<vmem>> -> memref<1x112x64xf32, #tpu.memory_space<vmem>>
      %dma_wait3A_600 = tpu.memref_squeeze %dma_wait3A_599 : memref<1x112x64xf32, #tpu.memory_space<vmem>> -> memref<112x64xf32, #tpu.memory_space<vmem>>
      %dma_wait3A_601 = arith.constant 0 : i32
      %dma_wait3A_602 = tpu.memref_slice %arg7[%add3A_595, %dma_wait3A_601] : memref<45x112xi32, #tpu.memory_space<vmem>> -> memref<1x112xi32, #tpu.memory_space<vmem>>
      %dma_wait3A_603 = tpu.memref_squeeze %dma_wait3A_602 : memref<1x112xi32, #tpu.memory_space<vmem>> -> memref<112xi32, #tpu.memory_space<vmem>>
      %dma_wait3A_604 = arith.constant 0 : i32
      %dma_wait3A_605 = arith.constant 0 : i32
      %dma_wait3A_606 = tpu.memref_slice %arg10[%dma_wait3A_604, %dma_wait3A_605] : memref<10240x64xf32, #tpu.memory_space<vmem_shared>> -> memref<10240x64xf32, #tpu.memory_space<vmem_shared>>
      tpu.wait_indirect_dma semaphore(%arg13 : memref<!tpu.dma_semaphore, #tpu.memory_space<semaphore_mem>>) src(%dma_wait3A_606 : memref<10240x64xf32, #tpu.memory_space<vmem_shared>>) dst(%dma_wait3A_600 : memref<112x64xf32, #tpu.memory_space<vmem>>)
      %dma_start3A_607 = arith.constant 1 : i32
      %dma_start3A_608 = arith.constant 0 : i32
      %dma_start3A_609 = arith.constant 0 : i32
      %dma_start3A_610 = tpu.memref_slice %arg9[%dma_start3A_607, %dma_start3A_608, %dma_start3A_609] : memref<5x112x64xf32, #tpu.memory_space<vmem>> -> memref<1x112x64xf32, #tpu.memory_space<vmem>>
      %dma_start3A_611 = tpu.memref_squeeze %dma_start3A_610 : memref<1x112x64xf32, #tpu.memory_space<vmem>> -> memref<112x64xf32, #tpu.memory_space<vmem>>
      %dma_start3A_612 = arith.constant 0 : i32
      %dma_start3A_613 = tpu.memref_slice %arg8[%add3A_595, %dma_start3A_612] : memref<45x112xi32, #tpu.memory_space<vmem>> -> memref<1x112xi32, #tpu.memory_space<vmem>>
      %dma_start3A_614 = tpu.memref_squeeze %dma_start3A_613 : memref<1x112xi32, #tpu.memory_space<vmem>> -> memref<112xi32, #tpu.memory_space<vmem>>
      %dma_start3A_615 = arith.constant 0 : i32
      %dma_start3A_616 = arith.constant 0 : i32
      %dma_start3A_617 = tpu.memref_slice %arg11[%dma_start3A_615, %dma_start3A_616] : memref<10240x64xf32, #tpu.memory_space<vmem_shared>> -> memref<10240x64xf32, #tpu.memory_space<vmem_shared>>
      tpu.enqueue_indirect_dma source(%dma_start3A_611 : memref<112x64xf32, #tpu.memory_space<vmem>>) target(%dma_start3A_617 : memref<10240x64xf32, #tpu.memory_space<vmem_shared>>) offsets(%dma_start3A_614 : memref<112xi32, #tpu.memory_space<vmem>>) semaphore(%arg18 : memref<!tpu.dma_semaphore, #tpu.memory_space<semaphore_mem>>) {add = true}
      %ge3A_618 = arith.constant 1 : i32
      %ge3A_619 = arith.cmpi sge, %add3A_595, %ge3A_618 : i32
      %convert_element_type3A_620 = arith.extui %ge3A_619 : i1 to i32
      %cond3A_621 = arith.constant 0 : i32
      %cond3A_622 = arith.cmpi ne, %convert_element_type3A_620, %cond3A_621 : i32
      scf.if %cond3A_622 {
        %sub3A_752 = arith.constant 1 : i32
        %sub3A_753 = arith.subi %add3A_595, %sub3A_752 : i32
        %dma_wait3A_754 = arith.constant 0 : i32
        %dma_wait3A_755 = arith.constant 0 : i32
        %dma_wait3A_756 = arith.constant 0 : i32
        %dma_wait3A_757 = tpu.memref_slice %arg9[%dma_wait3A_754, %dma_wait3A_755, %dma_wait3A_756] : memref<5x112x64xf32, #tpu.memory_space<vmem>> -> memref<1x112x64xf32, #tpu.memory_space<vmem>>
        %dma_wait3A_758 = tpu.memref_squeeze %dma_wait3A_757 : memref<1x112x64xf32, #tpu.memory_space<vmem>> -> memref<112x64xf32, #tpu.memory_space<vmem>>
        %dma_wait3A_759 = arith.constant 0 : i32
        %dma_wait3A_760 = tpu.memref_slice %arg8[%sub3A_753, %dma_wait3A_759] : memref<45x112xi32, #tpu.memory_space<vmem>> -> memref<1x112xi32, #tpu.memory_space<vmem>>
        %dma_wait3A_761 = tpu.memref_squeeze %dma_wait3A_760 : memref<1x112xi32, #tpu.memory_space<vmem>> -> memref<112xi32, #tpu.memory_space<vmem>>
        %dma_wait3A_762 = arith.constant 0 : i32
        %dma_wait3A_763 = arith.constant 0 : i32
        %dma_wait3A_764 = tpu.memref_slice %arg11[%dma_wait3A_762, %dma_wait3A_763] : memref<10240x64xf32, #tpu.memory_space<vmem_shared>> -> memref<10240x64xf32, #tpu.memory_space<vmem_shared>>
        tpu.wait_indirect_dma semaphore(%arg17 : memref<!tpu.dma_semaphore, #tpu.memory_space<semaphore_mem>>) src(%dma_wait3A_758 : memref<112x64xf32, #tpu.memory_space<vmem>>) dst(%dma_wait3A_764 : memref<10240x64xf32, #tpu.memory_space<vmem_shared>>)
      } else {
      }
      %add3A_623 = arith.constant 5 : i32
      %add3A_624 = arith.addi %add3A_595, %add3A_623 : i32
      %sub3A_625 = arith.constant 1 : i32
      %sub3A_626 = arith.subi %add3A_624, %sub3A_625 : i32
      %le3A_627 = arith.constant 44 : i32
      %le3A_628 = arith.cmpi sle, %sub3A_626, %le3A_627 : i32
      %convert_element_type3A_629 = arith.extui %le3A_628 : i1 to i32
      %cond3A_630 = arith.constant 0 : i32
      %cond3A_631 = arith.cmpi ne, %convert_element_type3A_629, %cond3A_630 : i32
      scf.if %cond3A_631 {
        %add3A_752 = arith.constant 5 : i32
        %add3A_753 = arith.addi %add3A_595, %add3A_752 : i32
        %sub3A_754 = arith.constant 1 : i32
        %sub3A_755 = arith.subi %add3A_753, %sub3A_754 : i32
        %dma_start3A_756 = arith.constant 0 : i32
        %dma_start3A_757 = arith.constant 0 : i32
        %dma_start3A_758 = arith.constant 0 : i32
        %dma_start3A_759 = tpu.memref_slice %arg9[%dma_start3A_756, %dma_start3A_757, %dma_start3A_758] : memref<5x112x64xf32, #tpu.memory_space<vmem>> -> memref<1x112x64xf32, #tpu.memory_space<vmem>>
        %dma_start3A_760 = tpu.memref_squeeze %dma_start3A_759 : memref<1x112x64xf32, #tpu.memory_space<vmem>> -> memref<112x64xf32, #tpu.memory_space<vmem>>
        %dma_start3A_761 = arith.constant 0 : i32
        %dma_start3A_762 = tpu.memref_slice %arg7[%sub3A_755, %dma_start3A_761] : memref<45x112xi32, #tpu.memory_space<vmem>> -> memref<1x112xi32, #tpu.memory_space<vmem>>
        %dma_start3A_763 = tpu.memref_squeeze %dma_start3A_762 : memref<1x112xi32, #tpu.memory_space<vmem>> -> memref<112xi32, #tpu.memory_space<vmem>>
        %dma_start3A_764 = arith.constant 0 : i32
        %dma_start3A_765 = arith.constant 0 : i32
        %dma_start3A_766 = tpu.memref_slice %arg10[%dma_start3A_764, %dma_start3A_765] : memref<10240x64xf32, #tpu.memory_space<vmem_shared>> -> memref<10240x64xf32, #tpu.memory_space<vmem_shared>>
        tpu.enqueue_indirect_dma source(%dma_start3A_766 : memref<10240x64xf32, #tpu.memory_space<vmem_shared>>) target(%dma_start3A_760 : memref<112x64xf32, #tpu.memory_space<vmem>>) offsets(%dma_start3A_763 : memref<112xi32, #tpu.memory_space<vmem>>) semaphore(%arg12 : memref<!tpu.dma_semaphore, #tpu.memory_space<semaphore_mem>>)
      } else {
      }
      %mul3A_632 = arith.constant 5 : i32
      %mul3A_633 = arith.muli %mul3A_632, %scan3A_556 : i32
      %add3A_634 = arith.constant 2 : i32
      %add3A_635 = arith.addi %mul3A_633, %add3A_634 : i32
      %dma_wait3A_636 = arith.constant 2 : i32
      %dma_wait3A_637 = arith.constant 0 : i32
      %dma_wait3A_638 = arith.constant 0 : i32
      %dma_wait3A_639 = tpu.memref_slice %arg9[%dma_wait3A_636, %dma_wait3A_637, %dma_wait3A_638] : memref<5x112x64xf32, #tpu.memory_space<vmem>> -> memref<1x112x64xf32, #tpu.memory_space<vmem>>
      %dma_wait3A_640 = tpu.memref_squeeze %dma_wait3A_639 : memref<1x112x64xf32, #tpu.memory_space<vmem>> -> memref<112x64xf32, #tpu.memory_space<vmem>>
      %dma_wait3A_641 = arith.constant 0 : i32
      %dma_wait3A_642 = tpu.memref_slice %arg7[%add3A_635, %dma_wait3A_641] : memref<45x112xi32, #tpu.memory_space<vmem>> -> memref<1x112xi32, #tpu.memory_space<vmem>>
      %dma_wait3A_643 = tpu.memref_squeeze %dma_wait3A_642 : memref<1x112xi32, #tpu.memory_space<vmem>> -> memref<112xi32, #tpu.memory_space<vmem>>
      %dma_wait3A_644 = arith.constant 0 : i32
      %dma_wait3A_645 = arith.constant 0 : i32
      %dma_wait3A_646 = tpu.memref_slice %arg10[%dma_wait3A_644, %dma_wait3A_645] : memref<10240x64xf32, #tpu.memory_space<vmem_shared>> -> memref<10240x64xf32, #tpu.memory_space<vmem_shared>>
      tpu.wait_indirect_dma semaphore(%arg14 : memref<!tpu.dma_semaphore, #tpu.memory_space<semaphore_mem>>) src(%dma_wait3A_646 : memref<10240x64xf32, #tpu.memory_space<vmem_shared>>) dst(%dma_wait3A_640 : memref<112x64xf32, #tpu.memory_space<vmem>>)
      %dma_start3A_647 = arith.constant 2 : i32
      %dma_start3A_648 = arith.constant 0 : i32
      %dma_start3A_649 = arith.constant 0 : i32
      %dma_start3A_650 = tpu.memref_slice %arg9[%dma_start3A_647, %dma_start3A_648, %dma_start3A_649] : memref<5x112x64xf32, #tpu.memory_space<vmem>> -> memref<1x112x64xf32, #tpu.memory_space<vmem>>
      %dma_start3A_651 = tpu.memref_squeeze %dma_start3A_650 : memref<1x112x64xf32, #tpu.memory_space<vmem>> -> memref<112x64xf32, #tpu.memory_space<vmem>>
      %dma_start3A_652 = arith.constant 0 : i32
      %dma_start3A_653 = tpu.memref_slice %arg8[%add3A_635, %dma_start3A_652] : memref<45x112xi32, #tpu.memory_space<vmem>> -> memref<1x112xi32, #tpu.memory_space<vmem>>
      %dma_start3A_654 = tpu.memref_squeeze %dma_start3A_653 : memref<1x112xi32, #tpu.memory_space<vmem>> -> memref<112xi32, #tpu.memory_space<vmem>>
      %dma_start3A_655 = arith.constant 0 : i32
      %dma_start3A_656 = arith.constant 0 : i32
      %dma_start3A_657 = tpu.memref_slice %arg11[%dma_start3A_655, %dma_start3A_656] : memref<10240x64xf32, #tpu.memory_space<vmem_shared>> -> memref<10240x64xf32, #tpu.memory_space<vmem_shared>>
      tpu.enqueue_indirect_dma source(%dma_start3A_651 : memref<112x64xf32, #tpu.memory_space<vmem>>) target(%dma_start3A_657 : memref<10240x64xf32, #tpu.memory_space<vmem_shared>>) offsets(%dma_start3A_654 : memref<112xi32, #tpu.memory_space<vmem>>) semaphore(%arg19 : memref<!tpu.dma_semaphore, #tpu.memory_space<semaphore_mem>>) {add = true}
      %ge3A_658 = arith.constant 1 : i32
      %ge3A_659 = arith.cmpi sge, %add3A_635, %ge3A_658 : i32
      %convert_element_type3A_660 = arith.extui %ge3A_659 : i1 to i32
      %cond3A_661 = arith.constant 0 : i32
      %cond3A_662 = arith.cmpi ne, %convert_element_type3A_660, %cond3A_661 : i32
      scf.if %cond3A_662 {
        %sub3A_752 = arith.constant 1 : i32
        %sub3A_753 = arith.subi %add3A_635, %sub3A_752 : i32
        %dma_wait3A_754 = arith.constant 1 : i32
        %dma_wait3A_755 = arith.constant 0 : i32
        %dma_wait3A_756 = arith.constant 0 : i32
        %dma_wait3A_757 = tpu.memref_slice %arg9[%dma_wait3A_754, %dma_wait3A_755, %dma_wait3A_756] : memref<5x112x64xf32, #tpu.memory_space<vmem>> -> memref<1x112x64xf32, #tpu.memory_space<vmem>>
        %dma_wait3A_758 = tpu.memref_squeeze %dma_wait3A_757 : memref<1x112x64xf32, #tpu.memory_space<vmem>> -> memref<112x64xf32, #tpu.memory_space<vmem>>
        %dma_wait3A_759 = arith.constant 0 : i32
        %dma_wait3A_760 = tpu.memref_slice %arg8[%sub3A_753, %dma_wait3A_759] : memref<45x112xi32, #tpu.memory_space<vmem>> -> memref<1x112xi32, #tpu.memory_space<vmem>>
        %dma_wait3A_761 = tpu.memref_squeeze %dma_wait3A_760 : memref<1x112xi32, #tpu.memory_space<vmem>> -> memref<112xi32, #tpu.memory_space<vmem>>
        %dma_wait3A_762 = arith.constant 0 : i32
        %dma_wait3A_763 = arith.constant 0 : i32
        %dma_wait3A_764 = tpu.memref_slice %arg11[%dma_wait3A_762, %dma_wait3A_763] : memref<10240x64xf32, #tpu.memory_space<vmem_shared>> -> memref<10240x64xf32, #tpu.memory_space<vmem_shared>>
        tpu.wait_indirect_dma semaphore(%arg18 : memref<!tpu.dma_semaphore, #tpu.memory_space<semaphore_mem>>) src(%dma_wait3A_758 : memref<112x64xf32, #tpu.memory_space<vmem>>) dst(%dma_wait3A_764 : memref<10240x64xf32, #tpu.memory_space<vmem_shared>>)
      } else {
      }
      %add3A_663 = arith.constant 5 : i32
      %add3A_664 = arith.addi %add3A_635, %add3A_663 : i32
      %sub3A_665 = arith.constant 1 : i32
      %sub3A_666 = arith.subi %add3A_664, %sub3A_665 : i32
      %le3A_667 = arith.constant 44 : i32
      %le3A_668 = arith.cmpi sle, %sub3A_666, %le3A_667 : i32
      %convert_element_type3A_669 = arith.extui %le3A_668 : i1 to i32
      %cond3A_670 = arith.constant 0 : i32
      %cond3A_671 = arith.cmpi ne, %convert_element_type3A_669, %cond3A_670 : i32
      scf.if %cond3A_671 {
        %add3A_752 = arith.constant 5 : i32
        %add3A_753 = arith.addi %add3A_635, %add3A_752 : i32
        %sub3A_754 = arith.constant 1 : i32
        %sub3A_755 = arith.subi %add3A_753, %sub3A_754 : i32
        %dma_start3A_756 = arith.constant 1 : i32
        %dma_start3A_757 = arith.constant 0 : i32
        %dma_start3A_758 = arith.constant 0 : i32
        %dma_start3A_759 = tpu.memref_slice %arg9[%dma_start3A_756, %dma_start3A_757, %dma_start3A_758] : memref<5x112x64xf32, #tpu.memory_space<vmem>> -> memref<1x112x64xf32, #tpu.memory_space<vmem>>
        %dma_start3A_760 = tpu.memref_squeeze %dma_start3A_759 : memref<1x112x64xf32, #tpu.memory_space<vmem>> -> memref<112x64xf32, #tpu.memory_space<vmem>>
        %dma_start3A_761 = arith.constant 0 : i32
        %dma_start3A_762 = tpu.memref_slice %arg7[%sub3A_755, %dma_start3A_761] : memref<45x112xi32, #tpu.memory_space<vmem>> -> memref<1x112xi32, #tpu.memory_space<vmem>>
        %dma_start3A_763 = tpu.memref_squeeze %dma_start3A_762 : memref<1x112xi32, #tpu.memory_space<vmem>> -> memref<112xi32, #tpu.memory_space<vmem>>
        %dma_start3A_764 = arith.constant 0 : i32
        %dma_start3A_765 = arith.constant 0 : i32
        %dma_start3A_766 = tpu.memref_slice %arg10[%dma_start3A_764, %dma_start3A_765] : memref<10240x64xf32, #tpu.memory_space<vmem_shared>> -> memref<10240x64xf32, #tpu.memory_space<vmem_shared>>
        tpu.enqueue_indirect_dma source(%dma_start3A_766 : memref<10240x64xf32, #tpu.memory_space<vmem_shared>>) target(%dma_start3A_760 : memref<112x64xf32, #tpu.memory_space<vmem>>) offsets(%dma_start3A_763 : memref<112xi32, #tpu.memory_space<vmem>>) semaphore(%arg13 : memref<!tpu.dma_semaphore, #tpu.memory_space<semaphore_mem>>)
      } else {
      }
      %mul3A_672 = arith.constant 5 : i32
      %mul3A_673 = arith.muli %mul3A_672, %scan3A_556 : i32
      %add3A_674 = arith.constant 3 : i32
      %add3A_675 = arith.addi %mul3A_673, %add3A_674 : i32
      %dma_wait3A_676 = arith.constant 3 : i32
      %dma_wait3A_677 = arith.constant 0 : i32
      %dma_wait3A_678 = arith.constant 0 : i32
      %dma_wait3A_679 = tpu.memref_slice %arg9[%dma_wait3A_676, %dma_wait3A_677, %dma_wait3A_678] : memref<5x112x64xf32, #tpu.memory_space<vmem>> -> memref<1x112x64xf32, #tpu.memory_space<vmem>>
      %dma_wait3A_680 = tpu.memref_squeeze %dma_wait3A_679 : memref<1x112x64xf32, #tpu.memory_space<vmem>> -> memref<112x64xf32, #tpu.memory_space<vmem>>
      %dma_wait3A_681 = arith.constant 0 : i32
      %dma_wait3A_682 = tpu.memref_slice %arg7[%add3A_675, %dma_wait3A_681] : memref<45x112xi32, #tpu.memory_space<vmem>> -> memref<1x112xi32, #tpu.memory_space<vmem>>
      %dma_wait3A_683 = tpu.memref_squeeze %dma_wait3A_682 : memref<1x112xi32, #tpu.memory_space<vmem>> -> memref<112xi32, #tpu.memory_space<vmem>>
      %dma_wait3A_684 = arith.constant 0 : i32
      %dma_wait3A_685 = arith.constant 0 : i32
      %dma_wait3A_686 = tpu.memref_slice %arg10[%dma_wait3A_684, %dma_wait3A_685] : memref<10240x64xf32, #tpu.memory_space<vmem_shared>> -> memref<10240x64xf32, #tpu.memory_space<vmem_shared>>
      tpu.wait_indirect_dma semaphore(%arg15 : memref<!tpu.dma_semaphore, #tpu.memory_space<semaphore_mem>>) src(%dma_wait3A_686 : memref<10240x64xf32, #tpu.memory_space<vmem_shared>>) dst(%dma_wait3A_680 : memref<112x64xf32, #tpu.memory_space<vmem>>)
      %dma_start3A_687 = arith.constant 3 : i32
      %dma_start3A_688 = arith.constant 0 : i32
      %dma_start3A_689 = arith.constant 0 : i32
      %dma_start3A_690 = tpu.memref_slice %arg9[%dma_start3A_687, %dma_start3A_688, %dma_start3A_689] : memref<5x112x64xf32, #tpu.memory_space<vmem>> -> memref<1x112x64xf32, #tpu.memory_space<vmem>>
      %dma_start3A_691 = tpu.memref_squeeze %dma_start3A_690 : memref<1x112x64xf32, #tpu.memory_space<vmem>> -> memref<112x64xf32, #tpu.memory_space<vmem>>
      %dma_start3A_692 = arith.constant 0 : i32
      %dma_start3A_693 = tpu.memref_slice %arg8[%add3A_675, %dma_start3A_692] : memref<45x112xi32, #tpu.memory_space<vmem>> -> memref<1x112xi32, #tpu.memory_space<vmem>>
      %dma_start3A_694 = tpu.memref_squeeze %dma_start3A_693 : memref<1x112xi32, #tpu.memory_space<vmem>> -> memref<112xi32, #tpu.memory_space<vmem>>
      %dma_start3A_695 = arith.constant 0 : i32
      %dma_start3A_696 = arith.constant 0 : i32
      %dma_start3A_697 = tpu.memref_slice %arg11[%dma_start3A_695, %dma_start3A_696] : memref<10240x64xf32, #tpu.memory_space<vmem_shared>> -> memref<10240x64xf32, #tpu.memory_space<vmem_shared>>
      tpu.enqueue_indirect_dma source(%dma_start3A_691 : memref<112x64xf32, #tpu.memory_space<vmem>>) target(%dma_start3A_697 : memref<10240x64xf32, #tpu.memory_space<vmem_shared>>) offsets(%dma_start3A_694 : memref<112xi32, #tpu.memory_space<vmem>>) semaphore(%arg20 : memref<!tpu.dma_semaphore, #tpu.memory_space<semaphore_mem>>) {add = true}
      %ge3A_698 = arith.constant 1 : i32
      %ge3A_699 = arith.cmpi sge, %add3A_675, %ge3A_698 : i32
      %convert_element_type3A_700 = arith.extui %ge3A_699 : i1 to i32
      %cond3A_701 = arith.constant 0 : i32
      %cond3A_702 = arith.cmpi ne, %convert_element_type3A_700, %cond3A_701 : i32
      scf.if %cond3A_702 {
        %sub3A_752 = arith.constant 1 : i32
        %sub3A_753 = arith.subi %add3A_675, %sub3A_752 : i32
        %dma_wait3A_754 = arith.constant 2 : i32
        %dma_wait3A_755 = arith.constant 0 : i32
        %dma_wait3A_756 = arith.constant 0 : i32
        %dma_wait3A_757 = tpu.memref_slice %arg9[%dma_wait3A_754, %dma_wait3A_755, %dma_wait3A_756] : memref<5x112x64xf32, #tpu.memory_space<vmem>> -> memref<1x112x64xf32, #tpu.memory_space<vmem>>
        %dma_wait3A_758 = tpu.memref_squeeze %dma_wait3A_757 : memref<1x112x64xf32, #tpu.memory_space<vmem>> -> memref<112x64xf32, #tpu.memory_space<vmem>>
        %dma_wait3A_759 = arith.constant 0 : i32
        %dma_wait3A_760 = tpu.memref_slice %arg8[%sub3A_753, %dma_wait3A_759] : memref<45x112xi32, #tpu.memory_space<vmem>> -> memref<1x112xi32, #tpu.memory_space<vmem>>
        %dma_wait3A_761 = tpu.memref_squeeze %dma_wait3A_760 : memref<1x112xi32, #tpu.memory_space<vmem>> -> memref<112xi32, #tpu.memory_space<vmem>>
        %dma_wait3A_762 = arith.constant 0 : i32
        %dma_wait3A_763 = arith.constant 0 : i32
        %dma_wait3A_764 = tpu.memref_slice %arg11[%dma_wait3A_762, %dma_wait3A_763] : memref<10240x64xf32, #tpu.memory_space<vmem_shared>> -> memref<10240x64xf32, #tpu.memory_space<vmem_shared>>
        tpu.wait_indirect_dma semaphore(%arg19 : memref<!tpu.dma_semaphore, #tpu.memory_space<semaphore_mem>>) src(%dma_wait3A_758 : memref<112x64xf32, #tpu.memory_space<vmem>>) dst(%dma_wait3A_764 : memref<10240x64xf32, #tpu.memory_space<vmem_shared>>)
      } else {
      }
      %add3A_703 = arith.constant 5 : i32
      %add3A_704 = arith.addi %add3A_675, %add3A_703 : i32
      %sub3A_705 = arith.constant 1 : i32
      %sub3A_706 = arith.subi %add3A_704, %sub3A_705 : i32
      %le3A_707 = arith.constant 44 : i32
      %le3A_708 = arith.cmpi sle, %sub3A_706, %le3A_707 : i32
      %convert_element_type3A_709 = arith.extui %le3A_708 : i1 to i32
      %cond3A_710 = arith.constant 0 : i32
      %cond3A_711 = arith.cmpi ne, %convert_element_type3A_709, %cond3A_710 : i32
      scf.if %cond3A_711 {
        %add3A_752 = arith.constant 5 : i32
        %add3A_753 = arith.addi %add3A_675, %add3A_752 : i32
        %sub3A_754 = arith.constant 1 : i32
        %sub3A_755 = arith.subi %add3A_753, %sub3A_754 : i32
        %dma_start3A_756 = arith.constant 2 : i32
        %dma_start3A_757 = arith.constant 0 : i32
        %dma_start3A_758 = arith.constant 0 : i32
        %dma_start3A_759 = tpu.memref_slice %arg9[%dma_start3A_756, %dma_start3A_757, %dma_start3A_758] : memref<5x112x64xf32, #tpu.memory_space<vmem>> -> memref<1x112x64xf32, #tpu.memory_space<vmem>>
        %dma_start3A_760 = tpu.memref_squeeze %dma_start3A_759 : memref<1x112x64xf32, #tpu.memory_space<vmem>> -> memref<112x64xf32, #tpu.memory_space<vmem>>
        %dma_start3A_761 = arith.constant 0 : i32
        %dma_start3A_762 = tpu.memref_slice %arg7[%sub3A_755, %dma_start3A_761] : memref<45x112xi32, #tpu.memory_space<vmem>> -> memref<1x112xi32, #tpu.memory_space<vmem>>
        %dma_start3A_763 = tpu.memref_squeeze %dma_start3A_762 : memref<1x112xi32, #tpu.memory_space<vmem>> -> memref<112xi32, #tpu.memory_space<vmem>>
        %dma_start3A_764 = arith.constant 0 : i32
        %dma_start3A_765 = arith.constant 0 : i32
        %dma_start3A_766 = tpu.memref_slice %arg10[%dma_start3A_764, %dma_start3A_765] : memref<10240x64xf32, #tpu.memory_space<vmem_shared>> -> memref<10240x64xf32, #tpu.memory_space<vmem_shared>>
        tpu.enqueue_indirect_dma source(%dma_start3A_766 : memref<10240x64xf32, #tpu.memory_space<vmem_shared>>) target(%dma_start3A_760 : memref<112x64xf32, #tpu.memory_space<vmem>>) offsets(%dma_start3A_763 : memref<112xi32, #tpu.memory_space<vmem>>) semaphore(%arg14 : memref<!tpu.dma_semaphore, #tpu.memory_space<semaphore_mem>>)
      } else {
      }
      %mul3A_712 = arith.constant 5 : i32
      %mul3A_713 = arith.muli %mul3A_712, %scan3A_556 : i32
      %add3A_714 = arith.constant 4 : i32
      %add3A_715 = arith.addi %mul3A_713, %add3A_714 : i32
      %dma_wait3A_716 = arith.constant 4 : i32
      %dma_wait3A_717 = arith.constant 0 : i32
      %dma_wait3A_718 = arith.constant 0 : i32
      %dma_wait3A_719 = tpu.memref_slice %arg9[%dma_wait3A_716, %dma_wait3A_717, %dma_wait3A_718] : memref<5x112x64xf32, #tpu.memory_space<vmem>> -> memref<1x112x64xf32, #tpu.memory_space<vmem>>
      %dma_wait3A_720 = tpu.memref_squeeze %dma_wait3A_719 : memref<1x112x64xf32, #tpu.memory_space<vmem>> -> memref<112x64xf32, #tpu.memory_space<vmem>>
      %dma_wait3A_721 = arith.constant 0 : i32
      %dma_wait3A_722 = tpu.memref_slice %arg7[%add3A_715, %dma_wait3A_721] : memref<45x112xi32, #tpu.memory_space<vmem>> -> memref<1x112xi32, #tpu.memory_space<vmem>>
      %dma_wait3A_723 = tpu.memref_squeeze %dma_wait3A_722 : memref<1x112xi32, #tpu.memory_space<vmem>> -> memref<112xi32, #tpu.memory_space<vmem>>
      %dma_wait3A_724 = arith.constant 0 : i32
      %dma_wait3A_725 = arith.constant 0 : i32
      %dma_wait3A_726 = tpu.memref_slice %arg10[%dma_wait3A_724, %dma_wait3A_725] : memref<10240x64xf32, #tpu.memory_space<vmem_shared>> -> memref<10240x64xf32, #tpu.memory_space<vmem_shared>>
      tpu.wait_indirect_dma semaphore(%arg16 : memref<!tpu.dma_semaphore, #tpu.memory_space<semaphore_mem>>) src(%dma_wait3A_726 : memref<10240x64xf32, #tpu.memory_space<vmem_shared>>) dst(%dma_wait3A_720 : memref<112x64xf32, #tpu.memory_space<vmem>>)
      %dma_start3A_727 = arith.constant 4 : i32
      %dma_start3A_728 = arith.constant 0 : i32
      %dma_start3A_729 = arith.constant 0 : i32
      %dma_start3A_730 = tpu.memref_slice %arg9[%dma_start3A_727, %dma_start3A_728, %dma_start3A_729] : memref<5x112x64xf32, #tpu.memory_space<vmem>> -> memref<1x112x64xf32, #tpu.memory_space<vmem>>
      %dma_start3A_731 = tpu.memref_squeeze %dma_start3A_730 : memref<1x112x64xf32, #tpu.memory_space<vmem>> -> memref<112x64xf32, #tpu.memory_space<vmem>>
      %dma_start3A_732 = arith.constant 0 : i32
      %dma_start3A_733 = tpu.memref_slice %arg8[%add3A_715, %dma_start3A_732] : memref<45x112xi32, #tpu.memory_space<vmem>> -> memref<1x112xi32, #tpu.memory_space<vmem>>
      %dma_start3A_734 = tpu.memref_squeeze %dma_start3A_733 : memref<1x112xi32, #tpu.memory_space<vmem>> -> memref<112xi32, #tpu.memory_space<vmem>>
      %dma_start3A_735 = arith.constant 0 : i32
      %dma_start3A_736 = arith.constant 0 : i32
      %dma_start3A_737 = tpu.memref_slice %arg11[%dma_start3A_735, %dma_start3A_736] : memref<10240x64xf32, #tpu.memory_space<vmem_shared>> -> memref<10240x64xf32, #tpu.memory_space<vmem_shared>>
      tpu.enqueue_indirect_dma source(%dma_start3A_731 : memref<112x64xf32, #tpu.memory_space<vmem>>) target(%dma_start3A_737 : memref<10240x64xf32, #tpu.memory_space<vmem_shared>>) offsets(%dma_start3A_734 : memref<112xi32, #tpu.memory_space<vmem>>) semaphore(%arg21 : memref<!tpu.dma_semaphore, #tpu.memory_space<semaphore_mem>>) {add = true}
      %ge3A_738 = arith.constant 1 : i32
      %ge3A_739 = arith.cmpi sge, %add3A_715, %ge3A_738 : i32
      %convert_element_type3A_740 = arith.extui %ge3A_739 : i1 to i32
      %cond3A_741 = arith.constant 0 : i32
      %cond3A_742 = arith.cmpi ne, %convert_element_type3A_740, %cond3A_741 : i32
      scf.if %cond3A_742 {
        %sub3A_752 = arith.constant 1 : i32
        %sub3A_753 = arith.subi %add3A_715, %sub3A_752 : i32
        %dma_wait3A_754 = arith.constant 3 : i32
        %dma_wait3A_755 = arith.constant 0 : i32
        %dma_wait3A_756 = arith.constant 0 : i32
        %dma_wait3A_757 = tpu.memref_slice %arg9[%dma_wait3A_754, %dma_wait3A_755, %dma_wait3A_756] : memref<5x112x64xf32, #tpu.memory_space<vmem>> -> memref<1x112x64xf32, #tpu.memory_space<vmem>>
        %dma_wait3A_758 = tpu.memref_squeeze %dma_wait3A_757 : memref<1x112x64xf32, #tpu.memory_space<vmem>> -> memref<112x64xf32, #tpu.memory_space<vmem>>
        %dma_wait3A_759 = arith.constant 0 : i32
        %dma_wait3A_760 = tpu.memref_slice %arg8[%sub3A_753, %dma_wait3A_759] : memref<45x112xi32, #tpu.memory_space<vmem>> -> memref<1x112xi32, #tpu.memory_space<vmem>>
        %dma_wait3A_761 = tpu.memref_squeeze %dma_wait3A_760 : memref<1x112xi32, #tpu.memory_space<vmem>> -> memref<112xi32, #tpu.memory_space<vmem>>
        %dma_wait3A_762 = arith.constant 0 : i32
        %dma_wait3A_763 = arith.constant 0 : i32
        %dma_wait3A_764 = tpu.memref_slice %arg11[%dma_wait3A_762, %dma_wait3A_763] : memref<10240x64xf32, #tpu.memory_space<vmem_shared>> -> memref<10240x64xf32, #tpu.memory_space<vmem_shared>>
        tpu.wait_indirect_dma semaphore(%arg20 : memref<!tpu.dma_semaphore, #tpu.memory_space<semaphore_mem>>) src(%dma_wait3A_758 : memref<112x64xf32, #tpu.memory_space<vmem>>) dst(%dma_wait3A_764 : memref<10240x64xf32, #tpu.memory_space<vmem_shared>>)
      } else {
      }
      %add3A_743 = arith.constant 5 : i32
      %add3A_744 = arith.addi %add3A_715, %add3A_743 : i32
      %sub3A_745 = arith.constant 1 : i32
      %sub3A_746 = arith.subi %add3A_744, %sub3A_745 : i32
      %le3A_747 = arith.constant 44 : i32
      %le3A_748 = arith.cmpi sle, %sub3A_746, %le3A_747 : i32
      %convert_element_type3A_749 = arith.extui %le3A_748 : i1 to i32
      %cond3A_750 = arith.constant 0 : i32
      %cond3A_751 = arith.cmpi ne, %convert_element_type3A_749, %cond3A_750 : i32
      scf.if %cond3A_751 {
        %add3A_752 = arith.constant 5 : i32
        %add3A_753 = arith.addi %add3A_715, %add3A_752 : i32
        %sub3A_754 = arith.constant 1 : i32
        %sub3A_755 = arith.subi %add3A_753, %sub3A_754 : i32
        %dma_start3A_756 = arith.constant 3 : i32
        %dma_start3A_757 = arith.constant 0 : i32
        %dma_start3A_758 = arith.constant 0 : i32
        %dma_start3A_759 = tpu.memref_slice %arg9[%dma_start3A_756, %dma_start3A_757, %dma_start3A_758] : memref<5x112x64xf32, #tpu.memory_space<vmem>> -> memref<1x112x64xf32, #tpu.memory_space<vmem>>
        %dma_start3A_760 = tpu.memref_squeeze %dma_start3A_759 : memref<1x112x64xf32, #tpu.memory_space<vmem>> -> memref<112x64xf32, #tpu.memory_space<vmem>>
        %dma_start3A_761 = arith.constant 0 : i32
        %dma_start3A_762 = tpu.memref_slice %arg7[%sub3A_755, %dma_start3A_761] : memref<45x112xi32, #tpu.memory_space<vmem>> -> memref<1x112xi32, #tpu.memory_space<vmem>>
        %dma_start3A_763 = tpu.memref_squeeze %dma_start3A_762 : memref<1x112xi32, #tpu.memory_space<vmem>> -> memref<112xi32, #tpu.memory_space<vmem>>
        %dma_start3A_764 = arith.constant 0 : i32
        %dma_start3A_765 = arith.constant 0 : i32
        %dma_start3A_766 = tpu.memref_slice %arg10[%dma_start3A_764, %dma_start3A_765] : memref<10240x64xf32, #tpu.memory_space<vmem_shared>> -> memref<10240x64xf32, #tpu.memory_space<vmem_shared>>
        tpu.enqueue_indirect_dma source(%dma_start3A_766 : memref<10240x64xf32, #tpu.memory_space<vmem_shared>>) target(%dma_start3A_760 : memref<112x64xf32, #tpu.memory_space<vmem>>) offsets(%dma_start3A_763 : memref<112xi32, #tpu.memory_space<vmem>>) semaphore(%arg15 : memref<!tpu.dma_semaphore, #tpu.memory_space<semaphore_mem>>)
      } else {
      }
    }
    %scan3A_256 = arith.constant 9 : i32
    %dma_wait3A_257 = arith.constant 4 : i32
    %dma_wait3A_258 = arith.constant 44 : i32
    %dma_wait3A_259 = arith.constant 0 : i32
    %dma_wait3A_260 = arith.constant 0 : i32
    %dma_wait3A_261 = tpu.memref_slice %arg9[%dma_wait3A_257, %dma_wait3A_259, %dma_wait3A_260] : memref<5x112x64xf32, #tpu.memory_space<vmem>> -> memref<1x112x64xf32, #tpu.memory_space<vmem>>
    %dma_wait3A_262 = tpu.memref_squeeze %dma_wait3A_261 : memref<1x112x64xf32, #tpu.memory_space<vmem>> -> memref<112x64xf32, #tpu.memory_space<vmem>>
    %dma_wait3A_263 = arith.constant 0 : i32
    %dma_wait3A_264 = tpu.memref_slice %arg8[%dma_wait3A_258, %dma_wait3A_263] : memref<45x112xi32, #tpu.memory_space<vmem>> -> memref<1x112xi32, #tpu.memory_space<vmem>>
    %dma_wait3A_265 = tpu.memref_squeeze %dma_wait3A_264 : memref<1x112xi32, #tpu.memory_space<vmem>> -> memref<112xi32, #tpu.memory_space<vmem>>
    %dma_wait3A_266 = arith.constant 0 : i32
    %dma_wait3A_267 = arith.constant 0 : i32
    %dma_wait3A_268 = tpu.memref_slice %arg11[%dma_wait3A_266, %dma_wait3A_267] : memref<10240x64xf32, #tpu.memory_space<vmem_shared>> -> memref<10240x64xf32, #tpu.memory_space<vmem_shared>>
    tpu.wait_indirect_dma semaphore(%arg21 : memref<!tpu.dma_semaphore, #tpu.memory_space<semaphore_mem>>) src(%dma_wait3A_262 : memref<112x64xf32, #tpu.memory_space<vmem>>) dst(%dma_wait3A_268 : memref<10240x64xf32, #tpu.memory_space<vmem_shared>>)
    %barrier3A_269 = arith.constant 0 : index
    tpu.barrier barrier_id(%barrier3A_269)
    %mul3A_270 = arith.constant 640 : i32
    %mul3A_271 = arith.muli %arg1, %mul3A_270 : i32
    %mul3A_272 = arith.constant 640 : i32
    %mul3A_273 = arith.muli %arg1, %mul3A_272 : i32
    "tpu.region"() ({
      %run_scoped3A = tpu.sem_alloc : memref<!tpu.dma_semaphore, #tpu.memory_space<semaphore_mem>>
      %dma_start3A_556 = arith.constant 0 : i32
      %dma_start3A_557 = arith.constant 0 : i32
      %dma_start3A_558 = tpu.memref_slice %arg6[%add3A_1, %dma_start3A_556, %dma_start3A_557] : memref<4x10240x64xf32, #tpu.memory_space<hbm>> -> memref<1x10240x64xf32, #tpu.memory_space<hbm>>
      %dma_start3A_559 = tpu.memref_squeeze %dma_start3A_558 : memref<1x10240x64xf32, #tpu.memory_space<hbm>> -> memref<10240x64xf32, #tpu.memory_space<hbm>>
      %dma_start3A_560 = arith.constant 0 : i32
      %dma_start3A_561 = tpu.memref_slice %dma_start3A_559[%mul3A_273, %dma_start3A_560] : memref<10240x64xf32, #tpu.memory_space<hbm>> -> memref<640x64xf32, #tpu.memory_space<hbm>>
      %dma_start3A_562 = arith.constant 0 : i32
      %dma_start3A_563 = tpu.memref_slice %arg11[%mul3A_271, %dma_start3A_562] : memref<10240x64xf32, #tpu.memory_space<vmem_shared>> -> memref<640x64xf32, #tpu.memory_space<vmem_shared>>
      tpu.enqueue_dma source(%dma_start3A_563 : memref<640x64xf32, #tpu.memory_space<vmem_shared>>) target(%dma_start3A_561 : memref<640x64xf32, #tpu.memory_space<hbm>>) target_semaphore(%run_scoped3A : memref<!tpu.dma_semaphore, #tpu.memory_space<semaphore_mem>>)
      %dma_wait3A_564 = arith.constant 0 : i32
      %dma_wait3A_565 = arith.constant 0 : i32
      %dma_wait3A_566 = tpu.memref_slice %arg6[%add3A_1, %dma_wait3A_564, %dma_wait3A_565] : memref<4x10240x64xf32, #tpu.memory_space<hbm>> -> memref<1x10240x64xf32, #tpu.memory_space<hbm>>
      %dma_wait3A_567 = tpu.memref_squeeze %dma_wait3A_566 : memref<1x10240x64xf32, #tpu.memory_space<hbm>> -> memref<10240x64xf32, #tpu.memory_space<hbm>>
      %dma_wait3A_568 = arith.constant 0 : i32
      %dma_wait3A_569 = tpu.memref_slice %dma_wait3A_567[%mul3A_273, %dma_wait3A_568] : memref<10240x64xf32, #tpu.memory_space<hbm>> -> memref<640x64xf32, #tpu.memory_space<hbm>>
      %dma_wait3A_570 = arith.constant 0 : i32
      %dma_wait3A_571 = tpu.memref_slice %arg11[%mul3A_271, %dma_wait3A_570] : memref<10240x64xf32, #tpu.memory_space<vmem_shared>> -> memref<640x64xf32, #tpu.memory_space<vmem_shared>>
      tpu.wait_dma2 semaphore(%run_scoped3A : memref<!tpu.dma_semaphore, #tpu.memory_space<semaphore_mem>>) src(%dma_wait3A_571 : memref<640x64xf32, #tpu.memory_space<vmem_shared>>) dst(%dma_wait3A_569 : memref<640x64xf32, #tpu.memory_space<hbm>>)
      tpu.yield
    }) : () -> ()
    %barrier3A_274 = arith.constant 0 : index
    tpu.barrier barrier_id(%barrier3A_274)
    %mul3A_275 = arith.constant 2 : i32
    %mul3A_276 = arith.muli %mul3A_275, %arg0 : i32
    %add3A_277 = arith.constant 1 : i32
    %add3A_278 = arith.addi %mul3A_276, %add3A_277 : i32
    %mul3A_279 = arith.constant 640 : i32
    %mul3A_280 = arith.muli %arg1, %mul3A_279 : i32
    %mul3A_281 = arith.constant 640 : i32
    %mul3A_282 = arith.muli %arg1, %mul3A_281 : i32
    "tpu.region"() ({
      %run_scoped3A = tpu.sem_alloc : memref<!tpu.dma_semaphore, #tpu.memory_space<semaphore_mem>>
      %dma_start3A_556 = arith.constant 0 : i32
      %dma_start3A_557 = tpu.memref_slice %arg10[%mul3A_282, %dma_start3A_556] : memref<10240x64xf32, #tpu.memory_space<vmem_shared>> -> memref<640x64xf32, #tpu.memory_space<vmem_shared>>
      %dma_start3A_558 = arith.constant 0 : i32
      %dma_start3A_559 = arith.constant 0 : i32
      %dma_start3A_560 = tpu.memref_slice %arg2[%add3A_278, %dma_start3A_558, %dma_start3A_559] : memref<4x10240x64xf32, #tpu.memory_space<hbm>> -> memref<1x10240x64xf32, #tpu.memory_space<hbm>>
      %dma_start3A_561 = tpu.memref_squeeze %dma_start3A_560 : memref<1x10240x64xf32, #tpu.memory_space<hbm>> -> memref<10240x64xf32, #tpu.memory_space<hbm>>
      %dma_start3A_562 = arith.constant 0 : i32
      %dma_start3A_563 = tpu.memref_slice %dma_start3A_561[%mul3A_280, %dma_start3A_562] : memref<10240x64xf32, #tpu.memory_space<hbm>> -> memref<640x64xf32, #tpu.memory_space<hbm>>
      tpu.enqueue_dma source(%dma_start3A_563 : memref<640x64xf32, #tpu.memory_space<hbm>>) target(%dma_start3A_557 : memref<640x64xf32, #tpu.memory_space<vmem_shared>>) target_semaphore(%run_scoped3A : memref<!tpu.dma_semaphore, #tpu.memory_space<semaphore_mem>>)
      %dma_wait3A_564 = arith.constant 0 : i32
      %dma_wait3A_565 = tpu.memref_slice %arg10[%mul3A_282, %dma_wait3A_564] : memref<10240x64xf32, #tpu.memory_space<vmem_shared>> -> memref<640x64xf32, #tpu.memory_space<vmem_shared>>
      %dma_wait3A_566 = arith.constant 0 : i32
      %dma_wait3A_567 = arith.constant 0 : i32
      %dma_wait3A_568 = tpu.memref_slice %arg2[%add3A_278, %dma_wait3A_566, %dma_wait3A_567] : memref<4x10240x64xf32, #tpu.memory_space<hbm>> -> memref<1x10240x64xf32, #tpu.memory_space<hbm>>
      %dma_wait3A_569 = tpu.memref_squeeze %dma_wait3A_568 : memref<1x10240x64xf32, #tpu.memory_space<hbm>> -> memref<10240x64xf32, #tpu.memory_space<hbm>>
      %dma_wait3A_570 = arith.constant 0 : i32
      %dma_wait3A_571 = tpu.memref_slice %dma_wait3A_569[%mul3A_280, %dma_wait3A_570] : memref<10240x64xf32, #tpu.memory_space<hbm>> -> memref<640x64xf32, #tpu.memory_space<hbm>>
      tpu.wait_dma2 semaphore(%run_scoped3A : memref<!tpu.dma_semaphore, #tpu.memory_space<semaphore_mem>>) src(%dma_wait3A_571 : memref<640x64xf32, #tpu.memory_space<hbm>>) dst(%dma_wait3A_565 : memref<640x64xf32, #tpu.memory_space<vmem_shared>>)
      tpu.yield
    }) : () -> ()
    %mul3A_283 = arith.constant 640 : i32
    %mul3A_284 = arith.muli %arg1, %mul3A_283 : i32
    "tpu.region"() ({
      %run_scoped3A = tpu.sem_alloc : memref<!tpu.dma_semaphore, #tpu.memory_space<semaphore_mem>>
      %dma_start3A_556 = arith.constant 0 : i32
      %dma_start3A_557 = tpu.memref_slice %arg11[%mul3A_284, %dma_start3A_556] : memref<10240x64xf32, #tpu.memory_space<vmem_shared>> -> memref<640x64xf32, #tpu.memory_space<vmem_shared>>
      tpu.enqueue_dma source(%arg5 : memref<640x64xf32, #tpu.memory_space<hbm>>) target(%dma_start3A_557 : memref<640x64xf32, #tpu.memory_space<vmem_shared>>) target_semaphore(%run_scoped3A : memref<!tpu.dma_semaphore, #tpu.memory_space<semaphore_mem>>)
      %dma_wait3A_558 = arith.constant 0 : i32
      %dma_wait3A_559 = tpu.memref_slice %arg11[%mul3A_284, %dma_wait3A_558] : memref<10240x64xf32, #tpu.memory_space<vmem_shared>> -> memref<640x64xf32, #tpu.memory_space<vmem_shared>>
      tpu.wait_dma2 semaphore(%run_scoped3A : memref<!tpu.dma_semaphore, #tpu.memory_space<semaphore_mem>>) src(%arg5 : memref<640x64xf32, #tpu.memory_space<hbm>>) dst(%dma_wait3A_559 : memref<640x64xf32, #tpu.memory_space<vmem_shared>>)
      tpu.yield
    }) : () -> ()
    %barrier3A_285 = arith.constant 0 : index
    tpu.barrier barrier_id(%barrier3A_285)
    "tpu.region"() ({
      %run_scoped3A = tpu.sem_alloc : memref<!tpu.dma_semaphore, #tpu.memory_space<semaphore_mem>>
      %dma_start3A_556 = arith.constant 0 : i32
      %dma_start3A_557 = arith.constant 0 : i32
      %dma_start3A_558 = tpu.memref_slice %arg3[%arg1, %dma_start3A_556, %dma_start3A_557] : memref<16x180x112xi32, #tpu.memory_space<hbm>> -> memref<1x180x112xi32, #tpu.memory_space<hbm>>
      %dma_start3A_559 = tpu.memref_squeeze %dma_start3A_558 : memref<1x180x112xi32, #tpu.memory_space<hbm>> -> memref<180x112xi32, #tpu.memory_space<hbm>>
      %dma_start3A_560 = arith.constant 0 : i32
      %dma_start3A_561 = arith.constant 0 : i32
      %dma_start3A_562 = tpu.memref_slice %dma_start3A_559[%dma_start3A_560, %dma_start3A_561] : memref<180x112xi32, #tpu.memory_space<hbm>> -> memref<45x112xi32, #tpu.memory_space<hbm>>
      %dma_start3A_563 = arith.constant 0 : i32
      %dma_start3A_564 = arith.constant 0 : i32
      %dma_start3A_565 = tpu.memref_slice %arg3[%arg1, %dma_start3A_563, %dma_start3A_564] : memref<16x180x112xi32, #tpu.memory_space<hbm>> -> memref<1x180x112xi32, #tpu.memory_space<hbm>>
      %dma_start3A_566 = tpu.memref_squeeze %dma_start3A_565 : memref<1x180x112xi32, #tpu.memory_space<hbm>> -> memref<180x112xi32, #tpu.memory_space<hbm>>
      %dma_start3A_567 = arith.constant 0 : i32
      %dma_start3A_568 = arith.constant 0 : i32
      %dma_start3A_569 = tpu.memref_slice %dma_start3A_566[%dma_start3A_567, %dma_start3A_568] : memref<180x112xi32, #tpu.memory_space<hbm>> -> memref<45x112xi32, #tpu.memory_space<hbm>>
      tpu.enqueue_dma source(%dma_start3A_569 : memref<45x112xi32, #tpu.memory_space<hbm>>) target(%arg7 : memref<45x112xi32, #tpu.memory_space<vmem>>) target_semaphore(%run_scoped3A : memref<!tpu.dma_semaphore, #tpu.memory_space<semaphore_mem>>)
      %dma_wait3A_570 = arith.constant 0 : i32
      %dma_wait3A_571 = arith.constant 0 : i32
      %dma_wait3A_572 = tpu.memref_slice %arg3[%arg1, %dma_wait3A_570, %dma_wait3A_571] : memref<16x180x112xi32, #tpu.memory_space<hbm>> -> memref<1x180x112xi32, #tpu.memory_space<hbm>>
      %dma_wait3A_573 = tpu.memref_squeeze %dma_wait3A_572 : memref<1x180x112xi32, #tpu.memory_space<hbm>> -> memref<180x112xi32, #tpu.memory_space<hbm>>
      %dma_wait3A_574 = arith.constant 0 : i32
      %dma_wait3A_575 = arith.constant 0 : i32
      %dma_wait3A_576 = tpu.memref_slice %dma_wait3A_573[%dma_wait3A_574, %dma_wait3A_575] : memref<180x112xi32, #tpu.memory_space<hbm>> -> memref<45x112xi32, #tpu.memory_space<hbm>>
      %dma_wait3A_577 = arith.constant 0 : i32
      %dma_wait3A_578 = arith.constant 0 : i32
      %dma_wait3A_579 = tpu.memref_slice %arg3[%arg1, %dma_wait3A_577, %dma_wait3A_578] : memref<16x180x112xi32, #tpu.memory_space<hbm>> -> memref<1x180x112xi32, #tpu.memory_space<hbm>>
      %dma_wait3A_580 = tpu.memref_squeeze %dma_wait3A_579 : memref<1x180x112xi32, #tpu.memory_space<hbm>> -> memref<180x112xi32, #tpu.memory_space<hbm>>
      %dma_wait3A_581 = arith.constant 0 : i32
      %dma_wait3A_582 = arith.constant 0 : i32
      %dma_wait3A_583 = tpu.memref_slice %dma_wait3A_580[%dma_wait3A_581, %dma_wait3A_582] : memref<180x112xi32, #tpu.memory_space<hbm>> -> memref<45x112xi32, #tpu.memory_space<hbm>>
      tpu.wait_dma2 semaphore(%run_scoped3A : memref<!tpu.dma_semaphore, #tpu.memory_space<semaphore_mem>>) src(%dma_wait3A_583 : memref<45x112xi32, #tpu.memory_space<hbm>>) dst(%arg7 : memref<45x112xi32, #tpu.memory_space<vmem>>)
      tpu.yield
    }) : () -> ()
    "tpu.region"() ({
      %run_scoped3A = tpu.sem_alloc : memref<!tpu.dma_semaphore, #tpu.memory_space<semaphore_mem>>
      %dma_start3A_556 = arith.constant 0 : i32
      %dma_start3A_557 = arith.constant 0 : i32
      %dma_start3A_558 = tpu.memref_slice %arg4[%arg1, %dma_start3A_556, %dma_start3A_557] : memref<16x180x112xi32, #tpu.memory_space<hbm>> -> memref<1x180x112xi32, #tpu.memory_space<hbm>>
      %dma_start3A_559 = tpu.memref_squeeze %dma_start3A_558 : memref<1x180x112xi32, #tpu.memory_space<hbm>> -> memref<180x112xi32, #tpu.memory_space<hbm>>
      %dma_start3A_560 = arith.constant 0 : i32
      %dma_start3A_561 = arith.constant 0 : i32
      %dma_start3A_562 = tpu.memref_slice %dma_start3A_559[%dma_start3A_560, %dma_start3A_561] : memref<180x112xi32, #tpu.memory_space<hbm>> -> memref<45x112xi32, #tpu.memory_space<hbm>>
      %dma_start3A_563 = arith.constant 0 : i32
      %dma_start3A_564 = arith.constant 0 : i32
      %dma_start3A_565 = tpu.memref_slice %arg4[%arg1, %dma_start3A_563, %dma_start3A_564] : memref<16x180x112xi32, #tpu.memory_space<hbm>> -> memref<1x180x112xi32, #tpu.memory_space<hbm>>
      %dma_start3A_566 = tpu.memref_squeeze %dma_start3A_565 : memref<1x180x112xi32, #tpu.memory_space<hbm>> -> memref<180x112xi32, #tpu.memory_space<hbm>>
      %dma_start3A_567 = arith.constant 0 : i32
      %dma_start3A_568 = arith.constant 0 : i32
      %dma_start3A_569 = tpu.memref_slice %dma_start3A_566[%dma_start3A_567, %dma_start3A_568] : memref<180x112xi32, #tpu.memory_space<hbm>> -> memref<45x112xi32, #tpu.memory_space<hbm>>
      tpu.enqueue_dma source(%dma_start3A_569 : memref<45x112xi32, #tpu.memory_space<hbm>>) target(%arg8 : memref<45x112xi32, #tpu.memory_space<vmem>>) target_semaphore(%run_scoped3A : memref<!tpu.dma_semaphore, #tpu.memory_space<semaphore_mem>>)
      %dma_wait3A_570 = arith.constant 0 : i32
      %dma_wait3A_571 = arith.constant 0 : i32
      %dma_wait3A_572 = tpu.memref_slice %arg4[%arg1, %dma_wait3A_570, %dma_wait3A_571] : memref<16x180x112xi32, #tpu.memory_space<hbm>> -> memref<1x180x112xi32, #tpu.memory_space<hbm>>
      %dma_wait3A_573 = tpu.memref_squeeze %dma_wait3A_572 : memref<1x180x112xi32, #tpu.memory_space<hbm>> -> memref<180x112xi32, #tpu.memory_space<hbm>>
      %dma_wait3A_574 = arith.constant 0 : i32
      %dma_wait3A_575 = arith.constant 0 : i32
      %dma_wait3A_576 = tpu.memref_slice %dma_wait3A_573[%dma_wait3A_574, %dma_wait3A_575] : memref<180x112xi32, #tpu.memory_space<hbm>> -> memref<45x112xi32, #tpu.memory_space<hbm>>
      %dma_wait3A_577 = arith.constant 0 : i32
      %dma_wait3A_578 = arith.constant 0 : i32
      %dma_wait3A_579 = tpu.memref_slice %arg4[%arg1, %dma_wait3A_577, %dma_wait3A_578] : memref<16x180x112xi32, #tpu.memory_space<hbm>> -> memref<1x180x112xi32, #tpu.memory_space<hbm>>
      %dma_wait3A_580 = tpu.memref_squeeze %dma_wait3A_579 : memref<1x180x112xi32, #tpu.memory_space<hbm>> -> memref<180x112xi32, #tpu.memory_space<hbm>>
      %dma_wait3A_581 = arith.constant 0 : i32
      %dma_wait3A_582 = arith.constant 0 : i32
      %dma_wait3A_583 = tpu.memref_slice %dma_wait3A_580[%dma_wait3A_581, %dma_wait3A_582] : memref<180x112xi32, #tpu.memory_space<hbm>> -> memref<45x112xi32, #tpu.memory_space<hbm>>
      tpu.wait_dma2 semaphore(%run_scoped3A : memref<!tpu.dma_semaphore, #tpu.memory_space<semaphore_mem>>) src(%dma_wait3A_583 : memref<45x112xi32, #tpu.memory_space<hbm>>) dst(%arg8 : memref<45x112xi32, #tpu.memory_space<vmem>>)
      tpu.yield
    }) : () -> ()
    %dma_start3A_286 = arith.constant 0 : i32
    %dma_start3A_287 = arith.constant 0 : i32
    %dma_start3A_288 = arith.constant 0 : i32
    %dma_start3A_289 = arith.constant 0 : i32
    %dma_start3A_290 = tpu.memref_slice %arg9[%dma_start3A_287, %dma_start3A_288, %dma_start3A_289] : memref<5x112x64xf32, #tpu.memory_space<vmem>> -> memref<1x112x64xf32, #tpu.memory_space<vmem>>
    %dma_start3A_291 = tpu.memref_squeeze %dma_start3A_290 : memref<1x112x64xf32, #tpu.memory_space<vmem>> -> memref<112x64xf32, #tpu.memory_space<vmem>>
    %dma_start3A_292 = arith.constant 0 : i32
    %dma_start3A_293 = tpu.memref_slice %arg7[%dma_start3A_286, %dma_start3A_292] : memref<45x112xi32, #tpu.memory_space<vmem>> -> memref<1x112xi32, #tpu.memory_space<vmem>>
    %dma_start3A_294 = tpu.memref_squeeze %dma_start3A_293 : memref<1x112xi32, #tpu.memory_space<vmem>> -> memref<112xi32, #tpu.memory_space<vmem>>
    %dma_start3A_295 = arith.constant 0 : i32
    %dma_start3A_296 = arith.constant 0 : i32
    %dma_start3A_297 = tpu.memref_slice %arg10[%dma_start3A_295, %dma_start3A_296] : memref<10240x64xf32, #tpu.memory_space<vmem_shared>> -> memref<10240x64xf32, #tpu.memory_space<vmem_shared>>
    tpu.enqueue_indirect_dma source(%dma_start3A_297 : memref<10240x64xf32, #tpu.memory_space<vmem_shared>>) target(%dma_start3A_291 : memref<112x64xf32, #tpu.memory_space<vmem>>) offsets(%dma_start3A_294 : memref<112xi32, #tpu.memory_space<vmem>>) semaphore(%arg12 : memref<!tpu.dma_semaphore, #tpu.memory_space<semaphore_mem>>)
    %dma_start3A_298 = arith.constant 1 : i32
    %dma_start3A_299 = arith.constant 1 : i32
    %dma_start3A_300 = arith.constant 0 : i32
    %dma_start3A_301 = arith.constant 0 : i32
    %dma_start3A_302 = tpu.memref_slice %arg9[%dma_start3A_299, %dma_start3A_300, %dma_start3A_301] : memref<5x112x64xf32, #tpu.memory_space<vmem>> -> memref<1x112x64xf32, #tpu.memory_space<vmem>>
    %dma_start3A_303 = tpu.memref_squeeze %dma_start3A_302 : memref<1x112x64xf32, #tpu.memory_space<vmem>> -> memref<112x64xf32, #tpu.memory_space<vmem>>
    %dma_start3A_304 = arith.constant 0 : i32
    %dma_start3A_305 = tpu.memref_slice %arg7[%dma_start3A_298, %dma_start3A_304] : memref<45x112xi32, #tpu.memory_space<vmem>> -> memref<1x112xi32, #tpu.memory_space<vmem>>
    %dma_start3A_306 = tpu.memref_squeeze %dma_start3A_305 : memref<1x112xi32, #tpu.memory_space<vmem>> -> memref<112xi32, #tpu.memory_space<vmem>>
    %dma_start3A_307 = arith.constant 0 : i32
    %dma_start3A_308 = arith.constant 0 : i32
    %dma_start3A_309 = tpu.memref_slice %arg10[%dma_start3A_307, %dma_start3A_308] : memref<10240x64xf32, #tpu.memory_space<vmem_shared>> -> memref<10240x64xf32, #tpu.memory_space<vmem_shared>>
    tpu.enqueue_indirect_dma source(%dma_start3A_309 : memref<10240x64xf32, #tpu.memory_space<vmem_shared>>) target(%dma_start3A_303 : memref<112x64xf32, #tpu.memory_space<vmem>>) offsets(%dma_start3A_306 : memref<112xi32, #tpu.memory_space<vmem>>) semaphore(%arg13 : memref<!tpu.dma_semaphore, #tpu.memory_space<semaphore_mem>>)
    %dma_start3A_310 = arith.constant 2 : i32
    %dma_start3A_311 = arith.constant 2 : i32
    %dma_start3A_312 = arith.constant 0 : i32
    %dma_start3A_313 = arith.constant 0 : i32
    %dma_start3A_314 = tpu.memref_slice %arg9[%dma_start3A_311, %dma_start3A_312, %dma_start3A_313] : memref<5x112x64xf32, #tpu.memory_space<vmem>> -> memref<1x112x64xf32, #tpu.memory_space<vmem>>
    %dma_start3A_315 = tpu.memref_squeeze %dma_start3A_314 : memref<1x112x64xf32, #tpu.memory_space<vmem>> -> memref<112x64xf32, #tpu.memory_space<vmem>>
    %dma_start3A_316 = arith.constant 0 : i32
    %dma_start3A_317 = tpu.memref_slice %arg7[%dma_start3A_310, %dma_start3A_316] : memref<45x112xi32, #tpu.memory_space<vmem>> -> memref<1x112xi32, #tpu.memory_space<vmem>>
    %dma_start3A_318 = tpu.memref_squeeze %dma_start3A_317 : memref<1x112xi32, #tpu.memory_space<vmem>> -> memref<112xi32, #tpu.memory_space<vmem>>
    %dma_start3A_319 = arith.constant 0 : i32
    %dma_start3A_320 = arith.constant 0 : i32
    %dma_start3A_321 = tpu.memref_slice %arg10[%dma_start3A_319, %dma_start3A_320] : memref<10240x64xf32, #tpu.memory_space<vmem_shared>> -> memref<10240x64xf32, #tpu.memory_space<vmem_shared>>
    tpu.enqueue_indirect_dma source(%dma_start3A_321 : memref<10240x64xf32, #tpu.memory_space<vmem_shared>>) target(%dma_start3A_315 : memref<112x64xf32, #tpu.memory_space<vmem>>) offsets(%dma_start3A_318 : memref<112xi32, #tpu.memory_space<vmem>>) semaphore(%arg14 : memref<!tpu.dma_semaphore, #tpu.memory_space<semaphore_mem>>)
    %dma_start3A_322 = arith.constant 3 : i32
    %dma_start3A_323 = arith.constant 3 : i32
    %dma_start3A_324 = arith.constant 0 : i32
    %dma_start3A_325 = arith.constant 0 : i32
    %dma_start3A_326 = tpu.memref_slice %arg9[%dma_start3A_323, %dma_start3A_324, %dma_start3A_325] : memref<5x112x64xf32, #tpu.memory_space<vmem>> -> memref<1x112x64xf32, #tpu.memory_space<vmem>>
    %dma_start3A_327 = tpu.memref_squeeze %dma_start3A_326 : memref<1x112x64xf32, #tpu.memory_space<vmem>> -> memref<112x64xf32, #tpu.memory_space<vmem>>
    %dma_start3A_328 = arith.constant 0 : i32
    %dma_start3A_329 = tpu.memref_slice %arg7[%dma_start3A_322, %dma_start3A_328] : memref<45x112xi32, #tpu.memory_space<vmem>> -> memref<1x112xi32, #tpu.memory_space<vmem>>
    %dma_start3A_330 = tpu.memref_squeeze %dma_start3A_329 : memref<1x112xi32, #tpu.memory_space<vmem>> -> memref<112xi32, #tpu.memory_space<vmem>>
    %dma_start3A_331 = arith.constant 0 : i32
    %dma_start3A_332 = arith.constant 0 : i32
    %dma_start3A_333 = tpu.memref_slice %arg10[%dma_start3A_331, %dma_start3A_332] : memref<10240x64xf32, #tpu.memory_space<vmem_shared>> -> memref<10240x64xf32, #tpu.memory_space<vmem_shared>>
    tpu.enqueue_indirect_dma source(%dma_start3A_333 : memref<10240x64xf32, #tpu.memory_space<vmem_shared>>) target(%dma_start3A_327 : memref<112x64xf32, #tpu.memory_space<vmem>>) offsets(%dma_start3A_330 : memref<112xi32, #tpu.memory_space<vmem>>) semaphore(%arg15 : memref<!tpu.dma_semaphore, #tpu.memory_space<semaphore_mem>>)
    %scan3A_334 = arith.constant 0 : i32
    %scan3A_335 = arith.constant 0 : i32
    %scan3A_336 = arith.constant 9 : i32
    %scan3A_337 = arith.addi %scan3A_335, %scan3A_336 : i32
    %scan3A_338 = arith.constant 1 : i32
    scf.for %scan3A_556 = %scan3A_335 to %scan3A_337 step %scan3A_338  : i32 {
      %mul3A_557 = arith.constant 5 : i32
      %mul3A_558 = arith.muli %mul3A_557, %scan3A_556 : i32
      %add3A_559 = arith.constant 0 : i32
      %add3A_560 = arith.addi %mul3A_558, %add3A_559 : i32
      %dma_wait3A_561 = arith.constant 0 : i32
      %dma_wait3A_562 = arith.constant 0 : i32
      %dma_wait3A_563 = arith.constant 0 : i32
      %dma_wait3A_564 = tpu.memref_slice %arg9[%dma_wait3A_561, %dma_wait3A_562, %dma_wait3A_563] : memref<5x112x64xf32, #tpu.memory_space<vmem>> -> memref<1x112x64xf32, #tpu.memory_space<vmem>>
      %dma_wait3A_565 = tpu.memref_squeeze %dma_wait3A_564 : memref<1x112x64xf32, #tpu.memory_space<vmem>> -> memref<112x64xf32, #tpu.memory_space<vmem>>
      %dma_wait3A_566 = arith.constant 0 : i32
      %dma_wait3A_567 = tpu.memref_slice %arg7[%add3A_560, %dma_wait3A_566] : memref<45x112xi32, #tpu.memory_space<vmem>> -> memref<1x112xi32, #tpu.memory_space<vmem>>
      %dma_wait3A_568 = tpu.memref_squeeze %dma_wait3A_567 : memref<1x112xi32, #tpu.memory_space<vmem>> -> memref<112xi32, #tpu.memory_space<vmem>>
      %dma_wait3A_569 = arith.constant 0 : i32
      %dma_wait3A_570 = arith.constant 0 : i32
      %dma_wait3A_571 = tpu.memref_slice %arg10[%dma_wait3A_569, %dma_wait3A_570] : memref<10240x64xf32, #tpu.memory_space<vmem_shared>> -> memref<10240x64xf32, #tpu.memory_space<vmem_shared>>
      tpu.wait_indirect_dma semaphore(%arg12 : memref<!tpu.dma_semaphore, #tpu.memory_space<semaphore_mem>>) src(%dma_wait3A_571 : memref<10240x64xf32, #tpu.memory_space<vmem_shared>>) dst(%dma_wait3A_565 : memref<112x64xf32, #tpu.memory_space<vmem>>)
      %dma_start3A_572 = arith.constant 0 : i32
      %dma_start3A_573 = arith.constant 0 : i32
      %dma_start3A_574 = arith.constant 0 : i32
      %dma_start3A_575 = tpu.memref_slice %arg9[%dma_start3A_572, %dma_start3A_573, %dma_start3A_574] : memref<5x112x64xf32, #tpu.memory_space<vmem>> -> memref<1x112x64xf32, #tpu.memory_space<vmem>>
      %dma_start3A_576 = tpu.memref_squeeze %dma_start3A_575 : memref<1x112x64xf32, #tpu.memory_space<vmem>> -> memref<112x64xf32, #tpu.memory_space<vmem>>
      %dma_start3A_577 = arith.constant 0 : i32
      %dma_start3A_578 = tpu.memref_slice %arg8[%add3A_560, %dma_start3A_577] : memref<45x112xi32, #tpu.memory_space<vmem>> -> memref<1x112xi32, #tpu.memory_space<vmem>>
      %dma_start3A_579 = tpu.memref_squeeze %dma_start3A_578 : memref<1x112xi32, #tpu.memory_space<vmem>> -> memref<112xi32, #tpu.memory_space<vmem>>
      %dma_start3A_580 = arith.constant 0 : i32
      %dma_start3A_581 = arith.constant 0 : i32
      %dma_start3A_582 = tpu.memref_slice %arg11[%dma_start3A_580, %dma_start3A_581] : memref<10240x64xf32, #tpu.memory_space<vmem_shared>> -> memref<10240x64xf32, #tpu.memory_space<vmem_shared>>
      tpu.enqueue_indirect_dma source(%dma_start3A_576 : memref<112x64xf32, #tpu.memory_space<vmem>>) target(%dma_start3A_582 : memref<10240x64xf32, #tpu.memory_space<vmem_shared>>) offsets(%dma_start3A_579 : memref<112xi32, #tpu.memory_space<vmem>>) semaphore(%arg17 : memref<!tpu.dma_semaphore, #tpu.memory_space<semaphore_mem>>) {add = true}
      %ge3A = arith.constant 1 : i32
      %ge3A_583 = arith.cmpi sge, %add3A_560, %ge3A : i32
      %convert_element_type3A = arith.extui %ge3A_583 : i1 to i32
      %cond3A = arith.constant 0 : i32
      %cond3A_584 = arith.cmpi ne, %convert_element_type3A, %cond3A : i32
      scf.if %cond3A_584 {
        %sub3A_752 = arith.constant 1 : i32
        %sub3A_753 = arith.subi %add3A_560, %sub3A_752 : i32
        %dma_wait3A_754 = arith.constant 4 : i32
        %dma_wait3A_755 = arith.constant 0 : i32
        %dma_wait3A_756 = arith.constant 0 : i32
        %dma_wait3A_757 = tpu.memref_slice %arg9[%dma_wait3A_754, %dma_wait3A_755, %dma_wait3A_756] : memref<5x112x64xf32, #tpu.memory_space<vmem>> -> memref<1x112x64xf32, #tpu.memory_space<vmem>>
        %dma_wait3A_758 = tpu.memref_squeeze %dma_wait3A_757 : memref<1x112x64xf32, #tpu.memory_space<vmem>> -> memref<112x64xf32, #tpu.memory_space<vmem>>
        %dma_wait3A_759 = arith.constant 0 : i32
        %dma_wait3A_760 = tpu.memref_slice %arg8[%sub3A_753, %dma_wait3A_759] : memref<45x112xi32, #tpu.memory_space<vmem>> -> memref<1x112xi32, #tpu.memory_space<vmem>>
        %dma_wait3A_761 = tpu.memref_squeeze %dma_wait3A_760 : memref<1x112xi32, #tpu.memory_space<vmem>> -> memref<112xi32, #tpu.memory_space<vmem>>
        %dma_wait3A_762 = arith.constant 0 : i32
        %dma_wait3A_763 = arith.constant 0 : i32
        %dma_wait3A_764 = tpu.memref_slice %arg11[%dma_wait3A_762, %dma_wait3A_763] : memref<10240x64xf32, #tpu.memory_space<vmem_shared>> -> memref<10240x64xf32, #tpu.memory_space<vmem_shared>>
        tpu.wait_indirect_dma semaphore(%arg21 : memref<!tpu.dma_semaphore, #tpu.memory_space<semaphore_mem>>) src(%dma_wait3A_758 : memref<112x64xf32, #tpu.memory_space<vmem>>) dst(%dma_wait3A_764 : memref<10240x64xf32, #tpu.memory_space<vmem_shared>>)
      } else {
      }
      %add3A_585 = arith.constant 5 : i32
      %add3A_586 = arith.addi %add3A_560, %add3A_585 : i32
      %sub3A = arith.constant 1 : i32
      %sub3A_587 = arith.subi %add3A_586, %sub3A : i32
      %le3A = arith.constant 44 : i32
      %le3A_588 = arith.cmpi sle, %sub3A_587, %le3A : i32
      %convert_element_type3A_589 = arith.extui %le3A_588 : i1 to i32
      %cond3A_590 = arith.constant 0 : i32
      %cond3A_591 = arith.cmpi ne, %convert_element_type3A_589, %cond3A_590 : i32
      scf.if %cond3A_591 {
        %add3A_752 = arith.constant 5 : i32
        %add3A_753 = arith.addi %add3A_560, %add3A_752 : i32
        %sub3A_754 = arith.constant 1 : i32
        %sub3A_755 = arith.subi %add3A_753, %sub3A_754 : i32
        %dma_start3A_756 = arith.constant 4 : i32
        %dma_start3A_757 = arith.constant 0 : i32
        %dma_start3A_758 = arith.constant 0 : i32
        %dma_start3A_759 = tpu.memref_slice %arg9[%dma_start3A_756, %dma_start3A_757, %dma_start3A_758] : memref<5x112x64xf32, #tpu.memory_space<vmem>> -> memref<1x112x64xf32, #tpu.memory_space<vmem>>
        %dma_start3A_760 = tpu.memref_squeeze %dma_start3A_759 : memref<1x112x64xf32, #tpu.memory_space<vmem>> -> memref<112x64xf32, #tpu.memory_space<vmem>>
        %dma_start3A_761 = arith.constant 0 : i32
        %dma_start3A_762 = tpu.memref_slice %arg7[%sub3A_755, %dma_start3A_761] : memref<45x112xi32, #tpu.memory_space<vmem>> -> memref<1x112xi32, #tpu.memory_space<vmem>>
        %dma_start3A_763 = tpu.memref_squeeze %dma_start3A_762 : memref<1x112xi32, #tpu.memory_space<vmem>> -> memref<112xi32, #tpu.memory_space<vmem>>
        %dma_start3A_764 = arith.constant 0 : i32
        %dma_start3A_765 = arith.constant 0 : i32
        %dma_start3A_766 = tpu.memref_slice %arg10[%dma_start3A_764, %dma_start3A_765] : memref<10240x64xf32, #tpu.memory_space<vmem_shared>> -> memref<10240x64xf32, #tpu.memory_space<vmem_shared>>
        tpu.enqueue_indirect_dma source(%dma_start3A_766 : memref<10240x64xf32, #tpu.memory_space<vmem_shared>>) target(%dma_start3A_760 : memref<112x64xf32, #tpu.memory_space<vmem>>) offsets(%dma_start3A_763 : memref<112xi32, #tpu.memory_space<vmem>>) semaphore(%arg16 : memref<!tpu.dma_semaphore, #tpu.memory_space<semaphore_mem>>)
      } else {
      }
      %mul3A_592 = arith.constant 5 : i32
      %mul3A_593 = arith.muli %mul3A_592, %scan3A_556 : i32
      %add3A_594 = arith.constant 1 : i32
      %add3A_595 = arith.addi %mul3A_593, %add3A_594 : i32
      %dma_wait3A_596 = arith.constant 1 : i32
      %dma_wait3A_597 = arith.constant 0 : i32
      %dma_wait3A_598 = arith.constant 0 : i32
      %dma_wait3A_599 = tpu.memref_slice %arg9[%dma_wait3A_596, %dma_wait3A_597, %dma_wait3A_598] : memref<5x112x64xf32, #tpu.memory_space<vmem>> -> memref<1x112x64xf32, #tpu.memory_space<vmem>>
      %dma_wait3A_600 = tpu.memref_squeeze %dma_wait3A_599 : memref<1x112x64xf32, #tpu.memory_space<vmem>> -> memref<112x64xf32, #tpu.memory_space<vmem>>
      %dma_wait3A_601 = arith.constant 0 : i32
      %dma_wait3A_602 = tpu.memref_slice %arg7[%add3A_595, %dma_wait3A_601] : memref<45x112xi32, #tpu.memory_space<vmem>> -> memref<1x112xi32, #tpu.memory_space<vmem>>
      %dma_wait3A_603 = tpu.memref_squeeze %dma_wait3A_602 : memref<1x112xi32, #tpu.memory_space<vmem>> -> memref<112xi32, #tpu.memory_space<vmem>>
      %dma_wait3A_604 = arith.constant 0 : i32
      %dma_wait3A_605 = arith.constant 0 : i32
      %dma_wait3A_606 = tpu.memref_slice %arg10[%dma_wait3A_604, %dma_wait3A_605] : memref<10240x64xf32, #tpu.memory_space<vmem_shared>> -> memref<10240x64xf32, #tpu.memory_space<vmem_shared>>
      tpu.wait_indirect_dma semaphore(%arg13 : memref<!tpu.dma_semaphore, #tpu.memory_space<semaphore_mem>>) src(%dma_wait3A_606 : memref<10240x64xf32, #tpu.memory_space<vmem_shared>>) dst(%dma_wait3A_600 : memref<112x64xf32, #tpu.memory_space<vmem>>)
      %dma_start3A_607 = arith.constant 1 : i32
      %dma_start3A_608 = arith.constant 0 : i32
      %dma_start3A_609 = arith.constant 0 : i32
      %dma_start3A_610 = tpu.memref_slice %arg9[%dma_start3A_607, %dma_start3A_608, %dma_start3A_609] : memref<5x112x64xf32, #tpu.memory_space<vmem>> -> memref<1x112x64xf32, #tpu.memory_space<vmem>>
      %dma_start3A_611 = tpu.memref_squeeze %dma_start3A_610 : memref<1x112x64xf32, #tpu.memory_space<vmem>> -> memref<112x64xf32, #tpu.memory_space<vmem>>
      %dma_start3A_612 = arith.constant 0 : i32
      %dma_start3A_613 = tpu.memref_slice %arg8[%add3A_595, %dma_start3A_612] : memref<45x112xi32, #tpu.memory_space<vmem>> -> memref<1x112xi32, #tpu.memory_space<vmem>>
      %dma_start3A_614 = tpu.memref_squeeze %dma_start3A_613 : memref<1x112xi32, #tpu.memory_space<vmem>> -> memref<112xi32, #tpu.memory_space<vmem>>
      %dma_start3A_615 = arith.constant 0 : i32
      %dma_start3A_616 = arith.constant 0 : i32
      %dma_start3A_617 = tpu.memref_slice %arg11[%dma_start3A_615, %dma_start3A_616] : memref<10240x64xf32, #tpu.memory_space<vmem_shared>> -> memref<10240x64xf32, #tpu.memory_space<vmem_shared>>
      tpu.enqueue_indirect_dma source(%dma_start3A_611 : memref<112x64xf32, #tpu.memory_space<vmem>>) target(%dma_start3A_617 : memref<10240x64xf32, #tpu.memory_space<vmem_shared>>) offsets(%dma_start3A_614 : memref<112xi32, #tpu.memory_space<vmem>>) semaphore(%arg18 : memref<!tpu.dma_semaphore, #tpu.memory_space<semaphore_mem>>) {add = true}
      %ge3A_618 = arith.constant 1 : i32
      %ge3A_619 = arith.cmpi sge, %add3A_595, %ge3A_618 : i32
      %convert_element_type3A_620 = arith.extui %ge3A_619 : i1 to i32
      %cond3A_621 = arith.constant 0 : i32
      %cond3A_622 = arith.cmpi ne, %convert_element_type3A_620, %cond3A_621 : i32
      scf.if %cond3A_622 {
        %sub3A_752 = arith.constant 1 : i32
        %sub3A_753 = arith.subi %add3A_595, %sub3A_752 : i32
        %dma_wait3A_754 = arith.constant 0 : i32
        %dma_wait3A_755 = arith.constant 0 : i32
        %dma_wait3A_756 = arith.constant 0 : i32
        %dma_wait3A_757 = tpu.memref_slice %arg9[%dma_wait3A_754, %dma_wait3A_755, %dma_wait3A_756] : memref<5x112x64xf32, #tpu.memory_space<vmem>> -> memref<1x112x64xf32, #tpu.memory_space<vmem>>
        %dma_wait3A_758 = tpu.memref_squeeze %dma_wait3A_757 : memref<1x112x64xf32, #tpu.memory_space<vmem>> -> memref<112x64xf32, #tpu.memory_space<vmem>>
        %dma_wait3A_759 = arith.constant 0 : i32
        %dma_wait3A_760 = tpu.memref_slice %arg8[%sub3A_753, %dma_wait3A_759] : memref<45x112xi32, #tpu.memory_space<vmem>> -> memref<1x112xi32, #tpu.memory_space<vmem>>
        %dma_wait3A_761 = tpu.memref_squeeze %dma_wait3A_760 : memref<1x112xi32, #tpu.memory_space<vmem>> -> memref<112xi32, #tpu.memory_space<vmem>>
        %dma_wait3A_762 = arith.constant 0 : i32
        %dma_wait3A_763 = arith.constant 0 : i32
        %dma_wait3A_764 = tpu.memref_slice %arg11[%dma_wait3A_762, %dma_wait3A_763] : memref<10240x64xf32, #tpu.memory_space<vmem_shared>> -> memref<10240x64xf32, #tpu.memory_space<vmem_shared>>
        tpu.wait_indirect_dma semaphore(%arg17 : memref<!tpu.dma_semaphore, #tpu.memory_space<semaphore_mem>>) src(%dma_wait3A_758 : memref<112x64xf32, #tpu.memory_space<vmem>>) dst(%dma_wait3A_764 : memref<10240x64xf32, #tpu.memory_space<vmem_shared>>)
      } else {
      }
      %add3A_623 = arith.constant 5 : i32
      %add3A_624 = arith.addi %add3A_595, %add3A_623 : i32
      %sub3A_625 = arith.constant 1 : i32
      %sub3A_626 = arith.subi %add3A_624, %sub3A_625 : i32
      %le3A_627 = arith.constant 44 : i32
      %le3A_628 = arith.cmpi sle, %sub3A_626, %le3A_627 : i32
      %convert_element_type3A_629 = arith.extui %le3A_628 : i1 to i32
      %cond3A_630 = arith.constant 0 : i32
      %cond3A_631 = arith.cmpi ne, %convert_element_type3A_629, %cond3A_630 : i32
      scf.if %cond3A_631 {
        %add3A_752 = arith.constant 5 : i32
        %add3A_753 = arith.addi %add3A_595, %add3A_752 : i32
        %sub3A_754 = arith.constant 1 : i32
        %sub3A_755 = arith.subi %add3A_753, %sub3A_754 : i32
        %dma_start3A_756 = arith.constant 0 : i32
        %dma_start3A_757 = arith.constant 0 : i32
        %dma_start3A_758 = arith.constant 0 : i32
        %dma_start3A_759 = tpu.memref_slice %arg9[%dma_start3A_756, %dma_start3A_757, %dma_start3A_758] : memref<5x112x64xf32, #tpu.memory_space<vmem>> -> memref<1x112x64xf32, #tpu.memory_space<vmem>>
        %dma_start3A_760 = tpu.memref_squeeze %dma_start3A_759 : memref<1x112x64xf32, #tpu.memory_space<vmem>> -> memref<112x64xf32, #tpu.memory_space<vmem>>
        %dma_start3A_761 = arith.constant 0 : i32
        %dma_start3A_762 = tpu.memref_slice %arg7[%sub3A_755, %dma_start3A_761] : memref<45x112xi32, #tpu.memory_space<vmem>> -> memref<1x112xi32, #tpu.memory_space<vmem>>
        %dma_start3A_763 = tpu.memref_squeeze %dma_start3A_762 : memref<1x112xi32, #tpu.memory_space<vmem>> -> memref<112xi32, #tpu.memory_space<vmem>>
        %dma_start3A_764 = arith.constant 0 : i32
        %dma_start3A_765 = arith.constant 0 : i32
        %dma_start3A_766 = tpu.memref_slice %arg10[%dma_start3A_764, %dma_start3A_765] : memref<10240x64xf32, #tpu.memory_space<vmem_shared>> -> memref<10240x64xf32, #tpu.memory_space<vmem_shared>>
        tpu.enqueue_indirect_dma source(%dma_start3A_766 : memref<10240x64xf32, #tpu.memory_space<vmem_shared>>) target(%dma_start3A_760 : memref<112x64xf32, #tpu.memory_space<vmem>>) offsets(%dma_start3A_763 : memref<112xi32, #tpu.memory_space<vmem>>) semaphore(%arg12 : memref<!tpu.dma_semaphore, #tpu.memory_space<semaphore_mem>>)
      } else {
      }
      %mul3A_632 = arith.constant 5 : i32
      %mul3A_633 = arith.muli %mul3A_632, %scan3A_556 : i32
      %add3A_634 = arith.constant 2 : i32
      %add3A_635 = arith.addi %mul3A_633, %add3A_634 : i32
      %dma_wait3A_636 = arith.constant 2 : i32
      %dma_wait3A_637 = arith.constant 0 : i32
      %dma_wait3A_638 = arith.constant 0 : i32
      %dma_wait3A_639 = tpu.memref_slice %arg9[%dma_wait3A_636, %dma_wait3A_637, %dma_wait3A_638] : memref<5x112x64xf32, #tpu.memory_space<vmem>> -> memref<1x112x64xf32, #tpu.memory_space<vmem>>
      %dma_wait3A_640 = tpu.memref_squeeze %dma_wait3A_639 : memref<1x112x64xf32, #tpu.memory_space<vmem>> -> memref<112x64xf32, #tpu.memory_space<vmem>>
      %dma_wait3A_641 = arith.constant 0 : i32
      %dma_wait3A_642 = tpu.memref_slice %arg7[%add3A_635, %dma_wait3A_641] : memref<45x112xi32, #tpu.memory_space<vmem>> -> memref<1x112xi32, #tpu.memory_space<vmem>>
      %dma_wait3A_643 = tpu.memref_squeeze %dma_wait3A_642 : memref<1x112xi32, #tpu.memory_space<vmem>> -> memref<112xi32, #tpu.memory_space<vmem>>
      %dma_wait3A_644 = arith.constant 0 : i32
      %dma_wait3A_645 = arith.constant 0 : i32
      %dma_wait3A_646 = tpu.memref_slice %arg10[%dma_wait3A_644, %dma_wait3A_645] : memref<10240x64xf32, #tpu.memory_space<vmem_shared>> -> memref<10240x64xf32, #tpu.memory_space<vmem_shared>>
      tpu.wait_indirect_dma semaphore(%arg14 : memref<!tpu.dma_semaphore, #tpu.memory_space<semaphore_mem>>) src(%dma_wait3A_646 : memref<10240x64xf32, #tpu.memory_space<vmem_shared>>) dst(%dma_wait3A_640 : memref<112x64xf32, #tpu.memory_space<vmem>>)
      %dma_start3A_647 = arith.constant 2 : i32
      %dma_start3A_648 = arith.constant 0 : i32
      %dma_start3A_649 = arith.constant 0 : i32
      %dma_start3A_650 = tpu.memref_slice %arg9[%dma_start3A_647, %dma_start3A_648, %dma_start3A_649] : memref<5x112x64xf32, #tpu.memory_space<vmem>> -> memref<1x112x64xf32, #tpu.memory_space<vmem>>
      %dma_start3A_651 = tpu.memref_squeeze %dma_start3A_650 : memref<1x112x64xf32, #tpu.memory_space<vmem>> -> memref<112x64xf32, #tpu.memory_space<vmem>>
      %dma_start3A_652 = arith.constant 0 : i32
      %dma_start3A_653 = tpu.memref_slice %arg8[%add3A_635, %dma_start3A_652] : memref<45x112xi32, #tpu.memory_space<vmem>> -> memref<1x112xi32, #tpu.memory_space<vmem>>
      %dma_start3A_654 = tpu.memref_squeeze %dma_start3A_653 : memref<1x112xi32, #tpu.memory_space<vmem>> -> memref<112xi32, #tpu.memory_space<vmem>>
      %dma_start3A_655 = arith.constant 0 : i32
      %dma_start3A_656 = arith.constant 0 : i32
      %dma_start3A_657 = tpu.memref_slice %arg11[%dma_start3A_655, %dma_start3A_656] : memref<10240x64xf32, #tpu.memory_space<vmem_shared>> -> memref<10240x64xf32, #tpu.memory_space<vmem_shared>>
      tpu.enqueue_indirect_dma source(%dma_start3A_651 : memref<112x64xf32, #tpu.memory_space<vmem>>) target(%dma_start3A_657 : memref<10240x64xf32, #tpu.memory_space<vmem_shared>>) offsets(%dma_start3A_654 : memref<112xi32, #tpu.memory_space<vmem>>) semaphore(%arg19 : memref<!tpu.dma_semaphore, #tpu.memory_space<semaphore_mem>>) {add = true}
      %ge3A_658 = arith.constant 1 : i32
      %ge3A_659 = arith.cmpi sge, %add3A_635, %ge3A_658 : i32
      %convert_element_type3A_660 = arith.extui %ge3A_659 : i1 to i32
      %cond3A_661 = arith.constant 0 : i32
      %cond3A_662 = arith.cmpi ne, %convert_element_type3A_660, %cond3A_661 : i32
      scf.if %cond3A_662 {
        %sub3A_752 = arith.constant 1 : i32
        %sub3A_753 = arith.subi %add3A_635, %sub3A_752 : i32
        %dma_wait3A_754 = arith.constant 1 : i32
        %dma_wait3A_755 = arith.constant 0 : i32
        %dma_wait3A_756 = arith.constant 0 : i32
        %dma_wait3A_757 = tpu.memref_slice %arg9[%dma_wait3A_754, %dma_wait3A_755, %dma_wait3A_756] : memref<5x112x64xf32, #tpu.memory_space<vmem>> -> memref<1x112x64xf32, #tpu.memory_space<vmem>>
        %dma_wait3A_758 = tpu.memref_squeeze %dma_wait3A_757 : memref<1x112x64xf32, #tpu.memory_space<vmem>> -> memref<112x64xf32, #tpu.memory_space<vmem>>
        %dma_wait3A_759 = arith.constant 0 : i32
        %dma_wait3A_760 = tpu.memref_slice %arg8[%sub3A_753, %dma_wait3A_759] : memref<45x112xi32, #tpu.memory_space<vmem>> -> memref<1x112xi32, #tpu.memory_space<vmem>>
        %dma_wait3A_761 = tpu.memref_squeeze %dma_wait3A_760 : memref<1x112xi32, #tpu.memory_space<vmem>> -> memref<112xi32, #tpu.memory_space<vmem>>
        %dma_wait3A_762 = arith.constant 0 : i32
        %dma_wait3A_763 = arith.constant 0 : i32
        %dma_wait3A_764 = tpu.memref_slice %arg11[%dma_wait3A_762, %dma_wait3A_763] : memref<10240x64xf32, #tpu.memory_space<vmem_shared>> -> memref<10240x64xf32, #tpu.memory_space<vmem_shared>>
        tpu.wait_indirect_dma semaphore(%arg18 : memref<!tpu.dma_semaphore, #tpu.memory_space<semaphore_mem>>) src(%dma_wait3A_758 : memref<112x64xf32, #tpu.memory_space<vmem>>) dst(%dma_wait3A_764 : memref<10240x64xf32, #tpu.memory_space<vmem_shared>>)
      } else {
      }
      %add3A_663 = arith.constant 5 : i32
      %add3A_664 = arith.addi %add3A_635, %add3A_663 : i32
      %sub3A_665 = arith.constant 1 : i32
      %sub3A_666 = arith.subi %add3A_664, %sub3A_665 : i32
      %le3A_667 = arith.constant 44 : i32
      %le3A_668 = arith.cmpi sle, %sub3A_666, %le3A_667 : i32
      %convert_element_type3A_669 = arith.extui %le3A_668 : i1 to i32
      %cond3A_670 = arith.constant 0 : i32
      %cond3A_671 = arith.cmpi ne, %convert_element_type3A_669, %cond3A_670 : i32
      scf.if %cond3A_671 {
        %add3A_752 = arith.constant 5 : i32
        %add3A_753 = arith.addi %add3A_635, %add3A_752 : i32
        %sub3A_754 = arith.constant 1 : i32
        %sub3A_755 = arith.subi %add3A_753, %sub3A_754 : i32
        %dma_start3A_756 = arith.constant 1 : i32
        %dma_start3A_757 = arith.constant 0 : i32
        %dma_start3A_758 = arith.constant 0 : i32
        %dma_start3A_759 = tpu.memref_slice %arg9[%dma_start3A_756, %dma_start3A_757, %dma_start3A_758] : memref<5x112x64xf32, #tpu.memory_space<vmem>> -> memref<1x112x64xf32, #tpu.memory_space<vmem>>
        %dma_start3A_760 = tpu.memref_squeeze %dma_start3A_759 : memref<1x112x64xf32, #tpu.memory_space<vmem>> -> memref<112x64xf32, #tpu.memory_space<vmem>>
        %dma_start3A_761 = arith.constant 0 : i32
        %dma_start3A_762 = tpu.memref_slice %arg7[%sub3A_755, %dma_start3A_761] : memref<45x112xi32, #tpu.memory_space<vmem>> -> memref<1x112xi32, #tpu.memory_space<vmem>>
        %dma_start3A_763 = tpu.memref_squeeze %dma_start3A_762 : memref<1x112xi32, #tpu.memory_space<vmem>> -> memref<112xi32, #tpu.memory_space<vmem>>
        %dma_start3A_764 = arith.constant 0 : i32
        %dma_start3A_765 = arith.constant 0 : i32
        %dma_start3A_766 = tpu.memref_slice %arg10[%dma_start3A_764, %dma_start3A_765] : memref<10240x64xf32, #tpu.memory_space<vmem_shared>> -> memref<10240x64xf32, #tpu.memory_space<vmem_shared>>
        tpu.enqueue_indirect_dma source(%dma_start3A_766 : memref<10240x64xf32, #tpu.memory_space<vmem_shared>>) target(%dma_start3A_760 : memref<112x64xf32, #tpu.memory_space<vmem>>) offsets(%dma_start3A_763 : memref<112xi32, #tpu.memory_space<vmem>>) semaphore(%arg13 : memref<!tpu.dma_semaphore, #tpu.memory_space<semaphore_mem>>)
      } else {
      }
      %mul3A_672 = arith.constant 5 : i32
      %mul3A_673 = arith.muli %mul3A_672, %scan3A_556 : i32
      %add3A_674 = arith.constant 3 : i32
      %add3A_675 = arith.addi %mul3A_673, %add3A_674 : i32
      %dma_wait3A_676 = arith.constant 3 : i32
      %dma_wait3A_677 = arith.constant 0 : i32
      %dma_wait3A_678 = arith.constant 0 : i32
      %dma_wait3A_679 = tpu.memref_slice %arg9[%dma_wait3A_676, %dma_wait3A_677, %dma_wait3A_678] : memref<5x112x64xf32, #tpu.memory_space<vmem>> -> memref<1x112x64xf32, #tpu.memory_space<vmem>>
      %dma_wait3A_680 = tpu.memref_squeeze %dma_wait3A_679 : memref<1x112x64xf32, #tpu.memory_space<vmem>> -> memref<112x64xf32, #tpu.memory_space<vmem>>
      %dma_wait3A_681 = arith.constant 0 : i32
      %dma_wait3A_682 = tpu.memref_slice %arg7[%add3A_675, %dma_wait3A_681] : memref<45x112xi32, #tpu.memory_space<vmem>> -> memref<1x112xi32, #tpu.memory_space<vmem>>
      %dma_wait3A_683 = tpu.memref_squeeze %dma_wait3A_682 : memref<1x112xi32, #tpu.memory_space<vmem>> -> memref<112xi32, #tpu.memory_space<vmem>>
      %dma_wait3A_684 = arith.constant 0 : i32
      %dma_wait3A_685 = arith.constant 0 : i32
      %dma_wait3A_686 = tpu.memref_slice %arg10[%dma_wait3A_684, %dma_wait3A_685] : memref<10240x64xf32, #tpu.memory_space<vmem_shared>> -> memref<10240x64xf32, #tpu.memory_space<vmem_shared>>
      tpu.wait_indirect_dma semaphore(%arg15 : memref<!tpu.dma_semaphore, #tpu.memory_space<semaphore_mem>>) src(%dma_wait3A_686 : memref<10240x64xf32, #tpu.memory_space<vmem_shared>>) dst(%dma_wait3A_680 : memref<112x64xf32, #tpu.memory_space<vmem>>)
      %dma_start3A_687 = arith.constant 3 : i32
      %dma_start3A_688 = arith.constant 0 : i32
      %dma_start3A_689 = arith.constant 0 : i32
      %dma_start3A_690 = tpu.memref_slice %arg9[%dma_start3A_687, %dma_start3A_688, %dma_start3A_689] : memref<5x112x64xf32, #tpu.memory_space<vmem>> -> memref<1x112x64xf32, #tpu.memory_space<vmem>>
      %dma_start3A_691 = tpu.memref_squeeze %dma_start3A_690 : memref<1x112x64xf32, #tpu.memory_space<vmem>> -> memref<112x64xf32, #tpu.memory_space<vmem>>
      %dma_start3A_692 = arith.constant 0 : i32
      %dma_start3A_693 = tpu.memref_slice %arg8[%add3A_675, %dma_start3A_692] : memref<45x112xi32, #tpu.memory_space<vmem>> -> memref<1x112xi32, #tpu.memory_space<vmem>>
      %dma_start3A_694 = tpu.memref_squeeze %dma_start3A_693 : memref<1x112xi32, #tpu.memory_space<vmem>> -> memref<112xi32, #tpu.memory_space<vmem>>
      %dma_start3A_695 = arith.constant 0 : i32
      %dma_start3A_696 = arith.constant 0 : i32
      %dma_start3A_697 = tpu.memref_slice %arg11[%dma_start3A_695, %dma_start3A_696] : memref<10240x64xf32, #tpu.memory_space<vmem_shared>> -> memref<10240x64xf32, #tpu.memory_space<vmem_shared>>
      tpu.enqueue_indirect_dma source(%dma_start3A_691 : memref<112x64xf32, #tpu.memory_space<vmem>>) target(%dma_start3A_697 : memref<10240x64xf32, #tpu.memory_space<vmem_shared>>) offsets(%dma_start3A_694 : memref<112xi32, #tpu.memory_space<vmem>>) semaphore(%arg20 : memref<!tpu.dma_semaphore, #tpu.memory_space<semaphore_mem>>) {add = true}
      %ge3A_698 = arith.constant 1 : i32
      %ge3A_699 = arith.cmpi sge, %add3A_675, %ge3A_698 : i32
      %convert_element_type3A_700 = arith.extui %ge3A_699 : i1 to i32
      %cond3A_701 = arith.constant 0 : i32
      %cond3A_702 = arith.cmpi ne, %convert_element_type3A_700, %cond3A_701 : i32
      scf.if %cond3A_702 {
        %sub3A_752 = arith.constant 1 : i32
        %sub3A_753 = arith.subi %add3A_675, %sub3A_752 : i32
        %dma_wait3A_754 = arith.constant 2 : i32
        %dma_wait3A_755 = arith.constant 0 : i32
        %dma_wait3A_756 = arith.constant 0 : i32
        %dma_wait3A_757 = tpu.memref_slice %arg9[%dma_wait3A_754, %dma_wait3A_755, %dma_wait3A_756] : memref<5x112x64xf32, #tpu.memory_space<vmem>> -> memref<1x112x64xf32, #tpu.memory_space<vmem>>
        %dma_wait3A_758 = tpu.memref_squeeze %dma_wait3A_757 : memref<1x112x64xf32, #tpu.memory_space<vmem>> -> memref<112x64xf32, #tpu.memory_space<vmem>>
        %dma_wait3A_759 = arith.constant 0 : i32
        %dma_wait3A_760 = tpu.memref_slice %arg8[%sub3A_753, %dma_wait3A_759] : memref<45x112xi32, #tpu.memory_space<vmem>> -> memref<1x112xi32, #tpu.memory_space<vmem>>
        %dma_wait3A_761 = tpu.memref_squeeze %dma_wait3A_760 : memref<1x112xi32, #tpu.memory_space<vmem>> -> memref<112xi32, #tpu.memory_space<vmem>>
        %dma_wait3A_762 = arith.constant 0 : i32
        %dma_wait3A_763 = arith.constant 0 : i32
        %dma_wait3A_764 = tpu.memref_slice %arg11[%dma_wait3A_762, %dma_wait3A_763] : memref<10240x64xf32, #tpu.memory_space<vmem_shared>> -> memref<10240x64xf32, #tpu.memory_space<vmem_shared>>
        tpu.wait_indirect_dma semaphore(%arg19 : memref<!tpu.dma_semaphore, #tpu.memory_space<semaphore_mem>>) src(%dma_wait3A_758 : memref<112x64xf32, #tpu.memory_space<vmem>>) dst(%dma_wait3A_764 : memref<10240x64xf32, #tpu.memory_space<vmem_shared>>)
      } else {
      }
      %add3A_703 = arith.constant 5 : i32
      %add3A_704 = arith.addi %add3A_675, %add3A_703 : i32
      %sub3A_705 = arith.constant 1 : i32
      %sub3A_706 = arith.subi %add3A_704, %sub3A_705 : i32
      %le3A_707 = arith.constant 44 : i32
      %le3A_708 = arith.cmpi sle, %sub3A_706, %le3A_707 : i32
      %convert_element_type3A_709 = arith.extui %le3A_708 : i1 to i32
      %cond3A_710 = arith.constant 0 : i32
      %cond3A_711 = arith.cmpi ne, %convert_element_type3A_709, %cond3A_710 : i32
      scf.if %cond3A_711 {
        %add3A_752 = arith.constant 5 : i32
        %add3A_753 = arith.addi %add3A_675, %add3A_752 : i32
        %sub3A_754 = arith.constant 1 : i32
        %sub3A_755 = arith.subi %add3A_753, %sub3A_754 : i32
        %dma_start3A_756 = arith.constant 2 : i32
        %dma_start3A_757 = arith.constant 0 : i32
        %dma_start3A_758 = arith.constant 0 : i32
        %dma_start3A_759 = tpu.memref_slice %arg9[%dma_start3A_756, %dma_start3A_757, %dma_start3A_758] : memref<5x112x64xf32, #tpu.memory_space<vmem>> -> memref<1x112x64xf32, #tpu.memory_space<vmem>>
        %dma_start3A_760 = tpu.memref_squeeze %dma_start3A_759 : memref<1x112x64xf32, #tpu.memory_space<vmem>> -> memref<112x64xf32, #tpu.memory_space<vmem>>
        %dma_start3A_761 = arith.constant 0 : i32
        %dma_start3A_762 = tpu.memref_slice %arg7[%sub3A_755, %dma_start3A_761] : memref<45x112xi32, #tpu.memory_space<vmem>> -> memref<1x112xi32, #tpu.memory_space<vmem>>
        %dma_start3A_763 = tpu.memref_squeeze %dma_start3A_762 : memref<1x112xi32, #tpu.memory_space<vmem>> -> memref<112xi32, #tpu.memory_space<vmem>>
        %dma_start3A_764 = arith.constant 0 : i32
        %dma_start3A_765 = arith.constant 0 : i32
        %dma_start3A_766 = tpu.memref_slice %arg10[%dma_start3A_764, %dma_start3A_765] : memref<10240x64xf32, #tpu.memory_space<vmem_shared>> -> memref<10240x64xf32, #tpu.memory_space<vmem_shared>>
        tpu.enqueue_indirect_dma source(%dma_start3A_766 : memref<10240x64xf32, #tpu.memory_space<vmem_shared>>) target(%dma_start3A_760 : memref<112x64xf32, #tpu.memory_space<vmem>>) offsets(%dma_start3A_763 : memref<112xi32, #tpu.memory_space<vmem>>) semaphore(%arg14 : memref<!tpu.dma_semaphore, #tpu.memory_space<semaphore_mem>>)
      } else {
      }
      %mul3A_712 = arith.constant 5 : i32
      %mul3A_713 = arith.muli %mul3A_712, %scan3A_556 : i32
      %add3A_714 = arith.constant 4 : i32
      %add3A_715 = arith.addi %mul3A_713, %add3A_714 : i32
      %dma_wait3A_716 = arith.constant 4 : i32
      %dma_wait3A_717 = arith.constant 0 : i32
      %dma_wait3A_718 = arith.constant 0 : i32
      %dma_wait3A_719 = tpu.memref_slice %arg9[%dma_wait3A_716, %dma_wait3A_717, %dma_wait3A_718] : memref<5x112x64xf32, #tpu.memory_space<vmem>> -> memref<1x112x64xf32, #tpu.memory_space<vmem>>
      %dma_wait3A_720 = tpu.memref_squeeze %dma_wait3A_719 : memref<1x112x64xf32, #tpu.memory_space<vmem>> -> memref<112x64xf32, #tpu.memory_space<vmem>>
      %dma_wait3A_721 = arith.constant 0 : i32
      %dma_wait3A_722 = tpu.memref_slice %arg7[%add3A_715, %dma_wait3A_721] : memref<45x112xi32, #tpu.memory_space<vmem>> -> memref<1x112xi32, #tpu.memory_space<vmem>>
      %dma_wait3A_723 = tpu.memref_squeeze %dma_wait3A_722 : memref<1x112xi32, #tpu.memory_space<vmem>> -> memref<112xi32, #tpu.memory_space<vmem>>
      %dma_wait3A_724 = arith.constant 0 : i32
      %dma_wait3A_725 = arith.constant 0 : i32
      %dma_wait3A_726 = tpu.memref_slice %arg10[%dma_wait3A_724, %dma_wait3A_725] : memref<10240x64xf32, #tpu.memory_space<vmem_shared>> -> memref<10240x64xf32, #tpu.memory_space<vmem_shared>>
      tpu.wait_indirect_dma semaphore(%arg16 : memref<!tpu.dma_semaphore, #tpu.memory_space<semaphore_mem>>) src(%dma_wait3A_726 : memref<10240x64xf32, #tpu.memory_space<vmem_shared>>) dst(%dma_wait3A_720 : memref<112x64xf32, #tpu.memory_space<vmem>>)
      %dma_start3A_727 = arith.constant 4 : i32
      %dma_start3A_728 = arith.constant 0 : i32
      %dma_start3A_729 = arith.constant 0 : i32
      %dma_start3A_730 = tpu.memref_slice %arg9[%dma_start3A_727, %dma_start3A_728, %dma_start3A_729] : memref<5x112x64xf32, #tpu.memory_space<vmem>> -> memref<1x112x64xf32, #tpu.memory_space<vmem>>
      %dma_start3A_731 = tpu.memref_squeeze %dma_start3A_730 : memref<1x112x64xf32, #tpu.memory_space<vmem>> -> memref<112x64xf32, #tpu.memory_space<vmem>>
      %dma_start3A_732 = arith.constant 0 : i32
      %dma_start3A_733 = tpu.memref_slice %arg8[%add3A_715, %dma_start3A_732] : memref<45x112xi32, #tpu.memory_space<vmem>> -> memref<1x112xi32, #tpu.memory_space<vmem>>
      %dma_start3A_734 = tpu.memref_squeeze %dma_start3A_733 : memref<1x112xi32, #tpu.memory_space<vmem>> -> memref<112xi32, #tpu.memory_space<vmem>>
      %dma_start3A_735 = arith.constant 0 : i32
      %dma_start3A_736 = arith.constant 0 : i32
      %dma_start3A_737 = tpu.memref_slice %arg11[%dma_start3A_735, %dma_start3A_736] : memref<10240x64xf32, #tpu.memory_space<vmem_shared>> -> memref<10240x64xf32, #tpu.memory_space<vmem_shared>>
      tpu.enqueue_indirect_dma source(%dma_start3A_731 : memref<112x64xf32, #tpu.memory_space<vmem>>) target(%dma_start3A_737 : memref<10240x64xf32, #tpu.memory_space<vmem_shared>>) offsets(%dma_start3A_734 : memref<112xi32, #tpu.memory_space<vmem>>) semaphore(%arg21 : memref<!tpu.dma_semaphore, #tpu.memory_space<semaphore_mem>>) {add = true}
      %ge3A_738 = arith.constant 1 : i32
      %ge3A_739 = arith.cmpi sge, %add3A_715, %ge3A_738 : i32
      %convert_element_type3A_740 = arith.extui %ge3A_739 : i1 to i32
      %cond3A_741 = arith.constant 0 : i32
      %cond3A_742 = arith.cmpi ne, %convert_element_type3A_740, %cond3A_741 : i32
      scf.if %cond3A_742 {
        %sub3A_752 = arith.constant 1 : i32
        %sub3A_753 = arith.subi %add3A_715, %sub3A_752 : i32
        %dma_wait3A_754 = arith.constant 3 : i32
        %dma_wait3A_755 = arith.constant 0 : i32
        %dma_wait3A_756 = arith.constant 0 : i32
        %dma_wait3A_757 = tpu.memref_slice %arg9[%dma_wait3A_754, %dma_wait3A_755, %dma_wait3A_756] : memref<5x112x64xf32, #tpu.memory_space<vmem>> -> memref<1x112x64xf32, #tpu.memory_space<vmem>>
        %dma_wait3A_758 = tpu.memref_squeeze %dma_wait3A_757 : memref<1x112x64xf32, #tpu.memory_space<vmem>> -> memref<112x64xf32, #tpu.memory_space<vmem>>
        %dma_wait3A_759 = arith.constant 0 : i32
        %dma_wait3A_760 = tpu.memref_slice %arg8[%sub3A_753, %dma_wait3A_759] : memref<45x112xi32, #tpu.memory_space<vmem>> -> memref<1x112xi32, #tpu.memory_space<vmem>>
        %dma_wait3A_761 = tpu.memref_squeeze %dma_wait3A_760 : memref<1x112xi32, #tpu.memory_space<vmem>> -> memref<112xi32, #tpu.memory_space<vmem>>
        %dma_wait3A_762 = arith.constant 0 : i32
        %dma_wait3A_763 = arith.constant 0 : i32
        %dma_wait3A_764 = tpu.memref_slice %arg11[%dma_wait3A_762, %dma_wait3A_763] : memref<10240x64xf32, #tpu.memory_space<vmem_shared>> -> memref<10240x64xf32, #tpu.memory_space<vmem_shared>>
        tpu.wait_indirect_dma semaphore(%arg20 : memref<!tpu.dma_semaphore, #tpu.memory_space<semaphore_mem>>) src(%dma_wait3A_758 : memref<112x64xf32, #tpu.memory_space<vmem>>) dst(%dma_wait3A_764 : memref<10240x64xf32, #tpu.memory_space<vmem_shared>>)
      } else {
      }
      %add3A_743 = arith.constant 5 : i32
      %add3A_744 = arith.addi %add3A_715, %add3A_743 : i32
      %sub3A_745 = arith.constant 1 : i32
      %sub3A_746 = arith.subi %add3A_744, %sub3A_745 : i32
      %le3A_747 = arith.constant 44 : i32
      %le3A_748 = arith.cmpi sle, %sub3A_746, %le3A_747 : i32
      %convert_element_type3A_749 = arith.extui %le3A_748 : i1 to i32
      %cond3A_750 = arith.constant 0 : i32
      %cond3A_751 = arith.cmpi ne, %convert_element_type3A_749, %cond3A_750 : i32
      scf.if %cond3A_751 {
        %add3A_752 = arith.constant 5 : i32
        %add3A_753 = arith.addi %add3A_715, %add3A_752 : i32
        %sub3A_754 = arith.constant 1 : i32
        %sub3A_755 = arith.subi %add3A_753, %sub3A_754 : i32
        %dma_start3A_756 = arith.constant 3 : i32
        %dma_start3A_757 = arith.constant 0 : i32
        %dma_start3A_758 = arith.constant 0 : i32
        %dma_start3A_759 = tpu.memref_slice %arg9[%dma_start3A_756, %dma_start3A_757, %dma_start3A_758] : memref<5x112x64xf32, #tpu.memory_space<vmem>> -> memref<1x112x64xf32, #tpu.memory_space<vmem>>
        %dma_start3A_760 = tpu.memref_squeeze %dma_start3A_759 : memref<1x112x64xf32, #tpu.memory_space<vmem>> -> memref<112x64xf32, #tpu.memory_space<vmem>>
        %dma_start3A_761 = arith.constant 0 : i32
        %dma_start3A_762 = tpu.memref_slice %arg7[%sub3A_755, %dma_start3A_761] : memref<45x112xi32, #tpu.memory_space<vmem>> -> memref<1x112xi32, #tpu.memory_space<vmem>>
        %dma_start3A_763 = tpu.memref_squeeze %dma_start3A_762 : memref<1x112xi32, #tpu.memory_space<vmem>> -> memref<112xi32, #tpu.memory_space<vmem>>
        %dma_start3A_764 = arith.constant 0 : i32
        %dma_start3A_765 = arith.constant 0 : i32
        %dma_start3A_766 = tpu.memref_slice %arg10[%dma_start3A_764, %dma_start3A_765] : memref<10240x64xf32, #tpu.memory_space<vmem_shared>> -> memref<10240x64xf32, #tpu.memory_space<vmem_shared>>
        tpu.enqueue_indirect_dma source(%dma_start3A_766 : memref<10240x64xf32, #tpu.memory_space<vmem_shared>>) target(%dma_start3A_760 : memref<112x64xf32, #tpu.memory_space<vmem>>) offsets(%dma_start3A_763 : memref<112xi32, #tpu.memory_space<vmem>>) semaphore(%arg15 : memref<!tpu.dma_semaphore, #tpu.memory_space<semaphore_mem>>)
      } else {
      }
    }
    %scan3A_339 = arith.constant 9 : i32
    %dma_wait3A_340 = arith.constant 4 : i32
    %dma_wait3A_341 = arith.constant 44 : i32
    %dma_wait3A_342 = arith.constant 0 : i32
    %dma_wait3A_343 = arith.constant 0 : i32
    %dma_wait3A_344 = tpu.memref_slice %arg9[%dma_wait3A_340, %dma_wait3A_342, %dma_wait3A_343] : memref<5x112x64xf32, #tpu.memory_space<vmem>> -> memref<1x112x64xf32, #tpu.memory_space<vmem>>
    %dma_wait3A_345 = tpu.memref_squeeze %dma_wait3A_344 : memref<1x112x64xf32, #tpu.memory_space<vmem>> -> memref<112x64xf32, #tpu.memory_space<vmem>>
    %dma_wait3A_346 = arith.constant 0 : i32
    %dma_wait3A_347 = tpu.memref_slice %arg8[%dma_wait3A_341, %dma_wait3A_346] : memref<45x112xi32, #tpu.memory_space<vmem>> -> memref<1x112xi32, #tpu.memory_space<vmem>>
    %dma_wait3A_348 = tpu.memref_squeeze %dma_wait3A_347 : memref<1x112xi32, #tpu.memory_space<vmem>> -> memref<112xi32, #tpu.memory_space<vmem>>
    %dma_wait3A_349 = arith.constant 0 : i32
    %dma_wait3A_350 = arith.constant 0 : i32
    %dma_wait3A_351 = tpu.memref_slice %arg11[%dma_wait3A_349, %dma_wait3A_350] : memref<10240x64xf32, #tpu.memory_space<vmem_shared>> -> memref<10240x64xf32, #tpu.memory_space<vmem_shared>>
    tpu.wait_indirect_dma semaphore(%arg21 : memref<!tpu.dma_semaphore, #tpu.memory_space<semaphore_mem>>) src(%dma_wait3A_345 : memref<112x64xf32, #tpu.memory_space<vmem>>) dst(%dma_wait3A_351 : memref<10240x64xf32, #tpu.memory_space<vmem_shared>>)
    "tpu.region"() ({
      %run_scoped3A = tpu.sem_alloc : memref<!tpu.dma_semaphore, #tpu.memory_space<semaphore_mem>>
      %dma_start3A_556 = arith.constant 0 : i32
      %dma_start3A_557 = arith.constant 0 : i32
      %dma_start3A_558 = tpu.memref_slice %arg3[%arg1, %dma_start3A_556, %dma_start3A_557] : memref<16x180x112xi32, #tpu.memory_space<hbm>> -> memref<1x180x112xi32, #tpu.memory_space<hbm>>
      %dma_start3A_559 = tpu.memref_squeeze %dma_start3A_558 : memref<1x180x112xi32, #tpu.memory_space<hbm>> -> memref<180x112xi32, #tpu.memory_space<hbm>>
      %dma_start3A_560 = arith.constant 45 : i32
      %dma_start3A_561 = arith.constant 0 : i32
      %dma_start3A_562 = tpu.memref_slice %dma_start3A_559[%dma_start3A_560, %dma_start3A_561] : memref<180x112xi32, #tpu.memory_space<hbm>> -> memref<45x112xi32, #tpu.memory_space<hbm>>
      %dma_start3A_563 = arith.constant 0 : i32
      %dma_start3A_564 = arith.constant 0 : i32
      %dma_start3A_565 = tpu.memref_slice %arg3[%arg1, %dma_start3A_563, %dma_start3A_564] : memref<16x180x112xi32, #tpu.memory_space<hbm>> -> memref<1x180x112xi32, #tpu.memory_space<hbm>>
      %dma_start3A_566 = tpu.memref_squeeze %dma_start3A_565 : memref<1x180x112xi32, #tpu.memory_space<hbm>> -> memref<180x112xi32, #tpu.memory_space<hbm>>
      %dma_start3A_567 = arith.constant 45 : i32
      %dma_start3A_568 = arith.constant 0 : i32
      %dma_start3A_569 = tpu.memref_slice %dma_start3A_566[%dma_start3A_567, %dma_start3A_568] : memref<180x112xi32, #tpu.memory_space<hbm>> -> memref<45x112xi32, #tpu.memory_space<hbm>>
      tpu.enqueue_dma source(%dma_start3A_569 : memref<45x112xi32, #tpu.memory_space<hbm>>) target(%arg7 : memref<45x112xi32, #tpu.memory_space<vmem>>) target_semaphore(%run_scoped3A : memref<!tpu.dma_semaphore, #tpu.memory_space<semaphore_mem>>)
      %dma_wait3A_570 = arith.constant 0 : i32
      %dma_wait3A_571 = arith.constant 0 : i32
      %dma_wait3A_572 = tpu.memref_slice %arg3[%arg1, %dma_wait3A_570, %dma_wait3A_571] : memref<16x180x112xi32, #tpu.memory_space<hbm>> -> memref<1x180x112xi32, #tpu.memory_space<hbm>>
      %dma_wait3A_573 = tpu.memref_squeeze %dma_wait3A_572 : memref<1x180x112xi32, #tpu.memory_space<hbm>> -> memref<180x112xi32, #tpu.memory_space<hbm>>
      %dma_wait3A_574 = arith.constant 45 : i32
      %dma_wait3A_575 = arith.constant 0 : i32
      %dma_wait3A_576 = tpu.memref_slice %dma_wait3A_573[%dma_wait3A_574, %dma_wait3A_575] : memref<180x112xi32, #tpu.memory_space<hbm>> -> memref<45x112xi32, #tpu.memory_space<hbm>>
      %dma_wait3A_577 = arith.constant 0 : i32
      %dma_wait3A_578 = arith.constant 0 : i32
      %dma_wait3A_579 = tpu.memref_slice %arg3[%arg1, %dma_wait3A_577, %dma_wait3A_578] : memref<16x180x112xi32, #tpu.memory_space<hbm>> -> memref<1x180x112xi32, #tpu.memory_space<hbm>>
      %dma_wait3A_580 = tpu.memref_squeeze %dma_wait3A_579 : memref<1x180x112xi32, #tpu.memory_space<hbm>> -> memref<180x112xi32, #tpu.memory_space<hbm>>
      %dma_wait3A_581 = arith.constant 45 : i32
      %dma_wait3A_582 = arith.constant 0 : i32
      %dma_wait3A_583 = tpu.memref_slice %dma_wait3A_580[%dma_wait3A_581, %dma_wait3A_582] : memref<180x112xi32, #tpu.memory_space<hbm>> -> memref<45x112xi32, #tpu.memory_space<hbm>>
      tpu.wait_dma2 semaphore(%run_scoped3A : memref<!tpu.dma_semaphore, #tpu.memory_space<semaphore_mem>>) src(%dma_wait3A_583 : memref<45x112xi32, #tpu.memory_space<hbm>>) dst(%arg7 : memref<45x112xi32, #tpu.memory_space<vmem>>)
      tpu.yield
    }) : () -> ()
    "tpu.region"() ({
      %run_scoped3A = tpu.sem_alloc : memref<!tpu.dma_semaphore, #tpu.memory_space<semaphore_mem>>
      %dma_start3A_556 = arith.constant 0 : i32
      %dma_start3A_557 = arith.constant 0 : i32
      %dma_start3A_558 = tpu.memref_slice %arg4[%arg1, %dma_start3A_556, %dma_start3A_557] : memref<16x180x112xi32, #tpu.memory_space<hbm>> -> memref<1x180x112xi32, #tpu.memory_space<hbm>>
      %dma_start3A_559 = tpu.memref_squeeze %dma_start3A_558 : memref<1x180x112xi32, #tpu.memory_space<hbm>> -> memref<180x112xi32, #tpu.memory_space<hbm>>
      %dma_start3A_560 = arith.constant 45 : i32
      %dma_start3A_561 = arith.constant 0 : i32
      %dma_start3A_562 = tpu.memref_slice %dma_start3A_559[%dma_start3A_560, %dma_start3A_561] : memref<180x112xi32, #tpu.memory_space<hbm>> -> memref<45x112xi32, #tpu.memory_space<hbm>>
      %dma_start3A_563 = arith.constant 0 : i32
      %dma_start3A_564 = arith.constant 0 : i32
      %dma_start3A_565 = tpu.memref_slice %arg4[%arg1, %dma_start3A_563, %dma_start3A_564] : memref<16x180x112xi32, #tpu.memory_space<hbm>> -> memref<1x180x112xi32, #tpu.memory_space<hbm>>
      %dma_start3A_566 = tpu.memref_squeeze %dma_start3A_565 : memref<1x180x112xi32, #tpu.memory_space<hbm>> -> memref<180x112xi32, #tpu.memory_space<hbm>>
      %dma_start3A_567 = arith.constant 45 : i32
      %dma_start3A_568 = arith.constant 0 : i32
      %dma_start3A_569 = tpu.memref_slice %dma_start3A_566[%dma_start3A_567, %dma_start3A_568] : memref<180x112xi32, #tpu.memory_space<hbm>> -> memref<45x112xi32, #tpu.memory_space<hbm>>
      tpu.enqueue_dma source(%dma_start3A_569 : memref<45x112xi32, #tpu.memory_space<hbm>>) target(%arg8 : memref<45x112xi32, #tpu.memory_space<vmem>>) target_semaphore(%run_scoped3A : memref<!tpu.dma_semaphore, #tpu.memory_space<semaphore_mem>>)
      %dma_wait3A_570 = arith.constant 0 : i32
      %dma_wait3A_571 = arith.constant 0 : i32
      %dma_wait3A_572 = tpu.memref_slice %arg4[%arg1, %dma_wait3A_570, %dma_wait3A_571] : memref<16x180x112xi32, #tpu.memory_space<hbm>> -> memref<1x180x112xi32, #tpu.memory_space<hbm>>
      %dma_wait3A_573 = tpu.memref_squeeze %dma_wait3A_572 : memref<1x180x112xi32, #tpu.memory_space<hbm>> -> memref<180x112xi32, #tpu.memory_space<hbm>>
      %dma_wait3A_574 = arith.constant 45 : i32
      %dma_wait3A_575 = arith.constant 0 : i32
      %dma_wait3A_576 = tpu.memref_slice %dma_wait3A_573[%dma_wait3A_574, %dma_wait3A_575] : memref<180x112xi32, #tpu.memory_space<hbm>> -> memref<45x112xi32, #tpu.memory_space<hbm>>
      %dma_wait3A_577 = arith.constant 0 : i32
      %dma_wait3A_578 = arith.constant 0 : i32
      %dma_wait3A_579 = tpu.memref_slice %arg4[%arg1, %dma_wait3A_577, %dma_wait3A_578] : memref<16x180x112xi32, #tpu.memory_space<hbm>> -> memref<1x180x112xi32, #tpu.memory_space<hbm>>
      %dma_wait3A_580 = tpu.memref_squeeze %dma_wait3A_579 : memref<1x180x112xi32, #tpu.memory_space<hbm>> -> memref<180x112xi32, #tpu.memory_space<hbm>>
      %dma_wait3A_581 = arith.constant 45 : i32
      %dma_wait3A_582 = arith.constant 0 : i32
      %dma_wait3A_583 = tpu.memref_slice %dma_wait3A_580[%dma_wait3A_581, %dma_wait3A_582] : memref<180x112xi32, #tpu.memory_space<hbm>> -> memref<45x112xi32, #tpu.memory_space<hbm>>
      tpu.wait_dma2 semaphore(%run_scoped3A : memref<!tpu.dma_semaphore, #tpu.memory_space<semaphore_mem>>) src(%dma_wait3A_583 : memref<45x112xi32, #tpu.memory_space<hbm>>) dst(%arg8 : memref<45x112xi32, #tpu.memory_space<vmem>>)
      tpu.yield
    }) : () -> ()
    %dma_start3A_352 = arith.constant 0 : i32
    %dma_start3A_353 = arith.constant 0 : i32
    %dma_start3A_354 = arith.constant 0 : i32
    %dma_start3A_355 = arith.constant 0 : i32
    %dma_start3A_356 = tpu.memref_slice %arg9[%dma_start3A_353, %dma_start3A_354, %dma_start3A_355] : memref<5x112x64xf32, #tpu.memory_space<vmem>> -> memref<1x112x64xf32, #tpu.memory_space<vmem>>
    %dma_start3A_357 = tpu.memref_squeeze %dma_start3A_356 : memref<1x112x64xf32, #tpu.memory_space<vmem>> -> memref<112x64xf32, #tpu.memory_space<vmem>>
    %dma_start3A_358 = arith.constant 0 : i32
    %dma_start3A_359 = tpu.memref_slice %arg7[%dma_start3A_352, %dma_start3A_358] : memref<45x112xi32, #tpu.memory_space<vmem>> -> memref<1x112xi32, #tpu.memory_space<vmem>>
    %dma_start3A_360 = tpu.memref_squeeze %dma_start3A_359 : memref<1x112xi32, #tpu.memory_space<vmem>> -> memref<112xi32, #tpu.memory_space<vmem>>
    %dma_start3A_361 = arith.constant 0 : i32
    %dma_start3A_362 = arith.constant 0 : i32
    %dma_start3A_363 = tpu.memref_slice %arg10[%dma_start3A_361, %dma_start3A_362] : memref<10240x64xf32, #tpu.memory_space<vmem_shared>> -> memref<10240x64xf32, #tpu.memory_space<vmem_shared>>
    tpu.enqueue_indirect_dma source(%dma_start3A_363 : memref<10240x64xf32, #tpu.memory_space<vmem_shared>>) target(%dma_start3A_357 : memref<112x64xf32, #tpu.memory_space<vmem>>) offsets(%dma_start3A_360 : memref<112xi32, #tpu.memory_space<vmem>>) semaphore(%arg12 : memref<!tpu.dma_semaphore, #tpu.memory_space<semaphore_mem>>)
    %dma_start3A_364 = arith.constant 1 : i32
    %dma_start3A_365 = arith.constant 1 : i32
    %dma_start3A_366 = arith.constant 0 : i32
    %dma_start3A_367 = arith.constant 0 : i32
    %dma_start3A_368 = tpu.memref_slice %arg9[%dma_start3A_365, %dma_start3A_366, %dma_start3A_367] : memref<5x112x64xf32, #tpu.memory_space<vmem>> -> memref<1x112x64xf32, #tpu.memory_space<vmem>>
    %dma_start3A_369 = tpu.memref_squeeze %dma_start3A_368 : memref<1x112x64xf32, #tpu.memory_space<vmem>> -> memref<112x64xf32, #tpu.memory_space<vmem>>
    %dma_start3A_370 = arith.constant 0 : i32
    %dma_start3A_371 = tpu.memref_slice %arg7[%dma_start3A_364, %dma_start3A_370] : memref<45x112xi32, #tpu.memory_space<vmem>> -> memref<1x112xi32, #tpu.memory_space<vmem>>
    %dma_start3A_372 = tpu.memref_squeeze %dma_start3A_371 : memref<1x112xi32, #tpu.memory_space<vmem>> -> memref<112xi32, #tpu.memory_space<vmem>>
    %dma_start3A_373 = arith.constant 0 : i32
    %dma_start3A_374 = arith.constant 0 : i32
    %dma_start3A_375 = tpu.memref_slice %arg10[%dma_start3A_373, %dma_start3A_374] : memref<10240x64xf32, #tpu.memory_space<vmem_shared>> -> memref<10240x64xf32, #tpu.memory_space<vmem_shared>>
    tpu.enqueue_indirect_dma source(%dma_start3A_375 : memref<10240x64xf32, #tpu.memory_space<vmem_shared>>) target(%dma_start3A_369 : memref<112x64xf32, #tpu.memory_space<vmem>>) offsets(%dma_start3A_372 : memref<112xi32, #tpu.memory_space<vmem>>) semaphore(%arg13 : memref<!tpu.dma_semaphore, #tpu.memory_space<semaphore_mem>>)
    %dma_start3A_376 = arith.constant 2 : i32
    %dma_start3A_377 = arith.constant 2 : i32
    %dma_start3A_378 = arith.constant 0 : i32
    %dma_start3A_379 = arith.constant 0 : i32
    %dma_start3A_380 = tpu.memref_slice %arg9[%dma_start3A_377, %dma_start3A_378, %dma_start3A_379] : memref<5x112x64xf32, #tpu.memory_space<vmem>> -> memref<1x112x64xf32, #tpu.memory_space<vmem>>
    %dma_start3A_381 = tpu.memref_squeeze %dma_start3A_380 : memref<1x112x64xf32, #tpu.memory_space<vmem>> -> memref<112x64xf32, #tpu.memory_space<vmem>>
    %dma_start3A_382 = arith.constant 0 : i32
    %dma_start3A_383 = tpu.memref_slice %arg7[%dma_start3A_376, %dma_start3A_382] : memref<45x112xi32, #tpu.memory_space<vmem>> -> memref<1x112xi32, #tpu.memory_space<vmem>>
    %dma_start3A_384 = tpu.memref_squeeze %dma_start3A_383 : memref<1x112xi32, #tpu.memory_space<vmem>> -> memref<112xi32, #tpu.memory_space<vmem>>
    %dma_start3A_385 = arith.constant 0 : i32
    %dma_start3A_386 = arith.constant 0 : i32
    %dma_start3A_387 = tpu.memref_slice %arg10[%dma_start3A_385, %dma_start3A_386] : memref<10240x64xf32, #tpu.memory_space<vmem_shared>> -> memref<10240x64xf32, #tpu.memory_space<vmem_shared>>
    tpu.enqueue_indirect_dma source(%dma_start3A_387 : memref<10240x64xf32, #tpu.memory_space<vmem_shared>>) target(%dma_start3A_381 : memref<112x64xf32, #tpu.memory_space<vmem>>) offsets(%dma_start3A_384 : memref<112xi32, #tpu.memory_space<vmem>>) semaphore(%arg14 : memref<!tpu.dma_semaphore, #tpu.memory_space<semaphore_mem>>)
    %dma_start3A_388 = arith.constant 3 : i32
    %dma_start3A_389 = arith.constant 3 : i32
    %dma_start3A_390 = arith.constant 0 : i32
    %dma_start3A_391 = arith.constant 0 : i32
    %dma_start3A_392 = tpu.memref_slice %arg9[%dma_start3A_389, %dma_start3A_390, %dma_start3A_391] : memref<5x112x64xf32, #tpu.memory_space<vmem>> -> memref<1x112x64xf32, #tpu.memory_space<vmem>>
    %dma_start3A_393 = tpu.memref_squeeze %dma_start3A_392 : memref<1x112x64xf32, #tpu.memory_space<vmem>> -> memref<112x64xf32, #tpu.memory_space<vmem>>
    %dma_start3A_394 = arith.constant 0 : i32
    %dma_start3A_395 = tpu.memref_slice %arg7[%dma_start3A_388, %dma_start3A_394] : memref<45x112xi32, #tpu.memory_space<vmem>> -> memref<1x112xi32, #tpu.memory_space<vmem>>
    %dma_start3A_396 = tpu.memref_squeeze %dma_start3A_395 : memref<1x112xi32, #tpu.memory_space<vmem>> -> memref<112xi32, #tpu.memory_space<vmem>>
    %dma_start3A_397 = arith.constant 0 : i32
    %dma_start3A_398 = arith.constant 0 : i32
    %dma_start3A_399 = tpu.memref_slice %arg10[%dma_start3A_397, %dma_start3A_398] : memref<10240x64xf32, #tpu.memory_space<vmem_shared>> -> memref<10240x64xf32, #tpu.memory_space<vmem_shared>>
    tpu.enqueue_indirect_dma source(%dma_start3A_399 : memref<10240x64xf32, #tpu.memory_space<vmem_shared>>) target(%dma_start3A_393 : memref<112x64xf32, #tpu.memory_space<vmem>>) offsets(%dma_start3A_396 : memref<112xi32, #tpu.memory_space<vmem>>) semaphore(%arg15 : memref<!tpu.dma_semaphore, #tpu.memory_space<semaphore_mem>>)
    %scan3A_400 = arith.constant 0 : i32
    %scan3A_401 = arith.constant 0 : i32
    %scan3A_402 = arith.constant 9 : i32
    %scan3A_403 = arith.addi %scan3A_401, %scan3A_402 : i32
    %scan3A_404 = arith.constant 1 : i32
    scf.for %scan3A_556 = %scan3A_401 to %scan3A_403 step %scan3A_404  : i32 {
      %mul3A_557 = arith.constant 5 : i32
      %mul3A_558 = arith.muli %mul3A_557, %scan3A_556 : i32
      %add3A_559 = arith.constant 0 : i32
      %add3A_560 = arith.addi %mul3A_558, %add3A_559 : i32
      %dma_wait3A_561 = arith.constant 0 : i32
      %dma_wait3A_562 = arith.constant 0 : i32
      %dma_wait3A_563 = arith.constant 0 : i32
      %dma_wait3A_564 = tpu.memref_slice %arg9[%dma_wait3A_561, %dma_wait3A_562, %dma_wait3A_563] : memref<5x112x64xf32, #tpu.memory_space<vmem>> -> memref<1x112x64xf32, #tpu.memory_space<vmem>>
      %dma_wait3A_565 = tpu.memref_squeeze %dma_wait3A_564 : memref<1x112x64xf32, #tpu.memory_space<vmem>> -> memref<112x64xf32, #tpu.memory_space<vmem>>
      %dma_wait3A_566 = arith.constant 0 : i32
      %dma_wait3A_567 = tpu.memref_slice %arg7[%add3A_560, %dma_wait3A_566] : memref<45x112xi32, #tpu.memory_space<vmem>> -> memref<1x112xi32, #tpu.memory_space<vmem>>
      %dma_wait3A_568 = tpu.memref_squeeze %dma_wait3A_567 : memref<1x112xi32, #tpu.memory_space<vmem>> -> memref<112xi32, #tpu.memory_space<vmem>>
      %dma_wait3A_569 = arith.constant 0 : i32
      %dma_wait3A_570 = arith.constant 0 : i32
      %dma_wait3A_571 = tpu.memref_slice %arg10[%dma_wait3A_569, %dma_wait3A_570] : memref<10240x64xf32, #tpu.memory_space<vmem_shared>> -> memref<10240x64xf32, #tpu.memory_space<vmem_shared>>
      tpu.wait_indirect_dma semaphore(%arg12 : memref<!tpu.dma_semaphore, #tpu.memory_space<semaphore_mem>>) src(%dma_wait3A_571 : memref<10240x64xf32, #tpu.memory_space<vmem_shared>>) dst(%dma_wait3A_565 : memref<112x64xf32, #tpu.memory_space<vmem>>)
      %dma_start3A_572 = arith.constant 0 : i32
      %dma_start3A_573 = arith.constant 0 : i32
      %dma_start3A_574 = arith.constant 0 : i32
      %dma_start3A_575 = tpu.memref_slice %arg9[%dma_start3A_572, %dma_start3A_573, %dma_start3A_574] : memref<5x112x64xf32, #tpu.memory_space<vmem>> -> memref<1x112x64xf32, #tpu.memory_space<vmem>>
      %dma_start3A_576 = tpu.memref_squeeze %dma_start3A_575 : memref<1x112x64xf32, #tpu.memory_space<vmem>> -> memref<112x64xf32, #tpu.memory_space<vmem>>
      %dma_start3A_577 = arith.constant 0 : i32
      %dma_start3A_578 = tpu.memref_slice %arg8[%add3A_560, %dma_start3A_577] : memref<45x112xi32, #tpu.memory_space<vmem>> -> memref<1x112xi32, #tpu.memory_space<vmem>>
      %dma_start3A_579 = tpu.memref_squeeze %dma_start3A_578 : memref<1x112xi32, #tpu.memory_space<vmem>> -> memref<112xi32, #tpu.memory_space<vmem>>
      %dma_start3A_580 = arith.constant 0 : i32
      %dma_start3A_581 = arith.constant 0 : i32
      %dma_start3A_582 = tpu.memref_slice %arg11[%dma_start3A_580, %dma_start3A_581] : memref<10240x64xf32, #tpu.memory_space<vmem_shared>> -> memref<10240x64xf32, #tpu.memory_space<vmem_shared>>
      tpu.enqueue_indirect_dma source(%dma_start3A_576 : memref<112x64xf32, #tpu.memory_space<vmem>>) target(%dma_start3A_582 : memref<10240x64xf32, #tpu.memory_space<vmem_shared>>) offsets(%dma_start3A_579 : memref<112xi32, #tpu.memory_space<vmem>>) semaphore(%arg17 : memref<!tpu.dma_semaphore, #tpu.memory_space<semaphore_mem>>) {add = true}
      %ge3A = arith.constant 1 : i32
      %ge3A_583 = arith.cmpi sge, %add3A_560, %ge3A : i32
      %convert_element_type3A = arith.extui %ge3A_583 : i1 to i32
      %cond3A = arith.constant 0 : i32
      %cond3A_584 = arith.cmpi ne, %convert_element_type3A, %cond3A : i32
      scf.if %cond3A_584 {
        %sub3A_752 = arith.constant 1 : i32
        %sub3A_753 = arith.subi %add3A_560, %sub3A_752 : i32
        %dma_wait3A_754 = arith.constant 4 : i32
        %dma_wait3A_755 = arith.constant 0 : i32
        %dma_wait3A_756 = arith.constant 0 : i32
        %dma_wait3A_757 = tpu.memref_slice %arg9[%dma_wait3A_754, %dma_wait3A_755, %dma_wait3A_756] : memref<5x112x64xf32, #tpu.memory_space<vmem>> -> memref<1x112x64xf32, #tpu.memory_space<vmem>>
        %dma_wait3A_758 = tpu.memref_squeeze %dma_wait3A_757 : memref<1x112x64xf32, #tpu.memory_space<vmem>> -> memref<112x64xf32, #tpu.memory_space<vmem>>
        %dma_wait3A_759 = arith.constant 0 : i32
        %dma_wait3A_760 = tpu.memref_slice %arg8[%sub3A_753, %dma_wait3A_759] : memref<45x112xi32, #tpu.memory_space<vmem>> -> memref<1x112xi32, #tpu.memory_space<vmem>>
        %dma_wait3A_761 = tpu.memref_squeeze %dma_wait3A_760 : memref<1x112xi32, #tpu.memory_space<vmem>> -> memref<112xi32, #tpu.memory_space<vmem>>
        %dma_wait3A_762 = arith.constant 0 : i32
        %dma_wait3A_763 = arith.constant 0 : i32
        %dma_wait3A_764 = tpu.memref_slice %arg11[%dma_wait3A_762, %dma_wait3A_763] : memref<10240x64xf32, #tpu.memory_space<vmem_shared>> -> memref<10240x64xf32, #tpu.memory_space<vmem_shared>>
        tpu.wait_indirect_dma semaphore(%arg21 : memref<!tpu.dma_semaphore, #tpu.memory_space<semaphore_mem>>) src(%dma_wait3A_758 : memref<112x64xf32, #tpu.memory_space<vmem>>) dst(%dma_wait3A_764 : memref<10240x64xf32, #tpu.memory_space<vmem_shared>>)
      } else {
      }
      %add3A_585 = arith.constant 5 : i32
      %add3A_586 = arith.addi %add3A_560, %add3A_585 : i32
      %sub3A = arith.constant 1 : i32
      %sub3A_587 = arith.subi %add3A_586, %sub3A : i32
      %le3A = arith.constant 44 : i32
      %le3A_588 = arith.cmpi sle, %sub3A_587, %le3A : i32
      %convert_element_type3A_589 = arith.extui %le3A_588 : i1 to i32
      %cond3A_590 = arith.constant 0 : i32
      %cond3A_591 = arith.cmpi ne, %convert_element_type3A_589, %cond3A_590 : i32
      scf.if %cond3A_591 {
        %add3A_752 = arith.constant 5 : i32
        %add3A_753 = arith.addi %add3A_560, %add3A_752 : i32
        %sub3A_754 = arith.constant 1 : i32
        %sub3A_755 = arith.subi %add3A_753, %sub3A_754 : i32
        %dma_start3A_756 = arith.constant 4 : i32
        %dma_start3A_757 = arith.constant 0 : i32
        %dma_start3A_758 = arith.constant 0 : i32
        %dma_start3A_759 = tpu.memref_slice %arg9[%dma_start3A_756, %dma_start3A_757, %dma_start3A_758] : memref<5x112x64xf32, #tpu.memory_space<vmem>> -> memref<1x112x64xf32, #tpu.memory_space<vmem>>
        %dma_start3A_760 = tpu.memref_squeeze %dma_start3A_759 : memref<1x112x64xf32, #tpu.memory_space<vmem>> -> memref<112x64xf32, #tpu.memory_space<vmem>>
        %dma_start3A_761 = arith.constant 0 : i32
        %dma_start3A_762 = tpu.memref_slice %arg7[%sub3A_755, %dma_start3A_761] : memref<45x112xi32, #tpu.memory_space<vmem>> -> memref<1x112xi32, #tpu.memory_space<vmem>>
        %dma_start3A_763 = tpu.memref_squeeze %dma_start3A_762 : memref<1x112xi32, #tpu.memory_space<vmem>> -> memref<112xi32, #tpu.memory_space<vmem>>
        %dma_start3A_764 = arith.constant 0 : i32
        %dma_start3A_765 = arith.constant 0 : i32
        %dma_start3A_766 = tpu.memref_slice %arg10[%dma_start3A_764, %dma_start3A_765] : memref<10240x64xf32, #tpu.memory_space<vmem_shared>> -> memref<10240x64xf32, #tpu.memory_space<vmem_shared>>
        tpu.enqueue_indirect_dma source(%dma_start3A_766 : memref<10240x64xf32, #tpu.memory_space<vmem_shared>>) target(%dma_start3A_760 : memref<112x64xf32, #tpu.memory_space<vmem>>) offsets(%dma_start3A_763 : memref<112xi32, #tpu.memory_space<vmem>>) semaphore(%arg16 : memref<!tpu.dma_semaphore, #tpu.memory_space<semaphore_mem>>)
      } else {
      }
      %mul3A_592 = arith.constant 5 : i32
      %mul3A_593 = arith.muli %mul3A_592, %scan3A_556 : i32
      %add3A_594 = arith.constant 1 : i32
      %add3A_595 = arith.addi %mul3A_593, %add3A_594 : i32
      %dma_wait3A_596 = arith.constant 1 : i32
      %dma_wait3A_597 = arith.constant 0 : i32
      %dma_wait3A_598 = arith.constant 0 : i32
      %dma_wait3A_599 = tpu.memref_slice %arg9[%dma_wait3A_596, %dma_wait3A_597, %dma_wait3A_598] : memref<5x112x64xf32, #tpu.memory_space<vmem>> -> memref<1x112x64xf32, #tpu.memory_space<vmem>>
      %dma_wait3A_600 = tpu.memref_squeeze %dma_wait3A_599 : memref<1x112x64xf32, #tpu.memory_space<vmem>> -> memref<112x64xf32, #tpu.memory_space<vmem>>
      %dma_wait3A_601 = arith.constant 0 : i32
      %dma_wait3A_602 = tpu.memref_slice %arg7[%add3A_595, %dma_wait3A_601] : memref<45x112xi32, #tpu.memory_space<vmem>> -> memref<1x112xi32, #tpu.memory_space<vmem>>
      %dma_wait3A_603 = tpu.memref_squeeze %dma_wait3A_602 : memref<1x112xi32, #tpu.memory_space<vmem>> -> memref<112xi32, #tpu.memory_space<vmem>>
      %dma_wait3A_604 = arith.constant 0 : i32
      %dma_wait3A_605 = arith.constant 0 : i32
      %dma_wait3A_606 = tpu.memref_slice %arg10[%dma_wait3A_604, %dma_wait3A_605] : memref<10240x64xf32, #tpu.memory_space<vmem_shared>> -> memref<10240x64xf32, #tpu.memory_space<vmem_shared>>
      tpu.wait_indirect_dma semaphore(%arg13 : memref<!tpu.dma_semaphore, #tpu.memory_space<semaphore_mem>>) src(%dma_wait3A_606 : memref<10240x64xf32, #tpu.memory_space<vmem_shared>>) dst(%dma_wait3A_600 : memref<112x64xf32, #tpu.memory_space<vmem>>)
      %dma_start3A_607 = arith.constant 1 : i32
      %dma_start3A_608 = arith.constant 0 : i32
      %dma_start3A_609 = arith.constant 0 : i32
      %dma_start3A_610 = tpu.memref_slice %arg9[%dma_start3A_607, %dma_start3A_608, %dma_start3A_609] : memref<5x112x64xf32, #tpu.memory_space<vmem>> -> memref<1x112x64xf32, #tpu.memory_space<vmem>>
      %dma_start3A_611 = tpu.memref_squeeze %dma_start3A_610 : memref<1x112x64xf32, #tpu.memory_space<vmem>> -> memref<112x64xf32, #tpu.memory_space<vmem>>
      %dma_start3A_612 = arith.constant 0 : i32
      %dma_start3A_613 = tpu.memref_slice %arg8[%add3A_595, %dma_start3A_612] : memref<45x112xi32, #tpu.memory_space<vmem>> -> memref<1x112xi32, #tpu.memory_space<vmem>>
      %dma_start3A_614 = tpu.memref_squeeze %dma_start3A_613 : memref<1x112xi32, #tpu.memory_space<vmem>> -> memref<112xi32, #tpu.memory_space<vmem>>
      %dma_start3A_615 = arith.constant 0 : i32
      %dma_start3A_616 = arith.constant 0 : i32
      %dma_start3A_617 = tpu.memref_slice %arg11[%dma_start3A_615, %dma_start3A_616] : memref<10240x64xf32, #tpu.memory_space<vmem_shared>> -> memref<10240x64xf32, #tpu.memory_space<vmem_shared>>
      tpu.enqueue_indirect_dma source(%dma_start3A_611 : memref<112x64xf32, #tpu.memory_space<vmem>>) target(%dma_start3A_617 : memref<10240x64xf32, #tpu.memory_space<vmem_shared>>) offsets(%dma_start3A_614 : memref<112xi32, #tpu.memory_space<vmem>>) semaphore(%arg18 : memref<!tpu.dma_semaphore, #tpu.memory_space<semaphore_mem>>) {add = true}
      %ge3A_618 = arith.constant 1 : i32
      %ge3A_619 = arith.cmpi sge, %add3A_595, %ge3A_618 : i32
      %convert_element_type3A_620 = arith.extui %ge3A_619 : i1 to i32
      %cond3A_621 = arith.constant 0 : i32
      %cond3A_622 = arith.cmpi ne, %convert_element_type3A_620, %cond3A_621 : i32
      scf.if %cond3A_622 {
        %sub3A_752 = arith.constant 1 : i32
        %sub3A_753 = arith.subi %add3A_595, %sub3A_752 : i32
        %dma_wait3A_754 = arith.constant 0 : i32
        %dma_wait3A_755 = arith.constant 0 : i32
        %dma_wait3A_756 = arith.constant 0 : i32
        %dma_wait3A_757 = tpu.memref_slice %arg9[%dma_wait3A_754, %dma_wait3A_755, %dma_wait3A_756] : memref<5x112x64xf32, #tpu.memory_space<vmem>> -> memref<1x112x64xf32, #tpu.memory_space<vmem>>
        %dma_wait3A_758 = tpu.memref_squeeze %dma_wait3A_757 : memref<1x112x64xf32, #tpu.memory_space<vmem>> -> memref<112x64xf32, #tpu.memory_space<vmem>>
        %dma_wait3A_759 = arith.constant 0 : i32
        %dma_wait3A_760 = tpu.memref_slice %arg8[%sub3A_753, %dma_wait3A_759] : memref<45x112xi32, #tpu.memory_space<vmem>> -> memref<1x112xi32, #tpu.memory_space<vmem>>
        %dma_wait3A_761 = tpu.memref_squeeze %dma_wait3A_760 : memref<1x112xi32, #tpu.memory_space<vmem>> -> memref<112xi32, #tpu.memory_space<vmem>>
        %dma_wait3A_762 = arith.constant 0 : i32
        %dma_wait3A_763 = arith.constant 0 : i32
        %dma_wait3A_764 = tpu.memref_slice %arg11[%dma_wait3A_762, %dma_wait3A_763] : memref<10240x64xf32, #tpu.memory_space<vmem_shared>> -> memref<10240x64xf32, #tpu.memory_space<vmem_shared>>
        tpu.wait_indirect_dma semaphore(%arg17 : memref<!tpu.dma_semaphore, #tpu.memory_space<semaphore_mem>>) src(%dma_wait3A_758 : memref<112x64xf32, #tpu.memory_space<vmem>>) dst(%dma_wait3A_764 : memref<10240x64xf32, #tpu.memory_space<vmem_shared>>)
      } else {
      }
      %add3A_623 = arith.constant 5 : i32
      %add3A_624 = arith.addi %add3A_595, %add3A_623 : i32
      %sub3A_625 = arith.constant 1 : i32
      %sub3A_626 = arith.subi %add3A_624, %sub3A_625 : i32
      %le3A_627 = arith.constant 44 : i32
      %le3A_628 = arith.cmpi sle, %sub3A_626, %le3A_627 : i32
      %convert_element_type3A_629 = arith.extui %le3A_628 : i1 to i32
      %cond3A_630 = arith.constant 0 : i32
      %cond3A_631 = arith.cmpi ne, %convert_element_type3A_629, %cond3A_630 : i32
      scf.if %cond3A_631 {
        %add3A_752 = arith.constant 5 : i32
        %add3A_753 = arith.addi %add3A_595, %add3A_752 : i32
        %sub3A_754 = arith.constant 1 : i32
        %sub3A_755 = arith.subi %add3A_753, %sub3A_754 : i32
        %dma_start3A_756 = arith.constant 0 : i32
        %dma_start3A_757 = arith.constant 0 : i32
        %dma_start3A_758 = arith.constant 0 : i32
        %dma_start3A_759 = tpu.memref_slice %arg9[%dma_start3A_756, %dma_start3A_757, %dma_start3A_758] : memref<5x112x64xf32, #tpu.memory_space<vmem>> -> memref<1x112x64xf32, #tpu.memory_space<vmem>>
        %dma_start3A_760 = tpu.memref_squeeze %dma_start3A_759 : memref<1x112x64xf32, #tpu.memory_space<vmem>> -> memref<112x64xf32, #tpu.memory_space<vmem>>
        %dma_start3A_761 = arith.constant 0 : i32
        %dma_start3A_762 = tpu.memref_slice %arg7[%sub3A_755, %dma_start3A_761] : memref<45x112xi32, #tpu.memory_space<vmem>> -> memref<1x112xi32, #tpu.memory_space<vmem>>
        %dma_start3A_763 = tpu.memref_squeeze %dma_start3A_762 : memref<1x112xi32, #tpu.memory_space<vmem>> -> memref<112xi32, #tpu.memory_space<vmem>>
        %dma_start3A_764 = arith.constant 0 : i32
        %dma_start3A_765 = arith.constant 0 : i32
        %dma_start3A_766 = tpu.memref_slice %arg10[%dma_start3A_764, %dma_start3A_765] : memref<10240x64xf32, #tpu.memory_space<vmem_shared>> -> memref<10240x64xf32, #tpu.memory_space<vmem_shared>>
        tpu.enqueue_indirect_dma source(%dma_start3A_766 : memref<10240x64xf32, #tpu.memory_space<vmem_shared>>) target(%dma_start3A_760 : memref<112x64xf32, #tpu.memory_space<vmem>>) offsets(%dma_start3A_763 : memref<112xi32, #tpu.memory_space<vmem>>) semaphore(%arg12 : memref<!tpu.dma_semaphore, #tpu.memory_space<semaphore_mem>>)
      } else {
      }
      %mul3A_632 = arith.constant 5 : i32
      %mul3A_633 = arith.muli %mul3A_632, %scan3A_556 : i32
      %add3A_634 = arith.constant 2 : i32
      %add3A_635 = arith.addi %mul3A_633, %add3A_634 : i32
      %dma_wait3A_636 = arith.constant 2 : i32
      %dma_wait3A_637 = arith.constant 0 : i32
      %dma_wait3A_638 = arith.constant 0 : i32
      %dma_wait3A_639 = tpu.memref_slice %arg9[%dma_wait3A_636, %dma_wait3A_637, %dma_wait3A_638] : memref<5x112x64xf32, #tpu.memory_space<vmem>> -> memref<1x112x64xf32, #tpu.memory_space<vmem>>
      %dma_wait3A_640 = tpu.memref_squeeze %dma_wait3A_639 : memref<1x112x64xf32, #tpu.memory_space<vmem>> -> memref<112x64xf32, #tpu.memory_space<vmem>>
      %dma_wait3A_641 = arith.constant 0 : i32
      %dma_wait3A_642 = tpu.memref_slice %arg7[%add3A_635, %dma_wait3A_641] : memref<45x112xi32, #tpu.memory_space<vmem>> -> memref<1x112xi32, #tpu.memory_space<vmem>>
      %dma_wait3A_643 = tpu.memref_squeeze %dma_wait3A_642 : memref<1x112xi32, #tpu.memory_space<vmem>> -> memref<112xi32, #tpu.memory_space<vmem>>
      %dma_wait3A_644 = arith.constant 0 : i32
      %dma_wait3A_645 = arith.constant 0 : i32
      %dma_wait3A_646 = tpu.memref_slice %arg10[%dma_wait3A_644, %dma_wait3A_645] : memref<10240x64xf32, #tpu.memory_space<vmem_shared>> -> memref<10240x64xf32, #tpu.memory_space<vmem_shared>>
      tpu.wait_indirect_dma semaphore(%arg14 : memref<!tpu.dma_semaphore, #tpu.memory_space<semaphore_mem>>) src(%dma_wait3A_646 : memref<10240x64xf32, #tpu.memory_space<vmem_shared>>) dst(%dma_wait3A_640 : memref<112x64xf32, #tpu.memory_space<vmem>>)
      %dma_start3A_647 = arith.constant 2 : i32
      %dma_start3A_648 = arith.constant 0 : i32
      %dma_start3A_649 = arith.constant 0 : i32
      %dma_start3A_650 = tpu.memref_slice %arg9[%dma_start3A_647, %dma_start3A_648, %dma_start3A_649] : memref<5x112x64xf32, #tpu.memory_space<vmem>> -> memref<1x112x64xf32, #tpu.memory_space<vmem>>
      %dma_start3A_651 = tpu.memref_squeeze %dma_start3A_650 : memref<1x112x64xf32, #tpu.memory_space<vmem>> -> memref<112x64xf32, #tpu.memory_space<vmem>>
      %dma_start3A_652 = arith.constant 0 : i32
      %dma_start3A_653 = tpu.memref_slice %arg8[%add3A_635, %dma_start3A_652] : memref<45x112xi32, #tpu.memory_space<vmem>> -> memref<1x112xi32, #tpu.memory_space<vmem>>
      %dma_start3A_654 = tpu.memref_squeeze %dma_start3A_653 : memref<1x112xi32, #tpu.memory_space<vmem>> -> memref<112xi32, #tpu.memory_space<vmem>>
      %dma_start3A_655 = arith.constant 0 : i32
      %dma_start3A_656 = arith.constant 0 : i32
      %dma_start3A_657 = tpu.memref_slice %arg11[%dma_start3A_655, %dma_start3A_656] : memref<10240x64xf32, #tpu.memory_space<vmem_shared>> -> memref<10240x64xf32, #tpu.memory_space<vmem_shared>>
      tpu.enqueue_indirect_dma source(%dma_start3A_651 : memref<112x64xf32, #tpu.memory_space<vmem>>) target(%dma_start3A_657 : memref<10240x64xf32, #tpu.memory_space<vmem_shared>>) offsets(%dma_start3A_654 : memref<112xi32, #tpu.memory_space<vmem>>) semaphore(%arg19 : memref<!tpu.dma_semaphore, #tpu.memory_space<semaphore_mem>>) {add = true}
      %ge3A_658 = arith.constant 1 : i32
      %ge3A_659 = arith.cmpi sge, %add3A_635, %ge3A_658 : i32
      %convert_element_type3A_660 = arith.extui %ge3A_659 : i1 to i32
      %cond3A_661 = arith.constant 0 : i32
      %cond3A_662 = arith.cmpi ne, %convert_element_type3A_660, %cond3A_661 : i32
      scf.if %cond3A_662 {
        %sub3A_752 = arith.constant 1 : i32
        %sub3A_753 = arith.subi %add3A_635, %sub3A_752 : i32
        %dma_wait3A_754 = arith.constant 1 : i32
        %dma_wait3A_755 = arith.constant 0 : i32
        %dma_wait3A_756 = arith.constant 0 : i32
        %dma_wait3A_757 = tpu.memref_slice %arg9[%dma_wait3A_754, %dma_wait3A_755, %dma_wait3A_756] : memref<5x112x64xf32, #tpu.memory_space<vmem>> -> memref<1x112x64xf32, #tpu.memory_space<vmem>>
        %dma_wait3A_758 = tpu.memref_squeeze %dma_wait3A_757 : memref<1x112x64xf32, #tpu.memory_space<vmem>> -> memref<112x64xf32, #tpu.memory_space<vmem>>
        %dma_wait3A_759 = arith.constant 0 : i32
        %dma_wait3A_760 = tpu.memref_slice %arg8[%sub3A_753, %dma_wait3A_759] : memref<45x112xi32, #tpu.memory_space<vmem>> -> memref<1x112xi32, #tpu.memory_space<vmem>>
        %dma_wait3A_761 = tpu.memref_squeeze %dma_wait3A_760 : memref<1x112xi32, #tpu.memory_space<vmem>> -> memref<112xi32, #tpu.memory_space<vmem>>
        %dma_wait3A_762 = arith.constant 0 : i32
        %dma_wait3A_763 = arith.constant 0 : i32
        %dma_wait3A_764 = tpu.memref_slice %arg11[%dma_wait3A_762, %dma_wait3A_763] : memref<10240x64xf32, #tpu.memory_space<vmem_shared>> -> memref<10240x64xf32, #tpu.memory_space<vmem_shared>>
        tpu.wait_indirect_dma semaphore(%arg18 : memref<!tpu.dma_semaphore, #tpu.memory_space<semaphore_mem>>) src(%dma_wait3A_758 : memref<112x64xf32, #tpu.memory_space<vmem>>) dst(%dma_wait3A_764 : memref<10240x64xf32, #tpu.memory_space<vmem_shared>>)
      } else {
      }
      %add3A_663 = arith.constant 5 : i32
      %add3A_664 = arith.addi %add3A_635, %add3A_663 : i32
      %sub3A_665 = arith.constant 1 : i32
      %sub3A_666 = arith.subi %add3A_664, %sub3A_665 : i32
      %le3A_667 = arith.constant 44 : i32
      %le3A_668 = arith.cmpi sle, %sub3A_666, %le3A_667 : i32
      %convert_element_type3A_669 = arith.extui %le3A_668 : i1 to i32
      %cond3A_670 = arith.constant 0 : i32
      %cond3A_671 = arith.cmpi ne, %convert_element_type3A_669, %cond3A_670 : i32
      scf.if %cond3A_671 {
        %add3A_752 = arith.constant 5 : i32
        %add3A_753 = arith.addi %add3A_635, %add3A_752 : i32
        %sub3A_754 = arith.constant 1 : i32
        %sub3A_755 = arith.subi %add3A_753, %sub3A_754 : i32
        %dma_start3A_756 = arith.constant 1 : i32
        %dma_start3A_757 = arith.constant 0 : i32
        %dma_start3A_758 = arith.constant 0 : i32
        %dma_start3A_759 = tpu.memref_slice %arg9[%dma_start3A_756, %dma_start3A_757, %dma_start3A_758] : memref<5x112x64xf32, #tpu.memory_space<vmem>> -> memref<1x112x64xf32, #tpu.memory_space<vmem>>
        %dma_start3A_760 = tpu.memref_squeeze %dma_start3A_759 : memref<1x112x64xf32, #tpu.memory_space<vmem>> -> memref<112x64xf32, #tpu.memory_space<vmem>>
        %dma_start3A_761 = arith.constant 0 : i32
        %dma_start3A_762 = tpu.memref_slice %arg7[%sub3A_755, %dma_start3A_761] : memref<45x112xi32, #tpu.memory_space<vmem>> -> memref<1x112xi32, #tpu.memory_space<vmem>>
        %dma_start3A_763 = tpu.memref_squeeze %dma_start3A_762 : memref<1x112xi32, #tpu.memory_space<vmem>> -> memref<112xi32, #tpu.memory_space<vmem>>
        %dma_start3A_764 = arith.constant 0 : i32
        %dma_start3A_765 = arith.constant 0 : i32
        %dma_start3A_766 = tpu.memref_slice %arg10[%dma_start3A_764, %dma_start3A_765] : memref<10240x64xf32, #tpu.memory_space<vmem_shared>> -> memref<10240x64xf32, #tpu.memory_space<vmem_shared>>
        tpu.enqueue_indirect_dma source(%dma_start3A_766 : memref<10240x64xf32, #tpu.memory_space<vmem_shared>>) target(%dma_start3A_760 : memref<112x64xf32, #tpu.memory_space<vmem>>) offsets(%dma_start3A_763 : memref<112xi32, #tpu.memory_space<vmem>>) semaphore(%arg13 : memref<!tpu.dma_semaphore, #tpu.memory_space<semaphore_mem>>)
      } else {
      }
      %mul3A_672 = arith.constant 5 : i32
      %mul3A_673 = arith.muli %mul3A_672, %scan3A_556 : i32
      %add3A_674 = arith.constant 3 : i32
      %add3A_675 = arith.addi %mul3A_673, %add3A_674 : i32
      %dma_wait3A_676 = arith.constant 3 : i32
      %dma_wait3A_677 = arith.constant 0 : i32
      %dma_wait3A_678 = arith.constant 0 : i32
      %dma_wait3A_679 = tpu.memref_slice %arg9[%dma_wait3A_676, %dma_wait3A_677, %dma_wait3A_678] : memref<5x112x64xf32, #tpu.memory_space<vmem>> -> memref<1x112x64xf32, #tpu.memory_space<vmem>>
      %dma_wait3A_680 = tpu.memref_squeeze %dma_wait3A_679 : memref<1x112x64xf32, #tpu.memory_space<vmem>> -> memref<112x64xf32, #tpu.memory_space<vmem>>
      %dma_wait3A_681 = arith.constant 0 : i32
      %dma_wait3A_682 = tpu.memref_slice %arg7[%add3A_675, %dma_wait3A_681] : memref<45x112xi32, #tpu.memory_space<vmem>> -> memref<1x112xi32, #tpu.memory_space<vmem>>
      %dma_wait3A_683 = tpu.memref_squeeze %dma_wait3A_682 : memref<1x112xi32, #tpu.memory_space<vmem>> -> memref<112xi32, #tpu.memory_space<vmem>>
      %dma_wait3A_684 = arith.constant 0 : i32
      %dma_wait3A_685 = arith.constant 0 : i32
      %dma_wait3A_686 = tpu.memref_slice %arg10[%dma_wait3A_684, %dma_wait3A_685] : memref<10240x64xf32, #tpu.memory_space<vmem_shared>> -> memref<10240x64xf32, #tpu.memory_space<vmem_shared>>
      tpu.wait_indirect_dma semaphore(%arg15 : memref<!tpu.dma_semaphore, #tpu.memory_space<semaphore_mem>>) src(%dma_wait3A_686 : memref<10240x64xf32, #tpu.memory_space<vmem_shared>>) dst(%dma_wait3A_680 : memref<112x64xf32, #tpu.memory_space<vmem>>)
      %dma_start3A_687 = arith.constant 3 : i32
      %dma_start3A_688 = arith.constant 0 : i32
      %dma_start3A_689 = arith.constant 0 : i32
      %dma_start3A_690 = tpu.memref_slice %arg9[%dma_start3A_687, %dma_start3A_688, %dma_start3A_689] : memref<5x112x64xf32, #tpu.memory_space<vmem>> -> memref<1x112x64xf32, #tpu.memory_space<vmem>>
      %dma_start3A_691 = tpu.memref_squeeze %dma_start3A_690 : memref<1x112x64xf32, #tpu.memory_space<vmem>> -> memref<112x64xf32, #tpu.memory_space<vmem>>
      %dma_start3A_692 = arith.constant 0 : i32
      %dma_start3A_693 = tpu.memref_slice %arg8[%add3A_675, %dma_start3A_692] : memref<45x112xi32, #tpu.memory_space<vmem>> -> memref<1x112xi32, #tpu.memory_space<vmem>>
      %dma_start3A_694 = tpu.memref_squeeze %dma_start3A_693 : memref<1x112xi32, #tpu.memory_space<vmem>> -> memref<112xi32, #tpu.memory_space<vmem>>
      %dma_start3A_695 = arith.constant 0 : i32
      %dma_start3A_696 = arith.constant 0 : i32
      %dma_start3A_697 = tpu.memref_slice %arg11[%dma_start3A_695, %dma_start3A_696] : memref<10240x64xf32, #tpu.memory_space<vmem_shared>> -> memref<10240x64xf32, #tpu.memory_space<vmem_shared>>
      tpu.enqueue_indirect_dma source(%dma_start3A_691 : memref<112x64xf32, #tpu.memory_space<vmem>>) target(%dma_start3A_697 : memref<10240x64xf32, #tpu.memory_space<vmem_shared>>) offsets(%dma_start3A_694 : memref<112xi32, #tpu.memory_space<vmem>>) semaphore(%arg20 : memref<!tpu.dma_semaphore, #tpu.memory_space<semaphore_mem>>) {add = true}
      %ge3A_698 = arith.constant 1 : i32
      %ge3A_699 = arith.cmpi sge, %add3A_675, %ge3A_698 : i32
      %convert_element_type3A_700 = arith.extui %ge3A_699 : i1 to i32
      %cond3A_701 = arith.constant 0 : i32
      %cond3A_702 = arith.cmpi ne, %convert_element_type3A_700, %cond3A_701 : i32
      scf.if %cond3A_702 {
        %sub3A_752 = arith.constant 1 : i32
        %sub3A_753 = arith.subi %add3A_675, %sub3A_752 : i32
        %dma_wait3A_754 = arith.constant 2 : i32
        %dma_wait3A_755 = arith.constant 0 : i32
        %dma_wait3A_756 = arith.constant 0 : i32
        %dma_wait3A_757 = tpu.memref_slice %arg9[%dma_wait3A_754, %dma_wait3A_755, %dma_wait3A_756] : memref<5x112x64xf32, #tpu.memory_space<vmem>> -> memref<1x112x64xf32, #tpu.memory_space<vmem>>
        %dma_wait3A_758 = tpu.memref_squeeze %dma_wait3A_757 : memref<1x112x64xf32, #tpu.memory_space<vmem>> -> memref<112x64xf32, #tpu.memory_space<vmem>>
        %dma_wait3A_759 = arith.constant 0 : i32
        %dma_wait3A_760 = tpu.memref_slice %arg8[%sub3A_753, %dma_wait3A_759] : memref<45x112xi32, #tpu.memory_space<vmem>> -> memref<1x112xi32, #tpu.memory_space<vmem>>
        %dma_wait3A_761 = tpu.memref_squeeze %dma_wait3A_760 : memref<1x112xi32, #tpu.memory_space<vmem>> -> memref<112xi32, #tpu.memory_space<vmem>>
        %dma_wait3A_762 = arith.constant 0 : i32
        %dma_wait3A_763 = arith.constant 0 : i32
        %dma_wait3A_764 = tpu.memref_slice %arg11[%dma_wait3A_762, %dma_wait3A_763] : memref<10240x64xf32, #tpu.memory_space<vmem_shared>> -> memref<10240x64xf32, #tpu.memory_space<vmem_shared>>
        tpu.wait_indirect_dma semaphore(%arg19 : memref<!tpu.dma_semaphore, #tpu.memory_space<semaphore_mem>>) src(%dma_wait3A_758 : memref<112x64xf32, #tpu.memory_space<vmem>>) dst(%dma_wait3A_764 : memref<10240x64xf32, #tpu.memory_space<vmem_shared>>)
      } else {
      }
      %add3A_703 = arith.constant 5 : i32
      %add3A_704 = arith.addi %add3A_675, %add3A_703 : i32
      %sub3A_705 = arith.constant 1 : i32
      %sub3A_706 = arith.subi %add3A_704, %sub3A_705 : i32
      %le3A_707 = arith.constant 44 : i32
      %le3A_708 = arith.cmpi sle, %sub3A_706, %le3A_707 : i32
      %convert_element_type3A_709 = arith.extui %le3A_708 : i1 to i32
      %cond3A_710 = arith.constant 0 : i32
      %cond3A_711 = arith.cmpi ne, %convert_element_type3A_709, %cond3A_710 : i32
      scf.if %cond3A_711 {
        %add3A_752 = arith.constant 5 : i32
        %add3A_753 = arith.addi %add3A_675, %add3A_752 : i32
        %sub3A_754 = arith.constant 1 : i32
        %sub3A_755 = arith.subi %add3A_753, %sub3A_754 : i32
        %dma_start3A_756 = arith.constant 2 : i32
        %dma_start3A_757 = arith.constant 0 : i32
        %dma_start3A_758 = arith.constant 0 : i32
        %dma_start3A_759 = tpu.memref_slice %arg9[%dma_start3A_756, %dma_start3A_757, %dma_start3A_758] : memref<5x112x64xf32, #tpu.memory_space<vmem>> -> memref<1x112x64xf32, #tpu.memory_space<vmem>>
        %dma_start3A_760 = tpu.memref_squeeze %dma_start3A_759 : memref<1x112x64xf32, #tpu.memory_space<vmem>> -> memref<112x64xf32, #tpu.memory_space<vmem>>
        %dma_start3A_761 = arith.constant 0 : i32
        %dma_start3A_762 = tpu.memref_slice %arg7[%sub3A_755, %dma_start3A_761] : memref<45x112xi32, #tpu.memory_space<vmem>> -> memref<1x112xi32, #tpu.memory_space<vmem>>
        %dma_start3A_763 = tpu.memref_squeeze %dma_start3A_762 : memref<1x112xi32, #tpu.memory_space<vmem>> -> memref<112xi32, #tpu.memory_space<vmem>>
        %dma_start3A_764 = arith.constant 0 : i32
        %dma_start3A_765 = arith.constant 0 : i32
        %dma_start3A_766 = tpu.memref_slice %arg10[%dma_start3A_764, %dma_start3A_765] : memref<10240x64xf32, #tpu.memory_space<vmem_shared>> -> memref<10240x64xf32, #tpu.memory_space<vmem_shared>>
        tpu.enqueue_indirect_dma source(%dma_start3A_766 : memref<10240x64xf32, #tpu.memory_space<vmem_shared>>) target(%dma_start3A_760 : memref<112x64xf32, #tpu.memory_space<vmem>>) offsets(%dma_start3A_763 : memref<112xi32, #tpu.memory_space<vmem>>) semaphore(%arg14 : memref<!tpu.dma_semaphore, #tpu.memory_space<semaphore_mem>>)
      } else {
      }
      %mul3A_712 = arith.constant 5 : i32
      %mul3A_713 = arith.muli %mul3A_712, %scan3A_556 : i32
      %add3A_714 = arith.constant 4 : i32
      %add3A_715 = arith.addi %mul3A_713, %add3A_714 : i32
      %dma_wait3A_716 = arith.constant 4 : i32
      %dma_wait3A_717 = arith.constant 0 : i32
      %dma_wait3A_718 = arith.constant 0 : i32
      %dma_wait3A_719 = tpu.memref_slice %arg9[%dma_wait3A_716, %dma_wait3A_717, %dma_wait3A_718] : memref<5x112x64xf32, #tpu.memory_space<vmem>> -> memref<1x112x64xf32, #tpu.memory_space<vmem>>
      %dma_wait3A_720 = tpu.memref_squeeze %dma_wait3A_719 : memref<1x112x64xf32, #tpu.memory_space<vmem>> -> memref<112x64xf32, #tpu.memory_space<vmem>>
      %dma_wait3A_721 = arith.constant 0 : i32
      %dma_wait3A_722 = tpu.memref_slice %arg7[%add3A_715, %dma_wait3A_721] : memref<45x112xi32, #tpu.memory_space<vmem>> -> memref<1x112xi32, #tpu.memory_space<vmem>>
      %dma_wait3A_723 = tpu.memref_squeeze %dma_wait3A_722 : memref<1x112xi32, #tpu.memory_space<vmem>> -> memref<112xi32, #tpu.memory_space<vmem>>
      %dma_wait3A_724 = arith.constant 0 : i32
      %dma_wait3A_725 = arith.constant 0 : i32
      %dma_wait3A_726 = tpu.memref_slice %arg10[%dma_wait3A_724, %dma_wait3A_725] : memref<10240x64xf32, #tpu.memory_space<vmem_shared>> -> memref<10240x64xf32, #tpu.memory_space<vmem_shared>>
      tpu.wait_indirect_dma semaphore(%arg16 : memref<!tpu.dma_semaphore, #tpu.memory_space<semaphore_mem>>) src(%dma_wait3A_726 : memref<10240x64xf32, #tpu.memory_space<vmem_shared>>) dst(%dma_wait3A_720 : memref<112x64xf32, #tpu.memory_space<vmem>>)
      %dma_start3A_727 = arith.constant 4 : i32
      %dma_start3A_728 = arith.constant 0 : i32
      %dma_start3A_729 = arith.constant 0 : i32
      %dma_start3A_730 = tpu.memref_slice %arg9[%dma_start3A_727, %dma_start3A_728, %dma_start3A_729] : memref<5x112x64xf32, #tpu.memory_space<vmem>> -> memref<1x112x64xf32, #tpu.memory_space<vmem>>
      %dma_start3A_731 = tpu.memref_squeeze %dma_start3A_730 : memref<1x112x64xf32, #tpu.memory_space<vmem>> -> memref<112x64xf32, #tpu.memory_space<vmem>>
      %dma_start3A_732 = arith.constant 0 : i32
      %dma_start3A_733 = tpu.memref_slice %arg8[%add3A_715, %dma_start3A_732] : memref<45x112xi32, #tpu.memory_space<vmem>> -> memref<1x112xi32, #tpu.memory_space<vmem>>
      %dma_start3A_734 = tpu.memref_squeeze %dma_start3A_733 : memref<1x112xi32, #tpu.memory_space<vmem>> -> memref<112xi32, #tpu.memory_space<vmem>>
      %dma_start3A_735 = arith.constant 0 : i32
      %dma_start3A_736 = arith.constant 0 : i32
      %dma_start3A_737 = tpu.memref_slice %arg11[%dma_start3A_735, %dma_start3A_736] : memref<10240x64xf32, #tpu.memory_space<vmem_shared>> -> memref<10240x64xf32, #tpu.memory_space<vmem_shared>>
      tpu.enqueue_indirect_dma source(%dma_start3A_731 : memref<112x64xf32, #tpu.memory_space<vmem>>) target(%dma_start3A_737 : memref<10240x64xf32, #tpu.memory_space<vmem_shared>>) offsets(%dma_start3A_734 : memref<112xi32, #tpu.memory_space<vmem>>) semaphore(%arg21 : memref<!tpu.dma_semaphore, #tpu.memory_space<semaphore_mem>>) {add = true}
      %ge3A_738 = arith.constant 1 : i32
      %ge3A_739 = arith.cmpi sge, %add3A_715, %ge3A_738 : i32
      %convert_element_type3A_740 = arith.extui %ge3A_739 : i1 to i32
      %cond3A_741 = arith.constant 0 : i32
      %cond3A_742 = arith.cmpi ne, %convert_element_type3A_740, %cond3A_741 : i32
      scf.if %cond3A_742 {
        %sub3A_752 = arith.constant 1 : i32
        %sub3A_753 = arith.subi %add3A_715, %sub3A_752 : i32
        %dma_wait3A_754 = arith.constant 3 : i32
        %dma_wait3A_755 = arith.constant 0 : i32
        %dma_wait3A_756 = arith.constant 0 : i32
        %dma_wait3A_757 = tpu.memref_slice %arg9[%dma_wait3A_754, %dma_wait3A_755, %dma_wait3A_756] : memref<5x112x64xf32, #tpu.memory_space<vmem>> -> memref<1x112x64xf32, #tpu.memory_space<vmem>>
        %dma_wait3A_758 = tpu.memref_squeeze %dma_wait3A_757 : memref<1x112x64xf32, #tpu.memory_space<vmem>> -> memref<112x64xf32, #tpu.memory_space<vmem>>
        %dma_wait3A_759 = arith.constant 0 : i32
        %dma_wait3A_760 = tpu.memref_slice %arg8[%sub3A_753, %dma_wait3A_759] : memref<45x112xi32, #tpu.memory_space<vmem>> -> memref<1x112xi32, #tpu.memory_space<vmem>>
        %dma_wait3A_761 = tpu.memref_squeeze %dma_wait3A_760 : memref<1x112xi32, #tpu.memory_space<vmem>> -> memref<112xi32, #tpu.memory_space<vmem>>
        %dma_wait3A_762 = arith.constant 0 : i32
        %dma_wait3A_763 = arith.constant 0 : i32
        %dma_wait3A_764 = tpu.memref_slice %arg11[%dma_wait3A_762, %dma_wait3A_763] : memref<10240x64xf32, #tpu.memory_space<vmem_shared>> -> memref<10240x64xf32, #tpu.memory_space<vmem_shared>>
        tpu.wait_indirect_dma semaphore(%arg20 : memref<!tpu.dma_semaphore, #tpu.memory_space<semaphore_mem>>) src(%dma_wait3A_758 : memref<112x64xf32, #tpu.memory_space<vmem>>) dst(%dma_wait3A_764 : memref<10240x64xf32, #tpu.memory_space<vmem_shared>>)
      } else {
      }
      %add3A_743 = arith.constant 5 : i32
      %add3A_744 = arith.addi %add3A_715, %add3A_743 : i32
      %sub3A_745 = arith.constant 1 : i32
      %sub3A_746 = arith.subi %add3A_744, %sub3A_745 : i32
      %le3A_747 = arith.constant 44 : i32
      %le3A_748 = arith.cmpi sle, %sub3A_746, %le3A_747 : i32
      %convert_element_type3A_749 = arith.extui %le3A_748 : i1 to i32
      %cond3A_750 = arith.constant 0 : i32
      %cond3A_751 = arith.cmpi ne, %convert_element_type3A_749, %cond3A_750 : i32
      scf.if %cond3A_751 {
        %add3A_752 = arith.constant 5 : i32
        %add3A_753 = arith.addi %add3A_715, %add3A_752 : i32
        %sub3A_754 = arith.constant 1 : i32
        %sub3A_755 = arith.subi %add3A_753, %sub3A_754 : i32
        %dma_start3A_756 = arith.constant 3 : i32
        %dma_start3A_757 = arith.constant 0 : i32
        %dma_start3A_758 = arith.constant 0 : i32
        %dma_start3A_759 = tpu.memref_slice %arg9[%dma_start3A_756, %dma_start3A_757, %dma_start3A_758] : memref<5x112x64xf32, #tpu.memory_space<vmem>> -> memref<1x112x64xf32, #tpu.memory_space<vmem>>
        %dma_start3A_760 = tpu.memref_squeeze %dma_start3A_759 : memref<1x112x64xf32, #tpu.memory_space<vmem>> -> memref<112x64xf32, #tpu.memory_space<vmem>>
        %dma_start3A_761 = arith.constant 0 : i32
        %dma_start3A_762 = tpu.memref_slice %arg7[%sub3A_755, %dma_start3A_761] : memref<45x112xi32, #tpu.memory_space<vmem>> -> memref<1x112xi32, #tpu.memory_space<vmem>>
        %dma_start3A_763 = tpu.memref_squeeze %dma_start3A_762 : memref<1x112xi32, #tpu.memory_space<vmem>> -> memref<112xi32, #tpu.memory_space<vmem>>
        %dma_start3A_764 = arith.constant 0 : i32
        %dma_start3A_765 = arith.constant 0 : i32
        %dma_start3A_766 = tpu.memref_slice %arg10[%dma_start3A_764, %dma_start3A_765] : memref<10240x64xf32, #tpu.memory_space<vmem_shared>> -> memref<10240x64xf32, #tpu.memory_space<vmem_shared>>
        tpu.enqueue_indirect_dma source(%dma_start3A_766 : memref<10240x64xf32, #tpu.memory_space<vmem_shared>>) target(%dma_start3A_760 : memref<112x64xf32, #tpu.memory_space<vmem>>) offsets(%dma_start3A_763 : memref<112xi32, #tpu.memory_space<vmem>>) semaphore(%arg15 : memref<!tpu.dma_semaphore, #tpu.memory_space<semaphore_mem>>)
      } else {
      }
    }
    %scan3A_405 = arith.constant 9 : i32
    %dma_wait3A_406 = arith.constant 4 : i32
    %dma_wait3A_407 = arith.constant 44 : i32
    %dma_wait3A_408 = arith.constant 0 : i32
    %dma_wait3A_409 = arith.constant 0 : i32
    %dma_wait3A_410 = tpu.memref_slice %arg9[%dma_wait3A_406, %dma_wait3A_408, %dma_wait3A_409] : memref<5x112x64xf32, #tpu.memory_space<vmem>> -> memref<1x112x64xf32, #tpu.memory_space<vmem>>
    %dma_wait3A_411 = tpu.memref_squeeze %dma_wait3A_410 : memref<1x112x64xf32, #tpu.memory_space<vmem>> -> memref<112x64xf32, #tpu.memory_space<vmem>>
    %dma_wait3A_412 = arith.constant 0 : i32
    %dma_wait3A_413 = tpu.memref_slice %arg8[%dma_wait3A_407, %dma_wait3A_412] : memref<45x112xi32, #tpu.memory_space<vmem>> -> memref<1x112xi32, #tpu.memory_space<vmem>>
    %dma_wait3A_414 = tpu.memref_squeeze %dma_wait3A_413 : memref<1x112xi32, #tpu.memory_space<vmem>> -> memref<112xi32, #tpu.memory_space<vmem>>
    %dma_wait3A_415 = arith.constant 0 : i32
    %dma_wait3A_416 = arith.constant 0 : i32
    %dma_wait3A_417 = tpu.memref_slice %arg11[%dma_wait3A_415, %dma_wait3A_416] : memref<10240x64xf32, #tpu.memory_space<vmem_shared>> -> memref<10240x64xf32, #tpu.memory_space<vmem_shared>>
    tpu.wait_indirect_dma semaphore(%arg21 : memref<!tpu.dma_semaphore, #tpu.memory_space<semaphore_mem>>) src(%dma_wait3A_411 : memref<112x64xf32, #tpu.memory_space<vmem>>) dst(%dma_wait3A_417 : memref<10240x64xf32, #tpu.memory_space<vmem_shared>>)
    "tpu.region"() ({
      %run_scoped3A = tpu.sem_alloc : memref<!tpu.dma_semaphore, #tpu.memory_space<semaphore_mem>>
      %dma_start3A_556 = arith.constant 0 : i32
      %dma_start3A_557 = arith.constant 0 : i32
      %dma_start3A_558 = tpu.memref_slice %arg3[%arg1, %dma_start3A_556, %dma_start3A_557] : memref<16x180x112xi32, #tpu.memory_space<hbm>> -> memref<1x180x112xi32, #tpu.memory_space<hbm>>
      %dma_start3A_559 = tpu.memref_squeeze %dma_start3A_558 : memref<1x180x112xi32, #tpu.memory_space<hbm>> -> memref<180x112xi32, #tpu.memory_space<hbm>>
      %dma_start3A_560 = arith.constant 90 : i32
      %dma_start3A_561 = arith.constant 0 : i32
      %dma_start3A_562 = tpu.memref_slice %dma_start3A_559[%dma_start3A_560, %dma_start3A_561] : memref<180x112xi32, #tpu.memory_space<hbm>> -> memref<45x112xi32, #tpu.memory_space<hbm>>
      %dma_start3A_563 = arith.constant 0 : i32
      %dma_start3A_564 = arith.constant 0 : i32
      %dma_start3A_565 = tpu.memref_slice %arg3[%arg1, %dma_start3A_563, %dma_start3A_564] : memref<16x180x112xi32, #tpu.memory_space<hbm>> -> memref<1x180x112xi32, #tpu.memory_space<hbm>>
      %dma_start3A_566 = tpu.memref_squeeze %dma_start3A_565 : memref<1x180x112xi32, #tpu.memory_space<hbm>> -> memref<180x112xi32, #tpu.memory_space<hbm>>
      %dma_start3A_567 = arith.constant 90 : i32
      %dma_start3A_568 = arith.constant 0 : i32
      %dma_start3A_569 = tpu.memref_slice %dma_start3A_566[%dma_start3A_567, %dma_start3A_568] : memref<180x112xi32, #tpu.memory_space<hbm>> -> memref<45x112xi32, #tpu.memory_space<hbm>>
      tpu.enqueue_dma source(%dma_start3A_569 : memref<45x112xi32, #tpu.memory_space<hbm>>) target(%arg7 : memref<45x112xi32, #tpu.memory_space<vmem>>) target_semaphore(%run_scoped3A : memref<!tpu.dma_semaphore, #tpu.memory_space<semaphore_mem>>)
      %dma_wait3A_570 = arith.constant 0 : i32
      %dma_wait3A_571 = arith.constant 0 : i32
      %dma_wait3A_572 = tpu.memref_slice %arg3[%arg1, %dma_wait3A_570, %dma_wait3A_571] : memref<16x180x112xi32, #tpu.memory_space<hbm>> -> memref<1x180x112xi32, #tpu.memory_space<hbm>>
      %dma_wait3A_573 = tpu.memref_squeeze %dma_wait3A_572 : memref<1x180x112xi32, #tpu.memory_space<hbm>> -> memref<180x112xi32, #tpu.memory_space<hbm>>
      %dma_wait3A_574 = arith.constant 90 : i32
      %dma_wait3A_575 = arith.constant 0 : i32
      %dma_wait3A_576 = tpu.memref_slice %dma_wait3A_573[%dma_wait3A_574, %dma_wait3A_575] : memref<180x112xi32, #tpu.memory_space<hbm>> -> memref<45x112xi32, #tpu.memory_space<hbm>>
      %dma_wait3A_577 = arith.constant 0 : i32
      %dma_wait3A_578 = arith.constant 0 : i32
      %dma_wait3A_579 = tpu.memref_slice %arg3[%arg1, %dma_wait3A_577, %dma_wait3A_578] : memref<16x180x112xi32, #tpu.memory_space<hbm>> -> memref<1x180x112xi32, #tpu.memory_space<hbm>>
      %dma_wait3A_580 = tpu.memref_squeeze %dma_wait3A_579 : memref<1x180x112xi32, #tpu.memory_space<hbm>> -> memref<180x112xi32, #tpu.memory_space<hbm>>
      %dma_wait3A_581 = arith.constant 90 : i32
      %dma_wait3A_582 = arith.constant 0 : i32
      %dma_wait3A_583 = tpu.memref_slice %dma_wait3A_580[%dma_wait3A_581, %dma_wait3A_582] : memref<180x112xi32, #tpu.memory_space<hbm>> -> memref<45x112xi32, #tpu.memory_space<hbm>>
      tpu.wait_dma2 semaphore(%run_scoped3A : memref<!tpu.dma_semaphore, #tpu.memory_space<semaphore_mem>>) src(%dma_wait3A_583 : memref<45x112xi32, #tpu.memory_space<hbm>>) dst(%arg7 : memref<45x112xi32, #tpu.memory_space<vmem>>)
      tpu.yield
    }) : () -> ()
    "tpu.region"() ({
      %run_scoped3A = tpu.sem_alloc : memref<!tpu.dma_semaphore, #tpu.memory_space<semaphore_mem>>
      %dma_start3A_556 = arith.constant 0 : i32
      %dma_start3A_557 = arith.constant 0 : i32
      %dma_start3A_558 = tpu.memref_slice %arg4[%arg1, %dma_start3A_556, %dma_start3A_557] : memref<16x180x112xi32, #tpu.memory_space<hbm>> -> memref<1x180x112xi32, #tpu.memory_space<hbm>>
      %dma_start3A_559 = tpu.memref_squeeze %dma_start3A_558 : memref<1x180x112xi32, #tpu.memory_space<hbm>> -> memref<180x112xi32, #tpu.memory_space<hbm>>
      %dma_start3A_560 = arith.constant 90 : i32
      %dma_start3A_561 = arith.constant 0 : i32
      %dma_start3A_562 = tpu.memref_slice %dma_start3A_559[%dma_start3A_560, %dma_start3A_561] : memref<180x112xi32, #tpu.memory_space<hbm>> -> memref<45x112xi32, #tpu.memory_space<hbm>>
      %dma_start3A_563 = arith.constant 0 : i32
      %dma_start3A_564 = arith.constant 0 : i32
      %dma_start3A_565 = tpu.memref_slice %arg4[%arg1, %dma_start3A_563, %dma_start3A_564] : memref<16x180x112xi32, #tpu.memory_space<hbm>> -> memref<1x180x112xi32, #tpu.memory_space<hbm>>
      %dma_start3A_566 = tpu.memref_squeeze %dma_start3A_565 : memref<1x180x112xi32, #tpu.memory_space<hbm>> -> memref<180x112xi32, #tpu.memory_space<hbm>>
      %dma_start3A_567 = arith.constant 90 : i32
      %dma_start3A_568 = arith.constant 0 : i32
      %dma_start3A_569 = tpu.memref_slice %dma_start3A_566[%dma_start3A_567, %dma_start3A_568] : memref<180x112xi32, #tpu.memory_space<hbm>> -> memref<45x112xi32, #tpu.memory_space<hbm>>
      tpu.enqueue_dma source(%dma_start3A_569 : memref<45x112xi32, #tpu.memory_space<hbm>>) target(%arg8 : memref<45x112xi32, #tpu.memory_space<vmem>>) target_semaphore(%run_scoped3A : memref<!tpu.dma_semaphore, #tpu.memory_space<semaphore_mem>>)
      %dma_wait3A_570 = arith.constant 0 : i32
      %dma_wait3A_571 = arith.constant 0 : i32
      %dma_wait3A_572 = tpu.memref_slice %arg4[%arg1, %dma_wait3A_570, %dma_wait3A_571] : memref<16x180x112xi32, #tpu.memory_space<hbm>> -> memref<1x180x112xi32, #tpu.memory_space<hbm>>
      %dma_wait3A_573 = tpu.memref_squeeze %dma_wait3A_572 : memref<1x180x112xi32, #tpu.memory_space<hbm>> -> memref<180x112xi32, #tpu.memory_space<hbm>>
      %dma_wait3A_574 = arith.constant 90 : i32
      %dma_wait3A_575 = arith.constant 0 : i32
      %dma_wait3A_576 = tpu.memref_slice %dma_wait3A_573[%dma_wait3A_574, %dma_wait3A_575] : memref<180x112xi32, #tpu.memory_space<hbm>> -> memref<45x112xi32, #tpu.memory_space<hbm>>
      %dma_wait3A_577 = arith.constant 0 : i32
      %dma_wait3A_578 = arith.constant 0 : i32
      %dma_wait3A_579 = tpu.memref_slice %arg4[%arg1, %dma_wait3A_577, %dma_wait3A_578] : memref<16x180x112xi32, #tpu.memory_space<hbm>> -> memref<1x180x112xi32, #tpu.memory_space<hbm>>
      %dma_wait3A_580 = tpu.memref_squeeze %dma_wait3A_579 : memref<1x180x112xi32, #tpu.memory_space<hbm>> -> memref<180x112xi32, #tpu.memory_space<hbm>>
      %dma_wait3A_581 = arith.constant 90 : i32
      %dma_wait3A_582 = arith.constant 0 : i32
      %dma_wait3A_583 = tpu.memref_slice %dma_wait3A_580[%dma_wait3A_581, %dma_wait3A_582] : memref<180x112xi32, #tpu.memory_space<hbm>> -> memref<45x112xi32, #tpu.memory_space<hbm>>
      tpu.wait_dma2 semaphore(%run_scoped3A : memref<!tpu.dma_semaphore, #tpu.memory_space<semaphore_mem>>) src(%dma_wait3A_583 : memref<45x112xi32, #tpu.memory_space<hbm>>) dst(%arg8 : memref<45x112xi32, #tpu.memory_space<vmem>>)
      tpu.yield
    }) : () -> ()
    %dma_start3A_418 = arith.constant 0 : i32
    %dma_start3A_419 = arith.constant 0 : i32
    %dma_start3A_420 = arith.constant 0 : i32
    %dma_start3A_421 = arith.constant 0 : i32
    %dma_start3A_422 = tpu.memref_slice %arg9[%dma_start3A_419, %dma_start3A_420, %dma_start3A_421] : memref<5x112x64xf32, #tpu.memory_space<vmem>> -> memref<1x112x64xf32, #tpu.memory_space<vmem>>
    %dma_start3A_423 = tpu.memref_squeeze %dma_start3A_422 : memref<1x112x64xf32, #tpu.memory_space<vmem>> -> memref<112x64xf32, #tpu.memory_space<vmem>>
    %dma_start3A_424 = arith.constant 0 : i32
    %dma_start3A_425 = tpu.memref_slice %arg7[%dma_start3A_418, %dma_start3A_424] : memref<45x112xi32, #tpu.memory_space<vmem>> -> memref<1x112xi32, #tpu.memory_space<vmem>>
    %dma_start3A_426 = tpu.memref_squeeze %dma_start3A_425 : memref<1x112xi32, #tpu.memory_space<vmem>> -> memref<112xi32, #tpu.memory_space<vmem>>
    %dma_start3A_427 = arith.constant 0 : i32
    %dma_start3A_428 = arith.constant 0 : i32
    %dma_start3A_429 = tpu.memref_slice %arg10[%dma_start3A_427, %dma_start3A_428] : memref<10240x64xf32, #tpu.memory_space<vmem_shared>> -> memref<10240x64xf32, #tpu.memory_space<vmem_shared>>
    tpu.enqueue_indirect_dma source(%dma_start3A_429 : memref<10240x64xf32, #tpu.memory_space<vmem_shared>>) target(%dma_start3A_423 : memref<112x64xf32, #tpu.memory_space<vmem>>) offsets(%dma_start3A_426 : memref<112xi32, #tpu.memory_space<vmem>>) semaphore(%arg12 : memref<!tpu.dma_semaphore, #tpu.memory_space<semaphore_mem>>)
    %dma_start3A_430 = arith.constant 1 : i32
    %dma_start3A_431 = arith.constant 1 : i32
    %dma_start3A_432 = arith.constant 0 : i32
    %dma_start3A_433 = arith.constant 0 : i32
    %dma_start3A_434 = tpu.memref_slice %arg9[%dma_start3A_431, %dma_start3A_432, %dma_start3A_433] : memref<5x112x64xf32, #tpu.memory_space<vmem>> -> memref<1x112x64xf32, #tpu.memory_space<vmem>>
    %dma_start3A_435 = tpu.memref_squeeze %dma_start3A_434 : memref<1x112x64xf32, #tpu.memory_space<vmem>> -> memref<112x64xf32, #tpu.memory_space<vmem>>
    %dma_start3A_436 = arith.constant 0 : i32
    %dma_start3A_437 = tpu.memref_slice %arg7[%dma_start3A_430, %dma_start3A_436] : memref<45x112xi32, #tpu.memory_space<vmem>> -> memref<1x112xi32, #tpu.memory_space<vmem>>
    %dma_start3A_438 = tpu.memref_squeeze %dma_start3A_437 : memref<1x112xi32, #tpu.memory_space<vmem>> -> memref<112xi32, #tpu.memory_space<vmem>>
    %dma_start3A_439 = arith.constant 0 : i32
    %dma_start3A_440 = arith.constant 0 : i32
    %dma_start3A_441 = tpu.memref_slice %arg10[%dma_start3A_439, %dma_start3A_440] : memref<10240x64xf32, #tpu.memory_space<vmem_shared>> -> memref<10240x64xf32, #tpu.memory_space<vmem_shared>>
    tpu.enqueue_indirect_dma source(%dma_start3A_441 : memref<10240x64xf32, #tpu.memory_space<vmem_shared>>) target(%dma_start3A_435 : memref<112x64xf32, #tpu.memory_space<vmem>>) offsets(%dma_start3A_438 : memref<112xi32, #tpu.memory_space<vmem>>) semaphore(%arg13 : memref<!tpu.dma_semaphore, #tpu.memory_space<semaphore_mem>>)
    %dma_start3A_442 = arith.constant 2 : i32
    %dma_start3A_443 = arith.constant 2 : i32
    %dma_start3A_444 = arith.constant 0 : i32
    %dma_start3A_445 = arith.constant 0 : i32
    %dma_start3A_446 = tpu.memref_slice %arg9[%dma_start3A_443, %dma_start3A_444, %dma_start3A_445] : memref<5x112x64xf32, #tpu.memory_space<vmem>> -> memref<1x112x64xf32, #tpu.memory_space<vmem>>
    %dma_start3A_447 = tpu.memref_squeeze %dma_start3A_446 : memref<1x112x64xf32, #tpu.memory_space<vmem>> -> memref<112x64xf32, #tpu.memory_space<vmem>>
    %dma_start3A_448 = arith.constant 0 : i32
    %dma_start3A_449 = tpu.memref_slice %arg7[%dma_start3A_442, %dma_start3A_448] : memref<45x112xi32, #tpu.memory_space<vmem>> -> memref<1x112xi32, #tpu.memory_space<vmem>>
    %dma_start3A_450 = tpu.memref_squeeze %dma_start3A_449 : memref<1x112xi32, #tpu.memory_space<vmem>> -> memref<112xi32, #tpu.memory_space<vmem>>
    %dma_start3A_451 = arith.constant 0 : i32
    %dma_start3A_452 = arith.constant 0 : i32
    %dma_start3A_453 = tpu.memref_slice %arg10[%dma_start3A_451, %dma_start3A_452] : memref<10240x64xf32, #tpu.memory_space<vmem_shared>> -> memref<10240x64xf32, #tpu.memory_space<vmem_shared>>
    tpu.enqueue_indirect_dma source(%dma_start3A_453 : memref<10240x64xf32, #tpu.memory_space<vmem_shared>>) target(%dma_start3A_447 : memref<112x64xf32, #tpu.memory_space<vmem>>) offsets(%dma_start3A_450 : memref<112xi32, #tpu.memory_space<vmem>>) semaphore(%arg14 : memref<!tpu.dma_semaphore, #tpu.memory_space<semaphore_mem>>)
    %dma_start3A_454 = arith.constant 3 : i32
    %dma_start3A_455 = arith.constant 3 : i32
    %dma_start3A_456 = arith.constant 0 : i32
    %dma_start3A_457 = arith.constant 0 : i32
    %dma_start3A_458 = tpu.memref_slice %arg9[%dma_start3A_455, %dma_start3A_456, %dma_start3A_457] : memref<5x112x64xf32, #tpu.memory_space<vmem>> -> memref<1x112x64xf32, #tpu.memory_space<vmem>>
    %dma_start3A_459 = tpu.memref_squeeze %dma_start3A_458 : memref<1x112x64xf32, #tpu.memory_space<vmem>> -> memref<112x64xf32, #tpu.memory_space<vmem>>
    %dma_start3A_460 = arith.constant 0 : i32
    %dma_start3A_461 = tpu.memref_slice %arg7[%dma_start3A_454, %dma_start3A_460] : memref<45x112xi32, #tpu.memory_space<vmem>> -> memref<1x112xi32, #tpu.memory_space<vmem>>
    %dma_start3A_462 = tpu.memref_squeeze %dma_start3A_461 : memref<1x112xi32, #tpu.memory_space<vmem>> -> memref<112xi32, #tpu.memory_space<vmem>>
    %dma_start3A_463 = arith.constant 0 : i32
    %dma_start3A_464 = arith.constant 0 : i32
    %dma_start3A_465 = tpu.memref_slice %arg10[%dma_start3A_463, %dma_start3A_464] : memref<10240x64xf32, #tpu.memory_space<vmem_shared>> -> memref<10240x64xf32, #tpu.memory_space<vmem_shared>>
    tpu.enqueue_indirect_dma source(%dma_start3A_465 : memref<10240x64xf32, #tpu.memory_space<vmem_shared>>) target(%dma_start3A_459 : memref<112x64xf32, #tpu.memory_space<vmem>>) offsets(%dma_start3A_462 : memref<112xi32, #tpu.memory_space<vmem>>) semaphore(%arg15 : memref<!tpu.dma_semaphore, #tpu.memory_space<semaphore_mem>>)
    %scan3A_466 = arith.constant 0 : i32
    %scan3A_467 = arith.constant 0 : i32
    %scan3A_468 = arith.constant 9 : i32
    %scan3A_469 = arith.addi %scan3A_467, %scan3A_468 : i32
    %scan3A_470 = arith.constant 1 : i32
    scf.for %scan3A_556 = %scan3A_467 to %scan3A_469 step %scan3A_470  : i32 {
      %mul3A_557 = arith.constant 5 : i32
      %mul3A_558 = arith.muli %mul3A_557, %scan3A_556 : i32
      %add3A_559 = arith.constant 0 : i32
      %add3A_560 = arith.addi %mul3A_558, %add3A_559 : i32
      %dma_wait3A_561 = arith.constant 0 : i32
      %dma_wait3A_562 = arith.constant 0 : i32
      %dma_wait3A_563 = arith.constant 0 : i32
      %dma_wait3A_564 = tpu.memref_slice %arg9[%dma_wait3A_561, %dma_wait3A_562, %dma_wait3A_563] : memref<5x112x64xf32, #tpu.memory_space<vmem>> -> memref<1x112x64xf32, #tpu.memory_space<vmem>>
      %dma_wait3A_565 = tpu.memref_squeeze %dma_wait3A_564 : memref<1x112x64xf32, #tpu.memory_space<vmem>> -> memref<112x64xf32, #tpu.memory_space<vmem>>
      %dma_wait3A_566 = arith.constant 0 : i32
      %dma_wait3A_567 = tpu.memref_slice %arg7[%add3A_560, %dma_wait3A_566] : memref<45x112xi32, #tpu.memory_space<vmem>> -> memref<1x112xi32, #tpu.memory_space<vmem>>
      %dma_wait3A_568 = tpu.memref_squeeze %dma_wait3A_567 : memref<1x112xi32, #tpu.memory_space<vmem>> -> memref<112xi32, #tpu.memory_space<vmem>>
      %dma_wait3A_569 = arith.constant 0 : i32
      %dma_wait3A_570 = arith.constant 0 : i32
      %dma_wait3A_571 = tpu.memref_slice %arg10[%dma_wait3A_569, %dma_wait3A_570] : memref<10240x64xf32, #tpu.memory_space<vmem_shared>> -> memref<10240x64xf32, #tpu.memory_space<vmem_shared>>
      tpu.wait_indirect_dma semaphore(%arg12 : memref<!tpu.dma_semaphore, #tpu.memory_space<semaphore_mem>>) src(%dma_wait3A_571 : memref<10240x64xf32, #tpu.memory_space<vmem_shared>>) dst(%dma_wait3A_565 : memref<112x64xf32, #tpu.memory_space<vmem>>)
      %dma_start3A_572 = arith.constant 0 : i32
      %dma_start3A_573 = arith.constant 0 : i32
      %dma_start3A_574 = arith.constant 0 : i32
      %dma_start3A_575 = tpu.memref_slice %arg9[%dma_start3A_572, %dma_start3A_573, %dma_start3A_574] : memref<5x112x64xf32, #tpu.memory_space<vmem>> -> memref<1x112x64xf32, #tpu.memory_space<vmem>>
      %dma_start3A_576 = tpu.memref_squeeze %dma_start3A_575 : memref<1x112x64xf32, #tpu.memory_space<vmem>> -> memref<112x64xf32, #tpu.memory_space<vmem>>
      %dma_start3A_577 = arith.constant 0 : i32
      %dma_start3A_578 = tpu.memref_slice %arg8[%add3A_560, %dma_start3A_577] : memref<45x112xi32, #tpu.memory_space<vmem>> -> memref<1x112xi32, #tpu.memory_space<vmem>>
      %dma_start3A_579 = tpu.memref_squeeze %dma_start3A_578 : memref<1x112xi32, #tpu.memory_space<vmem>> -> memref<112xi32, #tpu.memory_space<vmem>>
      %dma_start3A_580 = arith.constant 0 : i32
      %dma_start3A_581 = arith.constant 0 : i32
      %dma_start3A_582 = tpu.memref_slice %arg11[%dma_start3A_580, %dma_start3A_581] : memref<10240x64xf32, #tpu.memory_space<vmem_shared>> -> memref<10240x64xf32, #tpu.memory_space<vmem_shared>>
      tpu.enqueue_indirect_dma source(%dma_start3A_576 : memref<112x64xf32, #tpu.memory_space<vmem>>) target(%dma_start3A_582 : memref<10240x64xf32, #tpu.memory_space<vmem_shared>>) offsets(%dma_start3A_579 : memref<112xi32, #tpu.memory_space<vmem>>) semaphore(%arg17 : memref<!tpu.dma_semaphore, #tpu.memory_space<semaphore_mem>>) {add = true}
      %ge3A = arith.constant 1 : i32
      %ge3A_583 = arith.cmpi sge, %add3A_560, %ge3A : i32
      %convert_element_type3A = arith.extui %ge3A_583 : i1 to i32
      %cond3A = arith.constant 0 : i32
      %cond3A_584 = arith.cmpi ne, %convert_element_type3A, %cond3A : i32
      scf.if %cond3A_584 {
        %sub3A_752 = arith.constant 1 : i32
        %sub3A_753 = arith.subi %add3A_560, %sub3A_752 : i32
        %dma_wait3A_754 = arith.constant 4 : i32
        %dma_wait3A_755 = arith.constant 0 : i32
        %dma_wait3A_756 = arith.constant 0 : i32
        %dma_wait3A_757 = tpu.memref_slice %arg9[%dma_wait3A_754, %dma_wait3A_755, %dma_wait3A_756] : memref<5x112x64xf32, #tpu.memory_space<vmem>> -> memref<1x112x64xf32, #tpu.memory_space<vmem>>
        %dma_wait3A_758 = tpu.memref_squeeze %dma_wait3A_757 : memref<1x112x64xf32, #tpu.memory_space<vmem>> -> memref<112x64xf32, #tpu.memory_space<vmem>>
        %dma_wait3A_759 = arith.constant 0 : i32
        %dma_wait3A_760 = tpu.memref_slice %arg8[%sub3A_753, %dma_wait3A_759] : memref<45x112xi32, #tpu.memory_space<vmem>> -> memref<1x112xi32, #tpu.memory_space<vmem>>
        %dma_wait3A_761 = tpu.memref_squeeze %dma_wait3A_760 : memref<1x112xi32, #tpu.memory_space<vmem>> -> memref<112xi32, #tpu.memory_space<vmem>>
        %dma_wait3A_762 = arith.constant 0 : i32
        %dma_wait3A_763 = arith.constant 0 : i32
        %dma_wait3A_764 = tpu.memref_slice %arg11[%dma_wait3A_762, %dma_wait3A_763] : memref<10240x64xf32, #tpu.memory_space<vmem_shared>> -> memref<10240x64xf32, #tpu.memory_space<vmem_shared>>
        tpu.wait_indirect_dma semaphore(%arg21 : memref<!tpu.dma_semaphore, #tpu.memory_space<semaphore_mem>>) src(%dma_wait3A_758 : memref<112x64xf32, #tpu.memory_space<vmem>>) dst(%dma_wait3A_764 : memref<10240x64xf32, #tpu.memory_space<vmem_shared>>)
      } else {
      }
      %add3A_585 = arith.constant 5 : i32
      %add3A_586 = arith.addi %add3A_560, %add3A_585 : i32
      %sub3A = arith.constant 1 : i32
      %sub3A_587 = arith.subi %add3A_586, %sub3A : i32
      %le3A = arith.constant 44 : i32
      %le3A_588 = arith.cmpi sle, %sub3A_587, %le3A : i32
      %convert_element_type3A_589 = arith.extui %le3A_588 : i1 to i32
      %cond3A_590 = arith.constant 0 : i32
      %cond3A_591 = arith.cmpi ne, %convert_element_type3A_589, %cond3A_590 : i32
      scf.if %cond3A_591 {
        %add3A_752 = arith.constant 5 : i32
        %add3A_753 = arith.addi %add3A_560, %add3A_752 : i32
        %sub3A_754 = arith.constant 1 : i32
        %sub3A_755 = arith.subi %add3A_753, %sub3A_754 : i32
        %dma_start3A_756 = arith.constant 4 : i32
        %dma_start3A_757 = arith.constant 0 : i32
        %dma_start3A_758 = arith.constant 0 : i32
        %dma_start3A_759 = tpu.memref_slice %arg9[%dma_start3A_756, %dma_start3A_757, %dma_start3A_758] : memref<5x112x64xf32, #tpu.memory_space<vmem>> -> memref<1x112x64xf32, #tpu.memory_space<vmem>>
        %dma_start3A_760 = tpu.memref_squeeze %dma_start3A_759 : memref<1x112x64xf32, #tpu.memory_space<vmem>> -> memref<112x64xf32, #tpu.memory_space<vmem>>
        %dma_start3A_761 = arith.constant 0 : i32
        %dma_start3A_762 = tpu.memref_slice %arg7[%sub3A_755, %dma_start3A_761] : memref<45x112xi32, #tpu.memory_space<vmem>> -> memref<1x112xi32, #tpu.memory_space<vmem>>
        %dma_start3A_763 = tpu.memref_squeeze %dma_start3A_762 : memref<1x112xi32, #tpu.memory_space<vmem>> -> memref<112xi32, #tpu.memory_space<vmem>>
        %dma_start3A_764 = arith.constant 0 : i32
        %dma_start3A_765 = arith.constant 0 : i32
        %dma_start3A_766 = tpu.memref_slice %arg10[%dma_start3A_764, %dma_start3A_765] : memref<10240x64xf32, #tpu.memory_space<vmem_shared>> -> memref<10240x64xf32, #tpu.memory_space<vmem_shared>>
        tpu.enqueue_indirect_dma source(%dma_start3A_766 : memref<10240x64xf32, #tpu.memory_space<vmem_shared>>) target(%dma_start3A_760 : memref<112x64xf32, #tpu.memory_space<vmem>>) offsets(%dma_start3A_763 : memref<112xi32, #tpu.memory_space<vmem>>) semaphore(%arg16 : memref<!tpu.dma_semaphore, #tpu.memory_space<semaphore_mem>>)
      } else {
      }
      %mul3A_592 = arith.constant 5 : i32
      %mul3A_593 = arith.muli %mul3A_592, %scan3A_556 : i32
      %add3A_594 = arith.constant 1 : i32
      %add3A_595 = arith.addi %mul3A_593, %add3A_594 : i32
      %dma_wait3A_596 = arith.constant 1 : i32
      %dma_wait3A_597 = arith.constant 0 : i32
      %dma_wait3A_598 = arith.constant 0 : i32
      %dma_wait3A_599 = tpu.memref_slice %arg9[%dma_wait3A_596, %dma_wait3A_597, %dma_wait3A_598] : memref<5x112x64xf32, #tpu.memory_space<vmem>> -> memref<1x112x64xf32, #tpu.memory_space<vmem>>
      %dma_wait3A_600 = tpu.memref_squeeze %dma_wait3A_599 : memref<1x112x64xf32, #tpu.memory_space<vmem>> -> memref<112x64xf32, #tpu.memory_space<vmem>>
      %dma_wait3A_601 = arith.constant 0 : i32
      %dma_wait3A_602 = tpu.memref_slice %arg7[%add3A_595, %dma_wait3A_601] : memref<45x112xi32, #tpu.memory_space<vmem>> -> memref<1x112xi32, #tpu.memory_space<vmem>>
      %dma_wait3A_603 = tpu.memref_squeeze %dma_wait3A_602 : memref<1x112xi32, #tpu.memory_space<vmem>> -> memref<112xi32, #tpu.memory_space<vmem>>
      %dma_wait3A_604 = arith.constant 0 : i32
      %dma_wait3A_605 = arith.constant 0 : i32
      %dma_wait3A_606 = tpu.memref_slice %arg10[%dma_wait3A_604, %dma_wait3A_605] : memref<10240x64xf32, #tpu.memory_space<vmem_shared>> -> memref<10240x64xf32, #tpu.memory_space<vmem_shared>>
      tpu.wait_indirect_dma semaphore(%arg13 : memref<!tpu.dma_semaphore, #tpu.memory_space<semaphore_mem>>) src(%dma_wait3A_606 : memref<10240x64xf32, #tpu.memory_space<vmem_shared>>) dst(%dma_wait3A_600 : memref<112x64xf32, #tpu.memory_space<vmem>>)
      %dma_start3A_607 = arith.constant 1 : i32
      %dma_start3A_608 = arith.constant 0 : i32
      %dma_start3A_609 = arith.constant 0 : i32
      %dma_start3A_610 = tpu.memref_slice %arg9[%dma_start3A_607, %dma_start3A_608, %dma_start3A_609] : memref<5x112x64xf32, #tpu.memory_space<vmem>> -> memref<1x112x64xf32, #tpu.memory_space<vmem>>
      %dma_start3A_611 = tpu.memref_squeeze %dma_start3A_610 : memref<1x112x64xf32, #tpu.memory_space<vmem>> -> memref<112x64xf32, #tpu.memory_space<vmem>>
      %dma_start3A_612 = arith.constant 0 : i32
      %dma_start3A_613 = tpu.memref_slice %arg8[%add3A_595, %dma_start3A_612] : memref<45x112xi32, #tpu.memory_space<vmem>> -> memref<1x112xi32, #tpu.memory_space<vmem>>
      %dma_start3A_614 = tpu.memref_squeeze %dma_start3A_613 : memref<1x112xi32, #tpu.memory_space<vmem>> -> memref<112xi32, #tpu.memory_space<vmem>>
      %dma_start3A_615 = arith.constant 0 : i32
      %dma_start3A_616 = arith.constant 0 : i32
      %dma_start3A_617 = tpu.memref_slice %arg11[%dma_start3A_615, %dma_start3A_616] : memref<10240x64xf32, #tpu.memory_space<vmem_shared>> -> memref<10240x64xf32, #tpu.memory_space<vmem_shared>>
      tpu.enqueue_indirect_dma source(%dma_start3A_611 : memref<112x64xf32, #tpu.memory_space<vmem>>) target(%dma_start3A_617 : memref<10240x64xf32, #tpu.memory_space<vmem_shared>>) offsets(%dma_start3A_614 : memref<112xi32, #tpu.memory_space<vmem>>) semaphore(%arg18 : memref<!tpu.dma_semaphore, #tpu.memory_space<semaphore_mem>>) {add = true}
      %ge3A_618 = arith.constant 1 : i32
      %ge3A_619 = arith.cmpi sge, %add3A_595, %ge3A_618 : i32
      %convert_element_type3A_620 = arith.extui %ge3A_619 : i1 to i32
      %cond3A_621 = arith.constant 0 : i32
      %cond3A_622 = arith.cmpi ne, %convert_element_type3A_620, %cond3A_621 : i32
      scf.if %cond3A_622 {
        %sub3A_752 = arith.constant 1 : i32
        %sub3A_753 = arith.subi %add3A_595, %sub3A_752 : i32
        %dma_wait3A_754 = arith.constant 0 : i32
        %dma_wait3A_755 = arith.constant 0 : i32
        %dma_wait3A_756 = arith.constant 0 : i32
        %dma_wait3A_757 = tpu.memref_slice %arg9[%dma_wait3A_754, %dma_wait3A_755, %dma_wait3A_756] : memref<5x112x64xf32, #tpu.memory_space<vmem>> -> memref<1x112x64xf32, #tpu.memory_space<vmem>>
        %dma_wait3A_758 = tpu.memref_squeeze %dma_wait3A_757 : memref<1x112x64xf32, #tpu.memory_space<vmem>> -> memref<112x64xf32, #tpu.memory_space<vmem>>
        %dma_wait3A_759 = arith.constant 0 : i32
        %dma_wait3A_760 = tpu.memref_slice %arg8[%sub3A_753, %dma_wait3A_759] : memref<45x112xi32, #tpu.memory_space<vmem>> -> memref<1x112xi32, #tpu.memory_space<vmem>>
        %dma_wait3A_761 = tpu.memref_squeeze %dma_wait3A_760 : memref<1x112xi32, #tpu.memory_space<vmem>> -> memref<112xi32, #tpu.memory_space<vmem>>
        %dma_wait3A_762 = arith.constant 0 : i32
        %dma_wait3A_763 = arith.constant 0 : i32
        %dma_wait3A_764 = tpu.memref_slice %arg11[%dma_wait3A_762, %dma_wait3A_763] : memref<10240x64xf32, #tpu.memory_space<vmem_shared>> -> memref<10240x64xf32, #tpu.memory_space<vmem_shared>>
        tpu.wait_indirect_dma semaphore(%arg17 : memref<!tpu.dma_semaphore, #tpu.memory_space<semaphore_mem>>) src(%dma_wait3A_758 : memref<112x64xf32, #tpu.memory_space<vmem>>) dst(%dma_wait3A_764 : memref<10240x64xf32, #tpu.memory_space<vmem_shared>>)
      } else {
      }
      %add3A_623 = arith.constant 5 : i32
      %add3A_624 = arith.addi %add3A_595, %add3A_623 : i32
      %sub3A_625 = arith.constant 1 : i32
      %sub3A_626 = arith.subi %add3A_624, %sub3A_625 : i32
      %le3A_627 = arith.constant 44 : i32
      %le3A_628 = arith.cmpi sle, %sub3A_626, %le3A_627 : i32
      %convert_element_type3A_629 = arith.extui %le3A_628 : i1 to i32
      %cond3A_630 = arith.constant 0 : i32
      %cond3A_631 = arith.cmpi ne, %convert_element_type3A_629, %cond3A_630 : i32
      scf.if %cond3A_631 {
        %add3A_752 = arith.constant 5 : i32
        %add3A_753 = arith.addi %add3A_595, %add3A_752 : i32
        %sub3A_754 = arith.constant 1 : i32
        %sub3A_755 = arith.subi %add3A_753, %sub3A_754 : i32
        %dma_start3A_756 = arith.constant 0 : i32
        %dma_start3A_757 = arith.constant 0 : i32
        %dma_start3A_758 = arith.constant 0 : i32
        %dma_start3A_759 = tpu.memref_slice %arg9[%dma_start3A_756, %dma_start3A_757, %dma_start3A_758] : memref<5x112x64xf32, #tpu.memory_space<vmem>> -> memref<1x112x64xf32, #tpu.memory_space<vmem>>
        %dma_start3A_760 = tpu.memref_squeeze %dma_start3A_759 : memref<1x112x64xf32, #tpu.memory_space<vmem>> -> memref<112x64xf32, #tpu.memory_space<vmem>>
        %dma_start3A_761 = arith.constant 0 : i32
        %dma_start3A_762 = tpu.memref_slice %arg7[%sub3A_755, %dma_start3A_761] : memref<45x112xi32, #tpu.memory_space<vmem>> -> memref<1x112xi32, #tpu.memory_space<vmem>>
        %dma_start3A_763 = tpu.memref_squeeze %dma_start3A_762 : memref<1x112xi32, #tpu.memory_space<vmem>> -> memref<112xi32, #tpu.memory_space<vmem>>
        %dma_start3A_764 = arith.constant 0 : i32
        %dma_start3A_765 = arith.constant 0 : i32
        %dma_start3A_766 = tpu.memref_slice %arg10[%dma_start3A_764, %dma_start3A_765] : memref<10240x64xf32, #tpu.memory_space<vmem_shared>> -> memref<10240x64xf32, #tpu.memory_space<vmem_shared>>
        tpu.enqueue_indirect_dma source(%dma_start3A_766 : memref<10240x64xf32, #tpu.memory_space<vmem_shared>>) target(%dma_start3A_760 : memref<112x64xf32, #tpu.memory_space<vmem>>) offsets(%dma_start3A_763 : memref<112xi32, #tpu.memory_space<vmem>>) semaphore(%arg12 : memref<!tpu.dma_semaphore, #tpu.memory_space<semaphore_mem>>)
      } else {
      }
      %mul3A_632 = arith.constant 5 : i32
      %mul3A_633 = arith.muli %mul3A_632, %scan3A_556 : i32
      %add3A_634 = arith.constant 2 : i32
      %add3A_635 = arith.addi %mul3A_633, %add3A_634 : i32
      %dma_wait3A_636 = arith.constant 2 : i32
      %dma_wait3A_637 = arith.constant 0 : i32
      %dma_wait3A_638 = arith.constant 0 : i32
      %dma_wait3A_639 = tpu.memref_slice %arg9[%dma_wait3A_636, %dma_wait3A_637, %dma_wait3A_638] : memref<5x112x64xf32, #tpu.memory_space<vmem>> -> memref<1x112x64xf32, #tpu.memory_space<vmem>>
      %dma_wait3A_640 = tpu.memref_squeeze %dma_wait3A_639 : memref<1x112x64xf32, #tpu.memory_space<vmem>> -> memref<112x64xf32, #tpu.memory_space<vmem>>
      %dma_wait3A_641 = arith.constant 0 : i32
      %dma_wait3A_642 = tpu.memref_slice %arg7[%add3A_635, %dma_wait3A_641] : memref<45x112xi32, #tpu.memory_space<vmem>> -> memref<1x112xi32, #tpu.memory_space<vmem>>
      %dma_wait3A_643 = tpu.memref_squeeze %dma_wait3A_642 : memref<1x112xi32, #tpu.memory_space<vmem>> -> memref<112xi32, #tpu.memory_space<vmem>>
      %dma_wait3A_644 = arith.constant 0 : i32
      %dma_wait3A_645 = arith.constant 0 : i32
      %dma_wait3A_646 = tpu.memref_slice %arg10[%dma_wait3A_644, %dma_wait3A_645] : memref<10240x64xf32, #tpu.memory_space<vmem_shared>> -> memref<10240x64xf32, #tpu.memory_space<vmem_shared>>
      tpu.wait_indirect_dma semaphore(%arg14 : memref<!tpu.dma_semaphore, #tpu.memory_space<semaphore_mem>>) src(%dma_wait3A_646 : memref<10240x64xf32, #tpu.memory_space<vmem_shared>>) dst(%dma_wait3A_640 : memref<112x64xf32, #tpu.memory_space<vmem>>)
      %dma_start3A_647 = arith.constant 2 : i32
      %dma_start3A_648 = arith.constant 0 : i32
      %dma_start3A_649 = arith.constant 0 : i32
      %dma_start3A_650 = tpu.memref_slice %arg9[%dma_start3A_647, %dma_start3A_648, %dma_start3A_649] : memref<5x112x64xf32, #tpu.memory_space<vmem>> -> memref<1x112x64xf32, #tpu.memory_space<vmem>>
      %dma_start3A_651 = tpu.memref_squeeze %dma_start3A_650 : memref<1x112x64xf32, #tpu.memory_space<vmem>> -> memref<112x64xf32, #tpu.memory_space<vmem>>
      %dma_start3A_652 = arith.constant 0 : i32
      %dma_start3A_653 = tpu.memref_slice %arg8[%add3A_635, %dma_start3A_652] : memref<45x112xi32, #tpu.memory_space<vmem>> -> memref<1x112xi32, #tpu.memory_space<vmem>>
      %dma_start3A_654 = tpu.memref_squeeze %dma_start3A_653 : memref<1x112xi32, #tpu.memory_space<vmem>> -> memref<112xi32, #tpu.memory_space<vmem>>
      %dma_start3A_655 = arith.constant 0 : i32
      %dma_start3A_656 = arith.constant 0 : i32
      %dma_start3A_657 = tpu.memref_slice %arg11[%dma_start3A_655, %dma_start3A_656] : memref<10240x64xf32, #tpu.memory_space<vmem_shared>> -> memref<10240x64xf32, #tpu.memory_space<vmem_shared>>
      tpu.enqueue_indirect_dma source(%dma_start3A_651 : memref<112x64xf32, #tpu.memory_space<vmem>>) target(%dma_start3A_657 : memref<10240x64xf32, #tpu.memory_space<vmem_shared>>) offsets(%dma_start3A_654 : memref<112xi32, #tpu.memory_space<vmem>>) semaphore(%arg19 : memref<!tpu.dma_semaphore, #tpu.memory_space<semaphore_mem>>) {add = true}
      %ge3A_658 = arith.constant 1 : i32
      %ge3A_659 = arith.cmpi sge, %add3A_635, %ge3A_658 : i32
      %convert_element_type3A_660 = arith.extui %ge3A_659 : i1 to i32
      %cond3A_661 = arith.constant 0 : i32
      %cond3A_662 = arith.cmpi ne, %convert_element_type3A_660, %cond3A_661 : i32
      scf.if %cond3A_662 {
        %sub3A_752 = arith.constant 1 : i32
        %sub3A_753 = arith.subi %add3A_635, %sub3A_752 : i32
        %dma_wait3A_754 = arith.constant 1 : i32
        %dma_wait3A_755 = arith.constant 0 : i32
        %dma_wait3A_756 = arith.constant 0 : i32
        %dma_wait3A_757 = tpu.memref_slice %arg9[%dma_wait3A_754, %dma_wait3A_755, %dma_wait3A_756] : memref<5x112x64xf32, #tpu.memory_space<vmem>> -> memref<1x112x64xf32, #tpu.memory_space<vmem>>
        %dma_wait3A_758 = tpu.memref_squeeze %dma_wait3A_757 : memref<1x112x64xf32, #tpu.memory_space<vmem>> -> memref<112x64xf32, #tpu.memory_space<vmem>>
        %dma_wait3A_759 = arith.constant 0 : i32
        %dma_wait3A_760 = tpu.memref_slice %arg8[%sub3A_753, %dma_wait3A_759] : memref<45x112xi32, #tpu.memory_space<vmem>> -> memref<1x112xi32, #tpu.memory_space<vmem>>
        %dma_wait3A_761 = tpu.memref_squeeze %dma_wait3A_760 : memref<1x112xi32, #tpu.memory_space<vmem>> -> memref<112xi32, #tpu.memory_space<vmem>>
        %dma_wait3A_762 = arith.constant 0 : i32
        %dma_wait3A_763 = arith.constant 0 : i32
        %dma_wait3A_764 = tpu.memref_slice %arg11[%dma_wait3A_762, %dma_wait3A_763] : memref<10240x64xf32, #tpu.memory_space<vmem_shared>> -> memref<10240x64xf32, #tpu.memory_space<vmem_shared>>
        tpu.wait_indirect_dma semaphore(%arg18 : memref<!tpu.dma_semaphore, #tpu.memory_space<semaphore_mem>>) src(%dma_wait3A_758 : memref<112x64xf32, #tpu.memory_space<vmem>>) dst(%dma_wait3A_764 : memref<10240x64xf32, #tpu.memory_space<vmem_shared>>)
      } else {
      }
      %add3A_663 = arith.constant 5 : i32
      %add3A_664 = arith.addi %add3A_635, %add3A_663 : i32
      %sub3A_665 = arith.constant 1 : i32
      %sub3A_666 = arith.subi %add3A_664, %sub3A_665 : i32
      %le3A_667 = arith.constant 44 : i32
      %le3A_668 = arith.cmpi sle, %sub3A_666, %le3A_667 : i32
      %convert_element_type3A_669 = arith.extui %le3A_668 : i1 to i32
      %cond3A_670 = arith.constant 0 : i32
      %cond3A_671 = arith.cmpi ne, %convert_element_type3A_669, %cond3A_670 : i32
      scf.if %cond3A_671 {
        %add3A_752 = arith.constant 5 : i32
        %add3A_753 = arith.addi %add3A_635, %add3A_752 : i32
        %sub3A_754 = arith.constant 1 : i32
        %sub3A_755 = arith.subi %add3A_753, %sub3A_754 : i32
        %dma_start3A_756 = arith.constant 1 : i32
        %dma_start3A_757 = arith.constant 0 : i32
        %dma_start3A_758 = arith.constant 0 : i32
        %dma_start3A_759 = tpu.memref_slice %arg9[%dma_start3A_756, %dma_start3A_757, %dma_start3A_758] : memref<5x112x64xf32, #tpu.memory_space<vmem>> -> memref<1x112x64xf32, #tpu.memory_space<vmem>>
        %dma_start3A_760 = tpu.memref_squeeze %dma_start3A_759 : memref<1x112x64xf32, #tpu.memory_space<vmem>> -> memref<112x64xf32, #tpu.memory_space<vmem>>
        %dma_start3A_761 = arith.constant 0 : i32
        %dma_start3A_762 = tpu.memref_slice %arg7[%sub3A_755, %dma_start3A_761] : memref<45x112xi32, #tpu.memory_space<vmem>> -> memref<1x112xi32, #tpu.memory_space<vmem>>
        %dma_start3A_763 = tpu.memref_squeeze %dma_start3A_762 : memref<1x112xi32, #tpu.memory_space<vmem>> -> memref<112xi32, #tpu.memory_space<vmem>>
        %dma_start3A_764 = arith.constant 0 : i32
        %dma_start3A_765 = arith.constant 0 : i32
        %dma_start3A_766 = tpu.memref_slice %arg10[%dma_start3A_764, %dma_start3A_765] : memref<10240x64xf32, #tpu.memory_space<vmem_shared>> -> memref<10240x64xf32, #tpu.memory_space<vmem_shared>>
        tpu.enqueue_indirect_dma source(%dma_start3A_766 : memref<10240x64xf32, #tpu.memory_space<vmem_shared>>) target(%dma_start3A_760 : memref<112x64xf32, #tpu.memory_space<vmem>>) offsets(%dma_start3A_763 : memref<112xi32, #tpu.memory_space<vmem>>) semaphore(%arg13 : memref<!tpu.dma_semaphore, #tpu.memory_space<semaphore_mem>>)
      } else {
      }
      %mul3A_672 = arith.constant 5 : i32
      %mul3A_673 = arith.muli %mul3A_672, %scan3A_556 : i32
      %add3A_674 = arith.constant 3 : i32
      %add3A_675 = arith.addi %mul3A_673, %add3A_674 : i32
      %dma_wait3A_676 = arith.constant 3 : i32
      %dma_wait3A_677 = arith.constant 0 : i32
      %dma_wait3A_678 = arith.constant 0 : i32
      %dma_wait3A_679 = tpu.memref_slice %arg9[%dma_wait3A_676, %dma_wait3A_677, %dma_wait3A_678] : memref<5x112x64xf32, #tpu.memory_space<vmem>> -> memref<1x112x64xf32, #tpu.memory_space<vmem>>
      %dma_wait3A_680 = tpu.memref_squeeze %dma_wait3A_679 : memref<1x112x64xf32, #tpu.memory_space<vmem>> -> memref<112x64xf32, #tpu.memory_space<vmem>>
      %dma_wait3A_681 = arith.constant 0 : i32
      %dma_wait3A_682 = tpu.memref_slice %arg7[%add3A_675, %dma_wait3A_681] : memref<45x112xi32, #tpu.memory_space<vmem>> -> memref<1x112xi32, #tpu.memory_space<vmem>>
      %dma_wait3A_683 = tpu.memref_squeeze %dma_wait3A_682 : memref<1x112xi32, #tpu.memory_space<vmem>> -> memref<112xi32, #tpu.memory_space<vmem>>
      %dma_wait3A_684 = arith.constant 0 : i32
      %dma_wait3A_685 = arith.constant 0 : i32
      %dma_wait3A_686 = tpu.memref_slice %arg10[%dma_wait3A_684, %dma_wait3A_685] : memref<10240x64xf32, #tpu.memory_space<vmem_shared>> -> memref<10240x64xf32, #tpu.memory_space<vmem_shared>>
      tpu.wait_indirect_dma semaphore(%arg15 : memref<!tpu.dma_semaphore, #tpu.memory_space<semaphore_mem>>) src(%dma_wait3A_686 : memref<10240x64xf32, #tpu.memory_space<vmem_shared>>) dst(%dma_wait3A_680 : memref<112x64xf32, #tpu.memory_space<vmem>>)
      %dma_start3A_687 = arith.constant 3 : i32
      %dma_start3A_688 = arith.constant 0 : i32
      %dma_start3A_689 = arith.constant 0 : i32
      %dma_start3A_690 = tpu.memref_slice %arg9[%dma_start3A_687, %dma_start3A_688, %dma_start3A_689] : memref<5x112x64xf32, #tpu.memory_space<vmem>> -> memref<1x112x64xf32, #tpu.memory_space<vmem>>
      %dma_start3A_691 = tpu.memref_squeeze %dma_start3A_690 : memref<1x112x64xf32, #tpu.memory_space<vmem>> -> memref<112x64xf32, #tpu.memory_space<vmem>>
      %dma_start3A_692 = arith.constant 0 : i32
      %dma_start3A_693 = tpu.memref_slice %arg8[%add3A_675, %dma_start3A_692] : memref<45x112xi32, #tpu.memory_space<vmem>> -> memref<1x112xi32, #tpu.memory_space<vmem>>
      %dma_start3A_694 = tpu.memref_squeeze %dma_start3A_693 : memref<1x112xi32, #tpu.memory_space<vmem>> -> memref<112xi32, #tpu.memory_space<vmem>>
      %dma_start3A_695 = arith.constant 0 : i32
      %dma_start3A_696 = arith.constant 0 : i32
      %dma_start3A_697 = tpu.memref_slice %arg11[%dma_start3A_695, %dma_start3A_696] : memref<10240x64xf32, #tpu.memory_space<vmem_shared>> -> memref<10240x64xf32, #tpu.memory_space<vmem_shared>>
      tpu.enqueue_indirect_dma source(%dma_start3A_691 : memref<112x64xf32, #tpu.memory_space<vmem>>) target(%dma_start3A_697 : memref<10240x64xf32, #tpu.memory_space<vmem_shared>>) offsets(%dma_start3A_694 : memref<112xi32, #tpu.memory_space<vmem>>) semaphore(%arg20 : memref<!tpu.dma_semaphore, #tpu.memory_space<semaphore_mem>>) {add = true}
      %ge3A_698 = arith.constant 1 : i32
      %ge3A_699 = arith.cmpi sge, %add3A_675, %ge3A_698 : i32
      %convert_element_type3A_700 = arith.extui %ge3A_699 : i1 to i32
      %cond3A_701 = arith.constant 0 : i32
      %cond3A_702 = arith.cmpi ne, %convert_element_type3A_700, %cond3A_701 : i32
      scf.if %cond3A_702 {
        %sub3A_752 = arith.constant 1 : i32
        %sub3A_753 = arith.subi %add3A_675, %sub3A_752 : i32
        %dma_wait3A_754 = arith.constant 2 : i32
        %dma_wait3A_755 = arith.constant 0 : i32
        %dma_wait3A_756 = arith.constant 0 : i32
        %dma_wait3A_757 = tpu.memref_slice %arg9[%dma_wait3A_754, %dma_wait3A_755, %dma_wait3A_756] : memref<5x112x64xf32, #tpu.memory_space<vmem>> -> memref<1x112x64xf32, #tpu.memory_space<vmem>>
        %dma_wait3A_758 = tpu.memref_squeeze %dma_wait3A_757 : memref<1x112x64xf32, #tpu.memory_space<vmem>> -> memref<112x64xf32, #tpu.memory_space<vmem>>
        %dma_wait3A_759 = arith.constant 0 : i32
        %dma_wait3A_760 = tpu.memref_slice %arg8[%sub3A_753, %dma_wait3A_759] : memref<45x112xi32, #tpu.memory_space<vmem>> -> memref<1x112xi32, #tpu.memory_space<vmem>>
        %dma_wait3A_761 = tpu.memref_squeeze %dma_wait3A_760 : memref<1x112xi32, #tpu.memory_space<vmem>> -> memref<112xi32, #tpu.memory_space<vmem>>
        %dma_wait3A_762 = arith.constant 0 : i32
        %dma_wait3A_763 = arith.constant 0 : i32
        %dma_wait3A_764 = tpu.memref_slice %arg11[%dma_wait3A_762, %dma_wait3A_763] : memref<10240x64xf32, #tpu.memory_space<vmem_shared>> -> memref<10240x64xf32, #tpu.memory_space<vmem_shared>>
        tpu.wait_indirect_dma semaphore(%arg19 : memref<!tpu.dma_semaphore, #tpu.memory_space<semaphore_mem>>) src(%dma_wait3A_758 : memref<112x64xf32, #tpu.memory_space<vmem>>) dst(%dma_wait3A_764 : memref<10240x64xf32, #tpu.memory_space<vmem_shared>>)
      } else {
      }
      %add3A_703 = arith.constant 5 : i32
      %add3A_704 = arith.addi %add3A_675, %add3A_703 : i32
      %sub3A_705 = arith.constant 1 : i32
      %sub3A_706 = arith.subi %add3A_704, %sub3A_705 : i32
      %le3A_707 = arith.constant 44 : i32
      %le3A_708 = arith.cmpi sle, %sub3A_706, %le3A_707 : i32
      %convert_element_type3A_709 = arith.extui %le3A_708 : i1 to i32
      %cond3A_710 = arith.constant 0 : i32
      %cond3A_711 = arith.cmpi ne, %convert_element_type3A_709, %cond3A_710 : i32
      scf.if %cond3A_711 {
        %add3A_752 = arith.constant 5 : i32
        %add3A_753 = arith.addi %add3A_675, %add3A_752 : i32
        %sub3A_754 = arith.constant 1 : i32
        %sub3A_755 = arith.subi %add3A_753, %sub3A_754 : i32
        %dma_start3A_756 = arith.constant 2 : i32
        %dma_start3A_757 = arith.constant 0 : i32
        %dma_start3A_758 = arith.constant 0 : i32
        %dma_start3A_759 = tpu.memref_slice %arg9[%dma_start3A_756, %dma_start3A_757, %dma_start3A_758] : memref<5x112x64xf32, #tpu.memory_space<vmem>> -> memref<1x112x64xf32, #tpu.memory_space<vmem>>
        %dma_start3A_760 = tpu.memref_squeeze %dma_start3A_759 : memref<1x112x64xf32, #tpu.memory_space<vmem>> -> memref<112x64xf32, #tpu.memory_space<vmem>>
        %dma_start3A_761 = arith.constant 0 : i32
        %dma_start3A_762 = tpu.memref_slice %arg7[%sub3A_755, %dma_start3A_761] : memref<45x112xi32, #tpu.memory_space<vmem>> -> memref<1x112xi32, #tpu.memory_space<vmem>>
        %dma_start3A_763 = tpu.memref_squeeze %dma_start3A_762 : memref<1x112xi32, #tpu.memory_space<vmem>> -> memref<112xi32, #tpu.memory_space<vmem>>
        %dma_start3A_764 = arith.constant 0 : i32
        %dma_start3A_765 = arith.constant 0 : i32
        %dma_start3A_766 = tpu.memref_slice %arg10[%dma_start3A_764, %dma_start3A_765] : memref<10240x64xf32, #tpu.memory_space<vmem_shared>> -> memref<10240x64xf32, #tpu.memory_space<vmem_shared>>
        tpu.enqueue_indirect_dma source(%dma_start3A_766 : memref<10240x64xf32, #tpu.memory_space<vmem_shared>>) target(%dma_start3A_760 : memref<112x64xf32, #tpu.memory_space<vmem>>) offsets(%dma_start3A_763 : memref<112xi32, #tpu.memory_space<vmem>>) semaphore(%arg14 : memref<!tpu.dma_semaphore, #tpu.memory_space<semaphore_mem>>)
      } else {
      }
      %mul3A_712 = arith.constant 5 : i32
      %mul3A_713 = arith.muli %mul3A_712, %scan3A_556 : i32
      %add3A_714 = arith.constant 4 : i32
      %add3A_715 = arith.addi %mul3A_713, %add3A_714 : i32
      %dma_wait3A_716 = arith.constant 4 : i32
      %dma_wait3A_717 = arith.constant 0 : i32
      %dma_wait3A_718 = arith.constant 0 : i32
      %dma_wait3A_719 = tpu.memref_slice %arg9[%dma_wait3A_716, %dma_wait3A_717, %dma_wait3A_718] : memref<5x112x64xf32, #tpu.memory_space<vmem>> -> memref<1x112x64xf32, #tpu.memory_space<vmem>>
      %dma_wait3A_720 = tpu.memref_squeeze %dma_wait3A_719 : memref<1x112x64xf32, #tpu.memory_space<vmem>> -> memref<112x64xf32, #tpu.memory_space<vmem>>
      %dma_wait3A_721 = arith.constant 0 : i32
      %dma_wait3A_722 = tpu.memref_slice %arg7[%add3A_715, %dma_wait3A_721] : memref<45x112xi32, #tpu.memory_space<vmem>> -> memref<1x112xi32, #tpu.memory_space<vmem>>
      %dma_wait3A_723 = tpu.memref_squeeze %dma_wait3A_722 : memref<1x112xi32, #tpu.memory_space<vmem>> -> memref<112xi32, #tpu.memory_space<vmem>>
      %dma_wait3A_724 = arith.constant 0 : i32
      %dma_wait3A_725 = arith.constant 0 : i32
      %dma_wait3A_726 = tpu.memref_slice %arg10[%dma_wait3A_724, %dma_wait3A_725] : memref<10240x64xf32, #tpu.memory_space<vmem_shared>> -> memref<10240x64xf32, #tpu.memory_space<vmem_shared>>
      tpu.wait_indirect_dma semaphore(%arg16 : memref<!tpu.dma_semaphore, #tpu.memory_space<semaphore_mem>>) src(%dma_wait3A_726 : memref<10240x64xf32, #tpu.memory_space<vmem_shared>>) dst(%dma_wait3A_720 : memref<112x64xf32, #tpu.memory_space<vmem>>)
      %dma_start3A_727 = arith.constant 4 : i32
      %dma_start3A_728 = arith.constant 0 : i32
      %dma_start3A_729 = arith.constant 0 : i32
      %dma_start3A_730 = tpu.memref_slice %arg9[%dma_start3A_727, %dma_start3A_728, %dma_start3A_729] : memref<5x112x64xf32, #tpu.memory_space<vmem>> -> memref<1x112x64xf32, #tpu.memory_space<vmem>>
      %dma_start3A_731 = tpu.memref_squeeze %dma_start3A_730 : memref<1x112x64xf32, #tpu.memory_space<vmem>> -> memref<112x64xf32, #tpu.memory_space<vmem>>
      %dma_start3A_732 = arith.constant 0 : i32
      %dma_start3A_733 = tpu.memref_slice %arg8[%add3A_715, %dma_start3A_732] : memref<45x112xi32, #tpu.memory_space<vmem>> -> memref<1x112xi32, #tpu.memory_space<vmem>>
      %dma_start3A_734 = tpu.memref_squeeze %dma_start3A_733 : memref<1x112xi32, #tpu.memory_space<vmem>> -> memref<112xi32, #tpu.memory_space<vmem>>
      %dma_start3A_735 = arith.constant 0 : i32
      %dma_start3A_736 = arith.constant 0 : i32
      %dma_start3A_737 = tpu.memref_slice %arg11[%dma_start3A_735, %dma_start3A_736] : memref<10240x64xf32, #tpu.memory_space<vmem_shared>> -> memref<10240x64xf32, #tpu.memory_space<vmem_shared>>
      tpu.enqueue_indirect_dma source(%dma_start3A_731 : memref<112x64xf32, #tpu.memory_space<vmem>>) target(%dma_start3A_737 : memref<10240x64xf32, #tpu.memory_space<vmem_shared>>) offsets(%dma_start3A_734 : memref<112xi32, #tpu.memory_space<vmem>>) semaphore(%arg21 : memref<!tpu.dma_semaphore, #tpu.memory_space<semaphore_mem>>) {add = true}
      %ge3A_738 = arith.constant 1 : i32
      %ge3A_739 = arith.cmpi sge, %add3A_715, %ge3A_738 : i32
      %convert_element_type3A_740 = arith.extui %ge3A_739 : i1 to i32
      %cond3A_741 = arith.constant 0 : i32
      %cond3A_742 = arith.cmpi ne, %convert_element_type3A_740, %cond3A_741 : i32
      scf.if %cond3A_742 {
        %sub3A_752 = arith.constant 1 : i32
        %sub3A_753 = arith.subi %add3A_715, %sub3A_752 : i32
        %dma_wait3A_754 = arith.constant 3 : i32
        %dma_wait3A_755 = arith.constant 0 : i32
        %dma_wait3A_756 = arith.constant 0 : i32
        %dma_wait3A_757 = tpu.memref_slice %arg9[%dma_wait3A_754, %dma_wait3A_755, %dma_wait3A_756] : memref<5x112x64xf32, #tpu.memory_space<vmem>> -> memref<1x112x64xf32, #tpu.memory_space<vmem>>
        %dma_wait3A_758 = tpu.memref_squeeze %dma_wait3A_757 : memref<1x112x64xf32, #tpu.memory_space<vmem>> -> memref<112x64xf32, #tpu.memory_space<vmem>>
        %dma_wait3A_759 = arith.constant 0 : i32
        %dma_wait3A_760 = tpu.memref_slice %arg8[%sub3A_753, %dma_wait3A_759] : memref<45x112xi32, #tpu.memory_space<vmem>> -> memref<1x112xi32, #tpu.memory_space<vmem>>
        %dma_wait3A_761 = tpu.memref_squeeze %dma_wait3A_760 : memref<1x112xi32, #tpu.memory_space<vmem>> -> memref<112xi32, #tpu.memory_space<vmem>>
        %dma_wait3A_762 = arith.constant 0 : i32
        %dma_wait3A_763 = arith.constant 0 : i32
        %dma_wait3A_764 = tpu.memref_slice %arg11[%dma_wait3A_762, %dma_wait3A_763] : memref<10240x64xf32, #tpu.memory_space<vmem_shared>> -> memref<10240x64xf32, #tpu.memory_space<vmem_shared>>
        tpu.wait_indirect_dma semaphore(%arg20 : memref<!tpu.dma_semaphore, #tpu.memory_space<semaphore_mem>>) src(%dma_wait3A_758 : memref<112x64xf32, #tpu.memory_space<vmem>>) dst(%dma_wait3A_764 : memref<10240x64xf32, #tpu.memory_space<vmem_shared>>)
      } else {
      }
      %add3A_743 = arith.constant 5 : i32
      %add3A_744 = arith.addi %add3A_715, %add3A_743 : i32
      %sub3A_745 = arith.constant 1 : i32
      %sub3A_746 = arith.subi %add3A_744, %sub3A_745 : i32
      %le3A_747 = arith.constant 44 : i32
      %le3A_748 = arith.cmpi sle, %sub3A_746, %le3A_747 : i32
      %convert_element_type3A_749 = arith.extui %le3A_748 : i1 to i32
      %cond3A_750 = arith.constant 0 : i32
      %cond3A_751 = arith.cmpi ne, %convert_element_type3A_749, %cond3A_750 : i32
      scf.if %cond3A_751 {
        %add3A_752 = arith.constant 5 : i32
        %add3A_753 = arith.addi %add3A_715, %add3A_752 : i32
        %sub3A_754 = arith.constant 1 : i32
        %sub3A_755 = arith.subi %add3A_753, %sub3A_754 : i32
        %dma_start3A_756 = arith.constant 3 : i32
        %dma_start3A_757 = arith.constant 0 : i32
        %dma_start3A_758 = arith.constant 0 : i32
        %dma_start3A_759 = tpu.memref_slice %arg9[%dma_start3A_756, %dma_start3A_757, %dma_start3A_758] : memref<5x112x64xf32, #tpu.memory_space<vmem>> -> memref<1x112x64xf32, #tpu.memory_space<vmem>>
        %dma_start3A_760 = tpu.memref_squeeze %dma_start3A_759 : memref<1x112x64xf32, #tpu.memory_space<vmem>> -> memref<112x64xf32, #tpu.memory_space<vmem>>
        %dma_start3A_761 = arith.constant 0 : i32
        %dma_start3A_762 = tpu.memref_slice %arg7[%sub3A_755, %dma_start3A_761] : memref<45x112xi32, #tpu.memory_space<vmem>> -> memref<1x112xi32, #tpu.memory_space<vmem>>
        %dma_start3A_763 = tpu.memref_squeeze %dma_start3A_762 : memref<1x112xi32, #tpu.memory_space<vmem>> -> memref<112xi32, #tpu.memory_space<vmem>>
        %dma_start3A_764 = arith.constant 0 : i32
        %dma_start3A_765 = arith.constant 0 : i32
        %dma_start3A_766 = tpu.memref_slice %arg10[%dma_start3A_764, %dma_start3A_765] : memref<10240x64xf32, #tpu.memory_space<vmem_shared>> -> memref<10240x64xf32, #tpu.memory_space<vmem_shared>>
        tpu.enqueue_indirect_dma source(%dma_start3A_766 : memref<10240x64xf32, #tpu.memory_space<vmem_shared>>) target(%dma_start3A_760 : memref<112x64xf32, #tpu.memory_space<vmem>>) offsets(%dma_start3A_763 : memref<112xi32, #tpu.memory_space<vmem>>) semaphore(%arg15 : memref<!tpu.dma_semaphore, #tpu.memory_space<semaphore_mem>>)
      } else {
      }
    }
    %scan3A_471 = arith.constant 9 : i32
    %dma_wait3A_472 = arith.constant 4 : i32
    %dma_wait3A_473 = arith.constant 44 : i32
    %dma_wait3A_474 = arith.constant 0 : i32
    %dma_wait3A_475 = arith.constant 0 : i32
    %dma_wait3A_476 = tpu.memref_slice %arg9[%dma_wait3A_472, %dma_wait3A_474, %dma_wait3A_475] : memref<5x112x64xf32, #tpu.memory_space<vmem>> -> memref<1x112x64xf32, #tpu.memory_space<vmem>>
    %dma_wait3A_477 = tpu.memref_squeeze %dma_wait3A_476 : memref<1x112x64xf32, #tpu.memory_space<vmem>> -> memref<112x64xf32, #tpu.memory_space<vmem>>
    %dma_wait3A_478 = arith.constant 0 : i32
    %dma_wait3A_479 = tpu.memref_slice %arg8[%dma_wait3A_473, %dma_wait3A_478] : memref<45x112xi32, #tpu.memory_space<vmem>> -> memref<1x112xi32, #tpu.memory_space<vmem>>
    %dma_wait3A_480 = tpu.memref_squeeze %dma_wait3A_479 : memref<1x112xi32, #tpu.memory_space<vmem>> -> memref<112xi32, #tpu.memory_space<vmem>>
    %dma_wait3A_481 = arith.constant 0 : i32
    %dma_wait3A_482 = arith.constant 0 : i32
    %dma_wait3A_483 = tpu.memref_slice %arg11[%dma_wait3A_481, %dma_wait3A_482] : memref<10240x64xf32, #tpu.memory_space<vmem_shared>> -> memref<10240x64xf32, #tpu.memory_space<vmem_shared>>
    tpu.wait_indirect_dma semaphore(%arg21 : memref<!tpu.dma_semaphore, #tpu.memory_space<semaphore_mem>>) src(%dma_wait3A_477 : memref<112x64xf32, #tpu.memory_space<vmem>>) dst(%dma_wait3A_483 : memref<10240x64xf32, #tpu.memory_space<vmem_shared>>)
    "tpu.region"() ({
      %run_scoped3A = tpu.sem_alloc : memref<!tpu.dma_semaphore, #tpu.memory_space<semaphore_mem>>
      %dma_start3A_556 = arith.constant 0 : i32
      %dma_start3A_557 = arith.constant 0 : i32
      %dma_start3A_558 = tpu.memref_slice %arg3[%arg1, %dma_start3A_556, %dma_start3A_557] : memref<16x180x112xi32, #tpu.memory_space<hbm>> -> memref<1x180x112xi32, #tpu.memory_space<hbm>>
      %dma_start3A_559 = tpu.memref_squeeze %dma_start3A_558 : memref<1x180x112xi32, #tpu.memory_space<hbm>> -> memref<180x112xi32, #tpu.memory_space<hbm>>
      %dma_start3A_560 = arith.constant 135 : i32
      %dma_start3A_561 = arith.constant 0 : i32
      %dma_start3A_562 = tpu.memref_slice %dma_start3A_559[%dma_start3A_560, %dma_start3A_561] : memref<180x112xi32, #tpu.memory_space<hbm>> -> memref<45x112xi32, #tpu.memory_space<hbm>>
      %dma_start3A_563 = arith.constant 0 : i32
      %dma_start3A_564 = arith.constant 0 : i32
      %dma_start3A_565 = tpu.memref_slice %arg3[%arg1, %dma_start3A_563, %dma_start3A_564] : memref<16x180x112xi32, #tpu.memory_space<hbm>> -> memref<1x180x112xi32, #tpu.memory_space<hbm>>
      %dma_start3A_566 = tpu.memref_squeeze %dma_start3A_565 : memref<1x180x112xi32, #tpu.memory_space<hbm>> -> memref<180x112xi32, #tpu.memory_space<hbm>>
      %dma_start3A_567 = arith.constant 135 : i32
      %dma_start3A_568 = arith.constant 0 : i32
      %dma_start3A_569 = tpu.memref_slice %dma_start3A_566[%dma_start3A_567, %dma_start3A_568] : memref<180x112xi32, #tpu.memory_space<hbm>> -> memref<45x112xi32, #tpu.memory_space<hbm>>
      tpu.enqueue_dma source(%dma_start3A_569 : memref<45x112xi32, #tpu.memory_space<hbm>>) target(%arg7 : memref<45x112xi32, #tpu.memory_space<vmem>>) target_semaphore(%run_scoped3A : memref<!tpu.dma_semaphore, #tpu.memory_space<semaphore_mem>>)
      %dma_wait3A_570 = arith.constant 0 : i32
      %dma_wait3A_571 = arith.constant 0 : i32
      %dma_wait3A_572 = tpu.memref_slice %arg3[%arg1, %dma_wait3A_570, %dma_wait3A_571] : memref<16x180x112xi32, #tpu.memory_space<hbm>> -> memref<1x180x112xi32, #tpu.memory_space<hbm>>
      %dma_wait3A_573 = tpu.memref_squeeze %dma_wait3A_572 : memref<1x180x112xi32, #tpu.memory_space<hbm>> -> memref<180x112xi32, #tpu.memory_space<hbm>>
      %dma_wait3A_574 = arith.constant 135 : i32
      %dma_wait3A_575 = arith.constant 0 : i32
      %dma_wait3A_576 = tpu.memref_slice %dma_wait3A_573[%dma_wait3A_574, %dma_wait3A_575] : memref<180x112xi32, #tpu.memory_space<hbm>> -> memref<45x112xi32, #tpu.memory_space<hbm>>
      %dma_wait3A_577 = arith.constant 0 : i32
      %dma_wait3A_578 = arith.constant 0 : i32
      %dma_wait3A_579 = tpu.memref_slice %arg3[%arg1, %dma_wait3A_577, %dma_wait3A_578] : memref<16x180x112xi32, #tpu.memory_space<hbm>> -> memref<1x180x112xi32, #tpu.memory_space<hbm>>
      %dma_wait3A_580 = tpu.memref_squeeze %dma_wait3A_579 : memref<1x180x112xi32, #tpu.memory_space<hbm>> -> memref<180x112xi32, #tpu.memory_space<hbm>>
      %dma_wait3A_581 = arith.constant 135 : i32
      %dma_wait3A_582 = arith.constant 0 : i32
      %dma_wait3A_583 = tpu.memref_slice %dma_wait3A_580[%dma_wait3A_581, %dma_wait3A_582] : memref<180x112xi32, #tpu.memory_space<hbm>> -> memref<45x112xi32, #tpu.memory_space<hbm>>
      tpu.wait_dma2 semaphore(%run_scoped3A : memref<!tpu.dma_semaphore, #tpu.memory_space<semaphore_mem>>) src(%dma_wait3A_583 : memref<45x112xi32, #tpu.memory_space<hbm>>) dst(%arg7 : memref<45x112xi32, #tpu.memory_space<vmem>>)
      tpu.yield
    }) : () -> ()
    "tpu.region"() ({
      %run_scoped3A = tpu.sem_alloc : memref<!tpu.dma_semaphore, #tpu.memory_space<semaphore_mem>>
      %dma_start3A_556 = arith.constant 0 : i32
      %dma_start3A_557 = arith.constant 0 : i32
      %dma_start3A_558 = tpu.memref_slice %arg4[%arg1, %dma_start3A_556, %dma_start3A_557] : memref<16x180x112xi32, #tpu.memory_space<hbm>> -> memref<1x180x112xi32, #tpu.memory_space<hbm>>
      %dma_start3A_559 = tpu.memref_squeeze %dma_start3A_558 : memref<1x180x112xi32, #tpu.memory_space<hbm>> -> memref<180x112xi32, #tpu.memory_space<hbm>>
      %dma_start3A_560 = arith.constant 135 : i32
      %dma_start3A_561 = arith.constant 0 : i32
      %dma_start3A_562 = tpu.memref_slice %dma_start3A_559[%dma_start3A_560, %dma_start3A_561] : memref<180x112xi32, #tpu.memory_space<hbm>> -> memref<45x112xi32, #tpu.memory_space<hbm>>
      %dma_start3A_563 = arith.constant 0 : i32
      %dma_start3A_564 = arith.constant 0 : i32
      %dma_start3A_565 = tpu.memref_slice %arg4[%arg1, %dma_start3A_563, %dma_start3A_564] : memref<16x180x112xi32, #tpu.memory_space<hbm>> -> memref<1x180x112xi32, #tpu.memory_space<hbm>>
      %dma_start3A_566 = tpu.memref_squeeze %dma_start3A_565 : memref<1x180x112xi32, #tpu.memory_space<hbm>> -> memref<180x112xi32, #tpu.memory_space<hbm>>
      %dma_start3A_567 = arith.constant 135 : i32
      %dma_start3A_568 = arith.constant 0 : i32
      %dma_start3A_569 = tpu.memref_slice %dma_start3A_566[%dma_start3A_567, %dma_start3A_568] : memref<180x112xi32, #tpu.memory_space<hbm>> -> memref<45x112xi32, #tpu.memory_space<hbm>>
      tpu.enqueue_dma source(%dma_start3A_569 : memref<45x112xi32, #tpu.memory_space<hbm>>) target(%arg8 : memref<45x112xi32, #tpu.memory_space<vmem>>) target_semaphore(%run_scoped3A : memref<!tpu.dma_semaphore, #tpu.memory_space<semaphore_mem>>)
      %dma_wait3A_570 = arith.constant 0 : i32
      %dma_wait3A_571 = arith.constant 0 : i32
      %dma_wait3A_572 = tpu.memref_slice %arg4[%arg1, %dma_wait3A_570, %dma_wait3A_571] : memref<16x180x112xi32, #tpu.memory_space<hbm>> -> memref<1x180x112xi32, #tpu.memory_space<hbm>>
      %dma_wait3A_573 = tpu.memref_squeeze %dma_wait3A_572 : memref<1x180x112xi32, #tpu.memory_space<hbm>> -> memref<180x112xi32, #tpu.memory_space<hbm>>
      %dma_wait3A_574 = arith.constant 135 : i32
      %dma_wait3A_575 = arith.constant 0 : i32
      %dma_wait3A_576 = tpu.memref_slice %dma_wait3A_573[%dma_wait3A_574, %dma_wait3A_575] : memref<180x112xi32, #tpu.memory_space<hbm>> -> memref<45x112xi32, #tpu.memory_space<hbm>>
      %dma_wait3A_577 = arith.constant 0 : i32
      %dma_wait3A_578 = arith.constant 0 : i32
      %dma_wait3A_579 = tpu.memref_slice %arg4[%arg1, %dma_wait3A_577, %dma_wait3A_578] : memref<16x180x112xi32, #tpu.memory_space<hbm>> -> memref<1x180x112xi32, #tpu.memory_space<hbm>>
      %dma_wait3A_580 = tpu.memref_squeeze %dma_wait3A_579 : memref<1x180x112xi32, #tpu.memory_space<hbm>> -> memref<180x112xi32, #tpu.memory_space<hbm>>
      %dma_wait3A_581 = arith.constant 135 : i32
      %dma_wait3A_582 = arith.constant 0 : i32
      %dma_wait3A_583 = tpu.memref_slice %dma_wait3A_580[%dma_wait3A_581, %dma_wait3A_582] : memref<180x112xi32, #tpu.memory_space<hbm>> -> memref<45x112xi32, #tpu.memory_space<hbm>>
      tpu.wait_dma2 semaphore(%run_scoped3A : memref<!tpu.dma_semaphore, #tpu.memory_space<semaphore_mem>>) src(%dma_wait3A_583 : memref<45x112xi32, #tpu.memory_space<hbm>>) dst(%arg8 : memref<45x112xi32, #tpu.memory_space<vmem>>)
      tpu.yield
    }) : () -> ()
    %dma_start3A_484 = arith.constant 0 : i32
    %dma_start3A_485 = arith.constant 0 : i32
    %dma_start3A_486 = arith.constant 0 : i32
    %dma_start3A_487 = arith.constant 0 : i32
    %dma_start3A_488 = tpu.memref_slice %arg9[%dma_start3A_485, %dma_start3A_486, %dma_start3A_487] : memref<5x112x64xf32, #tpu.memory_space<vmem>> -> memref<1x112x64xf32, #tpu.memory_space<vmem>>
    %dma_start3A_489 = tpu.memref_squeeze %dma_start3A_488 : memref<1x112x64xf32, #tpu.memory_space<vmem>> -> memref<112x64xf32, #tpu.memory_space<vmem>>
    %dma_start3A_490 = arith.constant 0 : i32
    %dma_start3A_491 = tpu.memref_slice %arg7[%dma_start3A_484, %dma_start3A_490] : memref<45x112xi32, #tpu.memory_space<vmem>> -> memref<1x112xi32, #tpu.memory_space<vmem>>
    %dma_start3A_492 = tpu.memref_squeeze %dma_start3A_491 : memref<1x112xi32, #tpu.memory_space<vmem>> -> memref<112xi32, #tpu.memory_space<vmem>>
    %dma_start3A_493 = arith.constant 0 : i32
    %dma_start3A_494 = arith.constant 0 : i32
    %dma_start3A_495 = tpu.memref_slice %arg10[%dma_start3A_493, %dma_start3A_494] : memref<10240x64xf32, #tpu.memory_space<vmem_shared>> -> memref<10240x64xf32, #tpu.memory_space<vmem_shared>>
    tpu.enqueue_indirect_dma source(%dma_start3A_495 : memref<10240x64xf32, #tpu.memory_space<vmem_shared>>) target(%dma_start3A_489 : memref<112x64xf32, #tpu.memory_space<vmem>>) offsets(%dma_start3A_492 : memref<112xi32, #tpu.memory_space<vmem>>) semaphore(%arg12 : memref<!tpu.dma_semaphore, #tpu.memory_space<semaphore_mem>>)
    %dma_start3A_496 = arith.constant 1 : i32
    %dma_start3A_497 = arith.constant 1 : i32
    %dma_start3A_498 = arith.constant 0 : i32
    %dma_start3A_499 = arith.constant 0 : i32
    %dma_start3A_500 = tpu.memref_slice %arg9[%dma_start3A_497, %dma_start3A_498, %dma_start3A_499] : memref<5x112x64xf32, #tpu.memory_space<vmem>> -> memref<1x112x64xf32, #tpu.memory_space<vmem>>
    %dma_start3A_501 = tpu.memref_squeeze %dma_start3A_500 : memref<1x112x64xf32, #tpu.memory_space<vmem>> -> memref<112x64xf32, #tpu.memory_space<vmem>>
    %dma_start3A_502 = arith.constant 0 : i32
    %dma_start3A_503 = tpu.memref_slice %arg7[%dma_start3A_496, %dma_start3A_502] : memref<45x112xi32, #tpu.memory_space<vmem>> -> memref<1x112xi32, #tpu.memory_space<vmem>>
    %dma_start3A_504 = tpu.memref_squeeze %dma_start3A_503 : memref<1x112xi32, #tpu.memory_space<vmem>> -> memref<112xi32, #tpu.memory_space<vmem>>
    %dma_start3A_505 = arith.constant 0 : i32
    %dma_start3A_506 = arith.constant 0 : i32
    %dma_start3A_507 = tpu.memref_slice %arg10[%dma_start3A_505, %dma_start3A_506] : memref<10240x64xf32, #tpu.memory_space<vmem_shared>> -> memref<10240x64xf32, #tpu.memory_space<vmem_shared>>
    tpu.enqueue_indirect_dma source(%dma_start3A_507 : memref<10240x64xf32, #tpu.memory_space<vmem_shared>>) target(%dma_start3A_501 : memref<112x64xf32, #tpu.memory_space<vmem>>) offsets(%dma_start3A_504 : memref<112xi32, #tpu.memory_space<vmem>>) semaphore(%arg13 : memref<!tpu.dma_semaphore, #tpu.memory_space<semaphore_mem>>)
    %dma_start3A_508 = arith.constant 2 : i32
    %dma_start3A_509 = arith.constant 2 : i32
    %dma_start3A_510 = arith.constant 0 : i32
    %dma_start3A_511 = arith.constant 0 : i32
    %dma_start3A_512 = tpu.memref_slice %arg9[%dma_start3A_509, %dma_start3A_510, %dma_start3A_511] : memref<5x112x64xf32, #tpu.memory_space<vmem>> -> memref<1x112x64xf32, #tpu.memory_space<vmem>>
    %dma_start3A_513 = tpu.memref_squeeze %dma_start3A_512 : memref<1x112x64xf32, #tpu.memory_space<vmem>> -> memref<112x64xf32, #tpu.memory_space<vmem>>
    %dma_start3A_514 = arith.constant 0 : i32
    %dma_start3A_515 = tpu.memref_slice %arg7[%dma_start3A_508, %dma_start3A_514] : memref<45x112xi32, #tpu.memory_space<vmem>> -> memref<1x112xi32, #tpu.memory_space<vmem>>
    %dma_start3A_516 = tpu.memref_squeeze %dma_start3A_515 : memref<1x112xi32, #tpu.memory_space<vmem>> -> memref<112xi32, #tpu.memory_space<vmem>>
    %dma_start3A_517 = arith.constant 0 : i32
    %dma_start3A_518 = arith.constant 0 : i32
    %dma_start3A_519 = tpu.memref_slice %arg10[%dma_start3A_517, %dma_start3A_518] : memref<10240x64xf32, #tpu.memory_space<vmem_shared>> -> memref<10240x64xf32, #tpu.memory_space<vmem_shared>>
    tpu.enqueue_indirect_dma source(%dma_start3A_519 : memref<10240x64xf32, #tpu.memory_space<vmem_shared>>) target(%dma_start3A_513 : memref<112x64xf32, #tpu.memory_space<vmem>>) offsets(%dma_start3A_516 : memref<112xi32, #tpu.memory_space<vmem>>) semaphore(%arg14 : memref<!tpu.dma_semaphore, #tpu.memory_space<semaphore_mem>>)
    %dma_start3A_520 = arith.constant 3 : i32
    %dma_start3A_521 = arith.constant 3 : i32
    %dma_start3A_522 = arith.constant 0 : i32
    %dma_start3A_523 = arith.constant 0 : i32
    %dma_start3A_524 = tpu.memref_slice %arg9[%dma_start3A_521, %dma_start3A_522, %dma_start3A_523] : memref<5x112x64xf32, #tpu.memory_space<vmem>> -> memref<1x112x64xf32, #tpu.memory_space<vmem>>
    %dma_start3A_525 = tpu.memref_squeeze %dma_start3A_524 : memref<1x112x64xf32, #tpu.memory_space<vmem>> -> memref<112x64xf32, #tpu.memory_space<vmem>>
    %dma_start3A_526 = arith.constant 0 : i32
    %dma_start3A_527 = tpu.memref_slice %arg7[%dma_start3A_520, %dma_start3A_526] : memref<45x112xi32, #tpu.memory_space<vmem>> -> memref<1x112xi32, #tpu.memory_space<vmem>>
    %dma_start3A_528 = tpu.memref_squeeze %dma_start3A_527 : memref<1x112xi32, #tpu.memory_space<vmem>> -> memref<112xi32, #tpu.memory_space<vmem>>
    %dma_start3A_529 = arith.constant 0 : i32
    %dma_start3A_530 = arith.constant 0 : i32
    %dma_start3A_531 = tpu.memref_slice %arg10[%dma_start3A_529, %dma_start3A_530] : memref<10240x64xf32, #tpu.memory_space<vmem_shared>> -> memref<10240x64xf32, #tpu.memory_space<vmem_shared>>
    tpu.enqueue_indirect_dma source(%dma_start3A_531 : memref<10240x64xf32, #tpu.memory_space<vmem_shared>>) target(%dma_start3A_525 : memref<112x64xf32, #tpu.memory_space<vmem>>) offsets(%dma_start3A_528 : memref<112xi32, #tpu.memory_space<vmem>>) semaphore(%arg15 : memref<!tpu.dma_semaphore, #tpu.memory_space<semaphore_mem>>)
    %scan3A_532 = arith.constant 0 : i32
    %scan3A_533 = arith.constant 0 : i32
    %scan3A_534 = arith.constant 9 : i32
    %scan3A_535 = arith.addi %scan3A_533, %scan3A_534 : i32
    %scan3A_536 = arith.constant 1 : i32
    scf.for %scan3A_556 = %scan3A_533 to %scan3A_535 step %scan3A_536  : i32 {
      %mul3A_557 = arith.constant 5 : i32
      %mul3A_558 = arith.muli %mul3A_557, %scan3A_556 : i32
      %add3A_559 = arith.constant 0 : i32
      %add3A_560 = arith.addi %mul3A_558, %add3A_559 : i32
      %dma_wait3A_561 = arith.constant 0 : i32
      %dma_wait3A_562 = arith.constant 0 : i32
      %dma_wait3A_563 = arith.constant 0 : i32
      %dma_wait3A_564 = tpu.memref_slice %arg9[%dma_wait3A_561, %dma_wait3A_562, %dma_wait3A_563] : memref<5x112x64xf32, #tpu.memory_space<vmem>> -> memref<1x112x64xf32, #tpu.memory_space<vmem>>
      %dma_wait3A_565 = tpu.memref_squeeze %dma_wait3A_564 : memref<1x112x64xf32, #tpu.memory_space<vmem>> -> memref<112x64xf32, #tpu.memory_space<vmem>>
      %dma_wait3A_566 = arith.constant 0 : i32
      %dma_wait3A_567 = tpu.memref_slice %arg7[%add3A_560, %dma_wait3A_566] : memref<45x112xi32, #tpu.memory_space<vmem>> -> memref<1x112xi32, #tpu.memory_space<vmem>>
      %dma_wait3A_568 = tpu.memref_squeeze %dma_wait3A_567 : memref<1x112xi32, #tpu.memory_space<vmem>> -> memref<112xi32, #tpu.memory_space<vmem>>
      %dma_wait3A_569 = arith.constant 0 : i32
      %dma_wait3A_570 = arith.constant 0 : i32
      %dma_wait3A_571 = tpu.memref_slice %arg10[%dma_wait3A_569, %dma_wait3A_570] : memref<10240x64xf32, #tpu.memory_space<vmem_shared>> -> memref<10240x64xf32, #tpu.memory_space<vmem_shared>>
      tpu.wait_indirect_dma semaphore(%arg12 : memref<!tpu.dma_semaphore, #tpu.memory_space<semaphore_mem>>) src(%dma_wait3A_571 : memref<10240x64xf32, #tpu.memory_space<vmem_shared>>) dst(%dma_wait3A_565 : memref<112x64xf32, #tpu.memory_space<vmem>>)
      %dma_start3A_572 = arith.constant 0 : i32
      %dma_start3A_573 = arith.constant 0 : i32
      %dma_start3A_574 = arith.constant 0 : i32
      %dma_start3A_575 = tpu.memref_slice %arg9[%dma_start3A_572, %dma_start3A_573, %dma_start3A_574] : memref<5x112x64xf32, #tpu.memory_space<vmem>> -> memref<1x112x64xf32, #tpu.memory_space<vmem>>
      %dma_start3A_576 = tpu.memref_squeeze %dma_start3A_575 : memref<1x112x64xf32, #tpu.memory_space<vmem>> -> memref<112x64xf32, #tpu.memory_space<vmem>>
      %dma_start3A_577 = arith.constant 0 : i32
      %dma_start3A_578 = tpu.memref_slice %arg8[%add3A_560, %dma_start3A_577] : memref<45x112xi32, #tpu.memory_space<vmem>> -> memref<1x112xi32, #tpu.memory_space<vmem>>
      %dma_start3A_579 = tpu.memref_squeeze %dma_start3A_578 : memref<1x112xi32, #tpu.memory_space<vmem>> -> memref<112xi32, #tpu.memory_space<vmem>>
      %dma_start3A_580 = arith.constant 0 : i32
      %dma_start3A_581 = arith.constant 0 : i32
      %dma_start3A_582 = tpu.memref_slice %arg11[%dma_start3A_580, %dma_start3A_581] : memref<10240x64xf32, #tpu.memory_space<vmem_shared>> -> memref<10240x64xf32, #tpu.memory_space<vmem_shared>>
      tpu.enqueue_indirect_dma source(%dma_start3A_576 : memref<112x64xf32, #tpu.memory_space<vmem>>) target(%dma_start3A_582 : memref<10240x64xf32, #tpu.memory_space<vmem_shared>>) offsets(%dma_start3A_579 : memref<112xi32, #tpu.memory_space<vmem>>) semaphore(%arg17 : memref<!tpu.dma_semaphore, #tpu.memory_space<semaphore_mem>>) {add = true}
      %ge3A = arith.constant 1 : i32
      %ge3A_583 = arith.cmpi sge, %add3A_560, %ge3A : i32
      %convert_element_type3A = arith.extui %ge3A_583 : i1 to i32
      %cond3A = arith.constant 0 : i32
      %cond3A_584 = arith.cmpi ne, %convert_element_type3A, %cond3A : i32
      scf.if %cond3A_584 {
        %sub3A_752 = arith.constant 1 : i32
        %sub3A_753 = arith.subi %add3A_560, %sub3A_752 : i32
        %dma_wait3A_754 = arith.constant 4 : i32
        %dma_wait3A_755 = arith.constant 0 : i32
        %dma_wait3A_756 = arith.constant 0 : i32
        %dma_wait3A_757 = tpu.memref_slice %arg9[%dma_wait3A_754, %dma_wait3A_755, %dma_wait3A_756] : memref<5x112x64xf32, #tpu.memory_space<vmem>> -> memref<1x112x64xf32, #tpu.memory_space<vmem>>
        %dma_wait3A_758 = tpu.memref_squeeze %dma_wait3A_757 : memref<1x112x64xf32, #tpu.memory_space<vmem>> -> memref<112x64xf32, #tpu.memory_space<vmem>>
        %dma_wait3A_759 = arith.constant 0 : i32
        %dma_wait3A_760 = tpu.memref_slice %arg8[%sub3A_753, %dma_wait3A_759] : memref<45x112xi32, #tpu.memory_space<vmem>> -> memref<1x112xi32, #tpu.memory_space<vmem>>
        %dma_wait3A_761 = tpu.memref_squeeze %dma_wait3A_760 : memref<1x112xi32, #tpu.memory_space<vmem>> -> memref<112xi32, #tpu.memory_space<vmem>>
        %dma_wait3A_762 = arith.constant 0 : i32
        %dma_wait3A_763 = arith.constant 0 : i32
        %dma_wait3A_764 = tpu.memref_slice %arg11[%dma_wait3A_762, %dma_wait3A_763] : memref<10240x64xf32, #tpu.memory_space<vmem_shared>> -> memref<10240x64xf32, #tpu.memory_space<vmem_shared>>
        tpu.wait_indirect_dma semaphore(%arg21 : memref<!tpu.dma_semaphore, #tpu.memory_space<semaphore_mem>>) src(%dma_wait3A_758 : memref<112x64xf32, #tpu.memory_space<vmem>>) dst(%dma_wait3A_764 : memref<10240x64xf32, #tpu.memory_space<vmem_shared>>)
      } else {
      }
      %add3A_585 = arith.constant 5 : i32
      %add3A_586 = arith.addi %add3A_560, %add3A_585 : i32
      %sub3A = arith.constant 1 : i32
      %sub3A_587 = arith.subi %add3A_586, %sub3A : i32
      %le3A = arith.constant 44 : i32
      %le3A_588 = arith.cmpi sle, %sub3A_587, %le3A : i32
      %convert_element_type3A_589 = arith.extui %le3A_588 : i1 to i32
      %cond3A_590 = arith.constant 0 : i32
      %cond3A_591 = arith.cmpi ne, %convert_element_type3A_589, %cond3A_590 : i32
      scf.if %cond3A_591 {
        %add3A_752 = arith.constant 5 : i32
        %add3A_753 = arith.addi %add3A_560, %add3A_752 : i32
        %sub3A_754 = arith.constant 1 : i32
        %sub3A_755 = arith.subi %add3A_753, %sub3A_754 : i32
        %dma_start3A_756 = arith.constant 4 : i32
        %dma_start3A_757 = arith.constant 0 : i32
        %dma_start3A_758 = arith.constant 0 : i32
        %dma_start3A_759 = tpu.memref_slice %arg9[%dma_start3A_756, %dma_start3A_757, %dma_start3A_758] : memref<5x112x64xf32, #tpu.memory_space<vmem>> -> memref<1x112x64xf32, #tpu.memory_space<vmem>>
        %dma_start3A_760 = tpu.memref_squeeze %dma_start3A_759 : memref<1x112x64xf32, #tpu.memory_space<vmem>> -> memref<112x64xf32, #tpu.memory_space<vmem>>
        %dma_start3A_761 = arith.constant 0 : i32
        %dma_start3A_762 = tpu.memref_slice %arg7[%sub3A_755, %dma_start3A_761] : memref<45x112xi32, #tpu.memory_space<vmem>> -> memref<1x112xi32, #tpu.memory_space<vmem>>
        %dma_start3A_763 = tpu.memref_squeeze %dma_start3A_762 : memref<1x112xi32, #tpu.memory_space<vmem>> -> memref<112xi32, #tpu.memory_space<vmem>>
        %dma_start3A_764 = arith.constant 0 : i32
        %dma_start3A_765 = arith.constant 0 : i32
        %dma_start3A_766 = tpu.memref_slice %arg10[%dma_start3A_764, %dma_start3A_765] : memref<10240x64xf32, #tpu.memory_space<vmem_shared>> -> memref<10240x64xf32, #tpu.memory_space<vmem_shared>>
        tpu.enqueue_indirect_dma source(%dma_start3A_766 : memref<10240x64xf32, #tpu.memory_space<vmem_shared>>) target(%dma_start3A_760 : memref<112x64xf32, #tpu.memory_space<vmem>>) offsets(%dma_start3A_763 : memref<112xi32, #tpu.memory_space<vmem>>) semaphore(%arg16 : memref<!tpu.dma_semaphore, #tpu.memory_space<semaphore_mem>>)
      } else {
      }
      %mul3A_592 = arith.constant 5 : i32
      %mul3A_593 = arith.muli %mul3A_592, %scan3A_556 : i32
      %add3A_594 = arith.constant 1 : i32
      %add3A_595 = arith.addi %mul3A_593, %add3A_594 : i32
      %dma_wait3A_596 = arith.constant 1 : i32
      %dma_wait3A_597 = arith.constant 0 : i32
      %dma_wait3A_598 = arith.constant 0 : i32
      %dma_wait3A_599 = tpu.memref_slice %arg9[%dma_wait3A_596, %dma_wait3A_597, %dma_wait3A_598] : memref<5x112x64xf32, #tpu.memory_space<vmem>> -> memref<1x112x64xf32, #tpu.memory_space<vmem>>
      %dma_wait3A_600 = tpu.memref_squeeze %dma_wait3A_599 : memref<1x112x64xf32, #tpu.memory_space<vmem>> -> memref<112x64xf32, #tpu.memory_space<vmem>>
      %dma_wait3A_601 = arith.constant 0 : i32
      %dma_wait3A_602 = tpu.memref_slice %arg7[%add3A_595, %dma_wait3A_601] : memref<45x112xi32, #tpu.memory_space<vmem>> -> memref<1x112xi32, #tpu.memory_space<vmem>>
      %dma_wait3A_603 = tpu.memref_squeeze %dma_wait3A_602 : memref<1x112xi32, #tpu.memory_space<vmem>> -> memref<112xi32, #tpu.memory_space<vmem>>
      %dma_wait3A_604 = arith.constant 0 : i32
      %dma_wait3A_605 = arith.constant 0 : i32
      %dma_wait3A_606 = tpu.memref_slice %arg10[%dma_wait3A_604, %dma_wait3A_605] : memref<10240x64xf32, #tpu.memory_space<vmem_shared>> -> memref<10240x64xf32, #tpu.memory_space<vmem_shared>>
      tpu.wait_indirect_dma semaphore(%arg13 : memref<!tpu.dma_semaphore, #tpu.memory_space<semaphore_mem>>) src(%dma_wait3A_606 : memref<10240x64xf32, #tpu.memory_space<vmem_shared>>) dst(%dma_wait3A_600 : memref<112x64xf32, #tpu.memory_space<vmem>>)
      %dma_start3A_607 = arith.constant 1 : i32
      %dma_start3A_608 = arith.constant 0 : i32
      %dma_start3A_609 = arith.constant 0 : i32
      %dma_start3A_610 = tpu.memref_slice %arg9[%dma_start3A_607, %dma_start3A_608, %dma_start3A_609] : memref<5x112x64xf32, #tpu.memory_space<vmem>> -> memref<1x112x64xf32, #tpu.memory_space<vmem>>
      %dma_start3A_611 = tpu.memref_squeeze %dma_start3A_610 : memref<1x112x64xf32, #tpu.memory_space<vmem>> -> memref<112x64xf32, #tpu.memory_space<vmem>>
      %dma_start3A_612 = arith.constant 0 : i32
      %dma_start3A_613 = tpu.memref_slice %arg8[%add3A_595, %dma_start3A_612] : memref<45x112xi32, #tpu.memory_space<vmem>> -> memref<1x112xi32, #tpu.memory_space<vmem>>
      %dma_start3A_614 = tpu.memref_squeeze %dma_start3A_613 : memref<1x112xi32, #tpu.memory_space<vmem>> -> memref<112xi32, #tpu.memory_space<vmem>>
      %dma_start3A_615 = arith.constant 0 : i32
      %dma_start3A_616 = arith.constant 0 : i32
      %dma_start3A_617 = tpu.memref_slice %arg11[%dma_start3A_615, %dma_start3A_616] : memref<10240x64xf32, #tpu.memory_space<vmem_shared>> -> memref<10240x64xf32, #tpu.memory_space<vmem_shared>>
      tpu.enqueue_indirect_dma source(%dma_start3A_611 : memref<112x64xf32, #tpu.memory_space<vmem>>) target(%dma_start3A_617 : memref<10240x64xf32, #tpu.memory_space<vmem_shared>>) offsets(%dma_start3A_614 : memref<112xi32, #tpu.memory_space<vmem>>) semaphore(%arg18 : memref<!tpu.dma_semaphore, #tpu.memory_space<semaphore_mem>>) {add = true}
      %ge3A_618 = arith.constant 1 : i32
      %ge3A_619 = arith.cmpi sge, %add3A_595, %ge3A_618 : i32
      %convert_element_type3A_620 = arith.extui %ge3A_619 : i1 to i32
      %cond3A_621 = arith.constant 0 : i32
      %cond3A_622 = arith.cmpi ne, %convert_element_type3A_620, %cond3A_621 : i32
      scf.if %cond3A_622 {
        %sub3A_752 = arith.constant 1 : i32
        %sub3A_753 = arith.subi %add3A_595, %sub3A_752 : i32
        %dma_wait3A_754 = arith.constant 0 : i32
        %dma_wait3A_755 = arith.constant 0 : i32
        %dma_wait3A_756 = arith.constant 0 : i32
        %dma_wait3A_757 = tpu.memref_slice %arg9[%dma_wait3A_754, %dma_wait3A_755, %dma_wait3A_756] : memref<5x112x64xf32, #tpu.memory_space<vmem>> -> memref<1x112x64xf32, #tpu.memory_space<vmem>>
        %dma_wait3A_758 = tpu.memref_squeeze %dma_wait3A_757 : memref<1x112x64xf32, #tpu.memory_space<vmem>> -> memref<112x64xf32, #tpu.memory_space<vmem>>
        %dma_wait3A_759 = arith.constant 0 : i32
        %dma_wait3A_760 = tpu.memref_slice %arg8[%sub3A_753, %dma_wait3A_759] : memref<45x112xi32, #tpu.memory_space<vmem>> -> memref<1x112xi32, #tpu.memory_space<vmem>>
        %dma_wait3A_761 = tpu.memref_squeeze %dma_wait3A_760 : memref<1x112xi32, #tpu.memory_space<vmem>> -> memref<112xi32, #tpu.memory_space<vmem>>
        %dma_wait3A_762 = arith.constant 0 : i32
        %dma_wait3A_763 = arith.constant 0 : i32
        %dma_wait3A_764 = tpu.memref_slice %arg11[%dma_wait3A_762, %dma_wait3A_763] : memref<10240x64xf32, #tpu.memory_space<vmem_shared>> -> memref<10240x64xf32, #tpu.memory_space<vmem_shared>>
        tpu.wait_indirect_dma semaphore(%arg17 : memref<!tpu.dma_semaphore, #tpu.memory_space<semaphore_mem>>) src(%dma_wait3A_758 : memref<112x64xf32, #tpu.memory_space<vmem>>) dst(%dma_wait3A_764 : memref<10240x64xf32, #tpu.memory_space<vmem_shared>>)
      } else {
      }
      %add3A_623 = arith.constant 5 : i32
      %add3A_624 = arith.addi %add3A_595, %add3A_623 : i32
      %sub3A_625 = arith.constant 1 : i32
      %sub3A_626 = arith.subi %add3A_624, %sub3A_625 : i32
      %le3A_627 = arith.constant 44 : i32
      %le3A_628 = arith.cmpi sle, %sub3A_626, %le3A_627 : i32
      %convert_element_type3A_629 = arith.extui %le3A_628 : i1 to i32
      %cond3A_630 = arith.constant 0 : i32
      %cond3A_631 = arith.cmpi ne, %convert_element_type3A_629, %cond3A_630 : i32
      scf.if %cond3A_631 {
        %add3A_752 = arith.constant 5 : i32
        %add3A_753 = arith.addi %add3A_595, %add3A_752 : i32
        %sub3A_754 = arith.constant 1 : i32
        %sub3A_755 = arith.subi %add3A_753, %sub3A_754 : i32
        %dma_start3A_756 = arith.constant 0 : i32
        %dma_start3A_757 = arith.constant 0 : i32
        %dma_start3A_758 = arith.constant 0 : i32
        %dma_start3A_759 = tpu.memref_slice %arg9[%dma_start3A_756, %dma_start3A_757, %dma_start3A_758] : memref<5x112x64xf32, #tpu.memory_space<vmem>> -> memref<1x112x64xf32, #tpu.memory_space<vmem>>
        %dma_start3A_760 = tpu.memref_squeeze %dma_start3A_759 : memref<1x112x64xf32, #tpu.memory_space<vmem>> -> memref<112x64xf32, #tpu.memory_space<vmem>>
        %dma_start3A_761 = arith.constant 0 : i32
        %dma_start3A_762 = tpu.memref_slice %arg7[%sub3A_755, %dma_start3A_761] : memref<45x112xi32, #tpu.memory_space<vmem>> -> memref<1x112xi32, #tpu.memory_space<vmem>>
        %dma_start3A_763 = tpu.memref_squeeze %dma_start3A_762 : memref<1x112xi32, #tpu.memory_space<vmem>> -> memref<112xi32, #tpu.memory_space<vmem>>
        %dma_start3A_764 = arith.constant 0 : i32
        %dma_start3A_765 = arith.constant 0 : i32
        %dma_start3A_766 = tpu.memref_slice %arg10[%dma_start3A_764, %dma_start3A_765] : memref<10240x64xf32, #tpu.memory_space<vmem_shared>> -> memref<10240x64xf32, #tpu.memory_space<vmem_shared>>
        tpu.enqueue_indirect_dma source(%dma_start3A_766 : memref<10240x64xf32, #tpu.memory_space<vmem_shared>>) target(%dma_start3A_760 : memref<112x64xf32, #tpu.memory_space<vmem>>) offsets(%dma_start3A_763 : memref<112xi32, #tpu.memory_space<vmem>>) semaphore(%arg12 : memref<!tpu.dma_semaphore, #tpu.memory_space<semaphore_mem>>)
      } else {
      }
      %mul3A_632 = arith.constant 5 : i32
      %mul3A_633 = arith.muli %mul3A_632, %scan3A_556 : i32
      %add3A_634 = arith.constant 2 : i32
      %add3A_635 = arith.addi %mul3A_633, %add3A_634 : i32
      %dma_wait3A_636 = arith.constant 2 : i32
      %dma_wait3A_637 = arith.constant 0 : i32
      %dma_wait3A_638 = arith.constant 0 : i32
      %dma_wait3A_639 = tpu.memref_slice %arg9[%dma_wait3A_636, %dma_wait3A_637, %dma_wait3A_638] : memref<5x112x64xf32, #tpu.memory_space<vmem>> -> memref<1x112x64xf32, #tpu.memory_space<vmem>>
      %dma_wait3A_640 = tpu.memref_squeeze %dma_wait3A_639 : memref<1x112x64xf32, #tpu.memory_space<vmem>> -> memref<112x64xf32, #tpu.memory_space<vmem>>
      %dma_wait3A_641 = arith.constant 0 : i32
      %dma_wait3A_642 = tpu.memref_slice %arg7[%add3A_635, %dma_wait3A_641] : memref<45x112xi32, #tpu.memory_space<vmem>> -> memref<1x112xi32, #tpu.memory_space<vmem>>
      %dma_wait3A_643 = tpu.memref_squeeze %dma_wait3A_642 : memref<1x112xi32, #tpu.memory_space<vmem>> -> memref<112xi32, #tpu.memory_space<vmem>>
      %dma_wait3A_644 = arith.constant 0 : i32
      %dma_wait3A_645 = arith.constant 0 : i32
      %dma_wait3A_646 = tpu.memref_slice %arg10[%dma_wait3A_644, %dma_wait3A_645] : memref<10240x64xf32, #tpu.memory_space<vmem_shared>> -> memref<10240x64xf32, #tpu.memory_space<vmem_shared>>
      tpu.wait_indirect_dma semaphore(%arg14 : memref<!tpu.dma_semaphore, #tpu.memory_space<semaphore_mem>>) src(%dma_wait3A_646 : memref<10240x64xf32, #tpu.memory_space<vmem_shared>>) dst(%dma_wait3A_640 : memref<112x64xf32, #tpu.memory_space<vmem>>)
      %dma_start3A_647 = arith.constant 2 : i32
      %dma_start3A_648 = arith.constant 0 : i32
      %dma_start3A_649 = arith.constant 0 : i32
      %dma_start3A_650 = tpu.memref_slice %arg9[%dma_start3A_647, %dma_start3A_648, %dma_start3A_649] : memref<5x112x64xf32, #tpu.memory_space<vmem>> -> memref<1x112x64xf32, #tpu.memory_space<vmem>>
      %dma_start3A_651 = tpu.memref_squeeze %dma_start3A_650 : memref<1x112x64xf32, #tpu.memory_space<vmem>> -> memref<112x64xf32, #tpu.memory_space<vmem>>
      %dma_start3A_652 = arith.constant 0 : i32
      %dma_start3A_653 = tpu.memref_slice %arg8[%add3A_635, %dma_start3A_652] : memref<45x112xi32, #tpu.memory_space<vmem>> -> memref<1x112xi32, #tpu.memory_space<vmem>>
      %dma_start3A_654 = tpu.memref_squeeze %dma_start3A_653 : memref<1x112xi32, #tpu.memory_space<vmem>> -> memref<112xi32, #tpu.memory_space<vmem>>
      %dma_start3A_655 = arith.constant 0 : i32
      %dma_start3A_656 = arith.constant 0 : i32
      %dma_start3A_657 = tpu.memref_slice %arg11[%dma_start3A_655, %dma_start3A_656] : memref<10240x64xf32, #tpu.memory_space<vmem_shared>> -> memref<10240x64xf32, #tpu.memory_space<vmem_shared>>
      tpu.enqueue_indirect_dma source(%dma_start3A_651 : memref<112x64xf32, #tpu.memory_space<vmem>>) target(%dma_start3A_657 : memref<10240x64xf32, #tpu.memory_space<vmem_shared>>) offsets(%dma_start3A_654 : memref<112xi32, #tpu.memory_space<vmem>>) semaphore(%arg19 : memref<!tpu.dma_semaphore, #tpu.memory_space<semaphore_mem>>) {add = true}
      %ge3A_658 = arith.constant 1 : i32
      %ge3A_659 = arith.cmpi sge, %add3A_635, %ge3A_658 : i32
      %convert_element_type3A_660 = arith.extui %ge3A_659 : i1 to i32
      %cond3A_661 = arith.constant 0 : i32
      %cond3A_662 = arith.cmpi ne, %convert_element_type3A_660, %cond3A_661 : i32
      scf.if %cond3A_662 {
        %sub3A_752 = arith.constant 1 : i32
        %sub3A_753 = arith.subi %add3A_635, %sub3A_752 : i32
        %dma_wait3A_754 = arith.constant 1 : i32
        %dma_wait3A_755 = arith.constant 0 : i32
        %dma_wait3A_756 = arith.constant 0 : i32
        %dma_wait3A_757 = tpu.memref_slice %arg9[%dma_wait3A_754, %dma_wait3A_755, %dma_wait3A_756] : memref<5x112x64xf32, #tpu.memory_space<vmem>> -> memref<1x112x64xf32, #tpu.memory_space<vmem>>
        %dma_wait3A_758 = tpu.memref_squeeze %dma_wait3A_757 : memref<1x112x64xf32, #tpu.memory_space<vmem>> -> memref<112x64xf32, #tpu.memory_space<vmem>>
        %dma_wait3A_759 = arith.constant 0 : i32
        %dma_wait3A_760 = tpu.memref_slice %arg8[%sub3A_753, %dma_wait3A_759] : memref<45x112xi32, #tpu.memory_space<vmem>> -> memref<1x112xi32, #tpu.memory_space<vmem>>
        %dma_wait3A_761 = tpu.memref_squeeze %dma_wait3A_760 : memref<1x112xi32, #tpu.memory_space<vmem>> -> memref<112xi32, #tpu.memory_space<vmem>>
        %dma_wait3A_762 = arith.constant 0 : i32
        %dma_wait3A_763 = arith.constant 0 : i32
        %dma_wait3A_764 = tpu.memref_slice %arg11[%dma_wait3A_762, %dma_wait3A_763] : memref<10240x64xf32, #tpu.memory_space<vmem_shared>> -> memref<10240x64xf32, #tpu.memory_space<vmem_shared>>
        tpu.wait_indirect_dma semaphore(%arg18 : memref<!tpu.dma_semaphore, #tpu.memory_space<semaphore_mem>>) src(%dma_wait3A_758 : memref<112x64xf32, #tpu.memory_space<vmem>>) dst(%dma_wait3A_764 : memref<10240x64xf32, #tpu.memory_space<vmem_shared>>)
      } else {
      }
      %add3A_663 = arith.constant 5 : i32
      %add3A_664 = arith.addi %add3A_635, %add3A_663 : i32
      %sub3A_665 = arith.constant 1 : i32
      %sub3A_666 = arith.subi %add3A_664, %sub3A_665 : i32
      %le3A_667 = arith.constant 44 : i32
      %le3A_668 = arith.cmpi sle, %sub3A_666, %le3A_667 : i32
      %convert_element_type3A_669 = arith.extui %le3A_668 : i1 to i32
      %cond3A_670 = arith.constant 0 : i32
      %cond3A_671 = arith.cmpi ne, %convert_element_type3A_669, %cond3A_670 : i32
      scf.if %cond3A_671 {
        %add3A_752 = arith.constant 5 : i32
        %add3A_753 = arith.addi %add3A_635, %add3A_752 : i32
        %sub3A_754 = arith.constant 1 : i32
        %sub3A_755 = arith.subi %add3A_753, %sub3A_754 : i32
        %dma_start3A_756 = arith.constant 1 : i32
        %dma_start3A_757 = arith.constant 0 : i32
        %dma_start3A_758 = arith.constant 0 : i32
        %dma_start3A_759 = tpu.memref_slice %arg9[%dma_start3A_756, %dma_start3A_757, %dma_start3A_758] : memref<5x112x64xf32, #tpu.memory_space<vmem>> -> memref<1x112x64xf32, #tpu.memory_space<vmem>>
        %dma_start3A_760 = tpu.memref_squeeze %dma_start3A_759 : memref<1x112x64xf32, #tpu.memory_space<vmem>> -> memref<112x64xf32, #tpu.memory_space<vmem>>
        %dma_start3A_761 = arith.constant 0 : i32
        %dma_start3A_762 = tpu.memref_slice %arg7[%sub3A_755, %dma_start3A_761] : memref<45x112xi32, #tpu.memory_space<vmem>> -> memref<1x112xi32, #tpu.memory_space<vmem>>
        %dma_start3A_763 = tpu.memref_squeeze %dma_start3A_762 : memref<1x112xi32, #tpu.memory_space<vmem>> -> memref<112xi32, #tpu.memory_space<vmem>>
        %dma_start3A_764 = arith.constant 0 : i32
        %dma_start3A_765 = arith.constant 0 : i32
        %dma_start3A_766 = tpu.memref_slice %arg10[%dma_start3A_764, %dma_start3A_765] : memref<10240x64xf32, #tpu.memory_space<vmem_shared>> -> memref<10240x64xf32, #tpu.memory_space<vmem_shared>>
        tpu.enqueue_indirect_dma source(%dma_start3A_766 : memref<10240x64xf32, #tpu.memory_space<vmem_shared>>) target(%dma_start3A_760 : memref<112x64xf32, #tpu.memory_space<vmem>>) offsets(%dma_start3A_763 : memref<112xi32, #tpu.memory_space<vmem>>) semaphore(%arg13 : memref<!tpu.dma_semaphore, #tpu.memory_space<semaphore_mem>>)
      } else {
      }
      %mul3A_672 = arith.constant 5 : i32
      %mul3A_673 = arith.muli %mul3A_672, %scan3A_556 : i32
      %add3A_674 = arith.constant 3 : i32
      %add3A_675 = arith.addi %mul3A_673, %add3A_674 : i32
      %dma_wait3A_676 = arith.constant 3 : i32
      %dma_wait3A_677 = arith.constant 0 : i32
      %dma_wait3A_678 = arith.constant 0 : i32
      %dma_wait3A_679 = tpu.memref_slice %arg9[%dma_wait3A_676, %dma_wait3A_677, %dma_wait3A_678] : memref<5x112x64xf32, #tpu.memory_space<vmem>> -> memref<1x112x64xf32, #tpu.memory_space<vmem>>
      %dma_wait3A_680 = tpu.memref_squeeze %dma_wait3A_679 : memref<1x112x64xf32, #tpu.memory_space<vmem>> -> memref<112x64xf32, #tpu.memory_space<vmem>>
      %dma_wait3A_681 = arith.constant 0 : i32
      %dma_wait3A_682 = tpu.memref_slice %arg7[%add3A_675, %dma_wait3A_681] : memref<45x112xi32, #tpu.memory_space<vmem>> -> memref<1x112xi32, #tpu.memory_space<vmem>>
      %dma_wait3A_683 = tpu.memref_squeeze %dma_wait3A_682 : memref<1x112xi32, #tpu.memory_space<vmem>> -> memref<112xi32, #tpu.memory_space<vmem>>
      %dma_wait3A_684 = arith.constant 0 : i32
      %dma_wait3A_685 = arith.constant 0 : i32
      %dma_wait3A_686 = tpu.memref_slice %arg10[%dma_wait3A_684, %dma_wait3A_685] : memref<10240x64xf32, #tpu.memory_space<vmem_shared>> -> memref<10240x64xf32, #tpu.memory_space<vmem_shared>>
      tpu.wait_indirect_dma semaphore(%arg15 : memref<!tpu.dma_semaphore, #tpu.memory_space<semaphore_mem>>) src(%dma_wait3A_686 : memref<10240x64xf32, #tpu.memory_space<vmem_shared>>) dst(%dma_wait3A_680 : memref<112x64xf32, #tpu.memory_space<vmem>>)
      %dma_start3A_687 = arith.constant 3 : i32
      %dma_start3A_688 = arith.constant 0 : i32
      %dma_start3A_689 = arith.constant 0 : i32
      %dma_start3A_690 = tpu.memref_slice %arg9[%dma_start3A_687, %dma_start3A_688, %dma_start3A_689] : memref<5x112x64xf32, #tpu.memory_space<vmem>> -> memref<1x112x64xf32, #tpu.memory_space<vmem>>
      %dma_start3A_691 = tpu.memref_squeeze %dma_start3A_690 : memref<1x112x64xf32, #tpu.memory_space<vmem>> -> memref<112x64xf32, #tpu.memory_space<vmem>>
      %dma_start3A_692 = arith.constant 0 : i32
      %dma_start3A_693 = tpu.memref_slice %arg8[%add3A_675, %dma_start3A_692] : memref<45x112xi32, #tpu.memory_space<vmem>> -> memref<1x112xi32, #tpu.memory_space<vmem>>
      %dma_start3A_694 = tpu.memref_squeeze %dma_start3A_693 : memref<1x112xi32, #tpu.memory_space<vmem>> -> memref<112xi32, #tpu.memory_space<vmem>>
      %dma_start3A_695 = arith.constant 0 : i32
      %dma_start3A_696 = arith.constant 0 : i32
      %dma_start3A_697 = tpu.memref_slice %arg11[%dma_start3A_695, %dma_start3A_696] : memref<10240x64xf32, #tpu.memory_space<vmem_shared>> -> memref<10240x64xf32, #tpu.memory_space<vmem_shared>>
      tpu.enqueue_indirect_dma source(%dma_start3A_691 : memref<112x64xf32, #tpu.memory_space<vmem>>) target(%dma_start3A_697 : memref<10240x64xf32, #tpu.memory_space<vmem_shared>>) offsets(%dma_start3A_694 : memref<112xi32, #tpu.memory_space<vmem>>) semaphore(%arg20 : memref<!tpu.dma_semaphore, #tpu.memory_space<semaphore_mem>>) {add = true}
      %ge3A_698 = arith.constant 1 : i32
      %ge3A_699 = arith.cmpi sge, %add3A_675, %ge3A_698 : i32
      %convert_element_type3A_700 = arith.extui %ge3A_699 : i1 to i32
      %cond3A_701 = arith.constant 0 : i32
      %cond3A_702 = arith.cmpi ne, %convert_element_type3A_700, %cond3A_701 : i32
      scf.if %cond3A_702 {
        %sub3A_752 = arith.constant 1 : i32
        %sub3A_753 = arith.subi %add3A_675, %sub3A_752 : i32
        %dma_wait3A_754 = arith.constant 2 : i32
        %dma_wait3A_755 = arith.constant 0 : i32
        %dma_wait3A_756 = arith.constant 0 : i32
        %dma_wait3A_757 = tpu.memref_slice %arg9[%dma_wait3A_754, %dma_wait3A_755, %dma_wait3A_756] : memref<5x112x64xf32, #tpu.memory_space<vmem>> -> memref<1x112x64xf32, #tpu.memory_space<vmem>>
        %dma_wait3A_758 = tpu.memref_squeeze %dma_wait3A_757 : memref<1x112x64xf32, #tpu.memory_space<vmem>> -> memref<112x64xf32, #tpu.memory_space<vmem>>
        %dma_wait3A_759 = arith.constant 0 : i32
        %dma_wait3A_760 = tpu.memref_slice %arg8[%sub3A_753, %dma_wait3A_759] : memref<45x112xi32, #tpu.memory_space<vmem>> -> memref<1x112xi32, #tpu.memory_space<vmem>>
        %dma_wait3A_761 = tpu.memref_squeeze %dma_wait3A_760 : memref<1x112xi32, #tpu.memory_space<vmem>> -> memref<112xi32, #tpu.memory_space<vmem>>
        %dma_wait3A_762 = arith.constant 0 : i32
        %dma_wait3A_763 = arith.constant 0 : i32
        %dma_wait3A_764 = tpu.memref_slice %arg11[%dma_wait3A_762, %dma_wait3A_763] : memref<10240x64xf32, #tpu.memory_space<vmem_shared>> -> memref<10240x64xf32, #tpu.memory_space<vmem_shared>>
        tpu.wait_indirect_dma semaphore(%arg19 : memref<!tpu.dma_semaphore, #tpu.memory_space<semaphore_mem>>) src(%dma_wait3A_758 : memref<112x64xf32, #tpu.memory_space<vmem>>) dst(%dma_wait3A_764 : memref<10240x64xf32, #tpu.memory_space<vmem_shared>>)
      } else {
      }
      %add3A_703 = arith.constant 5 : i32
      %add3A_704 = arith.addi %add3A_675, %add3A_703 : i32
      %sub3A_705 = arith.constant 1 : i32
      %sub3A_706 = arith.subi %add3A_704, %sub3A_705 : i32
      %le3A_707 = arith.constant 44 : i32
      %le3A_708 = arith.cmpi sle, %sub3A_706, %le3A_707 : i32
      %convert_element_type3A_709 = arith.extui %le3A_708 : i1 to i32
      %cond3A_710 = arith.constant 0 : i32
      %cond3A_711 = arith.cmpi ne, %convert_element_type3A_709, %cond3A_710 : i32
      scf.if %cond3A_711 {
        %add3A_752 = arith.constant 5 : i32
        %add3A_753 = arith.addi %add3A_675, %add3A_752 : i32
        %sub3A_754 = arith.constant 1 : i32
        %sub3A_755 = arith.subi %add3A_753, %sub3A_754 : i32
        %dma_start3A_756 = arith.constant 2 : i32
        %dma_start3A_757 = arith.constant 0 : i32
        %dma_start3A_758 = arith.constant 0 : i32
        %dma_start3A_759 = tpu.memref_slice %arg9[%dma_start3A_756, %dma_start3A_757, %dma_start3A_758] : memref<5x112x64xf32, #tpu.memory_space<vmem>> -> memref<1x112x64xf32, #tpu.memory_space<vmem>>
        %dma_start3A_760 = tpu.memref_squeeze %dma_start3A_759 : memref<1x112x64xf32, #tpu.memory_space<vmem>> -> memref<112x64xf32, #tpu.memory_space<vmem>>
        %dma_start3A_761 = arith.constant 0 : i32
        %dma_start3A_762 = tpu.memref_slice %arg7[%sub3A_755, %dma_start3A_761] : memref<45x112xi32, #tpu.memory_space<vmem>> -> memref<1x112xi32, #tpu.memory_space<vmem>>
        %dma_start3A_763 = tpu.memref_squeeze %dma_start3A_762 : memref<1x112xi32, #tpu.memory_space<vmem>> -> memref<112xi32, #tpu.memory_space<vmem>>
        %dma_start3A_764 = arith.constant 0 : i32
        %dma_start3A_765 = arith.constant 0 : i32
        %dma_start3A_766 = tpu.memref_slice %arg10[%dma_start3A_764, %dma_start3A_765] : memref<10240x64xf32, #tpu.memory_space<vmem_shared>> -> memref<10240x64xf32, #tpu.memory_space<vmem_shared>>
        tpu.enqueue_indirect_dma source(%dma_start3A_766 : memref<10240x64xf32, #tpu.memory_space<vmem_shared>>) target(%dma_start3A_760 : memref<112x64xf32, #tpu.memory_space<vmem>>) offsets(%dma_start3A_763 : memref<112xi32, #tpu.memory_space<vmem>>) semaphore(%arg14 : memref<!tpu.dma_semaphore, #tpu.memory_space<semaphore_mem>>)
      } else {
      }
      %mul3A_712 = arith.constant 5 : i32
      %mul3A_713 = arith.muli %mul3A_712, %scan3A_556 : i32
      %add3A_714 = arith.constant 4 : i32
      %add3A_715 = arith.addi %mul3A_713, %add3A_714 : i32
      %dma_wait3A_716 = arith.constant 4 : i32
      %dma_wait3A_717 = arith.constant 0 : i32
      %dma_wait3A_718 = arith.constant 0 : i32
      %dma_wait3A_719 = tpu.memref_slice %arg9[%dma_wait3A_716, %dma_wait3A_717, %dma_wait3A_718] : memref<5x112x64xf32, #tpu.memory_space<vmem>> -> memref<1x112x64xf32, #tpu.memory_space<vmem>>
      %dma_wait3A_720 = tpu.memref_squeeze %dma_wait3A_719 : memref<1x112x64xf32, #tpu.memory_space<vmem>> -> memref<112x64xf32, #tpu.memory_space<vmem>>
      %dma_wait3A_721 = arith.constant 0 : i32
      %dma_wait3A_722 = tpu.memref_slice %arg7[%add3A_715, %dma_wait3A_721] : memref<45x112xi32, #tpu.memory_space<vmem>> -> memref<1x112xi32, #tpu.memory_space<vmem>>
      %dma_wait3A_723 = tpu.memref_squeeze %dma_wait3A_722 : memref<1x112xi32, #tpu.memory_space<vmem>> -> memref<112xi32, #tpu.memory_space<vmem>>
      %dma_wait3A_724 = arith.constant 0 : i32
      %dma_wait3A_725 = arith.constant 0 : i32
      %dma_wait3A_726 = tpu.memref_slice %arg10[%dma_wait3A_724, %dma_wait3A_725] : memref<10240x64xf32, #tpu.memory_space<vmem_shared>> -> memref<10240x64xf32, #tpu.memory_space<vmem_shared>>
      tpu.wait_indirect_dma semaphore(%arg16 : memref<!tpu.dma_semaphore, #tpu.memory_space<semaphore_mem>>) src(%dma_wait3A_726 : memref<10240x64xf32, #tpu.memory_space<vmem_shared>>) dst(%dma_wait3A_720 : memref<112x64xf32, #tpu.memory_space<vmem>>)
      %dma_start3A_727 = arith.constant 4 : i32
      %dma_start3A_728 = arith.constant 0 : i32
      %dma_start3A_729 = arith.constant 0 : i32
      %dma_start3A_730 = tpu.memref_slice %arg9[%dma_start3A_727, %dma_start3A_728, %dma_start3A_729] : memref<5x112x64xf32, #tpu.memory_space<vmem>> -> memref<1x112x64xf32, #tpu.memory_space<vmem>>
      %dma_start3A_731 = tpu.memref_squeeze %dma_start3A_730 : memref<1x112x64xf32, #tpu.memory_space<vmem>> -> memref<112x64xf32, #tpu.memory_space<vmem>>
      %dma_start3A_732 = arith.constant 0 : i32
      %dma_start3A_733 = tpu.memref_slice %arg8[%add3A_715, %dma_start3A_732] : memref<45x112xi32, #tpu.memory_space<vmem>> -> memref<1x112xi32, #tpu.memory_space<vmem>>
      %dma_start3A_734 = tpu.memref_squeeze %dma_start3A_733 : memref<1x112xi32, #tpu.memory_space<vmem>> -> memref<112xi32, #tpu.memory_space<vmem>>
      %dma_start3A_735 = arith.constant 0 : i32
      %dma_start3A_736 = arith.constant 0 : i32
      %dma_start3A_737 = tpu.memref_slice %arg11[%dma_start3A_735, %dma_start3A_736] : memref<10240x64xf32, #tpu.memory_space<vmem_shared>> -> memref<10240x64xf32, #tpu.memory_space<vmem_shared>>
      tpu.enqueue_indirect_dma source(%dma_start3A_731 : memref<112x64xf32, #tpu.memory_space<vmem>>) target(%dma_start3A_737 : memref<10240x64xf32, #tpu.memory_space<vmem_shared>>) offsets(%dma_start3A_734 : memref<112xi32, #tpu.memory_space<vmem>>) semaphore(%arg21 : memref<!tpu.dma_semaphore, #tpu.memory_space<semaphore_mem>>) {add = true}
      %ge3A_738 = arith.constant 1 : i32
      %ge3A_739 = arith.cmpi sge, %add3A_715, %ge3A_738 : i32
      %convert_element_type3A_740 = arith.extui %ge3A_739 : i1 to i32
      %cond3A_741 = arith.constant 0 : i32
      %cond3A_742 = arith.cmpi ne, %convert_element_type3A_740, %cond3A_741 : i32
      scf.if %cond3A_742 {
        %sub3A_752 = arith.constant 1 : i32
        %sub3A_753 = arith.subi %add3A_715, %sub3A_752 : i32
        %dma_wait3A_754 = arith.constant 3 : i32
        %dma_wait3A_755 = arith.constant 0 : i32
        %dma_wait3A_756 = arith.constant 0 : i32
        %dma_wait3A_757 = tpu.memref_slice %arg9[%dma_wait3A_754, %dma_wait3A_755, %dma_wait3A_756] : memref<5x112x64xf32, #tpu.memory_space<vmem>> -> memref<1x112x64xf32, #tpu.memory_space<vmem>>
        %dma_wait3A_758 = tpu.memref_squeeze %dma_wait3A_757 : memref<1x112x64xf32, #tpu.memory_space<vmem>> -> memref<112x64xf32, #tpu.memory_space<vmem>>
        %dma_wait3A_759 = arith.constant 0 : i32
        %dma_wait3A_760 = tpu.memref_slice %arg8[%sub3A_753, %dma_wait3A_759] : memref<45x112xi32, #tpu.memory_space<vmem>> -> memref<1x112xi32, #tpu.memory_space<vmem>>
        %dma_wait3A_761 = tpu.memref_squeeze %dma_wait3A_760 : memref<1x112xi32, #tpu.memory_space<vmem>> -> memref<112xi32, #tpu.memory_space<vmem>>
        %dma_wait3A_762 = arith.constant 0 : i32
        %dma_wait3A_763 = arith.constant 0 : i32
        %dma_wait3A_764 = tpu.memref_slice %arg11[%dma_wait3A_762, %dma_wait3A_763] : memref<10240x64xf32, #tpu.memory_space<vmem_shared>> -> memref<10240x64xf32, #tpu.memory_space<vmem_shared>>
        tpu.wait_indirect_dma semaphore(%arg20 : memref<!tpu.dma_semaphore, #tpu.memory_space<semaphore_mem>>) src(%dma_wait3A_758 : memref<112x64xf32, #tpu.memory_space<vmem>>) dst(%dma_wait3A_764 : memref<10240x64xf32, #tpu.memory_space<vmem_shared>>)
      } else {
      }
      %add3A_743 = arith.constant 5 : i32
      %add3A_744 = arith.addi %add3A_715, %add3A_743 : i32
      %sub3A_745 = arith.constant 1 : i32
      %sub3A_746 = arith.subi %add3A_744, %sub3A_745 : i32
      %le3A_747 = arith.constant 44 : i32
      %le3A_748 = arith.cmpi sle, %sub3A_746, %le3A_747 : i32
      %convert_element_type3A_749 = arith.extui %le3A_748 : i1 to i32
      %cond3A_750 = arith.constant 0 : i32
      %cond3A_751 = arith.cmpi ne, %convert_element_type3A_749, %cond3A_750 : i32
      scf.if %cond3A_751 {
        %add3A_752 = arith.constant 5 : i32
        %add3A_753 = arith.addi %add3A_715, %add3A_752 : i32
        %sub3A_754 = arith.constant 1 : i32
        %sub3A_755 = arith.subi %add3A_753, %sub3A_754 : i32
        %dma_start3A_756 = arith.constant 3 : i32
        %dma_start3A_757 = arith.constant 0 : i32
        %dma_start3A_758 = arith.constant 0 : i32
        %dma_start3A_759 = tpu.memref_slice %arg9[%dma_start3A_756, %dma_start3A_757, %dma_start3A_758] : memref<5x112x64xf32, #tpu.memory_space<vmem>> -> memref<1x112x64xf32, #tpu.memory_space<vmem>>
        %dma_start3A_760 = tpu.memref_squeeze %dma_start3A_759 : memref<1x112x64xf32, #tpu.memory_space<vmem>> -> memref<112x64xf32, #tpu.memory_space<vmem>>
        %dma_start3A_761 = arith.constant 0 : i32
        %dma_start3A_762 = tpu.memref_slice %arg7[%sub3A_755, %dma_start3A_761] : memref<45x112xi32, #tpu.memory_space<vmem>> -> memref<1x112xi32, #tpu.memory_space<vmem>>
        %dma_start3A_763 = tpu.memref_squeeze %dma_start3A_762 : memref<1x112xi32, #tpu.memory_space<vmem>> -> memref<112xi32, #tpu.memory_space<vmem>>
        %dma_start3A_764 = arith.constant 0 : i32
        %dma_start3A_765 = arith.constant 0 : i32
        %dma_start3A_766 = tpu.memref_slice %arg10[%dma_start3A_764, %dma_start3A_765] : memref<10240x64xf32, #tpu.memory_space<vmem_shared>> -> memref<10240x64xf32, #tpu.memory_space<vmem_shared>>
        tpu.enqueue_indirect_dma source(%dma_start3A_766 : memref<10240x64xf32, #tpu.memory_space<vmem_shared>>) target(%dma_start3A_760 : memref<112x64xf32, #tpu.memory_space<vmem>>) offsets(%dma_start3A_763 : memref<112xi32, #tpu.memory_space<vmem>>) semaphore(%arg15 : memref<!tpu.dma_semaphore, #tpu.memory_space<semaphore_mem>>)
      } else {
      }
    }
    %scan3A_537 = arith.constant 9 : i32
    %dma_wait3A_538 = arith.constant 4 : i32
    %dma_wait3A_539 = arith.constant 44 : i32
    %dma_wait3A_540 = arith.constant 0 : i32
    %dma_wait3A_541 = arith.constant 0 : i32
    %dma_wait3A_542 = tpu.memref_slice %arg9[%dma_wait3A_538, %dma_wait3A_540, %dma_wait3A_541] : memref<5x112x64xf32, #tpu.memory_space<vmem>> -> memref<1x112x64xf32, #tpu.memory_space<vmem>>
    %dma_wait3A_543 = tpu.memref_squeeze %dma_wait3A_542 : memref<1x112x64xf32, #tpu.memory_space<vmem>> -> memref<112x64xf32, #tpu.memory_space<vmem>>
    %dma_wait3A_544 = arith.constant 0 : i32
    %dma_wait3A_545 = tpu.memref_slice %arg8[%dma_wait3A_539, %dma_wait3A_544] : memref<45x112xi32, #tpu.memory_space<vmem>> -> memref<1x112xi32, #tpu.memory_space<vmem>>
    %dma_wait3A_546 = tpu.memref_squeeze %dma_wait3A_545 : memref<1x112xi32, #tpu.memory_space<vmem>> -> memref<112xi32, #tpu.memory_space<vmem>>
    %dma_wait3A_547 = arith.constant 0 : i32
    %dma_wait3A_548 = arith.constant 0 : i32
    %dma_wait3A_549 = tpu.memref_slice %arg11[%dma_wait3A_547, %dma_wait3A_548] : memref<10240x64xf32, #tpu.memory_space<vmem_shared>> -> memref<10240x64xf32, #tpu.memory_space<vmem_shared>>
    tpu.wait_indirect_dma semaphore(%arg21 : memref<!tpu.dma_semaphore, #tpu.memory_space<semaphore_mem>>) src(%dma_wait3A_543 : memref<112x64xf32, #tpu.memory_space<vmem>>) dst(%dma_wait3A_549 : memref<10240x64xf32, #tpu.memory_space<vmem_shared>>)
    %barrier3A_550 = arith.constant 0 : index
    tpu.barrier barrier_id(%barrier3A_550)
    %mul3A_551 = arith.constant 640 : i32
    %mul3A_552 = arith.muli %arg1, %mul3A_551 : i32
    %mul3A_553 = arith.constant 640 : i32
    %mul3A_554 = arith.muli %arg1, %mul3A_553 : i32
    "tpu.region"() ({
      %run_scoped3A = tpu.sem_alloc : memref<!tpu.dma_semaphore, #tpu.memory_space<semaphore_mem>>
      %dma_start3A_556 = arith.constant 0 : i32
      %dma_start3A_557 = arith.constant 0 : i32
      %dma_start3A_558 = tpu.memref_slice %arg6[%add3A_278, %dma_start3A_556, %dma_start3A_557] : memref<4x10240x64xf32, #tpu.memory_space<hbm>> -> memref<1x10240x64xf32, #tpu.memory_space<hbm>>
      %dma_start3A_559 = tpu.memref_squeeze %dma_start3A_558 : memref<1x10240x64xf32, #tpu.memory_space<hbm>> -> memref<10240x64xf32, #tpu.memory_space<hbm>>
      %dma_start3A_560 = arith.constant 0 : i32
      %dma_start3A_561 = tpu.memref_slice %dma_start3A_559[%mul3A_554, %dma_start3A_560] : memref<10240x64xf32, #tpu.memory_space<hbm>> -> memref<640x64xf32, #tpu.memory_space<hbm>>
      %dma_start3A_562 = arith.constant 0 : i32
      %dma_start3A_563 = tpu.memref_slice %arg11[%mul3A_552, %dma_start3A_562] : memref<10240x64xf32, #tpu.memory_space<vmem_shared>> -> memref<640x64xf32, #tpu.memory_space<vmem_shared>>
      tpu.enqueue_dma source(%dma_start3A_563 : memref<640x64xf32, #tpu.memory_space<vmem_shared>>) target(%dma_start3A_561 : memref<640x64xf32, #tpu.memory_space<hbm>>) target_semaphore(%run_scoped3A : memref<!tpu.dma_semaphore, #tpu.memory_space<semaphore_mem>>)
      %dma_wait3A_564 = arith.constant 0 : i32
      %dma_wait3A_565 = arith.constant 0 : i32
      %dma_wait3A_566 = tpu.memref_slice %arg6[%add3A_278, %dma_wait3A_564, %dma_wait3A_565] : memref<4x10240x64xf32, #tpu.memory_space<hbm>> -> memref<1x10240x64xf32, #tpu.memory_space<hbm>>
      %dma_wait3A_567 = tpu.memref_squeeze %dma_wait3A_566 : memref<1x10240x64xf32, #tpu.memory_space<hbm>> -> memref<10240x64xf32, #tpu.memory_space<hbm>>
      %dma_wait3A_568 = arith.constant 0 : i32
      %dma_wait3A_569 = tpu.memref_slice %dma_wait3A_567[%mul3A_554, %dma_wait3A_568] : memref<10240x64xf32, #tpu.memory_space<hbm>> -> memref<640x64xf32, #tpu.memory_space<hbm>>
      %dma_wait3A_570 = arith.constant 0 : i32
      %dma_wait3A_571 = tpu.memref_slice %arg11[%mul3A_552, %dma_wait3A_570] : memref<10240x64xf32, #tpu.memory_space<vmem_shared>> -> memref<640x64xf32, #tpu.memory_space<vmem_shared>>
      tpu.wait_dma2 semaphore(%run_scoped3A : memref<!tpu.dma_semaphore, #tpu.memory_space<semaphore_mem>>) src(%dma_wait3A_571 : memref<640x64xf32, #tpu.memory_space<vmem_shared>>) dst(%dma_wait3A_569 : memref<640x64xf32, #tpu.memory_space<hbm>>)
      tpu.yield
    }) : () -> ()
    %barrier3A_555 = arith.constant 0 : index
    tpu.barrier barrier_id(%barrier3A_555)
    return
  }
}

module attributes {stable_mosaic.version = 14 : i64} {
  func.func @_embed_body(%arg0: i32, %arg1: memref<2000x128xf32, #tpu.memory_space<vmem>>, %arg2: memref<128x256xf32, #tpu.memory_space<vmem>>, %arg3: memref<1x256xf32, #tpu.memory_space<vmem>>, %arg4: memref<256x256xf32, #tpu.memory_space<vmem>>, %arg5: memref<2000x256xf32, #tpu.memory_space<vmem>>, %arg6: memref<4x2000x64xf32, #tpu.memory_space<vmem>>) attributes {dimension_semantics = [#tpu.dimension_semantics<arbitrary>], iteration_bounds = array<i64: 5>, scalar_prefetch = 0 : i64, scratch_operands = 0 : i64, tpu.core_type = #tpu.core_type<tc>, window_params = [{transform_indices = @transform_0, window_bounds = array<i64: 2000, 128>}, {pipeline_mode = #tpu.pipeline_mode<synchronous>, transform_indices = @transform_1, window_bounds = array<i64: 128, 256>}, {pipeline_mode = #tpu.pipeline_mode<synchronous>, transform_indices = @transform_2, window_bounds = array<i64: 1, 256>}, {pipeline_mode = #tpu.pipeline_mode<synchronous>, transform_indices = @transform_3, window_bounds = array<i64: 256, 256>}, {transform_indices = @transform_4, window_bounds = array<i64: 2000, 256>}, {transform_indices = @transform_5, window_bounds = array<i64: 4, 2000, 64>}]} {
    %get3A = arith.constant 0 : index
    %get3A_0 = arith.constant 0 : index
    %get3A_1 = vector.load %arg1[%get3A, %get3A_0] : memref<2000x128xf32, #tpu.memory_space<vmem>>, vector<2000x128xf32>
    %get3A_2 = arith.constant 0 : index
    %get3A_3 = arith.constant 0 : index
    %get3A_4 = vector.load %arg2[%get3A_2, %get3A_3] : memref<128x256xf32, #tpu.memory_space<vmem>>, vector<128x256xf32>
    %dot_general3A = arith.constant dense<0.000000e+00> : vector<2000x256xf32>
    %dot_general3A_5 = tpu.matmul %get3A_1, %get3A_4, %dot_general3A {dimension_numbers = #tpu.dot_dimension_numbers<[1], [0], [0], [1], [0, 0, 1, 1], [], []>, transpose_lhs_hint = false} : vector<2000x128xf32>, vector<128x256xf32>, vector<2000x256xf32> -> vector<2000x256xf32>
    %get3A_6 = arith.constant 0 : index
    %get3A_7 = arith.constant 0 : index
    %get3A_8 = vector.load %arg3[%get3A_6, %get3A_7] : memref<1x256xf32, #tpu.memory_space<vmem>>, vector<1x256xf32>
    %add3A = vector.broadcast %get3A_8 : vector<1x256xf32> to vector<2000x256xf32>
    %add3A_9 = arith.addf %dot_general3A_5, %add3A : vector<2000x256xf32>
    %max3A = arith.constant 0.000000e+00 : f32
    %max3A_10 = vector.broadcast %max3A : f32 to vector<2000x256xf32>
    %max3A_11 = arith.maximumf %add3A_9, %max3A_10 : vector<2000x256xf32>
    %get3A_12 = arith.constant 0 : index
    %get3A_13 = arith.constant 0 : index
    %get3A_14 = vector.load %arg4[%get3A_12, %get3A_13] : memref<256x256xf32, #tpu.memory_space<vmem>>, vector<256x256xf32>
    %dot_general3A_15 = arith.constant dense<0.000000e+00> : vector<2000x256xf32>
    %dot_general3A_16 = tpu.matmul %max3A_11, %get3A_14, %dot_general3A_15 {dimension_numbers = #tpu.dot_dimension_numbers<[1], [0], [0], [1], [0, 0, 1, 1], [], []>, transpose_lhs_hint = false} : vector<2000x256xf32>, vector<256x256xf32>, vector<2000x256xf32> -> vector<2000x256xf32>
    %swap3A = arith.constant 0 : index
    %swap3A_17 = arith.constant 0 : index
    %swap3A_18 = vector.load %arg5[%swap3A, %swap3A_17] : memref<2000x256xf32, #tpu.memory_space<vmem>>, vector<2000x256xf32>
    tpu.vector_store %arg5[%swap3A, %swap3A_17], %max3A_11 {strides = array<i32>} : memref<2000x256xf32, #tpu.memory_space<vmem>>, vector<2000x256xf32>,
    %slice3A = vector.extract_strided_slice %dot_general3A_16 {offsets = [0, 0], sizes = [2000, 64], strides = [1, 1]} : vector<2000x256xf32> to vector<2000x64xf32>
    %swap3A_19 = arith.constant 0 : index
    %swap3A_20 = arith.constant 0 : index
    %swap3A_21 = arith.constant 0 : index
    %swap3A_22 = vector.load %arg6[%swap3A_19, %swap3A_20, %swap3A_21] : memref<4x2000x64xf32, #tpu.memory_space<vmem>>, vector<1x2000x64xf32>
    %swap3A_23 = vector.shape_cast %swap3A_22 : vector<1x2000x64xf32> to vector<2000x64xf32>
    %swap3A_24 = vector.shape_cast %slice3A : vector<2000x64xf32> to vector<1x2000x64xf32>
    tpu.vector_store %arg6[%swap3A_19, %swap3A_20, %swap3A_21], %swap3A_24 {strides = array<i32>} : memref<4x2000x64xf32, #tpu.memory_space<vmem>>, vector<1x2000x64xf32>,
    %slice3A_25 = vector.extract_strided_slice %dot_general3A_16 {offsets = [0, 64], sizes = [2000, 64], strides = [1, 1]} : vector<2000x256xf32> to vector<2000x64xf32>
    %swap3A_26 = arith.constant 1 : index
    %swap3A_27 = arith.constant 0 : index
    %swap3A_28 = arith.constant 0 : index
    %swap3A_29 = vector.load %arg6[%swap3A_26, %swap3A_27, %swap3A_28] : memref<4x2000x64xf32, #tpu.memory_space<vmem>>, vector<1x2000x64xf32>
    %swap3A_30 = vector.shape_cast %swap3A_29 : vector<1x2000x64xf32> to vector<2000x64xf32>
    %swap3A_31 = vector.shape_cast %slice3A_25 : vector<2000x64xf32> to vector<1x2000x64xf32>
    tpu.vector_store %arg6[%swap3A_26, %swap3A_27, %swap3A_28], %swap3A_31 {strides = array<i32>} : memref<4x2000x64xf32, #tpu.memory_space<vmem>>, vector<1x2000x64xf32>,
    %slice3A_32 = vector.extract_strided_slice %dot_general3A_16 {offsets = [0, 128], sizes = [2000, 64], strides = [1, 1]} : vector<2000x256xf32> to vector<2000x64xf32>
    %swap3A_33 = arith.constant 2 : index
    %swap3A_34 = arith.constant 0 : index
    %swap3A_35 = arith.constant 0 : index
    %swap3A_36 = vector.load %arg6[%swap3A_33, %swap3A_34, %swap3A_35] : memref<4x2000x64xf32, #tpu.memory_space<vmem>>, vector<1x2000x64xf32>
    %swap3A_37 = vector.shape_cast %swap3A_36 : vector<1x2000x64xf32> to vector<2000x64xf32>
    %swap3A_38 = vector.shape_cast %slice3A_32 : vector<2000x64xf32> to vector<1x2000x64xf32>
    tpu.vector_store %arg6[%swap3A_33, %swap3A_34, %swap3A_35], %swap3A_38 {strides = array<i32>} : memref<4x2000x64xf32, #tpu.memory_space<vmem>>, vector<1x2000x64xf32>,
    %slice3A_39 = vector.extract_strided_slice %dot_general3A_16 {offsets = [0, 192], sizes = [2000, 64], strides = [1, 1]} : vector<2000x256xf32> to vector<2000x64xf32>
    %swap3A_40 = arith.constant 3 : index
    %swap3A_41 = arith.constant 0 : index
    %swap3A_42 = arith.constant 0 : index
    %swap3A_43 = vector.load %arg6[%swap3A_40, %swap3A_41, %swap3A_42] : memref<4x2000x64xf32, #tpu.memory_space<vmem>>, vector<1x2000x64xf32>
    %swap3A_44 = vector.shape_cast %swap3A_43 : vector<1x2000x64xf32> to vector<2000x64xf32>
    %swap3A_45 = vector.shape_cast %slice3A_39 : vector<2000x64xf32> to vector<1x2000x64xf32>
    tpu.vector_store %arg6[%swap3A_40, %swap3A_41, %swap3A_42], %swap3A_45 {strides = array<i32>} : memref<4x2000x64xf32, #tpu.memory_space<vmem>>, vector<1x2000x64xf32>,
    return
  }
  func.func @transform_0(%arg0: i32) -> (i32, i32) {
    %c0_i32 = arith.constant 0 : i32
    %c0_i32_0 = arith.constant 0 : i32
    return %arg0, %c0_i32 : i32, i32
  }
  func.func @transform_1(%arg0: i32) -> (i32, i32) {
    %c0_i32 = arith.constant 0 : i32
    %c0_i32_0 = arith.constant 0 : i32
    %c0_i32_1 = arith.constant 0 : i32
    return %c0_i32, %c0_i32_0 : i32, i32
  }
  func.func @transform_2(%arg0: i32) -> (i32, i32) {
    %c0_i32 = arith.constant 0 : i32
    %c0_i32_0 = arith.constant 0 : i32
    %c0_i32_1 = arith.constant 0 : i32
    return %c0_i32, %c0_i32_0 : i32, i32
  }
  func.func @transform_3(%arg0: i32) -> (i32, i32) {
    %c0_i32 = arith.constant 0 : i32
    %c0_i32_0 = arith.constant 0 : i32
    %c0_i32_1 = arith.constant 0 : i32
    return %c0_i32, %c0_i32_0 : i32, i32
  }
  func.func @transform_4(%arg0: i32) -> (i32, i32) {
    %c0_i32 = arith.constant 0 : i32
    %c0_i32_0 = arith.constant 0 : i32
    return %arg0, %c0_i32 : i32, i32
  }
  func.func @transform_5(%arg0: i32) -> (i32, i32, i32) {
    %c0_i32 = arith.constant 0 : i32
    %c0_i32_0 = arith.constant 0 : i32
    %c0_i32_1 = arith.constant 0 : i32
    return %c0_i32, %arg0, %c0_i32_0 : i32, i32, i32
  }
}

module attributes {stable_mosaic.version = 14 : i64} {
  func.func @_out_body(%arg0: i32, %arg1: memref<2000x256xf32, #tpu.memory_space<vmem>>, %arg2: memref<4x2000x64xf32, #tpu.memory_space<vmem>>, %arg3: memref<512x256xf32, #tpu.memory_space<vmem>>, %arg4: memref<1x256xf32, #tpu.memory_space<vmem>>, %arg5: memref<2000x256xf32, #tpu.memory_space<vmem>>) attributes {dimension_semantics = [#tpu.dimension_semantics<arbitrary>], iteration_bounds = array<i64: 5>, scalar_prefetch = 0 : i64, scratch_operands = 0 : i64, tpu.core_type = #tpu.core_type<tc>, window_params = [{transform_indices = @transform_0, window_bounds = array<i64: 2000, 256>}, {transform_indices = @transform_1, window_bounds = array<i64: 4, 2000, 64>}, {pipeline_mode = #tpu.pipeline_mode<synchronous>, transform_indices = @transform_2, window_bounds = array<i64: 512, 256>}, {pipeline_mode = #tpu.pipeline_mode<synchronous>, transform_indices = @transform_3, window_bounds = array<i64: 1, 256>}, {transform_indices = @transform_4, window_bounds = array<i64: 2000, 256>}]} {
    %get3A = arith.constant 0 : index
    %get3A_0 = arith.constant 0 : index
    %get3A_1 = vector.load %arg1[%get3A, %get3A_0] : memref<2000x256xf32, #tpu.memory_space<vmem>>, vector<2000x256xf32>
    %get3A_2 = arith.constant 0 : index
    %get3A_3 = arith.constant 0 : index
    %get3A_4 = vector.load %arg3[%get3A_2, %get3A_3] : memref<512x256xf32, #tpu.memory_space<vmem>>, vector<256x256xf32>
    %dot_general3A = arith.constant dense<0.000000e+00> : vector<2000x256xf32>
    %dot_general3A_5 = tpu.matmul %get3A_1, %get3A_4, %dot_general3A {dimension_numbers = #tpu.dot_dimension_numbers<[1], [0], [0], [1], [0, 0, 1, 1], [], []>, transpose_lhs_hint = false} : vector<2000x256xf32>, vector<256x256xf32>, vector<2000x256xf32> -> vector<2000x256xf32>
    %get3A_6 = arith.constant 0 : index
    %get3A_7 = arith.constant 0 : index
    %get3A_8 = arith.constant 0 : index
    %get3A_9 = vector.load %arg2[%get3A_6, %get3A_7, %get3A_8] : memref<4x2000x64xf32, #tpu.memory_space<vmem>>, vector<1x2000x64xf32>
    %get3A_10 = vector.shape_cast %get3A_9 : vector<1x2000x64xf32> to vector<2000x64xf32>
    %get3A_11 = arith.constant 256 : index
    %get3A_12 = arith.constant 0 : index
    %get3A_13 = vector.load %arg3[%get3A_11, %get3A_12] : memref<512x256xf32, #tpu.memory_space<vmem>>, vector<64x256xf32>
    %dot_general3A_14 = arith.constant dense<0.000000e+00> : vector<2000x256xf32>
    %dot_general3A_15 = tpu.matmul %get3A_10, %get3A_13, %dot_general3A_14 {dimension_numbers = #tpu.dot_dimension_numbers<[1], [0], [0], [1], [0, 0, 1, 1], [], []>, transpose_lhs_hint = false} : vector<2000x64xf32>, vector<64x256xf32>, vector<2000x256xf32> -> vector<2000x256xf32>
    %add3A = arith.addf %dot_general3A_5, %dot_general3A_15 : vector<2000x256xf32>
    %get3A_16 = arith.constant 1 : index
    %get3A_17 = arith.constant 0 : index
    %get3A_18 = arith.constant 0 : index
    %get3A_19 = vector.load %arg2[%get3A_16, %get3A_17, %get3A_18] : memref<4x2000x64xf32, #tpu.memory_space<vmem>>, vector<1x2000x64xf32>
    %get3A_20 = vector.shape_cast %get3A_19 : vector<1x2000x64xf32> to vector<2000x64xf32>
    %get3A_21 = arith.constant 320 : index
    %get3A_22 = arith.constant 0 : index
    %get3A_23 = vector.load %arg3[%get3A_21, %get3A_22] : memref<512x256xf32, #tpu.memory_space<vmem>>, vector<64x256xf32>
    %dot_general3A_24 = arith.constant dense<0.000000e+00> : vector<2000x256xf32>
    %dot_general3A_25 = tpu.matmul %get3A_20, %get3A_23, %dot_general3A_24 {dimension_numbers = #tpu.dot_dimension_numbers<[1], [0], [0], [1], [0, 0, 1, 1], [], []>, transpose_lhs_hint = false} : vector<2000x64xf32>, vector<64x256xf32>, vector<2000x256xf32> -> vector<2000x256xf32>
    %add3A_26 = arith.addf %add3A, %dot_general3A_25 : vector<2000x256xf32>
    %get3A_27 = arith.constant 2 : index
    %get3A_28 = arith.constant 0 : index
    %get3A_29 = arith.constant 0 : index
    %get3A_30 = vector.load %arg2[%get3A_27, %get3A_28, %get3A_29] : memref<4x2000x64xf32, #tpu.memory_space<vmem>>, vector<1x2000x64xf32>
    %get3A_31 = vector.shape_cast %get3A_30 : vector<1x2000x64xf32> to vector<2000x64xf32>
    %get3A_32 = arith.constant 384 : index
    %get3A_33 = arith.constant 0 : index
    %get3A_34 = vector.load %arg3[%get3A_32, %get3A_33] : memref<512x256xf32, #tpu.memory_space<vmem>>, vector<64x256xf32>
    %dot_general3A_35 = arith.constant dense<0.000000e+00> : vector<2000x256xf32>
    %dot_general3A_36 = tpu.matmul %get3A_31, %get3A_34, %dot_general3A_35 {dimension_numbers = #tpu.dot_dimension_numbers<[1], [0], [0], [1], [0, 0, 1, 1], [], []>, transpose_lhs_hint = false} : vector<2000x64xf32>, vector<64x256xf32>, vector<2000x256xf32> -> vector<2000x256xf32>
    %add3A_37 = arith.addf %add3A_26, %dot_general3A_36 : vector<2000x256xf32>
    %get3A_38 = arith.constant 3 : index
    %get3A_39 = arith.constant 0 : index
    %get3A_40 = arith.constant 0 : index
    %get3A_41 = vector.load %arg2[%get3A_38, %get3A_39, %get3A_40] : memref<4x2000x64xf32, #tpu.memory_space<vmem>>, vector<1x2000x64xf32>
    %get3A_42 = vector.shape_cast %get3A_41 : vector<1x2000x64xf32> to vector<2000x64xf32>
    %get3A_43 = arith.constant 448 : index
    %get3A_44 = arith.constant 0 : index
    %get3A_45 = vector.load %arg3[%get3A_43, %get3A_44] : memref<512x256xf32, #tpu.memory_space<vmem>>, vector<64x256xf32>
    %dot_general3A_46 = arith.constant dense<0.000000e+00> : vector<2000x256xf32>
    %dot_general3A_47 = tpu.matmul %get3A_42, %get3A_45, %dot_general3A_46 {dimension_numbers = #tpu.dot_dimension_numbers<[1], [0], [0], [1], [0, 0, 1, 1], [], []>, transpose_lhs_hint = false} : vector<2000x64xf32>, vector<64x256xf32>, vector<2000x256xf32> -> vector<2000x256xf32>
    %add3A_48 = arith.addf %add3A_37, %dot_general3A_47 : vector<2000x256xf32>
    %get3A_49 = arith.constant 0 : index
    %get3A_50 = arith.constant 0 : index
    %get3A_51 = vector.load %arg4[%get3A_49, %get3A_50] : memref<1x256xf32, #tpu.memory_space<vmem>>, vector<1x256xf32>
    %add3A_52 = vector.broadcast %get3A_51 : vector<1x256xf32> to vector<2000x256xf32>
    %add3A_53 = arith.addf %add3A_48, %add3A_52 : vector<2000x256xf32>
    %max3A = arith.constant 0.000000e+00 : f32
    %max3A_54 = vector.broadcast %max3A : f32 to vector<2000x256xf32>
    %max3A_55 = arith.maximumf %add3A_53, %max3A_54 : vector<2000x256xf32>
    %swap3A = arith.constant 0 : index
    %swap3A_56 = arith.constant 0 : index
    %swap3A_57 = vector.load %arg5[%swap3A, %swap3A_56] : memref<2000x256xf32, #tpu.memory_space<vmem>>, vector<2000x256xf32>
    tpu.vector_store %arg5[%swap3A, %swap3A_56], %max3A_55 {strides = array<i32>} : memref<2000x256xf32, #tpu.memory_space<vmem>>, vector<2000x256xf32>,
    return
  }
  func.func @transform_0(%arg0: i32) -> (i32, i32) {
    %c0_i32 = arith.constant 0 : i32
    %c0_i32_0 = arith.constant 0 : i32
    return %arg0, %c0_i32 : i32, i32
  }
  func.func @transform_1(%arg0: i32) -> (i32, i32, i32) {
    %c0_i32 = arith.constant 0 : i32
    %c0_i32_0 = arith.constant 0 : i32
    %c0_i32_1 = arith.constant 0 : i32
    return %c0_i32, %arg0, %c0_i32_0 : i32, i32, i32
  }
  func.func @transform_2(%arg0: i32) -> (i32, i32) {
    %c0_i32 = arith.constant 0 : i32
    %c0_i32_0 = arith.constant 0 : i32
    %c0_i32_1 = arith.constant 0 : i32
    return %c0_i32, %c0_i32_0 : i32, i32
  }
  func.func @transform_3(%arg0: i32) -> (i32, i32) {
    %c0_i32 = arith.constant 0 : i32
    %c0_i32_0 = arith.constant 0 : i32
    %c0_i32_1 = arith.constant 0 : i32
    return %c0_i32, %c0_i32_0 : i32, i32
  }
  func.func @transform_4(%arg0: i32) -> (i32, i32) {
    %c0_i32 = arith.constant 0 : i32
    %c0_i32_0 = arith.constant 0 : i32
    return %arg0, %c0_i32 : i32, i32
  }
}

</mosaic_0001>

<sc_bundles>
// kernel: kernel.5.cloned.1.call-start
scs
__scs_entry_jumppad:
0x0: {  	(pc) =	sbr.rel $0x88, $3  }
0x1: {  	(tag) =	ssettag $0x0;
	lr =	simm.s32 $0x1  }
0x2: {  	[smem:$0x3F9A] =	sst lr;
	_ =	strace $0xD0000000  }
0x3: {  	_ = 	snop  }
0x4: {  	_ = 	snop  }
0x5: {  	_ = 	snop  }
0x6: {  	_ = 	snop  }
0x7: {  	_ = 	snop  }
__scs_overlays_trampoline_lowered:
0x8: {  	[smem:$0x3FA9] =	sst s0  }
0x9: {  	[smem:$0x3FAA] =	sst s1  }
0xa: {  	[smem:$0x3FAB] =	sst s2  }
0xb: {  	[smem:$0x3FAC] =	sst s3  }
0xc: {  	[smem:$0x3FAD] =	sst s4  }
0xd: {  	[smem:$0x3FAE] =	sst s5  }
0xe: {  	[smem:$0x3FAF] =	sst s6  }
0xf: {  	[smem:$0x3FB0] =	sst s7  }
0x10: {  	[smem:$0x3FB1] =	sst s8  }
0x11: {  	[smem:$0x3FB2] =	sst s9;
	s0 =	simm.s32 @!p0 $0x0  }
0x12: {  	s1 =	sld [smem:$0x3F98];
	s0 =	simm.s32 @p0 $0x1  }
0x13: {  	[smem:$0x3FB3] =	sst s0;
	s0 =	simm.s32 @!p1 $0x0  }
0x14: {  	s2 =	sld [smem:$0x3F97];
	s0 =	simm.s32 @p1 $0x1  }
0x15: {  	[smem:$0x3FB4] =	sst s0;
	s0 =	simm.s32 @!p2 $0x0  }
0x16: {  	s3 =	sld [smem:$0x3FDB];
	s0 =	simm.s32 @p2 $0x1  }
0x17: {  	s4 =	simm.s32 $0x1BF5;
	[smem:$0x3FB6] =	sst s0  }
0x18: {  	s0 =	sld [smem:$0x3F99];
	_ =	swait.ge [sflag:s4], $0x0  }
0x19: {  	s7 =	sld [smem:$0x3F9A]  }
0x1a: {  	s8 =	sadd.s32 $0xFFFFE003, lr  }
0x1b: {  	s9 =	sadd.s32 $0xFFFFFEF7, lr;
	s5 =	simm.s32 $0xFFFFFFFF;
	p2 =	slt.u32 s8, $0xFFFFF086  }
0x1c: {  	p1 =	slt.u32 s9, $0xF7A;
	s5 =	simm.s32 @!p2 $0x0  }
0x1d: {  	s5 =	simm.s32 @p1 $0x1;
	p0 =	seq.s32 s7, s2  }
0x1e: {  	s7 =	smul.u32 @!p0 $0xF7A, s2;
	p2 =	seq.s32 @!p0 s5, $0x0  }
0x1f: {  	s9 =	smul.u32 $0xF7A, s1;
	s8 =	simm.s32 @!p0 $0x1BF5;
	p2 =	por !p2, p0  }
0x20: {  	[sflag:s8] =	ssyncset.s32 @!p0 $0xFFFFF086;
	s6 =	sadd.s32 @!p0 s3, s7;
	s7 =	simm.s32 @!p0 $0x108  }
0x21: {  	s3 =	sadd.s32 s3, s9;
	s6 =	sadd.s32 @!p0 $0x88, s6;
	s7 =	simm.s32 @p2 $0x1082  }
0x22: {  	[simem:s7], [sflag:s8] =	dma.local @!p0 [hbm:s6], $0xF7A  }
0x23: {  	s9 =	sor.u32 $0xD0000000, s2;
	s6 =	simm.s32 $0x108;
	_ =	swait.ge @!p0 [sflag:s8], $0x0  }
0x24: {  	s3 =	sadd.s32 $0x88, s3;
	s6 =	simm.s32 @!p1 $0x1082;
	[sflag:s4] =	ssyncset.s32 $0xFFFFF086  }
0x25: {  	[simem:s6], [sflag:s4] =	dma.local [hbm:s3], $0xF7A  }
0x26: {  	[smem:$0x3F9A] =	sst s1;
	(tag) =	ssettag s2;
	_ =	strace s9  }
0x27: {  	s1 =	sld [smem:$0x3FAA]  }
0x28: {  	s2 =	sld [smem:$0x3FAB]  }
0x29: {  	s4 =	sld [smem:$0x3FAD]  }
0x2a: {  	p0 =	seq.s32 s5, $0x0;
	s5 =	sld [smem:$0x3FAE]  }
0x2b: {  	s6 =	sld [smem:$0x3FAF]  }
0x2c: {  	s7 =	sld [smem:$0x3FB0]  }
0x2d: {  	s3 =	simm.s32 $0x108;
	s8 =	sld [smem:$0x3FB1]  }
0x2e: {  	s3 =	simm.s32 @!p0 $0x1082;
	s9 =	sld [smem:$0x3FB2]  }
0x2f: {  	lr =	sadd.s32 s0, s3;
	s0 =	sld [smem:$0x3FA9]  }
0x30: {  	s3 =	sld [smem:$0x3FAC]  }
0x31: {  	[smem:$0x3FB5] =	sst s10  }
0x32: {  	s10 =	sld [smem:$0x3FB3];
	_ =	sdelay $0x3  }
0x33: {  	p0 =	seq.s32 s10, $0x1;
	s10 =	sld [smem:$0x3FB5];
	_ =	sdelay $0x3  }
0x34: {  	[smem:$0x3FB5] =	sst s10  }
0x35: {  	s10 =	sld [smem:$0x3FB4];
	_ =	sdelay $0x3  }
0x36: {  	p1 =	seq.s32 s10, $0x1;
	s10 =	sld [smem:$0x3FB5];
	_ =	sdelay $0x3  }
0x37: {  	[smem:$0x3FB5] =	sst s10  }
0x38: {  	s10 =	sld [smem:$0x3FB6]  }
0x39: {  	_ = 	snop;
	(pc) =	sbr.ind lr, $3  }
0x3a: {  	_ = 	snop  }
0x3b: {  	_ = 	snop  }
0x3c: {  	p2 =	seq.s32 s10, $0x1;
	s10 =	sld [smem:$0x3FB5]  }
0x3d: {  	_ =	shalt  }
0x3e: {  	_ =	shalt  }
0x3f: {  	_ =	shalt  }
0x40: {  	_ =	shalt  }
0x41: {  	_ =	shalt  }
0x42: {  	_ =	shalt  }
0x43: {  	_ =	shalt  }
0x44: {  	_ =	shalt  }
0x45: {  	_ =	shalt  }
0x46: {  	_ =	shalt  }
0x47: {  	_ =	shalt  }
0x48: {  	_ =	shalt  }
0x49: {  	_ =	shalt  }
0x4a: {  	_ =	shalt  }
0x4b: {  	_ =	shalt  }
0x4c: {  	_ =	shalt  }
0x4d: {  	_ =	shalt  }
0x4e: {  	_ =	shalt  }
0x4f: {  	_ =	shalt  }
0x50: {  	_ =	shalt  }
0x51: {  	_ =	shalt  }
0x52: {  	_ =	shalt  }
0x53: {  	_ =	shalt  }
0x54: {  	_ =	shalt  }
0x55: {  	_ =	shalt  }
0x56: {  	_ =	shalt  }
0x57: {  	_ =	shalt  }
0x58: {  	_ =	shalt  }
0x59: {  	_ =	shalt  }
0x5a: {  	_ =	shalt  }
0x5b: {  	_ =	shalt  }
0x5c: {  	_ =	shalt  }
0x5d: {  	_ =	shalt  }
0x5e: {  	_ =	shalt  }
0x5f: {  	_ =	shalt  }
0x60: {  	_ =	shalt  }
0x61: {  	_ =	shalt  }
0x62: {  	_ =	shalt  }
0x63: {  	_ =	shalt  }
0x64: {  	_ =	shalt  }
0x65: {  	_ =	shalt  }
0x66: {  	_ =	shalt  }
0x67: {  	_ =	shalt  }
0x68: {  	_ =	shalt  }
0x69: {  	_ =	shalt  }
0x6a: {  	_ =	shalt  }
0x6b: {  	_ =	shalt  }
0x6c: {  	_ =	shalt  }
0x6d: {  	_ =	shalt  }
0x6e: {  	_ =	shalt  }
0x6f: {  	_ =	shalt  }
0x70: {  	_ =	shalt  }
0x71: {  	_ =	shalt  }
0x72: {  	_ =	shalt  }
0x73: {  	_ =	shalt  }
0x74: {  	_ =	shalt  }
0x75: {  	_ =	shalt  }
0x76: {  	_ =	shalt  }
0x77: {  	_ =	shalt  }
0x78: {  	_ =	shalt  }
0x79: {  	_ =	shalt  }
0x7a: {  	_ =	shalt  }
0x7b: {  	_ =	shalt  }
0x7c: {  	_ =	shalt  }
0x7d: {  	_ =	shalt  }
0x7e: {  	_ =	shalt  }
0x7f: {  	_ =	shalt  }
0x80: {  	_ =	shalt  }
0x81: {  	_ =	shalt  }
0x82: {  	_ =	shalt  }
0x83: {  	_ =	shalt  }
0x84: {  	_ =	shalt  }
0x85: {  	_ =	shalt  }
0x86: {  	_ =	shalt  }
0x87: {  	_ =	shalt  }
.Lfunc_end0:
.L_simem_size_0:
called_computation_lowered:
.L_overlay_start_0:
0x88: {  	s2 =	sld [smem:$0x3FD9]  }
0x89: {  	s3 =	sld [smem:$0x3FFE];
	_ =	sdelay $0x1  }
0x8a: {  	s1 =	srdreg.scid  }
0x8b: {  	s0 =	sand.u32 $0x1, s1  }
0x8c: {  	s17 =	sshll.u32 s0, $0xA;
	s2 =	sadd.s32 s3, s2  }
0x8d: {  	s2 =	sadd.s32 s2, s17  }
0x8e: {  	[smem:$0x3FC1] =	sst s2  }
0x8f: {  	_ = 	snop  }
0x90: {  	s2 =	sld [smem:$0x3FD0];
	(tm) =	ssettm $0x1  }
0x91: {  	s18 =	sld [smem:$0x3FFB];
	_ =	sdelay $0x3  }
0x92: {  	_ =	strace s18  }
0x93: {  	s3 =	sld [smem:$0x3FFC];
	_ =	sdelay $0x3  }
0x94: {  	_ =	strace s3  }
0x95: {  	s3 =	sld [smem:$0x3FFD];
	_ =	sdelay $0x3  }
0x96: {  	_ =	strace s3  }
0x97: {  	_ =	strace $0x8FFFFFFF  }
0x98: {  	s19 =	sld [smem:$0x3FDB];
	_ =	sdelay $0x1  }
0x99: {  	s4 =	simm.s32 $_scs_section_size  }
0x9a: {  	s5 =	simm.s32 $_size__tile_overlayer_lowered;
	s6 =	simm.s32 $_tile_overlayer_lowered  }
0x9b: {  	s22 =	simm.s32 $0x1BFF;
	s21 =	sshll.u32 s6, $0x1;
	s3 =	sadd.s32 s4, s19  }
0x9c: {  	s7 =	simm.s32 $0x0;
	s20 =	sshll.u32 s5, $0x1;
	s5 =	sadd.s32 s21, s3  }
0x9d: {  	[timem:s7], [sflag:s22] =	dma.local [hbm:s5], s20  }
0x9e: {  	_ =	swait.ge [sflag:s22], s20  }
0x9f: {  	s4 =	ssub.s32 $0x0, s20;
	[sflag:s22] =	ssyncset.done $0x0  }
0xa0: {  	[sflag:s22] =	ssyncadd.s32 s4;
	_ =	sdelay $0x1  }
0xa1: {  	s23 =	simm.s32 $0x1B8B  }
0xa2: {  	_ =	swait.ge [sflag:s23], $0x1  }
0xa3: {  	[sflag:s23] =	ssyncset.done $0x0  }
0xa4: {  	s25 =	simm.s32 $0x1B8E;
	s24 =	sld [smem:$0x3FFE];
	[sflag:s23] =	ssyncadd.s32 $0xFFFFFFFF  }
0xa5: {  	s26 =	simm.s32 $execute0_lowered;
	[smem:$0x3FD2] =	sst s25  }
0xa6: {  	s5 =	sshll.u32 s26, $0x1;
	_ =	strace $0x80000046;
	[dreg:$0x1] =	wrdreg $0xFFFFFFFF  }
0xa7: {  	s28 =	simm.s32 $_size_execute0_lowered;
	s3 =	sadd.s32 s3, s5;
	[dreg:$0x0] =	wrdreg $0x0  }
0xa8: {  	s5 =	sshll.u32 s28, $0x1;
	[dreg:$0x2] =	wrdreg s3  }
0xa9: {  	[dreg:$0x3] =	wrdreg s5  }
0xaa: {  	[dreg:$0x4] =	wrdreg $0xC0  }
0xab: {  	_ =	task [dreg:s7], $0x5FFFF  }
0xac: {  	[dreg:$0x1] =	wrdreg $0xFFFFFFFF  }
0xad: {  	[dreg:$0x0] =	wrdreg $0x60  }
0xae: {  	[dreg:$0x2] =	wrdreg s24  }
0xaf: {  	[dreg:$0x3] =	wrdreg s2  }
0xb0: {  	[dreg:$0x4] =	wrdreg $0xB3600  }
0xb1: {  	[dreg:$0x5] =	wrdreg $0x153600  }
0xb2: {  	[dreg:$0x6] =	wrdreg $0x9  }
0xb3: {  	_ =	task.clear_ibuf [dreg:s7], $0x7FFFF;
	_ =	strace $0x90000046  }
0xb4: {  	s29 =	simm.s32 $0x9;
	_ =	strace $0x80000048  }
0xb5: {  	_ =	swait.ge [sflag:s29], $0x1  }
0xb6: {  	[sflag:s29] =	ssyncadd.s32 $0xFFFFFFFF  }
0xb7: {  	_ =	strace $0x90000048  }
0xb8: {  	_ =	sfence  }
0xb9: {  	s30 =	sld [smem:$0x0];
	_ =	sdelay $0x2  }
0xba: {  	s31 =	sshll.u32 s1, $0xD;
	s1 =	sshrl.u32 s1, $0x2  }
0xbb: {  	s3 =	sand.u32 $0x4000, s31;
	s1 =	sadd.s32 s1, s30  }
0xbc: {  	s0 =	sor.u32 s3, s0;
	s1 =	sshll.u32 s1, $0x11  }
0xbd: {  	s0 =	sor.u32 s1, s0  }
0xbe: {  	s0 =	sadd.s32 $0x8F2B, s0  }
0xbf: {  	[sflag:s0] =	ssyncadd.remote.s32 $0x1  }
0xc0: {  	_ =	sfence.sel $0xFFFF  }
0xc1: {  	[dreg:$0x0] =	wrdreg $0xFFFFFFFF;
	(pc) =	sbr.abs _section_cstart, $3  }
0xc2: {  	[dreg:$0x1] =	wrdreg $0xFFFFFFFF  }
0xc3: {  	_ =	task.clear_ibuf [dreg:s7], $0x2FFFF;
	_ =	strace $0x9FFFFFFF  }
0xc4: {  	(tm) =	ssettm $0x7FFFFFFF  }
0xc5: {  	_ =	shalt  }
tec
execute0_lowered:
.L_overlay_start_1:
0x0: {  	(tag) =	ssettag $0x1  }
0x1: {  	s0 =	rddreg [dreg:$0x0]  }
0x2: {  	s2 =	rddreg [dreg:$0x1]  }
0x3: {  	s1 =	rddreg [dreg:$0x2]  }
0x4: {  	s3 =	rddreg [dreg:$0x3];
	s4 =	simm.s32 $0x0;
	s14 =	stileid.u32  }
0x5: {  	s13 =	srdreg.scid;
	s21 =	simm.s32 $0x7B60;
	s28 =	simm.s32 $0x9760  }
0x6: {  	s29 =	simm.s32 $0x2;
	s31 =	simm.s32 $0x6;
	s30 =	simm.s32 $0x0  }
0x7: {  	[smem:$0x7FF] =	sst s4;
	s5 =	smul.u32 $0x9D8, s14;
	s4 =	sand.u32 $0x1, s13  }
0x8: {  	s6 =	sadd.s32 $0xA0C00, s0;
	s8 =	smul.u32 $0xA000, s14;
	s12 =	sadd.s32 $0xAA00, s0  }
0x9: {  	s17 =	sshll.u32 s14, $0x6;
	s14 =	simm.s32 $0x13B0;
	_ =	strace $0x80000047  }
0xa: {  	s7 =	ssub.s32 $0x2, s4;
	s11 =	smul.u32 $0x28000, s4;
	[dreg:$0x5] =	wrdreg s12  }
0xb: {  	s4 =	smul.u32 $0x140000, s4;
	s12 =	simm.s32 $0xB;
	s9 =	sadd.s32 s5, s0  }
0xc: {  	s10 =	sshrl.u32 s7, $0x1;
	s0 =	sadd.s32 $0xBE00, s0;
	s13 =	sshrl.u32 s8, $0x3  }
0xd: {  	s16 =	sadd.s32 s8, s1;
	s8 =	sadd.s32 s8, s3;
	s2 =	sadd.s32 s2, s5  }
0xe: {  	s10 =	ssub.s32 s7, s10;
	s15 =	sadd.s32 s6, s11;
	s4 =	sshrl.u32 s4, $0x3  }
0xf: {  	[dreg:$0x8] =	wrdreg s2;
	s18 =	sadd.s32 $0xC00, s9;
	s20 =	sadd.s32 s0, s11  }
0x10: {  	s24 =	sshrl.u32 s16, $0x3;
	s16 =	simm.s32 $0x2760;
	s2 =	simm.s32 $0x3  }
0x11: {  	s11 =	simm.s32 $0x5;
	s7 =	sadd.s32 s13, s15;
	[dreg:$0x9] =	wrdreg s18  }
0x12: {  	s19 =	sadd.s32 $0x14000, s4;
	s23 =	smax.u32 s10, $0x1;
	[dreg:$0xb] =	wrdreg s24  }
0x13: {  	s15 =	simm.s32 $0x70;
	s25 =	sadd.s32 s13, s20;
	s10 =	simm.s32 $0x7  }
0x14: {  	s4 =	simm.s32 $0x8;
	s18 =	simm.s32 $0x9;
	[dreg:$0x6] =	wrdreg s7  }
0x15: {  	s7 =	sor.u32 $0x1C0B, s17;
	s22 =	sadd.s32 s6, s19;
	[dreg:$0xa] =	wrdreg s23  }
.Ltmp0:
0x16: {  	s0 =	sadd.s32 s0, s19;
	[dreg:$0xd] =	wrdreg s25;
	(pc) =	sbr.rel .LBB2_1-.Ltmp0, $4  }
0x17: {  	s6 =	sshrl.u32 s8, $0x3;
	s17 =	simm.s32 $0x4360;
	[dreg:$0x7] =	wrdreg s7  }
0x18: {  	s19 =	simm.s32 $0x5F60;
	s26 =	sadd.s32 s13, s22;
	[dreg:$0xc] =	wrdreg s6  }
0x19: {  	s25 =	simm.s32 $0x1;
	s0 =	sadd.s32 s13, s0;
	[dreg:$0xe] =	wrdreg s26  }
0x1a: {  	s23 =	simm.s32 $0x4;
	[dreg:$0xf] =	wrdreg s0;
	s26 =	simm.s32 $0xA  }
.LBB2_25:
0x1b: {  	_ =	swait.ge [sflag:s11], $0x1C00  }
0x1c: {  	[sflag:s11] =	ssyncset.done $0x0  }
0x1d: {  	[sflag:s11] =	ssyncadd.s32 $0xFFFFE400  }
0x1e: {  	[spmem:s3] =	stream.indirect.scatter.add.f32 [tilespmem:s28], [sflag:$0xA], $0x40, s6, s15, $0xb8;
	[tilespmem:$0x1F360] =	vst v63  }
0x1f: {  	_ =	swait.ge [sflag:s18], $0x1C00  }
0x20: {  	[sflag:s18] =	ssyncset.done $0x0  }
0x21: {  	[sflag:s18] =	ssyncadd.s32 $0xFFFFE400  }
0x22: {  	_ =	swait.ge [sflag:s26], $0x1C00  }
0x23: {  	[sflag:s26] =	ssyncset.done $0x0  }
0x24: {  	[sflag:s26] =	ssyncadd.s32 $0xFFFFE400  }
0x25: {  	[bflag:$0x0] =	sbarrier.arrive $0xFFFF  }
0x26: {  	s7 =	rddreg [dreg:$0x7]  }
0x27: {  	s6 =	rddreg [dreg:$0xc]  }
0x28: {  	s0 =	rddreg [dreg:$0xf]  }
0x29: {  	[hbm:s0], [sflag:s7] =	dma.local [spmem:s6], $0x1400  }
0x2a: {  	_ =	swait.ge [sflag:s12], $0x1400  }
0x2b: {  	s30 =	sadd.s32 $0x1, s30;
	s24 =	rddreg [dreg:$0xa]  }
0x2c: {  	p0 =	sne.s32 s30, s24  }
.Ltmp1:
0x2d: {  	_ = 	snop;
	(pc) =	sbr.rel @!p0 .LBB2_26-.Ltmp1, $3  }
0x2e: {  	[sflag:s12] =	ssyncset.done $0x0  }
0x2f: {  	[sflag:s12] =	ssyncadd.s32 $0xFFFFEC00  }
0x30: {  	[bflag:$0x0] =	sbarrier.arrive $0xFFFF;
	_ =	sdelay $0x1  }
.LBB2_1:
0x31: {  	s0 =	rddreg [dreg:$0x6]  }
0x32: {  	s5 =	rddreg [dreg:$0xb]  }
0x33: {  	[spmem:s5], [sflag:s7] =	dma.local [hbm:s0], $0x1400  }
0x34: {  	_ =	swait.ge [sflag:s12], $0x1400  }
0x35: {  	[sflag:s12] =	ssyncset.done $0x0  }
0x36: {  	s8 =	rddreg [dreg:$0x5];
	[sflag:s12] =	ssyncadd.s32 $0xFFFFEC00  }
0x37: {  	[spmem:s6], [sflag:s7] =	dma.local [hbm:s8], $0x1400  }
0x38: {  	_ =	swait.ge [sflag:s12], $0x1400  }
0x39: {  	[sflag:s12] =	ssyncset.done $0x0  }
0x3a: {  	[sflag:s12] =	ssyncadd.s32 $0xFFFFEC00  }
0x3b: {  	[bflag:$0x0] =	sbarrier.arrive $0xFFFF  }
0x3c: {  	s9 =	simm.s32 $0x0;
	s13 =	rddreg [dreg:$0x8]  }
0x3d: {  	[tilespmem:s9], [sflag:$0xB] =	stream.linear.gather [hbm4b:s13+s9], $0x13B0, $0x38;
	[tilespmem:$0x1F360] =	vst v63  }
0x3e: {  	_ =	swait.ge [sflag:s12], $0x13B0  }
0x3f: {  	[sflag:s12] =	ssyncset.done $0x0  }
0x40: {  	s20 =	rddreg [dreg:$0x9];
	[sflag:s12] =	ssyncadd.s32 $0xFFFFEC50  }
0x41: {  	[tilespmem:s14], [sflag:$0xB] =	stream.linear.gather [hbm4b:s20+s9], $0x13B0, $0x38;
	[tilespmem:$0x1F360] =	vst v63  }
0x42: {  	_ =	swait.ge [sflag:s12], $0x13B0  }
0x43: {  	[sflag:s12] =	ssyncset.done $0x0  }
0x44: {  	[sflag:s12] =	ssyncadd.s32 $0xFFFFEC50  }
0x45: {  	[tilespmem:s16], [sflag:$0x1] =	stream.indirect.gather [spmem:s1], $0x40, s9, s15, $0xb8;
	[tilespmem:$0x1F360] =	vst v63  }
0x46: {  	_ = 	snop  }
0x47: {  	[tilespmem:s17], [sflag:$0x2] =	stream.indirect.gather [spmem:s1], $0x40, s15, s15, $0xb8;
	[tilespmem:$0x1F360] =	vst v63  }
0x48: {  	s22 =	simm.s32 $0xE0  }
0x49: {  	[tilespmem:s19], [sflag:$0x3] =	stream.indirect.gather [spmem:s1], $0x40, s22, s15, $0xb8;
	[tilespmem:$0x1F360] =	vst v63  }
0x4a: {  	s24 =	simm.s32 $0x150  }
0x4b: {  	[tilespmem:s21], [sflag:$0x4] =	stream.indirect.gather [spmem:s1], $0x40, s24, s15, $0xb8;
	[tilespmem:$0x1F360] =	vst v63  }
0x4c: {  	_ =	swait.ge [sflag:s25], $0x1C00  }
0x4d: {  	[sflag:s25] =	ssyncset.done $0x0  }
0x4e: {  	[sflag:s25] =	ssyncadd.s32 $0xFFFFE400  }
0x4f: {  	[spmem:s3] =	stream.indirect.scatter.add.f32 [tilespmem:s16], [sflag:$0x6], $0x40, s14, s15, $0xb8;
	[tilespmem:$0x1F360] =	vst v63  }
0x50: {  	s5 =	simm.s32 $0x1C0  }
0x51: {  	[tilespmem:s28], [sflag:$0x5] =	stream.indirect.gather [spmem:s1], $0x40, s5, s15, $0xb8;
	[tilespmem:$0x1F360] =	vst v63  }
0x52: {  	_ =	swait.ge [sflag:s29], $0x1C00  }
0x53: {  	[sflag:s29] =	ssyncset.done $0x0  }
0x54: {  	s6 =	simm.s32 $0x1420;
	[sflag:s29] =	ssyncadd.s32 $0xFFFFE400  }
0x55: {  	[spmem:s3] =	stream.indirect.scatter.add.f32 [tilespmem:s17], [sflag:$0x7], $0x40, s6, s15, $0xb8;
	[tilespmem:$0x1F360] =	vst v63  }
0x56: {  	_ =	swait.ge [sflag:s31], $0x1C00  }
0x57: {  	[sflag:s31] =	ssyncset.done $0x0  }
0x58: {  	s7 =	simm.s32 $0x230;
	[sflag:s31] =	ssyncadd.s32 $0xFFFFE400  }
0x59: {  	[tilespmem:s16], [sflag:$0x1] =	stream.indirect.gather [spmem:s1], $0x40, s7, s15, $0xb8;
	[tilespmem:$0x1F360] =	vst v63  }
0x5a: {  	_ =	swait.ge [sflag:s2], $0x1C00  }
0x5b: {  	[sflag:s2] =	ssyncset.done $0x0  }
0x5c: {  	s8 =	simm.s32 $0x1490;
	[sflag:s2] =	ssyncadd.s32 $0xFFFFE400  }
0x5d: {  	[spmem:s3] =	stream.indirect.scatter.add.f32 [tilespmem:s19], [sflag:$0x8], $0x40, s8, s15, $0xb8;
	[tilespmem:$0x1F360] =	vst v63  }
0x5e: {  	_ =	swait.ge [sflag:s10], $0x1C00  }
0x5f: {  	[sflag:s10] =	ssyncset.done $0x0  }
0x60: {  	s9 =	simm.s32 $0x2A0;
	[sflag:s10] =	ssyncadd.s32 $0xFFFFE400  }
0x61: {  	[tilespmem:s17], [sflag:$0x2] =	stream.indirect.gather [spmem:s1], $0x40, s9, s15, $0xb8;
	[tilespmem:$0x1F360] =	vst v63  }
0x62: {  	_ =	swait.ge [sflag:s23], $0x1C00  }
0x63: {  	[sflag:s23] =	ssyncset.done $0x0  }
0x64: {  	s13 =	simm.s32 $0x1500;
	[sflag:s23] =	ssyncadd.s32 $0xFFFFE400  }
0x65: {  	[spmem:s3] =	stream.indirect.scatter.add.f32 [tilespmem:s21], [sflag:$0x9], $0x40, s13, s15, $0xb8;
	[tilespmem:$0x1F360] =	vst v63  }
0x66: {  	_ =	swait.ge [sflag:s4], $0x1C00  }
0x67: {  	[sflag:s4] =	ssyncset.done $0x0  }
0x68: {  	s20 =	simm.s32 $0x310;
	[sflag:s4] =	ssyncadd.s32 $0xFFFFE400  }
0x69: {  	[tilespmem:s19], [sflag:$0x3] =	stream.indirect.gather [spmem:s1], $0x40, s20, s15, $0xb8;
	[tilespmem:$0x1F360] =	vst v63  }
0x6a: {  	_ =	swait.ge [sflag:s11], $0x1C00  }
0x6b: {  	[sflag:s11] =	ssyncset.done $0x0  }
0x6c: {  	s22 =	simm.s32 $0x1570;
	[sflag:s11] =	ssyncadd.s32 $0xFFFFE400  }
0x6d: {  	[spmem:s3] =	stream.indirect.scatter.add.f32 [tilespmem:s28], [sflag:$0xA], $0x40, s22, s15, $0xb8;
	[tilespmem:$0x1F360] =	vst v63  }
0x6e: {  	_ =	swait.ge [sflag:s18], $0x1C00  }
0x6f: {  	[sflag:s18] =	ssyncset.done $0x0  }
0x70: {  	s0 =	simm.s32 $0x0;
	s24 =	simm.s32 $0x380;
	[sflag:s18] =	ssyncadd.s32 $0xFFFFE400  }
0x71: {  	[tilespmem:s21], [sflag:$0x4] =	stream.indirect.gather [spmem:s1], $0x40, s24, s15, $0xb8;
	[tilespmem:$0x1F360] =	vst v63  }
.LBB2_2:
0x72: {  	_ =	swait.ge [sflag:s25], $0x1C00  }
0x73: {  	s5 =	sshra.s32 s0, $0x2;
	[sflag:s25] =	ssyncset.done $0x0  }
0x74: {  	s6 =	sadd.s32 $0x15E0, s5;
	[sflag:s25] =	ssyncadd.s32 $0xFFFFE400  }
0x75: {  	[spmem:s3] =	stream.indirect.scatter.add.f32 [tilespmem:s16], [sflag:$0x6], $0x40, s6, s15, $0xb8;
	[tilespmem:$0x1F360] =	vst v63  }
0x76: {  	_ =	swait.ge [sflag:s26], $0x1C00  }
0x77: {  	[sflag:s26] =	ssyncset.done $0x0  }
0x78: {  	s20 =	sadd.s32 $0x3F0, s5;
	[sflag:s26] =	ssyncadd.s32 $0xFFFFE400  }
0x79: {  	[tilespmem:s28], [sflag:$0x5] =	stream.indirect.gather [spmem:s1], $0x40, s20, s15, $0xb8;
	[tilespmem:$0x1F360] =	vst v63  }
0x7a: {  	_ =	swait.ge [sflag:s29], $0x1C00  }
0x7b: {  	[sflag:s29] =	ssyncset.done $0x0  }
0x7c: {  	s22 =	sadd.s32 $0x1650, s5;
	[sflag:s29] =	ssyncadd.s32 $0xFFFFE400  }
0x7d: {  	[spmem:s3] =	stream.indirect.scatter.add.f32 [tilespmem:s17], [sflag:$0x7], $0x40, s22, s15, $0xb8;
	[tilespmem:$0x1F360] =	vst v63  }
0x7e: {  	_ =	swait.ge [sflag:s31], $0x1C00  }
0x7f: {  	p0 =	seq.s32 s0, $0x3D40;
	[sflag:s31] =	ssyncset.done $0x0  }
0x80: {  	s6 =	simm.s32 @p0 $0x3;
	[sflag:s31] =	ssyncadd.s32 $0xFFFFE400  }
0x81: {  	_ =	swait.ge @p0 [sflag:s6], $0x1C00  }
0x82: {  	[sflag:s6] =	ssyncset.done @p0 $0x0  }
0x83: {  	[sflag:s6] =	ssyncadd.s32 @p0 $0xFFFFE400;
	s6 =	sshra.s32 @p0 s0, $0x2  }
0x84: {  	s8 =	simm.s32 @p0 $0x70;
	s9 =	simm.s32 @p0 $0x5F60;
	s6 =	sadd.s32 @p0 $0x16C0, s6  }
0x85: {  	[spmem:s3] =	stream.indirect.scatter.add.f32 @p0 [tilespmem:s9], [sflag:$0x8], $0x40, s6, s8, $0xb8;
	[tilespmem:$0x1F360] =	vst v63  }
0x86: {  	s6 =	simm.s32 @p0 $0x7  }
0x87: {  	_ =	swait.ge @p0 [sflag:s6], $0x1C00  }
0x88: {  	[sflag:s6] =	ssyncset.done @p0 $0x0  }
0x89: {  	[sflag:s6] =	ssyncadd.s32 @p0 $0xFFFFE400;
	s6 =	sshra.s32 @!p0 s0, $0x2  }
0x8a: {  	s13 =	simm.s32 @!p0 $0x2760;
	s9 =	simm.s32 @!p0 $0x70;
	s8 =	sadd.s32 @!p0 $0x460, s6  }
0x8b: {  	[tilespmem:s13], [sflag:$0x1] =	stream.indirect.gather @!p0 [spmem:s1], $0x40, s8, s9, $0xb8;
	[tilespmem:$0x1F360] =	vst v63  }
0x8c: {  	s8 =	simm.s32 @!p0 $0x3  }
0x8d: {  	_ =	swait.ge @!p0 [sflag:s8], $0x1C00  }
0x8e: {  	[sflag:s8] =	ssyncset.done @!p0 $0x0  }
0x8f: {  	s13 =	simm.s32 @!p0 $0x5F60;
	[sflag:s8] =	ssyncadd.s32 @!p0 $0xFFFFE400;
	s8 =	sadd.s32 @!p0 $0x16C0, s6  }
0x90: {  	[spmem:s3] =	stream.indirect.scatter.add.f32 @!p0 [tilespmem:s13], [sflag:$0x8], $0x40, s8, s9, $0xb8;
	[tilespmem:$0x1F360] =	vst v63  }
0x91: {  	s8 =	simm.s32 @!p0 $0x7  }
0x92: {  	_ =	swait.ge @!p0 [sflag:s8], $0x1C00  }
0x93: {  	[sflag:s8] =	ssyncset.done @!p0 $0x0  }
0x94: {  	s6 =	sadd.s32 @!p0 $0x4D0, s6;
	[sflag:s8] =	ssyncadd.s32 @!p0 $0xFFFFE400;
	s8 =	simm.s32 @!p0 $0x4360  }
0x95: {  	[tilespmem:s8], [sflag:$0x2] =	stream.indirect.gather @!p0 [spmem:s1], $0x40, s6, s9, $0xb8;
	[tilespmem:$0x1F360] =	vst v63  }
0x96: {  	_ =	swait.ge [sflag:s23], $0x1C00  }
0x97: {  	[sflag:s23] =	ssyncset.done $0x0  }
.Ltmp2:
0x98: {  	s24 =	sadd.s32 $0x1730, s5;
	[sflag:s23] =	ssyncadd.s32 $0xFFFFE400;
	(pc) =	sbr.rel @p0 .LBB2_4-.Ltmp2, $4  }
0x99: {  	[spmem:s3] =	stream.indirect.scatter.add.f32 [tilespmem:s21], [sflag:$0x9], $0x40, s24, s15, $0xb8;
	[tilespmem:$0x1F360] =	vst v63  }
0x9a: {  	_ =	swait.ge [sflag:s4], $0x1C00  }
0x9b: {  	[sflag:s4] =	ssyncset.done $0x0  }
0x9c: {  	s6 =	sadd.s32 $0x17A0, s5;
	[sflag:s4] =	ssyncadd.s32 $0xFFFFE400  }
0x9d: {  	s8 =	sadd.s32 $0x540, s5  }
0x9e: {  	[tilespmem:s19], [sflag:$0x3] =	stream.indirect.gather [spmem:s1], $0x40, s8, s15, $0xb8;
	[tilespmem:$0x1F360] =	vst v63  }
0x9f: {  	_ =	swait.ge [sflag:s11], $0x1C00  }
0xa0: {  	[sflag:s11] =	ssyncset.done $0x0  }
0xa1: {  	[sflag:s11] =	ssyncadd.s32 $0xFFFFE400  }
0xa2: {  	[spmem:s3] =	stream.indirect.scatter.add.f32 [tilespmem:s28], [sflag:$0xA], $0x40, s6, s15, $0xb8;
	[tilespmem:$0x1F360] =	vst v63  }
.Ltmp3:
0xa3: {  	_ = 	snop;
	(pc) =	sbr.rel .LBB2_2-.Ltmp3, $4  }
0xa4: {  	_ =	swait.ge [sflag:s18], $0x1C00  }
0xa5: {  	[sflag:s18] =	ssyncset.done $0x0  }
0xa6: {  	s24 =	sadd.s32 $0x5B0, s5;
	s0 =	sadd.s32 $0x8C0, s0;
	[sflag:s18] =	ssyncadd.s32 $0xFFFFE400  }
0xa7: {  	[tilespmem:s21], [sflag:$0x4] =	stream.indirect.gather [spmem:s1], $0x40, s24, s15, $0xb8;
	[tilespmem:$0x1F360] =	vst v63  }
.LBB2_4:
0xa8: {  	_ =	swait.ge [sflag:s11], $0x1C00  }
0xa9: {  	[sflag:s11] =	ssyncset.done $0x0  }
0xaa: {  	[sflag:s11] =	ssyncadd.s32 $0xFFFFE400  }
0xab: {  	[spmem:s3] =	stream.indirect.scatter.add.f32 [tilespmem:s28], [sflag:$0xA], $0x40, s6, s15, $0xb8;
	[tilespmem:$0x1F360] =	vst v63  }
0xac: {  	_ =	swait.ge [sflag:s18], $0x1C00  }
0xad: {  	[sflag:s18] =	ssyncset.done $0x0  }
0xae: {  	[sflag:s18] =	ssyncadd.s32 $0xFFFFE400  }
0xaf: {  	_ =	swait.ge [sflag:s26], $0x1C00  }
0xb0: {  	s0 =	rddreg [dreg:$0x8]  }
0xb1: {  	[sflag:s26] =	ssyncset.done $0x0;
	s0 =	sadd.s32 $0x276, s0  }
0xb2: {  	s5 =	simm.s32 $0x0;
	[sflag:s26] =	ssyncadd.s32 $0xFFFFE400;
	[dreg:$0x10] =	wrdreg s0  }
0xb3: {  	[tilespmem:s5], [sflag:$0xB] =	stream.linear.gather [hbm4b:s0+s5], $0x13B0, $0x38;
	[tilespmem:$0x1F360] =	vst v63  }
0xb4: {  	_ =	swait.ge [sflag:s12], $0x13B0  }
0xb5: {  	s13 =	rddreg [dreg:$0x9]  }
0xb6: {  	[sflag:s12] =	ssyncset.done $0x0;
	s0 =	sadd.s32 $0x276, s13  }
0xb7: {  	[sflag:s12] =	ssyncadd.s32 $0xFFFFEC50;
	[dreg:$0x11] =	wrdreg s0  }
0xb8: {  	[tilespmem:s14], [sflag:$0xB] =	stream.linear.gather [hbm4b:s0+s5], $0x13B0, $0x38;
	[tilespmem:$0x1F360] =	vst v63  }
0xb9: {  	_ =	swait.ge [sflag:s12], $0x13B0  }
0xba: {  	[sflag:s12] =	ssyncset.done $0x0  }
0xbb: {  	[sflag:s12] =	ssyncadd.s32 $0xFFFFEC50  }
0xbc: {  	[tilespmem:s16], [sflag:$0x1] =	stream.indirect.gather [spmem:s1], $0x40, s5, s15, $0xb8;
	[tilespmem:$0x1F360] =	vst v63  }
0xbd: {  	_ = 	snop  }
0xbe: {  	[tilespmem:s17], [sflag:$0x2] =	stream.indirect.gather [spmem:s1], $0x40, s15, s15, $0xb8;
	[tilespmem:$0x1F360] =	vst v63  }
0xbf: {  	s20 =	simm.s32 $0xE0  }
0xc0: {  	[tilespmem:s19], [sflag:$0x3] =	stream.indirect.gather [spmem:s1], $0x40, s20, s15, $0xb8;
	[tilespmem:$0x1F360] =	vst v63  }
0xc1: {  	s22 =	simm.s32 $0x150  }
0xc2: {  	[tilespmem:s21], [sflag:$0x4] =	stream.indirect.gather [spmem:s1], $0x40, s22, s15, $0xb8;
	[tilespmem:$0x1F360] =	vst v63  }
0xc3: {  	_ =	swait.ge [sflag:s25], $0x1C00  }
0xc4: {  	[sflag:s25] =	ssyncset.done $0x0  }
0xc5: {  	[sflag:s25] =	ssyncadd.s32 $0xFFFFE400  }
0xc6: {  	[spmem:s3] =	stream.indirect.scatter.add.f32 [tilespmem:s16], [sflag:$0x6], $0x40, s14, s15, $0xb8;
	[tilespmem:$0x1F360] =	vst v63  }
0xc7: {  	s24 =	simm.s32 $0x1C0  }
0xc8: {  	[tilespmem:s28], [sflag:$0x5] =	stream.indirect.gather [spmem:s1], $0x40, s24, s15, $0xb8;
	[tilespmem:$0x1F360] =	vst v63  }
0xc9: {  	_ =	swait.ge [sflag:s29], $0x1C00  }
0xca: {  	[sflag:s29] =	ssyncset.done $0x0  }
0xcb: {  	s6 =	simm.s32 $0x1420;
	[sflag:s29] =	ssyncadd.s32 $0xFFFFE400  }
0xcc: {  	[spmem:s3] =	stream.indirect.scatter.add.f32 [tilespmem:s17], [sflag:$0x7], $0x40, s6, s15, $0xb8;
	[tilespmem:$0x1F360] =	vst v63  }
0xcd: {  	_ =	swait.ge [sflag:s31], $0x1C00  }
0xce: {  	[sflag:s31] =	ssyncset.done $0x0  }
0xcf: {  	s7 =	simm.s32 $0x230;
	[sflag:s31] =	ssyncadd.s32 $0xFFFFE400  }
0xd0: {  	[tilespmem:s16], [sflag:$0x1] =	stream.indirect.gather [spmem:s1], $0x40, s7, s15, $0xb8;
	[tilespmem:$0x1F360] =	vst v63  }
0xd1: {  	_ =	swait.ge [sflag:s2], $0x1C00  }
0xd2: {  	[sflag:s2] =	ssyncset.done $0x0  }
0xd3: {  	s8 =	simm.s32 $0x1490;
	[sflag:s2] =	ssyncadd.s32 $0xFFFFE400  }
0xd4: {  	[spmem:s3] =	stream.indirect.scatter.add.f32 [tilespmem:s19], [sflag:$0x8], $0x40, s8, s15, $0xb8;
	[tilespmem:$0x1F360] =	vst v63  }
0xd5: {  	_ =	swait.ge [sflag:s10], $0x1C00  }
0xd6: {  	[sflag:s10] =	ssyncset.done $0x0  }
0xd7: {  	s9 =	simm.s32 $0x2A0;
	[sflag:s10] =	ssyncadd.s32 $0xFFFFE400  }
0xd8: {  	[tilespmem:s17], [sflag:$0x2] =	stream.indirect.gather [spmem:s1], $0x40, s9, s15, $0xb8;
	[tilespmem:$0x1F360] =	vst v63  }
0xd9: {  	_ =	swait.ge [sflag:s23], $0x1C00  }
0xda: {  	[sflag:s23] =	ssyncset.done $0x0  }
0xdb: {  	s13 =	simm.s32 $0x1500;
	[sflag:s23] =	ssyncadd.s32 $0xFFFFE400  }
0xdc: {  	[spmem:s3] =	stream.indirect.scatter.add.f32 [tilespmem:s21], [sflag:$0x9], $0x40, s13, s15, $0xb8;
	[tilespmem:$0x1F360] =	vst v63  }
0xdd: {  	_ =	swait.ge [sflag:s4], $0x1C00  }
0xde: {  	[sflag:s4] =	ssyncset.done $0x0  }
0xdf: {  	s20 =	simm.s32 $0x310;
	[sflag:s4] =	ssyncadd.s32 $0xFFFFE400  }
0xe0: {  	[tilespmem:s19], [sflag:$0x3] =	stream.indirect.gather [spmem:s1], $0x40, s20, s15, $0xb8;
	[tilespmem:$0x1F360] =	vst v63  }
0xe1: {  	_ =	swait.ge [sflag:s11], $0x1C00  }
0xe2: {  	[sflag:s11] =	ssyncset.done $0x0  }
0xe3: {  	s22 =	simm.s32 $0x1570;
	[sflag:s11] =	ssyncadd.s32 $0xFFFFE400  }
0xe4: {  	[spmem:s3] =	stream.indirect.scatter.add.f32 [tilespmem:s28], [sflag:$0xA], $0x40, s22, s15, $0xb8;
	[tilespmem:$0x1F360] =	vst v63  }
0xe5: {  	_ =	swait.ge [sflag:s18], $0x1C00  }
0xe6: {  	[sflag:s18] =	ssyncset.done $0x0  }
0xe7: {  	s24 =	simm.s32 $0x380;
	[sflag:s18] =	ssyncadd.s32 $0xFFFFE400  }
0xe8: {  	[tilespmem:s21], [sflag:$0x4] =	stream.indirect.gather [spmem:s1], $0x40, s24, s15, $0xb8;
	[tilespmem:$0x1F360] =	vst v63  }
.LBB2_5:
0xe9: {  	_ =	swait.ge [sflag:s25], $0x1C00  }
0xea: {  	s13 =	sshra.s32 s5, $0x2;
	[sflag:s25] =	ssyncset.done $0x0  }
0xeb: {  	s8 =	sadd.s32 $0x15E0, s13;
	[sflag:s25] =	ssyncadd.s32 $0xFFFFE400  }
0xec: {  	[spmem:s3] =	stream.indirect.scatter.add.f32 [tilespmem:s16], [sflag:$0x6], $0x40, s8, s15, $0xb8;
	[tilespmem:$0x1F360] =	vst v63  }
0xed: {  	_ =	swait.ge [sflag:s26], $0x1C00  }
0xee: {  	[sflag:s26] =	ssyncset.done $0x0  }
0xef: {  	s20 =	sadd.s32 $0x3F0, s13;
	[sflag:s26] =	ssyncadd.s32 $0xFFFFE400  }
0xf0: {  	[tilespmem:s28], [sflag:$0x5] =	stream.indirect.gather [spmem:s1], $0x40, s20, s15, $0xb8;
	[tilespmem:$0x1F360] =	vst v63  }
0xf1: {  	_ =	swait.ge [sflag:s29], $0x1C00  }
0xf2: {  	[sflag:s29] =	ssyncset.done $0x0  }
0xf3: {  	s22 =	sadd.s32 $0x1650, s13;
	[sflag:s29] =	ssyncadd.s32 $0xFFFFE400  }
0xf4: {  	[spmem:s3] =	stream.indirect.scatter.add.f32 [tilespmem:s17], [sflag:$0x7], $0x40, s22, s15, $0xb8;
	[tilespmem:$0x1F360] =	vst v63  }
0xf5: {  	_ =	swait.ge [sflag:s31], $0x1C00  }
0xf6: {  	p0 =	seq.s32 s5, $0x3D40;
	[sflag:s31] =	ssyncset.done $0x0  }
0xf7: {  	s8 =	simm.s32 @p0 $0x3;
	[sflag:s31] =	ssyncadd.s32 $0xFFFFE400  }
0xf8: {  	_ =	swait.ge @p0 [sflag:s8], $0x1C00  }
0xf9: {  	[sflag:s8] =	ssyncset.done @p0 $0x0  }
0xfa: {  	[sflag:s8] =	ssyncadd.s32 @p0 $0xFFFFE400;
	s8 =	sshra.s32 @p0 s5, $0x2  }
0xfb: {  	s9 =	simm.s32 @p0 $0x70;
	s20 =	simm.s32 @p0 $0x5F60;
	s8 =	sadd.s32 @p0 $0x16C0, s8  }
0xfc: {  	[spmem:s3] =	stream.indirect.scatter.add.f32 @p0 [tilespmem:s20], [sflag:$0x8], $0x40, s8, s9, $0xb8;
	[tilespmem:$0x1F360] =	vst v63  }
0xfd: {  	s8 =	simm.s32 @p0 $0x7  }
0xfe: {  	_ =	swait.ge @p0 [sflag:s8], $0x1C00  }
0xff: {  	[sflag:s8] =	ssyncset.done @p0 $0x0  }
0x100: {  	[sflag:s8] =	ssyncadd.s32 @p0 $0xFFFFE400;
	s8 =	sshra.s32 @!p0 s5, $0x2  }
0x101: {  	s22 =	simm.s32 @!p0 $0x2760;
	s20 =	simm.s32 @!p0 $0x70;
	s9 =	sadd.s32 @!p0 $0x460, s8  }
0x102: {  	[tilespmem:s22], [sflag:$0x1] =	stream.indirect.gather @!p0 [spmem:s1], $0x40, s9, s20, $0xb8;
	[tilespmem:$0x1F360] =	vst v63  }
0x103: {  	s9 =	simm.s32 @!p0 $0x3  }
0x104: {  	_ =	swait.ge @!p0 [sflag:s9], $0x1C00  }
0x105: {  	[sflag:s9] =	ssyncset.done @!p0 $0x0  }
0x106: {  	s22 =	simm.s32 @!p0 $0x5F60;
	[sflag:s9] =	ssyncadd.s32 @!p0 $0xFFFFE400;
	s9 =	sadd.s32 @!p0 $0x16C0, s8  }
0x107: {  	[spmem:s3] =	stream.indirect.scatter.add.f32 @!p0 [tilespmem:s22], [sflag:$0x8], $0x40, s9, s20, $0xb8;
	[tilespmem:$0x1F360] =	vst v63  }
0x108: {  	s9 =	simm.s32 @!p0 $0x7  }
0x109: {  	_ =	swait.ge @!p0 [sflag:s9], $0x1C00  }
0x10a: {  	[sflag:s9] =	ssyncset.done @!p0 $0x0  }
0x10b: {  	s8 =	sadd.s32 @!p0 $0x4D0, s8;
	[sflag:s9] =	ssyncadd.s32 @!p0 $0xFFFFE400;
	s9 =	simm.s32 @!p0 $0x4360  }
0x10c: {  	[tilespmem:s9], [sflag:$0x2] =	stream.indirect.gather @!p0 [spmem:s1], $0x40, s8, s20, $0xb8;
	[tilespmem:$0x1F360] =	vst v63  }
0x10d: {  	_ =	swait.ge [sflag:s23], $0x1C00  }
0x10e: {  	[sflag:s23] =	ssyncset.done $0x0  }
.Ltmp4:
0x10f: {  	s24 =	sadd.s32 $0x1730, s13;
	[sflag:s23] =	ssyncadd.s32 $0xFFFFE400;
	(pc) =	sbr.rel @p0 .LBB2_7-.Ltmp4, $4  }
0x110: {  	[spmem:s3] =	stream.indirect.scatter.add.f32 [tilespmem:s21], [sflag:$0x9], $0x40, s24, s15, $0xb8;
	[tilespmem:$0x1F360] =	vst v63  }
0x111: {  	_ =	swait.ge [sflag:s4], $0x1C00  }
0x112: {  	[sflag:s4] =	ssyncset.done $0x0  }
0x113: {  	s8 =	sadd.s32 $0x17A0, s13;
	[sflag:s4] =	ssyncadd.s32 $0xFFFFE400  }
0x114: {  	s9 =	sadd.s32 $0x540, s13  }
0x115: {  	[tilespmem:s19], [sflag:$0x3] =	stream.indirect.gather [spmem:s1], $0x40, s9, s15, $0xb8;
	[tilespmem:$0x1F360] =	vst v63  }
0x116: {  	_ =	swait.ge [sflag:s11], $0x1C00  }
0x117: {  	[sflag:s11] =	ssyncset.done $0x0  }
0x118: {  	[sflag:s11] =	ssyncadd.s32 $0xFFFFE400  }
0x119: {  	[spmem:s3] =	stream.indirect.scatter.add.f32 [tilespmem:s28], [sflag:$0xA], $0x40, s8, s15, $0xb8;
	[tilespmem:$0x1F360] =	vst v63  }
.Ltmp5:
0x11a: {  	_ = 	snop;
	(pc) =	sbr.rel .LBB2_5-.Ltmp5, $4  }
0x11b: {  	_ =	swait.ge [sflag:s18], $0x1C00  }
0x11c: {  	[sflag:s18] =	ssyncset.done $0x0  }
0x11d: {  	s24 =	sadd.s32 $0x5B0, s13;
	s5 =	sadd.s32 $0x8C0, s5;
	[sflag:s18] =	ssyncadd.s32 $0xFFFFE400  }
0x11e: {  	[tilespmem:s21], [sflag:$0x4] =	stream.indirect.gather [spmem:s1], $0x40, s24, s15, $0xb8;
	[tilespmem:$0x1F360] =	vst v63  }
.LBB2_7:
0x11f: {  	_ =	swait.ge [sflag:s11], $0x1C00  }
0x120: {  	[sflag:s11] =	ssyncset.done $0x0  }
0x121: {  	[sflag:s11] =	ssyncadd.s32 $0xFFFFE400  }
0x122: {  	[spmem:s3] =	stream.indirect.scatter.add.f32 [tilespmem:s28], [sflag:$0xA], $0x40, s8, s15, $0xb8;
	[tilespmem:$0x1F360] =	vst v63  }
0x123: {  	_ =	swait.ge [sflag:s18], $0x1C00  }
0x124: {  	[sflag:s18] =	ssyncset.done $0x0  }
0x125: {  	[sflag:s18] =	ssyncadd.s32 $0xFFFFE400  }
0x126: {  	_ =	swait.ge [sflag:s26], $0x1C00  }
0x127: {  	[sflag:s26] =	ssyncset.done $0x0;
	s0 =	rddreg [dreg:$0x8]  }
0x128: {  	s5 =	simm.s32 $0x0;
	[sflag:s26] =	ssyncadd.s32 $0xFFFFE400;
	s22 =	sadd.s32 $0x4EC, s0  }
0x129: {  	[tilespmem:s5], [sflag:$0xB] =	stream.linear.gather [hbm4b:s22+s5], $0x13B0, $0x38;
	[tilespmem:$0x1F360] =	vst v63  }
0x12a: {  	_ =	swait.ge [sflag:s12], $0x13B0  }
0x12b: {  	[sflag:s12] =	ssyncset.done $0x0;
	s6 =	rddreg [dreg:$0x9]  }
0x12c: {  	[sflag:s12] =	ssyncadd.s32 $0xFFFFEC50;
	s24 =	sadd.s32 $0x4EC, s6  }
0x12d: {  	[tilespmem:s14], [sflag:$0xB] =	stream.linear.gather [hbm4b:s24+s5], $0x13B0, $0x38;
	[tilespmem:$0x1F360] =	vst v63  }
0x12e: {  	_ =	swait.ge [sflag:s12], $0x13B0  }
0x12f: {  	[sflag:s12] =	ssyncset.done $0x0  }
0x130: {  	[sflag:s12] =	ssyncadd.s32 $0xFFFFEC50  }
0x131: {  	[tilespmem:s16], [sflag:$0x1] =	stream.indirect.gather [spmem:s1], $0x40, s5, s15, $0xb8;
	[tilespmem:$0x1F360] =	vst v63  }
0x132: {  	_ = 	snop  }
0x133: {  	[tilespmem:s17], [sflag:$0x2] =	stream.indirect.gather [spmem:s1], $0x40, s15, s15, $0xb8;
	[tilespmem:$0x1F360] =	vst v63  }
0x134: {  	s7 =	simm.s32 $0xE0  }
0x135: {  	[tilespmem:s19], [sflag:$0x3] =	stream.indirect.gather [spmem:s1], $0x40, s7, s15, $0xb8;
	[tilespmem:$0x1F360] =	vst v63  }
0x136: {  	s8 =	simm.s32 $0x150  }
0x137: {  	[tilespmem:s21], [sflag:$0x4] =	stream.indirect.gather [spmem:s1], $0x40, s8, s15, $0xb8;
	[tilespmem:$0x1F360] =	vst v63  }
0x138: {  	_ =	swait.ge [sflag:s25], $0x1C00  }
0x139: {  	[sflag:s25] =	ssyncset.done $0x0  }
0x13a: {  	[sflag:s25] =	ssyncadd.s32 $0xFFFFE400  }
0x13b: {  	[spmem:s3] =	stream.indirect.scatter.add.f32 [tilespmem:s16], [sflag:$0x6], $0x40, s14, s15, $0xb8;
	[tilespmem:$0x1F360] =	vst v63  }
0x13c: {  	s9 =	simm.s32 $0x1C0  }
0x13d: {  	[tilespmem:s28], [sflag:$0x5] =	stream.indirect.gather [spmem:s1], $0x40, s9, s15, $0xb8;
	[tilespmem:$0x1F360] =	vst v63  }
0x13e: {  	_ =	swait.ge [sflag:s29], $0x1C00  }
0x13f: {  	[sflag:s29] =	ssyncset.done $0x0  }
0x140: {  	s13 =	simm.s32 $0x1420;
	[sflag:s29] =	ssyncadd.s32 $0xFFFFE400  }
0x141: {  	[spmem:s3] =	stream.indirect.scatter.add.f32 [tilespmem:s17], [sflag:$0x7], $0x40, s13, s15, $0xb8;
	[tilespmem:$0x1F360] =	vst v63  }
0x142: {  	_ =	swait.ge [sflag:s31], $0x1C00  }
0x143: {  	[sflag:s31] =	ssyncset.done $0x0  }
0x144: {  	s20 =	simm.s32 $0x230;
	[sflag:s31] =	ssyncadd.s32 $0xFFFFE400  }
0x145: {  	[tilespmem:s16], [sflag:$0x1] =	stream.indirect.gather [spmem:s1], $0x40, s20, s15, $0xb8;
	[tilespmem:$0x1F360] =	vst v63  }
0x146: {  	_ =	swait.ge [sflag:s2], $0x1C00  }
0x147: {  	[sflag:s2] =	ssyncset.done $0x0  }
0x148: {  	s6 =	simm.s32 $0x1490;
	[sflag:s2] =	ssyncadd.s32 $0xFFFFE400  }
0x149: {  	[spmem:s3] =	stream.indirect.scatter.add.f32 [tilespmem:s19], [sflag:$0x8], $0x40, s6, s15, $0xb8;
	[tilespmem:$0x1F360] =	vst v63  }
0x14a: {  	_ =	swait.ge [sflag:s10], $0x1C00  }
0x14b: {  	[sflag:s10] =	ssyncset.done $0x0  }
0x14c: {  	s7 =	simm.s32 $0x2A0;
	[sflag:s10] =	ssyncadd.s32 $0xFFFFE400  }
0x14d: {  	[tilespmem:s17], [sflag:$0x2] =	stream.indirect.gather [spmem:s1], $0x40, s7, s15, $0xb8;
	[tilespmem:$0x1F360] =	vst v63  }
0x14e: {  	_ =	swait.ge [sflag:s23], $0x1C00  }
0x14f: {  	[sflag:s23] =	ssyncset.done $0x0  }
0x150: {  	s8 =	simm.s32 $0x1500;
	[sflag:s23] =	ssyncadd.s32 $0xFFFFE400  }
0x151: {  	[spmem:s3] =	stream.indirect.scatter.add.f32 [tilespmem:s21], [sflag:$0x9], $0x40, s8, s15, $0xb8;
	[tilespmem:$0x1F360] =	vst v63  }
0x152: {  	_ =	swait.ge [sflag:s4], $0x1C00  }
0x153: {  	[sflag:s4] =	ssyncset.done $0x0  }
0x154: {  	s9 =	simm.s32 $0x310;
	[sflag:s4] =	ssyncadd.s32 $0xFFFFE400  }
0x155: {  	[tilespmem:s19], [sflag:$0x3] =	stream.indirect.gather [spmem:s1], $0x40, s9, s15, $0xb8;
	[tilespmem:$0x1F360] =	vst v63  }
0x156: {  	_ =	swait.ge [sflag:s11], $0x1C00  }
0x157: {  	[sflag:s11] =	ssyncset.done $0x0  }
0x158: {  	s13 =	simm.s32 $0x1570;
	[sflag:s11] =	ssyncadd.s32 $0xFFFFE400  }
0x159: {  	[spmem:s3] =	stream.indirect.scatter.add.f32 [tilespmem:s28], [sflag:$0xA], $0x40, s13, s15, $0xb8;
	[tilespmem:$0x1F360] =	vst v63  }
0x15a: {  	_ =	swait.ge [sflag:s18], $0x1C00  }
0x15b: {  	[sflag:s18] =	ssyncset.done $0x0  }
0x15c: {  	s20 =	simm.s32 $0x380;
	[sflag:s18] =	ssyncadd.s32 $0xFFFFE400  }
0x15d: {  	[tilespmem:s21], [sflag:$0x4] =	stream.indirect.gather [spmem:s1], $0x40, s20, s15, $0xb8;
	[tilespmem:$0x1F360] =	vst v63  }
.LBB2_8:
0x15e: {  	_ =	swait.ge [sflag:s25], $0x1C00  }
0x15f: {  	s13 =	sshra.s32 s5, $0x2;
	[sflag:s25] =	ssyncset.done $0x0  }
0x160: {  	s8 =	sadd.s32 $0x15E0, s13;
	[sflag:s25] =	ssyncadd.s32 $0xFFFFE400  }
0x161: {  	[spmem:s3] =	stream.indirect.scatter.add.f32 [tilespmem:s16], [sflag:$0x6], $0x40, s8, s15, $0xb8;
	[tilespmem:$0x1F360] =	vst v63  }
0x162: {  	_ =	swait.ge [sflag:s26], $0x1C00  }
0x163: {  	[sflag:s26] =	ssyncset.done $0x0  }
0x164: {  	s7 =	sadd.s32 $0x3F0, s13;
	[sflag:s26] =	ssyncadd.s32 $0xFFFFE400  }
0x165: {  	[tilespmem:s28], [sflag:$0x5] =	stream.indirect.gather [spmem:s1], $0x40, s7, s15, $0xb8;
	[tilespmem:$0x1F360] =	vst v63  }
0x166: {  	_ =	swait.ge [sflag:s29], $0x1C00  }
0x167: {  	[sflag:s29] =	ssyncset.done $0x0  }
0x168: {  	s9 =	sadd.s32 $0x1650, s13;
	[sflag:s29] =	ssyncadd.s32 $0xFFFFE400  }
0x169: {  	[spmem:s3] =	stream.indirect.scatter.add.f32 [tilespmem:s17], [sflag:$0x7], $0x40, s9, s15, $0xb8;
	[tilespmem:$0x1F360] =	vst v63  }
0x16a: {  	_ =	swait.ge [sflag:s31], $0x1C00  }
0x16b: {  	p0 =	seq.s32 s5, $0x3D40;
	[sflag:s31] =	ssyncset.done $0x0  }
0x16c: {  	s8 =	simm.s32 @p0 $0x3;
	[sflag:s31] =	ssyncadd.s32 $0xFFFFE400  }
0x16d: {  	_ =	swait.ge @p0 [sflag:s8], $0x1C00  }
0x16e: {  	[sflag:s8] =	ssyncset.done @p0 $0x0  }
0x16f: {  	[sflag:s8] =	ssyncadd.s32 @p0 $0xFFFFE400;
	s8 =	sshra.s32 @p0 s5, $0x2  }
0x170: {  	s20 =	simm.s32 @p0 $0x5F60;
	s9 =	simm.s32 @p0 $0x70;
	s8 =	sadd.s32 @p0 $0x16C0, s8  }
0x171: {  	[spmem:s3] =	stream.indirect.scatter.add.f32 @p0 [tilespmem:s20], [sflag:$0x8], $0x40, s8, s9, $0xb8;
	[tilespmem:$0x1F360] =	vst v63  }
0x172: {  	s8 =	simm.s32 @p0 $0x7  }
0x173: {  	_ =	swait.ge @p0 [sflag:s8], $0x1C00  }
0x174: {  	[sflag:s8] =	ssyncset.done @p0 $0x0  }
0x175: {  	[sflag:s8] =	ssyncadd.s32 @p0 $0xFFFFE400;
	s8 =	sshra.s32 @!p0 s5, $0x2  }
0x176: {  	s7 =	simm.s32 @!p0 $0x2760;
	s20 =	simm.s32 @!p0 $0x70;
	s9 =	sadd.s32 @!p0 $0x460, s8  }
0x177: {  	[tilespmem:s7], [sflag:$0x1] =	stream.indirect.gather @!p0 [spmem:s1], $0x40, s9, s20, $0xb8;
	[tilespmem:$0x1F360] =	vst v63  }
0x178: {  	s7 =	simm.s32 @!p0 $0x3  }
0x179: {  	_ =	swait.ge @!p0 [sflag:s7], $0x1C00  }
0x17a: {  	[sflag:s7] =	ssyncset.done @!p0 $0x0  }
0x17b: {  	s9 =	simm.s32 @!p0 $0x5F60;
	[sflag:s7] =	ssyncadd.s32 @!p0 $0xFFFFE400;
	s7 =	sadd.s32 @!p0 $0x16C0, s8  }
0x17c: {  	[spmem:s3] =	stream.indirect.scatter.add.f32 @!p0 [tilespmem:s9], [sflag:$0x8], $0x40, s7, s20, $0xb8;
	[tilespmem:$0x1F360] =	vst v63  }
0x17d: {  	s7 =	simm.s32 @!p0 $0x7  }
0x17e: {  	_ =	swait.ge @!p0 [sflag:s7], $0x1C00  }
0x17f: {  	[sflag:s7] =	ssyncset.done @!p0 $0x0  }
0x180: {  	[sflag:s7] =	ssyncadd.s32 @!p0 $0xFFFFE400;
	s7 =	sadd.s32 @!p0 $0x4D0, s8;
	s8 =	simm.s32 @!p0 $0x4360  }
0x181: {  	[tilespmem:s8], [sflag:$0x2] =	stream.indirect.gather @!p0 [spmem:s1], $0x40, s7, s20, $0xb8;
	[tilespmem:$0x1F360] =	vst v63  }
0x182: {  	_ =	swait.ge [sflag:s23], $0x1C00  }
0x183: {  	[sflag:s23] =	ssyncset.done $0x0  }
.Ltmp6:
0x184: {  	s20 =	sadd.s32 $0x1730, s13;
	[sflag:s23] =	ssyncadd.s32 $0xFFFFE400;
	(pc) =	sbr.rel @p0 .LBB2_10-.Ltmp6, $4  }
0x185: {  	[spmem:s3] =	stream.indirect.scatter.add.f32 [tilespmem:s21], [sflag:$0x9], $0x40, s20, s15, $0xb8;
	[tilespmem:$0x1F360] =	vst v63  }
0x186: {  	_ =	swait.ge [sflag:s4], $0x1C00  }
0x187: {  	[sflag:s4] =	ssyncset.done $0x0  }
0x188: {  	s8 =	sadd.s32 $0x17A0, s13;
	[sflag:s4] =	ssyncadd.s32 $0xFFFFE400  }
0x189: {  	s7 =	sadd.s32 $0x540, s13  }
0x18a: {  	[tilespmem:s19], [sflag:$0x3] =	stream.indirect.gather [spmem:s1], $0x40, s7, s15, $0xb8;
	[tilespmem:$0x1F360] =	vst v63  }
0x18b: {  	_ =	swait.ge [sflag:s11], $0x1C00  }
0x18c: {  	[sflag:s11] =	ssyncset.done $0x0  }
0x18d: {  	[sflag:s11] =	ssyncadd.s32 $0xFFFFE400  }
0x18e: {  	[spmem:s3] =	stream.indirect.scatter.add.f32 [tilespmem:s28], [sflag:$0xA], $0x40, s8, s15, $0xb8;
	[tilespmem:$0x1F360] =	vst v63  }
.Ltmp7:
0x18f: {  	_ = 	snop;
	(pc) =	sbr.rel .LBB2_8-.Ltmp7, $4  }
0x190: {  	_ =	swait.ge [sflag:s18], $0x1C00  }
0x191: {  	[sflag:s18] =	ssyncset.done $0x0  }
0x192: {  	s20 =	sadd.s32 $0x5B0, s13;
	s5 =	sadd.s32 $0x8C0, s5;
	[sflag:s18] =	ssyncadd.s32 $0xFFFFE400  }
0x193: {  	[tilespmem:s21], [sflag:$0x4] =	stream.indirect.gather [spmem:s1], $0x40, s20, s15, $0xb8;
	[tilespmem:$0x1F360] =	vst v63  }
.LBB2_10:
0x194: {  	_ =	swait.ge [sflag:s11], $0x1C00  }
0x195: {  	[sflag:s11] =	ssyncset.done $0x0  }
0x196: {  	[sflag:s11] =	ssyncadd.s32 $0xFFFFE400  }
0x197: {  	[spmem:s3] =	stream.indirect.scatter.add.f32 [tilespmem:s28], [sflag:$0xA], $0x40, s8, s15, $0xb8;
	[tilespmem:$0x1F360] =	vst v63  }
0x198: {  	_ =	swait.ge [sflag:s18], $0x1C00  }
0x199: {  	[sflag:s18] =	ssyncset.done $0x0  }
0x19a: {  	[sflag:s18] =	ssyncadd.s32 $0xFFFFE400  }
0x19b: {  	_ =	swait.ge [sflag:s26], $0x1C00  }
0x19c: {  	[sflag:s26] =	ssyncset.done $0x0;
	s0 =	rddreg [dreg:$0x8]  }
0x19d: {  	s20 =	simm.s32 $0x0;
	[sflag:s26] =	ssyncadd.s32 $0xFFFFE400;
	s5 =	sadd.s32 $0x762, s0  }
0x19e: {  	[tilespmem:s20], [sflag:$0xB] =	stream.linear.gather [hbm4b:s5+s20], $0x13B0, $0x38;
	[tilespmem:$0x1F360] =	vst v63  }
0x19f: {  	_ =	swait.ge [sflag:s12], $0x13B0  }
0x1a0: {  	[sflag:s12] =	ssyncset.done $0x0;
	s6 =	rddreg [dreg:$0x9]  }
0x1a1: {  	[sflag:s12] =	ssyncadd.s32 $0xFFFFEC50;
	s13 =	sadd.s32 $0x762, s6  }
0x1a2: {  	[tilespmem:s14], [sflag:$0xB] =	stream.linear.gather [hbm4b:s13+s20], $0x13B0, $0x38;
	[tilespmem:$0x1F360] =	vst v63  }
0x1a3: {  	_ =	swait.ge [sflag:s12], $0x13B0  }
0x1a4: {  	[sflag:s12] =	ssyncset.done $0x0  }
0x1a5: {  	[sflag:s12] =	ssyncadd.s32 $0xFFFFEC50  }
0x1a6: {  	[tilespmem:s16], [sflag:$0x1] =	stream.indirect.gather [spmem:s1], $0x40, s20, s15, $0xb8;
	[tilespmem:$0x1F360] =	vst v63  }
0x1a7: {  	_ = 	snop  }
0x1a8: {  	[tilespmem:s17], [sflag:$0x2] =	stream.indirect.gather [spmem:s1], $0x40, s15, s15, $0xb8;
	[tilespmem:$0x1F360] =	vst v63  }
0x1a9: {  	s7 =	simm.s32 $0xE0  }
0x1aa: {  	[tilespmem:s19], [sflag:$0x3] =	stream.indirect.gather [spmem:s1], $0x40, s7, s15, $0xb8;
	[tilespmem:$0x1F360] =	vst v63  }
0x1ab: {  	s8 =	simm.s32 $0x150  }
0x1ac: {  	[tilespmem:s21], [sflag:$0x4] =	stream.indirect.gather [spmem:s1], $0x40, s8, s15, $0xb8;
	[tilespmem:$0x1F360] =	vst v63  }
0x1ad: {  	_ =	swait.ge [sflag:s25], $0x1C00  }
0x1ae: {  	[sflag:s25] =	ssyncset.done $0x0  }
0x1af: {  	[sflag:s25] =	ssyncadd.s32 $0xFFFFE400  }
0x1b0: {  	[spmem:s3] =	stream.indirect.scatter.add.f32 [tilespmem:s16], [sflag:$0x6], $0x40, s14, s15, $0xb8;
	[tilespmem:$0x1F360] =	vst v63  }
0x1b1: {  	s9 =	simm.s32 $0x1C0  }
0x1b2: {  	[tilespmem:s28], [sflag:$0x5] =	stream.indirect.gather [spmem:s1], $0x40, s9, s15, $0xb8;
	[tilespmem:$0x1F360] =	vst v63  }
0x1b3: {  	_ =	swait.ge [sflag:s29], $0x1C00  }
0x1b4: {  	[sflag:s29] =	ssyncset.done $0x0  }
0x1b5: {  	s6 =	simm.s32 $0x1420;
	[sflag:s29] =	ssyncadd.s32 $0xFFFFE400  }
0x1b6: {  	[spmem:s3] =	stream.indirect.scatter.add.f32 [tilespmem:s17], [sflag:$0x7], $0x40, s6, s15, $0xb8;
	[tilespmem:$0x1F360] =	vst v63  }
0x1b7: {  	_ =	swait.ge [sflag:s31], $0x1C00  }
0x1b8: {  	[sflag:s31] =	ssyncset.done $0x0  }
0x1b9: {  	s7 =	simm.s32 $0x230;
	[sflag:s31] =	ssyncadd.s32 $0xFFFFE400  }
0x1ba: {  	[tilespmem:s16], [sflag:$0x1] =	stream.indirect.gather [spmem:s1], $0x40, s7, s15, $0xb8;
	[tilespmem:$0x1F360] =	vst v63  }
0x1bb: {  	_ =	swait.ge [sflag:s2], $0x1C00  }
0x1bc: {  	[sflag:s2] =	ssyncset.done $0x0  }
0x1bd: {  	s8 =	simm.s32 $0x1490;
	[sflag:s2] =	ssyncadd.s32 $0xFFFFE400  }
0x1be: {  	[spmem:s3] =	stream.indirect.scatter.add.f32 [tilespmem:s19], [sflag:$0x8], $0x40, s8, s15, $0xb8;
	[tilespmem:$0x1F360] =	vst v63  }
0x1bf: {  	_ =	swait.ge [sflag:s10], $0x1C00  }
0x1c0: {  	[sflag:s10] =	ssyncset.done $0x0  }
0x1c1: {  	s9 =	simm.s32 $0x2A0;
	[sflag:s10] =	ssyncadd.s32 $0xFFFFE400  }
0x1c2: {  	[tilespmem:s17], [sflag:$0x2] =	stream.indirect.gather [spmem:s1], $0x40, s9, s15, $0xb8;
	[tilespmem:$0x1F360] =	vst v63  }
0x1c3: {  	_ =	swait.ge [sflag:s23], $0x1C00  }
0x1c4: {  	[sflag:s23] =	ssyncset.done $0x0  }
0x1c5: {  	s6 =	simm.s32 $0x1500;
	[sflag:s23] =	ssyncadd.s32 $0xFFFFE400  }
0x1c6: {  	[spmem:s3] =	stream.indirect.scatter.add.f32 [tilespmem:s21], [sflag:$0x9], $0x40, s6, s15, $0xb8;
	[tilespmem:$0x1F360] =	vst v63  }
0x1c7: {  	_ =	swait.ge [sflag:s4], $0x1C00  }
0x1c8: {  	[sflag:s4] =	ssyncset.done $0x0  }
0x1c9: {  	s7 =	simm.s32 $0x310;
	[sflag:s4] =	ssyncadd.s32 $0xFFFFE400  }
0x1ca: {  	[tilespmem:s19], [sflag:$0x3] =	stream.indirect.gather [spmem:s1], $0x40, s7, s15, $0xb8;
	[tilespmem:$0x1F360] =	vst v63  }
0x1cb: {  	_ =	swait.ge [sflag:s11], $0x1C00  }
0x1cc: {  	[sflag:s11] =	ssyncset.done $0x0  }
0x1cd: {  	s8 =	simm.s32 $0x1570;
	[sflag:s11] =	ssyncadd.s32 $0xFFFFE400  }
0x1ce: {  	[spmem:s3] =	stream.indirect.scatter.add.f32 [tilespmem:s28], [sflag:$0xA], $0x40, s8, s15, $0xb8;
	[tilespmem:$0x1F360] =	vst v63  }
0x1cf: {  	_ =	swait.ge [sflag:s18], $0x1C00  }
0x1d0: {  	[sflag:s18] =	ssyncset.done $0x0  }
0x1d1: {  	s9 =	simm.s32 $0x380;
	[sflag:s18] =	ssyncadd.s32 $0xFFFFE400  }
0x1d2: {  	[tilespmem:s21], [sflag:$0x4] =	stream.indirect.gather [spmem:s1], $0x40, s9, s15, $0xb8;
	[tilespmem:$0x1F360] =	vst v63  }
.LBB2_11:
0x1d3: {  	_ =	swait.ge [sflag:s25], $0x1C00  }
0x1d4: {  	s8 =	sshra.s32 s20, $0x2;
	[sflag:s25] =	ssyncset.done $0x0  }
0x1d5: {  	s7 =	sadd.s32 $0x15E0, s8;
	[sflag:s25] =	ssyncadd.s32 $0xFFFFE400  }
0x1d6: {  	[spmem:s3] =	stream.indirect.scatter.add.f32 [tilespmem:s16], [sflag:$0x6], $0x40, s7, s15, $0xb8;
	[tilespmem:$0x1F360] =	vst v63  }
0x1d7: {  	_ =	swait.ge [sflag:s26], $0x1C00  }
0x1d8: {  	[sflag:s26] =	ssyncset.done $0x0  }
0x1d9: {  	s0 =	sadd.s32 $0x3F0, s8;
	[sflag:s26] =	ssyncadd.s32 $0xFFFFE400  }
0x1da: {  	[tilespmem:s28], [sflag:$0x5] =	stream.indirect.gather [spmem:s1], $0x40, s0, s15, $0xb8;
	[tilespmem:$0x1F360] =	vst v63  }
0x1db: {  	_ =	swait.ge [sflag:s29], $0x1C00  }
0x1dc: {  	[sflag:s29] =	ssyncset.done $0x0  }
0x1dd: {  	s6 =	sadd.s32 $0x1650, s8;
	[sflag:s29] =	ssyncadd.s32 $0xFFFFE400  }
0x1de: {  	[spmem:s3] =	stream.indirect.scatter.add.f32 [tilespmem:s17], [sflag:$0x7], $0x40, s6, s15, $0xb8;
	[tilespmem:$0x1F360] =	vst v63  }
0x1df: {  	_ =	swait.ge [sflag:s31], $0x1C00  }
0x1e0: {  	p0 =	seq.s32 s20, $0x3D40;
	[sflag:s31] =	ssyncset.done $0x0  }
0x1e1: {  	s7 =	simm.s32 @p0 $0x3;
	[sflag:s31] =	ssyncadd.s32 $0xFFFFE400  }
0x1e2: {  	_ =	swait.ge @p0 [sflag:s7], $0x1C00  }
0x1e3: {  	[sflag:s7] =	ssyncset.done @p0 $0x0  }
0x1e4: {  	[sflag:s7] =	ssyncadd.s32 @p0 $0xFFFFE400;
	s7 =	sshra.s32 @p0 s20, $0x2  }
0x1e5: {  	s9 =	simm.s32 @p0 $0x70;
	s0 =	simm.s32 @p0 $0x5F60;
	s7 =	sadd.s32 @p0 $0x16C0, s7  }
0x1e6: {  	[spmem:s3] =	stream.indirect.scatter.add.f32 @p0 [tilespmem:s0], [sflag:$0x8], $0x40, s7, s9, $0xb8;
	[tilespmem:$0x1F360] =	vst v63  }
0x1e7: {  	s0 =	simm.s32 @p0 $0x7  }
0x1e8: {  	_ =	swait.ge @p0 [sflag:s0], $0x1C00  }
0x1e9: {  	[sflag:s0] =	ssyncset.done @p0 $0x0  }
0x1ea: {  	[sflag:s0] =	ssyncadd.s32 @p0 $0xFFFFE400;
	s0 =	sshra.s32 @!p0 s20, $0x2  }
0x1eb: {  	s6 =	simm.s32 @!p0 $0x2760;
	s9 =	simm.s32 @!p0 $0x70;
	s7 =	sadd.s32 @!p0 $0x460, s0  }
0x1ec: {  	[tilespmem:s6], [sflag:$0x1] =	stream.indirect.gather @!p0 [spmem:s1], $0x40, s7, s9, $0xb8;
	[tilespmem:$0x1F360] =	vst v63  }
0x1ed: {  	s6 =	simm.s32 @!p0 $0x3  }
0x1ee: {  	_ =	swait.ge @!p0 [sflag:s6], $0x1C00  }
0x1ef: {  	[sflag:s6] =	ssyncset.done @!p0 $0x0  }
0x1f0: {  	s7 =	simm.s32 @!p0 $0x5F60;
	[sflag:s6] =	ssyncadd.s32 @!p0 $0xFFFFE400;
	s6 =	sadd.s32 @!p0 $0x16C0, s0  }
0x1f1: {  	[spmem:s3] =	stream.indirect.scatter.add.f32 @!p0 [tilespmem:s7], [sflag:$0x8], $0x40, s6, s9, $0xb8;
	[tilespmem:$0x1F360] =	vst v63  }
0x1f2: {  	s6 =	simm.s32 @!p0 $0x7  }
0x1f3: {  	_ =	swait.ge @!p0 [sflag:s6], $0x1C00  }
0x1f4: {  	[sflag:s6] =	ssyncset.done @!p0 $0x0  }
0x1f5: {  	s0 =	sadd.s32 @!p0 $0x4D0, s0;
	[sflag:s6] =	ssyncadd.s32 @!p0 $0xFFFFE400;
	s6 =	simm.s32 @!p0 $0x4360  }
0x1f6: {  	[tilespmem:s6], [sflag:$0x2] =	stream.indirect.gather @!p0 [spmem:s1], $0x40, s0, s9, $0xb8;
	[tilespmem:$0x1F360] =	vst v63  }
0x1f7: {  	_ =	swait.ge [sflag:s23], $0x1C00  }
0x1f8: {  	[sflag:s23] =	ssyncset.done $0x0  }
.Ltmp8:
0x1f9: {  	s9 =	sadd.s32 $0x1730, s8;
	[sflag:s23] =	ssyncadd.s32 $0xFFFFE400;
	(pc) =	sbr.rel @p0 .LBB2_13-.Ltmp8, $4  }
0x1fa: {  	[spmem:s3] =	stream.indirect.scatter.add.f32 [tilespmem:s21], [sflag:$0x9], $0x40, s9, s15, $0xb8;
	[tilespmem:$0x1F360] =	vst v63  }
0x1fb: {  	_ =	swait.ge [sflag:s4], $0x1C00  }
0x1fc: {  	[sflag:s4] =	ssyncset.done $0x0  }
0x1fd: {  	s9 =	sadd.s32 $0x17A0, s8;
	[sflag:s4] =	ssyncadd.s32 $0xFFFFE400  }
0x1fe: {  	s0 =	sadd.s32 $0x540, s8  }
0x1ff: {  	[tilespmem:s19], [sflag:$0x3] =	stream.indirect.gather [spmem:s1], $0x40, s0, s15, $0xb8;
	[tilespmem:$0x1F360] =	vst v63  }
0x200: {  	_ =	swait.ge [sflag:s11], $0x1C00  }
0x201: {  	[sflag:s11] =	ssyncset.done $0x0  }
0x202: {  	[sflag:s11] =	ssyncadd.s32 $0xFFFFE400  }
0x203: {  	[spmem:s3] =	stream.indirect.scatter.add.f32 [tilespmem:s28], [sflag:$0xA], $0x40, s9, s15, $0xb8;
	[tilespmem:$0x1F360] =	vst v63  }
.Ltmp9:
0x204: {  	_ = 	snop;
	(pc) =	sbr.rel .LBB2_11-.Ltmp9, $4  }
0x205: {  	_ =	swait.ge [sflag:s18], $0x1C00  }
0x206: {  	[sflag:s18] =	ssyncset.done $0x0  }
0x207: {  	s20 =	sadd.s32 $0x8C0, s20;
	s9 =	sadd.s32 $0x5B0, s8;
	[sflag:s18] =	ssyncadd.s32 $0xFFFFE400  }
0x208: {  	[tilespmem:s21], [sflag:$0x4] =	stream.indirect.gather [spmem:s1], $0x40, s9, s15, $0xb8;
	[tilespmem:$0x1F360] =	vst v63  }
.LBB2_13:
0x209: {  	_ =	swait.ge [sflag:s11], $0x1C00  }
0x20a: {  	[sflag:s11] =	ssyncset.done $0x0  }
0x20b: {  	[sflag:s11] =	ssyncadd.s32 $0xFFFFE400  }
0x20c: {  	[spmem:s3] =	stream.indirect.scatter.add.f32 [tilespmem:s28], [sflag:$0xA], $0x40, s9, s15, $0xb8;
	[tilespmem:$0x1F360] =	vst v63  }
0x20d: {  	_ =	swait.ge [sflag:s18], $0x1C00  }
0x20e: {  	[sflag:s18] =	ssyncset.done $0x0  }
0x20f: {  	[sflag:s18] =	ssyncadd.s32 $0xFFFFE400  }
0x210: {  	_ =	swait.ge [sflag:s26], $0x1C00  }
0x211: {  	[sflag:s26] =	ssyncset.done $0x0  }
0x212: {  	[sflag:s26] =	ssyncadd.s32 $0xFFFFE400  }
0x213: {  	[bflag:$0x0] =	sbarrier.arrive $0xFFFF  }
0x214: {  	s6 =	rddreg [dreg:$0x7]  }
0x215: {  	s7 =	rddreg [dreg:$0xc]  }
0x216: {  	s0 =	rddreg [dreg:$0xd]  }
0x217: {  	[hbm:s0], [sflag:s6] =	dma.local [spmem:s7], $0x1400  }
0x218: {  	_ =	swait.ge [sflag:s12], $0x1400  }
0x219: {  	[sflag:s12] =	ssyncset.done $0x0  }
0x21a: {  	[sflag:s12] =	ssyncadd.s32 $0xFFFFEC00  }
0x21b: {  	[bflag:$0x0] =	sbarrier.arrive $0xFFFF  }
0x21c: {  	s20 =	rddreg [dreg:$0xb]  }
0x21d: {  	s8 =	rddreg [dreg:$0xe]  }
0x21e: {  	[spmem:s20], [sflag:s6] =	dma.local [hbm:s8], $0x1400  }
0x21f: {  	_ =	swait.ge [sflag:s12], $0x1400  }
0x220: {  	[sflag:s12] =	ssyncset.done $0x0  }
0x221: {  	s8 =	rddreg [dreg:$0x5];
	[sflag:s12] =	ssyncadd.s32 $0xFFFFEC00  }
0x222: {  	[spmem:s7], [sflag:s6] =	dma.local [hbm:s8], $0x1400  }
0x223: {  	_ =	swait.ge [sflag:s12], $0x1400  }
0x224: {  	[sflag:s12] =	ssyncset.done $0x0  }
0x225: {  	[sflag:s12] =	ssyncadd.s32 $0xFFFFEC00  }
0x226: {  	[bflag:$0x0] =	sbarrier.arrive $0xFFFF  }
0x227: {  	s20 =	simm.s32 $0x0;
	s9 =	rddreg [dreg:$0x8]  }
0x228: {  	[tilespmem:s20], [sflag:$0xB] =	stream.linear.gather [hbm4b:s9+s20], $0x13B0, $0x38;
	[tilespmem:$0x1F360] =	vst v63  }
0x229: {  	_ =	swait.ge [sflag:s12], $0x13B0  }
0x22a: {  	[sflag:s12] =	ssyncset.done $0x0  }
0x22b: {  	s6 =	rddreg [dreg:$0x9];
	[sflag:s12] =	ssyncadd.s32 $0xFFFFEC50  }
0x22c: {  	[tilespmem:s14], [sflag:$0xB] =	stream.linear.gather [hbm4b:s6+s20], $0x13B0, $0x38;
	[tilespmem:$0x1F360] =	vst v63  }
0x22d: {  	_ =	swait.ge [sflag:s12], $0x13B0  }
0x22e: {  	[sflag:s12] =	ssyncset.done $0x0  }
0x22f: {  	[sflag:s12] =	ssyncadd.s32 $0xFFFFEC50  }
0x230: {  	[tilespmem:s16], [sflag:$0x1] =	stream.indirect.gather [spmem:s1], $0x40, s20, s15, $0xb8;
	[tilespmem:$0x1F360] =	vst v63  }
0x231: {  	_ = 	snop  }
0x232: {  	[tilespmem:s17], [sflag:$0x2] =	stream.indirect.gather [spmem:s1], $0x40, s15, s15, $0xb8;
	[tilespmem:$0x1F360] =	vst v63  }
0x233: {  	s7 =	simm.s32 $0xE0  }
0x234: {  	[tilespmem:s19], [sflag:$0x3] =	stream.indirect.gather [spmem:s1], $0x40, s7, s15, $0xb8;
	[tilespmem:$0x1F360] =	vst v63  }
0x235: {  	s8 =	simm.s32 $0x150  }
0x236: {  	[tilespmem:s21], [sflag:$0x4] =	stream.indirect.gather [spmem:s1], $0x40, s8, s15, $0xb8;
	[tilespmem:$0x1F360] =	vst v63  }
0x237: {  	_ =	swait.ge [sflag:s25], $0x1C00  }
0x238: {  	[sflag:s25] =	ssyncset.done $0x0  }
0x239: {  	[sflag:s25] =	ssyncadd.s32 $0xFFFFE400  }
0x23a: {  	[spmem:s3] =	stream.indirect.scatter.add.f32 [tilespmem:s16], [sflag:$0x6], $0x40, s14, s15, $0xb8;
	[tilespmem:$0x1F360] =	vst v63  }
0x23b: {  	s9 =	simm.s32 $0x1C0  }
0x23c: {  	[tilespmem:s28], [sflag:$0x5] =	stream.indirect.gather [spmem:s1], $0x40, s9, s15, $0xb8;
	[tilespmem:$0x1F360] =	vst v63  }
0x23d: {  	_ =	swait.ge [sflag:s29], $0x1C00  }
0x23e: {  	[sflag:s29] =	ssyncset.done $0x0  }
0x23f: {  	s6 =	simm.s32 $0x1420;
	[sflag:s29] =	ssyncadd.s32 $0xFFFFE400  }
0x240: {  	[spmem:s3] =	stream.indirect.scatter.add.f32 [tilespmem:s17], [sflag:$0x7], $0x40, s6, s15, $0xb8;
	[tilespmem:$0x1F360] =	vst v63  }
0x241: {  	_ =	swait.ge [sflag:s31], $0x1C00  }
0x242: {  	[sflag:s31] =	ssyncset.done $0x0  }
0x243: {  	s7 =	simm.s32 $0x230;
	[sflag:s31] =	ssyncadd.s32 $0xFFFFE400  }
0x244: {  	[tilespmem:s16], [sflag:$0x1] =	stream.indirect.gather [spmem:s1], $0x40, s7, s15, $0xb8;
	[tilespmem:$0x1F360] =	vst v63  }
0x245: {  	_ =	swait.ge [sflag:s2], $0x1C00  }
0x246: {  	[sflag:s2] =	ssyncset.done $0x0  }
0x247: {  	s8 =	simm.s32 $0x1490;
	[sflag:s2] =	ssyncadd.s32 $0xFFFFE400  }
0x248: {  	[spmem:s3] =	stream.indirect.scatter.add.f32 [tilespmem:s19], [sflag:$0x8], $0x40, s8, s15, $0xb8;
	[tilespmem:$0x1F360] =	vst v63  }
0x249: {  	_ =	swait.ge [sflag:s10], $0x1C00  }
0x24a: {  	[sflag:s10] =	ssyncset.done $0x0  }
0x24b: {  	s9 =	simm.s32 $0x2A0;
	[sflag:s10] =	ssyncadd.s32 $0xFFFFE400  }
0x24c: {  	[tilespmem:s17], [sflag:$0x2] =	stream.indirect.gather [spmem:s1], $0x40, s9, s15, $0xb8;
	[tilespmem:$0x1F360] =	vst v63  }
0x24d: {  	_ =	swait.ge [sflag:s23], $0x1C00  }
0x24e: {  	[sflag:s23] =	ssyncset.done $0x0  }
0x24f: {  	s6 =	simm.s32 $0x1500;
	[sflag:s23] =	ssyncadd.s32 $0xFFFFE400  }
0x250: {  	[spmem:s3] =	stream.indirect.scatter.add.f32 [tilespmem:s21], [sflag:$0x9], $0x40, s6, s15, $0xb8;
	[tilespmem:$0x1F360] =	vst v63  }
0x251: {  	_ =	swait.ge [sflag:s4], $0x1C00  }
0x252: {  	[sflag:s4] =	ssyncset.done $0x0  }
0x253: {  	s7 =	simm.s32 $0x310;
	[sflag:s4] =	ssyncadd.s32 $0xFFFFE400  }
0x254: {  	[tilespmem:s19], [sflag:$0x3] =	stream.indirect.gather [spmem:s1], $0x40, s7, s15, $0xb8;
	[tilespmem:$0x1F360] =	vst v63  }
0x255: {  	_ =	swait.ge [sflag:s11], $0x1C00  }
0x256: {  	[sflag:s11] =	ssyncset.done $0x0  }
0x257: {  	s8 =	simm.s32 $0x1570;
	[sflag:s11] =	ssyncadd.s32 $0xFFFFE400  }
0x258: {  	[spmem:s3] =	stream.indirect.scatter.add.f32 [tilespmem:s28], [sflag:$0xA], $0x40, s8, s15, $0xb8;
	[tilespmem:$0x1F360] =	vst v63  }
0x259: {  	_ =	swait.ge [sflag:s18], $0x1C00  }
0x25a: {  	[sflag:s18] =	ssyncset.done $0x0  }
0x25b: {  	s9 =	simm.s32 $0x380;
	[sflag:s18] =	ssyncadd.s32 $0xFFFFE400  }
0x25c: {  	[tilespmem:s21], [sflag:$0x4] =	stream.indirect.gather [spmem:s1], $0x40, s9, s15, $0xb8;
	[tilespmem:$0x1F360] =	vst v63  }
.LBB2_14:
0x25d: {  	_ =	swait.ge [sflag:s25], $0x1C00  }
0x25e: {  	s8 =	sshra.s32 s20, $0x2;
	[sflag:s25] =	ssyncset.done $0x0  }
0x25f: {  	s0 =	sadd.s32 $0x15E0, s8;
	[sflag:s25] =	ssyncadd.s32 $0xFFFFE400  }
0x260: {  	[spmem:s3] =	stream.indirect.scatter.add.f32 [tilespmem:s16], [sflag:$0x6], $0x40, s0, s15, $0xb8;
	[tilespmem:$0x1F360] =	vst v63  }
0x261: {  	_ =	swait.ge [sflag:s26], $0x1C00  }
0x262: {  	[sflag:s26] =	ssyncset.done $0x0  }
0x263: {  	s6 =	sadd.s32 $0x3F0, s8;
	[sflag:s26] =	ssyncadd.s32 $0xFFFFE400  }
0x264: {  	[tilespmem:s28], [sflag:$0x5] =	stream.indirect.gather [spmem:s1], $0x40, s6, s15, $0xb8;
	[tilespmem:$0x1F360] =	vst v63  }
0x265: {  	_ =	swait.ge [sflag:s29], $0x1C00  }
0x266: {  	[sflag:s29] =	ssyncset.done $0x0  }
0x267: {  	s7 =	sadd.s32 $0x1650, s8;
	[sflag:s29] =	ssyncadd.s32 $0xFFFFE400  }
0x268: {  	[spmem:s3] =	stream.indirect.scatter.add.f32 [tilespmem:s17], [sflag:$0x7], $0x40, s7, s15, $0xb8;
	[tilespmem:$0x1F360] =	vst v63  }
0x269: {  	_ =	swait.ge [sflag:s31], $0x1C00  }
0x26a: {  	p0 =	seq.s32 s20, $0x3D40;
	[sflag:s31] =	ssyncset.done $0x0  }
0x26b: {  	s0 =	simm.s32 @p0 $0x3;
	[sflag:s31] =	ssyncadd.s32 $0xFFFFE400  }
0x26c: {  	_ =	swait.ge @p0 [sflag:s0], $0x1C00  }
0x26d: {  	[sflag:s0] =	ssyncset.done @p0 $0x0  }
0x26e: {  	[sflag:s0] =	ssyncadd.s32 @p0 $0xFFFFE400;
	s0 =	sshra.s32 @p0 s20, $0x2  }
0x26f: {  	s6 =	simm.s32 @p0 $0x70;
	s7 =	simm.s32 @p0 $0x5F60;
	s0 =	sadd.s32 @p0 $0x16C0, s0  }
0x270: {  	[spmem:s3] =	stream.indirect.scatter.add.f32 @p0 [tilespmem:s7], [sflag:$0x8], $0x40, s0, s6, $0xb8;
	[tilespmem:$0x1F360] =	vst v63  }
0x271: {  	s0 =	simm.s32 @p0 $0x7  }
0x272: {  	_ =	swait.ge @p0 [sflag:s0], $0x1C00  }
0x273: {  	[sflag:s0] =	ssyncset.done @p0 $0x0  }
0x274: {  	[sflag:s0] =	ssyncadd.s32 @p0 $0xFFFFE400;
	s0 =	sshra.s32 @!p0 s20, $0x2  }
0x275: {  	s9 =	simm.s32 @!p0 $0x2760;
	s7 =	simm.s32 @!p0 $0x70;
	s6 =	sadd.s32 @!p0 $0x460, s0  }
0x276: {  	[tilespmem:s9], [sflag:$0x1] =	stream.indirect.gather @!p0 [spmem:s1], $0x40, s6, s7, $0xb8;
	[tilespmem:$0x1F360] =	vst v63  }
0x277: {  	s6 =	simm.s32 @!p0 $0x3  }
0x278: {  	_ =	swait.ge @!p0 [sflag:s6], $0x1C00  }
0x279: {  	[sflag:s6] =	ssyncset.done @!p0 $0x0  }
0x27a: {  	s9 =	simm.s32 @!p0 $0x5F60;
	[sflag:s6] =	ssyncadd.s32 @!p0 $0xFFFFE400;
	s6 =	sadd.s32 @!p0 $0x16C0, s0  }
0x27b: {  	[spmem:s3] =	stream.indirect.scatter.add.f32 @!p0 [tilespmem:s9], [sflag:$0x8], $0x40, s6, s7, $0xb8;
	[tilespmem:$0x1F360] =	vst v63  }
0x27c: {  	s6 =	simm.s32 @!p0 $0x7  }
0x27d: {  	_ =	swait.ge @!p0 [sflag:s6], $0x1C00  }
0x27e: {  	[sflag:s6] =	ssyncset.done @!p0 $0x0  }
0x27f: {  	s0 =	sadd.s32 @!p0 $0x4D0, s0;
	[sflag:s6] =	ssyncadd.s32 @!p0 $0xFFFFE400;
	s6 =	simm.s32 @!p0 $0x4360  }
0x280: {  	[tilespmem:s6], [sflag:$0x2] =	stream.indirect.gather @!p0 [spmem:s1], $0x40, s0, s7, $0xb8;
	[tilespmem:$0x1F360] =	vst v63  }
0x281: {  	_ =	swait.ge [sflag:s23], $0x1C00  }
0x282: {  	[sflag:s23] =	ssyncset.done $0x0  }
.Ltmp10:
0x283: {  	s9 =	sadd.s32 $0x1730, s8;
	[sflag:s23] =	ssyncadd.s32 $0xFFFFE400;
	(pc) =	sbr.rel @p0 .LBB2_16-.Ltmp10, $4  }
0x284: {  	[spmem:s3] =	stream.indirect.scatter.add.f32 [tilespmem:s21], [sflag:$0x9], $0x40, s9, s15, $0xb8;
	[tilespmem:$0x1F360] =	vst v63  }
0x285: {  	_ =	swait.ge [sflag:s4], $0x1C00  }
0x286: {  	[sflag:s4] =	ssyncset.done $0x0  }
0x287: {  	s9 =	sadd.s32 $0x17A0, s8;
	[sflag:s4] =	ssyncadd.s32 $0xFFFFE400  }
0x288: {  	s0 =	sadd.s32 $0x540, s8  }
0x289: {  	[tilespmem:s19], [sflag:$0x3] =	stream.indirect.gather [spmem:s1], $0x40, s0, s15, $0xb8;
	[tilespmem:$0x1F360] =	vst v63  }
0x28a: {  	_ =	swait.ge [sflag:s11], $0x1C00  }
0x28b: {  	[sflag:s11] =	ssyncset.done $0x0  }
0x28c: {  	[sflag:s11] =	ssyncadd.s32 $0xFFFFE400  }
0x28d: {  	[spmem:s3] =	stream.indirect.scatter.add.f32 [tilespmem:s28], [sflag:$0xA], $0x40, s9, s15, $0xb8;
	[tilespmem:$0x1F360] =	vst v63  }
.Ltmp11:
0x28e: {  	_ = 	snop;
	(pc) =	sbr.rel .LBB2_14-.Ltmp11, $4  }
0x28f: {  	_ =	swait.ge [sflag:s18], $0x1C00  }
0x290: {  	[sflag:s18] =	ssyncset.done $0x0  }
0x291: {  	s20 =	sadd.s32 $0x8C0, s20;
	s9 =	sadd.s32 $0x5B0, s8;
	[sflag:s18] =	ssyncadd.s32 $0xFFFFE400  }
0x292: {  	[tilespmem:s21], [sflag:$0x4] =	stream.indirect.gather [spmem:s1], $0x40, s9, s15, $0xb8;
	[tilespmem:$0x1F360] =	vst v63  }
.LBB2_16:
0x293: {  	_ =	swait.ge [sflag:s11], $0x1C00  }
0x294: {  	[sflag:s11] =	ssyncset.done $0x0  }
0x295: {  	[sflag:s11] =	ssyncadd.s32 $0xFFFFE400  }
0x296: {  	[spmem:s3] =	stream.indirect.scatter.add.f32 [tilespmem:s28], [sflag:$0xA], $0x40, s9, s15, $0xb8;
	[tilespmem:$0x1F360] =	vst v63  }
0x297: {  	_ =	swait.ge [sflag:s18], $0x1C00  }
0x298: {  	[sflag:s18] =	ssyncset.done $0x0  }
0x299: {  	[sflag:s18] =	ssyncadd.s32 $0xFFFFE400  }
0x29a: {  	_ =	swait.ge [sflag:s26], $0x1C00  }
0x29b: {  	[sflag:s26] =	ssyncset.done $0x0  }
0x29c: {  	s20 =	simm.s32 $0x0;
	s0 =	rddreg [dreg:$0x10];
	[sflag:s26] =	ssyncadd.s32 $0xFFFFE400  }
0x29d: {  	[tilespmem:s20], [sflag:$0xB] =	stream.linear.gather [hbm4b:s0+s20], $0x13B0, $0x38;
	[tilespmem:$0x1F360] =	vst v63  }
0x29e: {  	_ =	swait.ge [sflag:s12], $0x13B0  }
0x29f: {  	[sflag:s12] =	ssyncset.done $0x0  }
0x2a0: {  	s6 =	rddreg [dreg:$0x11];
	[sflag:s12] =	ssyncadd.s32 $0xFFFFEC50  }
0x2a1: {  	[tilespmem:s14], [sflag:$0xB] =	stream.linear.gather [hbm4b:s6+s20], $0x13B0, $0x38;
	[tilespmem:$0x1F360] =	vst v63  }
0x2a2: {  	_ =	swait.ge [sflag:s12], $0x13B0  }
0x2a3: {  	[sflag:s12] =	ssyncset.done $0x0  }
0x2a4: {  	[sflag:s12] =	ssyncadd.s32 $0xFFFFEC50  }
0x2a5: {  	[tilespmem:s16], [sflag:$0x1] =	stream.indirect.gather [spmem:s1], $0x40, s20, s15, $0xb8;
	[tilespmem:$0x1F360] =	vst v63  }
0x2a6: {  	_ = 	snop  }
0x2a7: {  	[tilespmem:s17], [sflag:$0x2] =	stream.indirect.gather [spmem:s1], $0x40, s15, s15, $0xb8;
	[tilespmem:$0x1F360] =	vst v63  }
0x2a8: {  	s7 =	simm.s32 $0xE0  }
0x2a9: {  	[tilespmem:s19], [sflag:$0x3] =	stream.indirect.gather [spmem:s1], $0x40, s7, s15, $0xb8;
	[tilespmem:$0x1F360] =	vst v63  }
0x2aa: {  	s8 =	simm.s32 $0x150  }
0x2ab: {  	[tilespmem:s21], [sflag:$0x4] =	stream.indirect.gather [spmem:s1], $0x40, s8, s15, $0xb8;
	[tilespmem:$0x1F360] =	vst v63  }
0x2ac: {  	_ =	swait.ge [sflag:s25], $0x1C00  }
0x2ad: {  	[sflag:s25] =	ssyncset.done $0x0  }
0x2ae: {  	[sflag:s25] =	ssyncadd.s32 $0xFFFFE400  }
0x2af: {  	[spmem:s3] =	stream.indirect.scatter.add.f32 [tilespmem:s16], [sflag:$0x6], $0x40, s14, s15, $0xb8;
	[tilespmem:$0x1F360] =	vst v63  }
0x2b0: {  	s9 =	simm.s32 $0x1C0  }
0x2b1: {  	[tilespmem:s28], [sflag:$0x5] =	stream.indirect.gather [spmem:s1], $0x40, s9, s15, $0xb8;
	[tilespmem:$0x1F360] =	vst v63  }
0x2b2: {  	_ =	swait.ge [sflag:s29], $0x1C00  }
0x2b3: {  	[sflag:s29] =	ssyncset.done $0x0  }
0x2b4: {  	s6 =	simm.s32 $0x1420;
	[sflag:s29] =	ssyncadd.s32 $0xFFFFE400  }
0x2b5: {  	[spmem:s3] =	stream.indirect.scatter.add.f32 [tilespmem:s17], [sflag:$0x7], $0x40, s6, s15, $0xb8;
	[tilespmem:$0x1F360] =	vst v63  }
0x2b6: {  	_ =	swait.ge [sflag:s31], $0x1C00  }
0x2b7: {  	[sflag:s31] =	ssyncset.done $0x0  }
0x2b8: {  	s7 =	simm.s32 $0x230;
	[sflag:s31] =	ssyncadd.s32 $0xFFFFE400  }
0x2b9: {  	[tilespmem:s16], [sflag:$0x1] =	stream.indirect.gather [spmem:s1], $0x40, s7, s15, $0xb8;
	[tilespmem:$0x1F360] =	vst v63  }
0x2ba: {  	_ =	swait.ge [sflag:s2], $0x1C00  }
0x2bb: {  	[sflag:s2] =	ssyncset.done $0x0  }
0x2bc: {  	s8 =	simm.s32 $0x1490;
	[sflag:s2] =	ssyncadd.s32 $0xFFFFE400  }
0x2bd: {  	[spmem:s3] =	stream.indirect.scatter.add.f32 [tilespmem:s19], [sflag:$0x8], $0x40, s8, s15, $0xb8;
	[tilespmem:$0x1F360] =	vst v63  }
0x2be: {  	_ =	swait.ge [sflag:s10], $0x1C00  }
0x2bf: {  	[sflag:s10] =	ssyncset.done $0x0  }
0x2c0: {  	s9 =	simm.s32 $0x2A0;
	[sflag:s10] =	ssyncadd.s32 $0xFFFFE400  }
0x2c1: {  	[tilespmem:s17], [sflag:$0x2] =	stream.indirect.gather [spmem:s1], $0x40, s9, s15, $0xb8;
	[tilespmem:$0x1F360] =	vst v63  }
0x2c2: {  	_ =	swait.ge [sflag:s23], $0x1C00  }
0x2c3: {  	[sflag:s23] =	ssyncset.done $0x0  }
0x2c4: {  	s6 =	simm.s32 $0x1500;
	[sflag:s23] =	ssyncadd.s32 $0xFFFFE400  }
0x2c5: {  	[spmem:s3] =	stream.indirect.scatter.add.f32 [tilespmem:s21], [sflag:$0x9], $0x40, s6, s15, $0xb8;
	[tilespmem:$0x1F360] =	vst v63  }
0x2c6: {  	_ =	swait.ge [sflag:s4], $0x1C00  }
0x2c7: {  	[sflag:s4] =	ssyncset.done $0x0  }
0x2c8: {  	s7 =	simm.s32 $0x310;
	[sflag:s4] =	ssyncadd.s32 $0xFFFFE400  }
0x2c9: {  	[tilespmem:s19], [sflag:$0x3] =	stream.indirect.gather [spmem:s1], $0x40, s7, s15, $0xb8;
	[tilespmem:$0x1F360] =	vst v63  }
0x2ca: {  	_ =	swait.ge [sflag:s11], $0x1C00  }
0x2cb: {  	[sflag:s11] =	ssyncset.done $0x0  }
0x2cc: {  	s8 =	simm.s32 $0x1570;
	[sflag:s11] =	ssyncadd.s32 $0xFFFFE400  }
0x2cd: {  	[spmem:s3] =	stream.indirect.scatter.add.f32 [tilespmem:s28], [sflag:$0xA], $0x40, s8, s15, $0xb8;
	[tilespmem:$0x1F360] =	vst v63  }
0x2ce: {  	_ =	swait.ge [sflag:s18], $0x1C00  }
0x2cf: {  	[sflag:s18] =	ssyncset.done $0x0  }
0x2d0: {  	s9 =	simm.s32 $0x380;
	[sflag:s18] =	ssyncadd.s32 $0xFFFFE400  }
0x2d1: {  	[tilespmem:s21], [sflag:$0x4] =	stream.indirect.gather [spmem:s1], $0x40, s9, s15, $0xb8;
	[tilespmem:$0x1F360] =	vst v63  }
.LBB2_17:
0x2d2: {  	_ =	swait.ge [sflag:s25], $0x1C00  }
0x2d3: {  	s0 =	sshra.s32 s20, $0x2;
	[sflag:s25] =	ssyncset.done $0x0  }
0x2d4: {  	s6 =	sadd.s32 $0x15E0, s0;
	[sflag:s25] =	ssyncadd.s32 $0xFFFFE400  }
0x2d5: {  	[spmem:s3] =	stream.indirect.scatter.add.f32 [tilespmem:s16], [sflag:$0x6], $0x40, s6, s15, $0xb8;
	[tilespmem:$0x1F360] =	vst v63  }
0x2d6: {  	_ =	swait.ge [sflag:s26], $0x1C00  }
0x2d7: {  	[sflag:s26] =	ssyncset.done $0x0  }
0x2d8: {  	s7 =	sadd.s32 $0x3F0, s0;
	[sflag:s26] =	ssyncadd.s32 $0xFFFFE400  }
0x2d9: {  	[tilespmem:s28], [sflag:$0x5] =	stream.indirect.gather [spmem:s1], $0x40, s7, s15, $0xb8;
	[tilespmem:$0x1F360] =	vst v63  }
0x2da: {  	_ =	swait.ge [sflag:s29], $0x1C00  }
0x2db: {  	[sflag:s29] =	ssyncset.done $0x0  }
0x2dc: {  	s8 =	sadd.s32 $0x1650, s0;
	[sflag:s29] =	ssyncadd.s32 $0xFFFFE400  }
0x2dd: {  	[spmem:s3] =	stream.indirect.scatter.add.f32 [tilespmem:s17], [sflag:$0x7], $0x40, s8, s15, $0xb8;
	[tilespmem:$0x1F360] =	vst v63  }
0x2de: {  	_ =	swait.ge [sflag:s31], $0x1C00  }
0x2df: {  	p0 =	seq.s32 s20, $0x3D40;
	[sflag:s31] =	ssyncset.done $0x0  }
0x2e0: {  	s6 =	simm.s32 @p0 $0x3;
	[sflag:s31] =	ssyncadd.s32 $0xFFFFE400  }
0x2e1: {  	_ =	swait.ge @p0 [sflag:s6], $0x1C00  }
0x2e2: {  	[sflag:s6] =	ssyncset.done @p0 $0x0  }
0x2e3: {  	[sflag:s6] =	ssyncadd.s32 @p0 $0xFFFFE400;
	s6 =	sshra.s32 @p0 s20, $0x2  }
0x2e4: {  	s7 =	simm.s32 @p0 $0x70;
	s8 =	simm.s32 @p0 $0x5F60;
	s6 =	sadd.s32 @p0 $0x16C0, s6  }
0x2e5: {  	[spmem:s3] =	stream.indirect.scatter.add.f32 @p0 [tilespmem:s8], [sflag:$0x8], $0x40, s6, s7, $0xb8;
	[tilespmem:$0x1F360] =	vst v63  }
0x2e6: {  	s6 =	simm.s32 @p0 $0x7  }
0x2e7: {  	_ =	swait.ge @p0 [sflag:s6], $0x1C00  }
0x2e8: {  	[sflag:s6] =	ssyncset.done @p0 $0x0  }
0x2e9: {  	[sflag:s6] =	ssyncadd.s32 @p0 $0xFFFFE400;
	s6 =	sshra.s32 @!p0 s20, $0x2  }
0x2ea: {  	s9 =	simm.s32 @!p0 $0x2760;
	s8 =	simm.s32 @!p0 $0x70;
	s7 =	sadd.s32 @!p0 $0x460, s6  }
0x2eb: {  	[tilespmem:s9], [sflag:$0x1] =	stream.indirect.gather @!p0 [spmem:s1], $0x40, s7, s8, $0xb8;
	[tilespmem:$0x1F360] =	vst v63  }
0x2ec: {  	s7 =	simm.s32 @!p0 $0x3  }
0x2ed: {  	_ =	swait.ge @!p0 [sflag:s7], $0x1C00  }
0x2ee: {  	[sflag:s7] =	ssyncset.done @!p0 $0x0  }
0x2ef: {  	s9 =	simm.s32 @!p0 $0x5F60;
	[sflag:s7] =	ssyncadd.s32 @!p0 $0xFFFFE400;
	s7 =	sadd.s32 @!p0 $0x16C0, s6  }
0x2f0: {  	[spmem:s3] =	stream.indirect.scatter.add.f32 @!p0 [tilespmem:s9], [sflag:$0x8], $0x40, s7, s8, $0xb8;
	[tilespmem:$0x1F360] =	vst v63  }
0x2f1: {  	s7 =	simm.s32 @!p0 $0x7  }
0x2f2: {  	_ =	swait.ge @!p0 [sflag:s7], $0x1C00  }
0x2f3: {  	[sflag:s7] =	ssyncset.done @!p0 $0x0  }
0x2f4: {  	s6 =	sadd.s32 @!p0 $0x4D0, s6;
	[sflag:s7] =	ssyncadd.s32 @!p0 $0xFFFFE400;
	s7 =	simm.s32 @!p0 $0x4360  }
0x2f5: {  	[tilespmem:s7], [sflag:$0x2] =	stream.indirect.gather @!p0 [spmem:s1], $0x40, s6, s8, $0xb8;
	[tilespmem:$0x1F360] =	vst v63  }
0x2f6: {  	_ =	swait.ge [sflag:s23], $0x1C00  }
0x2f7: {  	[sflag:s23] =	ssyncset.done $0x0  }
.Ltmp12:
0x2f8: {  	s9 =	sadd.s32 $0x1730, s0;
	[sflag:s23] =	ssyncadd.s32 $0xFFFFE400;
	(pc) =	sbr.rel @p0 .LBB2_19-.Ltmp12, $4  }
0x2f9: {  	[spmem:s3] =	stream.indirect.scatter.add.f32 [tilespmem:s21], [sflag:$0x9], $0x40, s9, s15, $0xb8;
	[tilespmem:$0x1F360] =	vst v63  }
0x2fa: {  	_ =	swait.ge [sflag:s4], $0x1C00  }
0x2fb: {  	[sflag:s4] =	ssyncset.done $0x0  }
0x2fc: {  	s6 =	sadd.s32 $0x17A0, s0;
	[sflag:s4] =	ssyncadd.s32 $0xFFFFE400  }
0x2fd: {  	s7 =	sadd.s32 $0x540, s0  }
0x2fe: {  	[tilespmem:s19], [sflag:$0x3] =	stream.indirect.gather [spmem:s1], $0x40, s7, s15, $0xb8;
	[tilespmem:$0x1F360] =	vst v63  }
0x2ff: {  	_ =	swait.ge [sflag:s11], $0x1C00  }
0x300: {  	[sflag:s11] =	ssyncset.done $0x0  }
0x301: {  	[sflag:s11] =	ssyncadd.s32 $0xFFFFE400  }
0x302: {  	[spmem:s3] =	stream.indirect.scatter.add.f32 [tilespmem:s28], [sflag:$0xA], $0x40, s6, s15, $0xb8;
	[tilespmem:$0x1F360] =	vst v63  }
.Ltmp13:
0x303: {  	_ = 	snop;
	(pc) =	sbr.rel .LBB2_17-.Ltmp13, $4  }
0x304: {  	_ =	swait.ge [sflag:s18], $0x1C00  }
0x305: {  	[sflag:s18] =	ssyncset.done $0x0  }
0x306: {  	s9 =	sadd.s32 $0x5B0, s0;
	s20 =	sadd.s32 $0x8C0, s20;
	[sflag:s18] =	ssyncadd.s32 $0xFFFFE400  }
0x307: {  	[tilespmem:s21], [sflag:$0x4] =	stream.indirect.gather [spmem:s1], $0x40, s9, s15, $0xb8;
	[tilespmem:$0x1F360] =	vst v63  }
.LBB2_19:
0x308: {  	_ =	swait.ge [sflag:s11], $0x1C00  }
0x309: {  	[sflag:s11] =	ssyncset.done $0x0  }
0x30a: {  	[sflag:s11] =	ssyncadd.s32 $0xFFFFE400  }
0x30b: {  	[spmem:s3] =	stream.indirect.scatter.add.f32 [tilespmem:s28], [sflag:$0xA], $0x40, s6, s15, $0xb8;
	[tilespmem:$0x1F360] =	vst v63  }
0x30c: {  	_ =	swait.ge [sflag:s18], $0x1C00  }
0x30d: {  	[sflag:s18] =	ssyncset.done $0x0  }
0x30e: {  	[sflag:s18] =	ssyncadd.s32 $0xFFFFE400  }
0x30f: {  	_ =	swait.ge [sflag:s26], $0x1C00  }
0x310: {  	[sflag:s26] =	ssyncset.done $0x0  }
0x311: {  	s0 =	simm.s32 $0x0;
	[sflag:s26] =	ssyncadd.s32 $0xFFFFE400  }
0x312: {  	[tilespmem:s0], [sflag:$0xB] =	stream.linear.gather [hbm4b:s22+s0], $0x13B0, $0x38;
	[tilespmem:$0x1F360] =	vst v63  }
0x313: {  	_ =	swait.ge [sflag:s12], $0x13B0  }
0x314: {  	[sflag:s12] =	ssyncset.done $0x0  }
0x315: {  	[sflag:s12] =	ssyncadd.s32 $0xFFFFEC50  }
0x316: {  	[tilespmem:s14], [sflag:$0xB] =	stream.linear.gather [hbm4b:s24+s0], $0x13B0, $0x38;
	[tilespmem:$0x1F360] =	vst v63  }
0x317: {  	_ =	swait.ge [sflag:s12], $0x13B0  }
0x318: {  	[sflag:s12] =	ssyncset.done $0x0  }
0x319: {  	[sflag:s12] =	ssyncadd.s32 $0xFFFFEC50  }
0x31a: {  	[tilespmem:s16], [sflag:$0x1] =	stream.indirect.gather [spmem:s1], $0x40, s0, s15, $0xb8;
	[tilespmem:$0x1F360] =	vst v63  }
0x31b: {  	_ = 	snop  }
0x31c: {  	[tilespmem:s17], [sflag:$0x2] =	stream.indirect.gather [spmem:s1], $0x40, s15, s15, $0xb8;
	[tilespmem:$0x1F360] =	vst v63  }
0x31d: {  	s8 =	simm.s32 $0xE0  }
0x31e: {  	[tilespmem:s19], [sflag:$0x3] =	stream.indirect.gather [spmem:s1], $0x40, s8, s15, $0xb8;
	[tilespmem:$0x1F360] =	vst v63  }
0x31f: {  	s9 =	simm.s32 $0x150  }
0x320: {  	[tilespmem:s21], [sflag:$0x4] =	stream.indirect.gather [spmem:s1], $0x40, s9, s15, $0xb8;
	[tilespmem:$0x1F360] =	vst v63  }
0x321: {  	_ =	swait.ge [sflag:s25], $0x1C00  }
0x322: {  	[sflag:s25] =	ssyncset.done $0x0  }
0x323: {  	[sflag:s25] =	ssyncadd.s32 $0xFFFFE400  }
0x324: {  	[spmem:s3] =	stream.indirect.scatter.add.f32 [tilespmem:s16], [sflag:$0x6], $0x40, s14, s15, $0xb8;
	[tilespmem:$0x1F360] =	vst v63  }
0x325: {  	s20 =	simm.s32 $0x1C0  }
0x326: {  	[tilespmem:s28], [sflag:$0x5] =	stream.indirect.gather [spmem:s1], $0x40, s20, s15, $0xb8;
	[tilespmem:$0x1F360] =	vst v63  }
0x327: {  	_ =	swait.ge [sflag:s29], $0x1C00  }
0x328: {  	[sflag:s29] =	ssyncset.done $0x0  }
0x329: {  	s22 =	simm.s32 $0x1420;
	[sflag:s29] =	ssyncadd.s32 $0xFFFFE400  }
0x32a: {  	[spmem:s3] =	stream.indirect.scatter.add.f32 [tilespmem:s17], [sflag:$0x7], $0x40, s22, s15, $0xb8;
	[tilespmem:$0x1F360] =	vst v63  }
0x32b: {  	_ =	swait.ge [sflag:s31], $0x1C00  }
0x32c: {  	[sflag:s31] =	ssyncset.done $0x0  }
0x32d: {  	s24 =	simm.s32 $0x230;
	[sflag:s31] =	ssyncadd.s32 $0xFFFFE400  }
0x32e: {  	[tilespmem:s16], [sflag:$0x1] =	stream.indirect.gather [spmem:s1], $0x40, s24, s15, $0xb8;
	[tilespmem:$0x1F360] =	vst v63  }
0x32f: {  	_ =	swait.ge [sflag:s2], $0x1C00  }
0x330: {  	[sflag:s2] =	ssyncset.done $0x0  }
0x331: {  	s7 =	simm.s32 $0x1490;
	[sflag:s2] =	ssyncadd.s32 $0xFFFFE400  }
0x332: {  	[spmem:s3] =	stream.indirect.scatter.add.f32 [tilespmem:s19], [sflag:$0x8], $0x40, s7, s15, $0xb8;
	[tilespmem:$0x1F360] =	vst v63  }
0x333: {  	_ =	swait.ge [sflag:s10], $0x1C00  }
0x334: {  	[sflag:s10] =	ssyncset.done $0x0  }
0x335: {  	s8 =	simm.s32 $0x2A0;
	[sflag:s10] =	ssyncadd.s32 $0xFFFFE400  }
0x336: {  	[tilespmem:s17], [sflag:$0x2] =	stream.indirect.gather [spmem:s1], $0x40, s8, s15, $0xb8;
	[tilespmem:$0x1F360] =	vst v63  }
0x337: {  	_ =	swait.ge [sflag:s23], $0x1C00  }
0x338: {  	[sflag:s23] =	ssyncset.done $0x0  }
0x339: {  	s9 =	simm.s32 $0x1500;
	[sflag:s23] =	ssyncadd.s32 $0xFFFFE400  }
0x33a: {  	[spmem:s3] =	stream.indirect.scatter.add.f32 [tilespmem:s21], [sflag:$0x9], $0x40, s9, s15, $0xb8;
	[tilespmem:$0x1F360] =	vst v63  }
0x33b: {  	_ =	swait.ge [sflag:s4], $0x1C00  }
0x33c: {  	[sflag:s4] =	ssyncset.done $0x0  }
0x33d: {  	s20 =	simm.s32 $0x310;
	[sflag:s4] =	ssyncadd.s32 $0xFFFFE400  }
0x33e: {  	[tilespmem:s19], [sflag:$0x3] =	stream.indirect.gather [spmem:s1], $0x40, s20, s15, $0xb8;
	[tilespmem:$0x1F360] =	vst v63  }
0x33f: {  	_ =	swait.ge [sflag:s11], $0x1C00  }
0x340: {  	[sflag:s11] =	ssyncset.done $0x0  }
0x341: {  	s22 =	simm.s32 $0x1570;
	[sflag:s11] =	ssyncadd.s32 $0xFFFFE400  }
0x342: {  	[spmem:s3] =	stream.indirect.scatter.add.f32 [tilespmem:s28], [sflag:$0xA], $0x40, s22, s15, $0xb8;
	[tilespmem:$0x1F360] =	vst v63  }
0x343: {  	_ =	swait.ge [sflag:s18], $0x1C00  }
0x344: {  	[sflag:s18] =	ssyncset.done $0x0  }
0x345: {  	s24 =	simm.s32 $0x380;
	[sflag:s18] =	ssyncadd.s32 $0xFFFFE400  }
0x346: {  	[tilespmem:s21], [sflag:$0x4] =	stream.indirect.gather [spmem:s1], $0x40, s24, s15, $0xb8;
	[tilespmem:$0x1F360] =	vst v63  }
.LBB2_20:
0x347: {  	_ =	swait.ge [sflag:s25], $0x1C00  }
0x348: {  	s6 =	sshra.s32 s0, $0x2;
	[sflag:s25] =	ssyncset.done $0x0  }
0x349: {  	s7 =	sadd.s32 $0x15E0, s6;
	[sflag:s25] =	ssyncadd.s32 $0xFFFFE400  }
0x34a: {  	[spmem:s3] =	stream.indirect.scatter.add.f32 [tilespmem:s16], [sflag:$0x6], $0x40, s7, s15, $0xb8;
	[tilespmem:$0x1F360] =	vst v63  }
0x34b: {  	_ =	swait.ge [sflag:s26], $0x1C00  }
0x34c: {  	[sflag:s26] =	ssyncset.done $0x0  }
0x34d: {  	s20 =	sadd.s32 $0x3F0, s6;
	[sflag:s26] =	ssyncadd.s32 $0xFFFFE400  }
0x34e: {  	[tilespmem:s28], [sflag:$0x5] =	stream.indirect.gather [spmem:s1], $0x40, s20, s15, $0xb8;
	[tilespmem:$0x1F360] =	vst v63  }
0x34f: {  	_ =	swait.ge [sflag:s29], $0x1C00  }
0x350: {  	[sflag:s29] =	ssyncset.done $0x0  }
0x351: {  	s22 =	sadd.s32 $0x1650, s6;
	[sflag:s29] =	ssyncadd.s32 $0xFFFFE400  }
0x352: {  	[spmem:s3] =	stream.indirect.scatter.add.f32 [tilespmem:s17], [sflag:$0x7], $0x40, s22, s15, $0xb8;
	[tilespmem:$0x1F360] =	vst v63  }
0x353: {  	_ =	swait.ge [sflag:s31], $0x1C00  }
0x354: {  	p0 =	seq.s32 s0, $0x3D40;
	[sflag:s31] =	ssyncset.done $0x0  }
0x355: {  	s7 =	simm.s32 @p0 $0x3;
	[sflag:s31] =	ssyncadd.s32 $0xFFFFE400  }
0x356: {  	_ =	swait.ge @p0 [sflag:s7], $0x1C00  }
0x357: {  	[sflag:s7] =	ssyncset.done @p0 $0x0  }
0x358: {  	[sflag:s7] =	ssyncadd.s32 @p0 $0xFFFFE400;
	s7 =	sshra.s32 @p0 s0, $0x2  }
0x359: {  	s8 =	simm.s32 @p0 $0x70;
	s9 =	simm.s32 @p0 $0x5F60;
	s7 =	sadd.s32 @p0 $0x16C0, s7  }
0x35a: {  	[spmem:s3] =	stream.indirect.scatter.add.f32 @p0 [tilespmem:s9], [sflag:$0x8], $0x40, s7, s8, $0xb8;
	[tilespmem:$0x1F360] =	vst v63  }
0x35b: {  	s7 =	simm.s32 @p0 $0x7  }
0x35c: {  	_ =	swait.ge @p0 [sflag:s7], $0x1C00  }
0x35d: {  	[sflag:s7] =	ssyncset.done @p0 $0x0  }
0x35e: {  	[sflag:s7] =	ssyncadd.s32 @p0 $0xFFFFE400;
	s7 =	sshra.s32 @!p0 s0, $0x2  }
0x35f: {  	s20 =	simm.s32 @!p0 $0x2760;
	s9 =	simm.s32 @!p0 $0x70;
	s8 =	sadd.s32 @!p0 $0x460, s7  }
0x360: {  	[tilespmem:s20], [sflag:$0x1] =	stream.indirect.gather @!p0 [spmem:s1], $0x40, s8, s9, $0xb8;
	[tilespmem:$0x1F360] =	vst v63  }
0x361: {  	s8 =	simm.s32 @!p0 $0x3  }
0x362: {  	_ =	swait.ge @!p0 [sflag:s8], $0x1C00  }
0x363: {  	[sflag:s8] =	ssyncset.done @!p0 $0x0  }
0x364: {  	s20 =	simm.s32 @!p0 $0x5F60;
	[sflag:s8] =	ssyncadd.s32 @!p0 $0xFFFFE400;
	s8 =	sadd.s32 @!p0 $0x16C0, s7  }
0x365: {  	[spmem:s3] =	stream.indirect.scatter.add.f32 @!p0 [tilespmem:s20], [sflag:$0x8], $0x40, s8, s9, $0xb8;
	[tilespmem:$0x1F360] =	vst v63  }
0x366: {  	s8 =	simm.s32 @!p0 $0x7  }
0x367: {  	_ =	swait.ge @!p0 [sflag:s8], $0x1C00  }
0x368: {  	[sflag:s8] =	ssyncset.done @!p0 $0x0  }
0x369: {  	s7 =	sadd.s32 @!p0 $0x4D0, s7;
	[sflag:s8] =	ssyncadd.s32 @!p0 $0xFFFFE400;
	s8 =	simm.s32 @!p0 $0x4360  }
0x36a: {  	[tilespmem:s8], [sflag:$0x2] =	stream.indirect.gather @!p0 [spmem:s1], $0x40, s7, s9, $0xb8;
	[tilespmem:$0x1F360] =	vst v63  }
0x36b: {  	_ =	swait.ge [sflag:s23], $0x1C00  }
0x36c: {  	[sflag:s23] =	ssyncset.done $0x0  }
.Ltmp14:
0x36d: {  	s24 =	sadd.s32 $0x1730, s6;
	[sflag:s23] =	ssyncadd.s32 $0xFFFFE400;
	(pc) =	sbr.rel @p0 .LBB2_22-.Ltmp14, $4  }
0x36e: {  	[spmem:s3] =	stream.indirect.scatter.add.f32 [tilespmem:s21], [sflag:$0x9], $0x40, s24, s15, $0xb8;
	[tilespmem:$0x1F360] =	vst v63  }
0x36f: {  	_ =	swait.ge [sflag:s4], $0x1C00  }
0x370: {  	[sflag:s4] =	ssyncset.done $0x0  }
0x371: {  	s8 =	sadd.s32 $0x17A0, s6;
	[sflag:s4] =	ssyncadd.s32 $0xFFFFE400  }
0x372: {  	s7 =	sadd.s32 $0x540, s6  }
0x373: {  	[tilespmem:s19], [sflag:$0x3] =	stream.indirect.gather [spmem:s1], $0x40, s7, s15, $0xb8;
	[tilespmem:$0x1F360] =	vst v63  }
0x374: {  	_ =	swait.ge [sflag:s11], $0x1C00  }
0x375: {  	[sflag:s11] =	ssyncset.done $0x0  }
0x376: {  	[sflag:s11] =	ssyncadd.s32 $0xFFFFE400  }
0x377: {  	[spmem:s3] =	stream.indirect.scatter.add.f32 [tilespmem:s28], [sflag:$0xA], $0x40, s8, s15, $0xb8;
	[tilespmem:$0x1F360] =	vst v63  }
.Ltmp15:
0x378: {  	_ = 	snop;
	(pc) =	sbr.rel .LBB2_20-.Ltmp15, $4  }
0x379: {  	_ =	swait.ge [sflag:s18], $0x1C00  }
0x37a: {  	[sflag:s18] =	ssyncset.done $0x0  }
0x37b: {  	s24 =	sadd.s32 $0x5B0, s6;
	s0 =	sadd.s32 $0x8C0, s0;
	[sflag:s18] =	ssyncadd.s32 $0xFFFFE400  }
0x37c: {  	[tilespmem:s21], [sflag:$0x4] =	stream.indirect.gather [spmem:s1], $0x40, s24, s15, $0xb8;
	[tilespmem:$0x1F360] =	vst v63  }
.LBB2_22:
0x37d: {  	_ =	swait.ge [sflag:s11], $0x1C00  }
0x37e: {  	[sflag:s11] =	ssyncset.done $0x0  }
0x37f: {  	[sflag:s11] =	ssyncadd.s32 $0xFFFFE400  }
0x380: {  	[spmem:s3] =	stream.indirect.scatter.add.f32 [tilespmem:s28], [sflag:$0xA], $0x40, s8, s15, $0xb8;
	[tilespmem:$0x1F360] =	vst v63  }
0x381: {  	_ =	swait.ge [sflag:s18], $0x1C00  }
0x382: {  	[sflag:s18] =	ssyncset.done $0x0  }
0x383: {  	[sflag:s18] =	ssyncadd.s32 $0xFFFFE400  }
0x384: {  	_ =	swait.ge [sflag:s26], $0x1C00  }
0x385: {  	[sflag:s26] =	ssyncset.done $0x0  }
0x386: {  	s0 =	simm.s32 $0x0;
	[sflag:s26] =	ssyncadd.s32 $0xFFFFE400  }
0x387: {  	[tilespmem:s0], [sflag:$0xB] =	stream.linear.gather [hbm4b:s5+s0], $0x13B0, $0x38;
	[tilespmem:$0x1F360] =	vst v63  }
0x388: {  	_ =	swait.ge [sflag:s12], $0x13B0  }
0x389: {  	[sflag:s12] =	ssyncset.done $0x0  }
0x38a: {  	[sflag:s12] =	ssyncadd.s32 $0xFFFFEC50  }
0x38b: {  	[tilespmem:s14], [sflag:$0xB] =	stream.linear.gather [hbm4b:s13+s0], $0x13B0, $0x38;
	[tilespmem:$0x1F360] =	vst v63  }
0x38c: {  	_ =	swait.ge [sflag:s12], $0x13B0  }
0x38d: {  	[sflag:s12] =	ssyncset.done $0x0  }
0x38e: {  	[sflag:s12] =	ssyncadd.s32 $0xFFFFEC50  }
0x38f: {  	[tilespmem:s16], [sflag:$0x1] =	stream.indirect.gather [spmem:s1], $0x40, s0, s15, $0xb8;
	[tilespmem:$0x1F360] =	vst v63  }
0x390: {  	_ = 	snop  }
0x391: {  	[tilespmem:s17], [sflag:$0x2] =	stream.indirect.gather [spmem:s1], $0x40, s15, s15, $0xb8;
	[tilespmem:$0x1F360] =	vst v63  }
0x392: {  	s20 =	simm.s32 $0xE0  }
0x393: {  	[tilespmem:s19], [sflag:$0x3] =	stream.indirect.gather [spmem:s1], $0x40, s20, s15, $0xb8;
	[tilespmem:$0x1F360] =	vst v63  }
0x394: {  	s22 =	simm.s32 $0x150  }
0x395: {  	[tilespmem:s21], [sflag:$0x4] =	stream.indirect.gather [spmem:s1], $0x40, s22, s15, $0xb8;
	[tilespmem:$0x1F360] =	vst v63  }
0x396: {  	_ =	swait.ge [sflag:s25], $0x1C00  }
0x397: {  	[sflag:s25] =	ssyncset.done $0x0  }
0x398: {  	[sflag:s25] =	ssyncadd.s32 $0xFFFFE400  }
0x399: {  	[spmem:s3] =	stream.indirect.scatter.add.f32 [tilespmem:s16], [sflag:$0x6], $0x40, s14, s15, $0xb8;
	[tilespmem:$0x1F360] =	vst v63  }
0x39a: {  	s24 =	simm.s32 $0x1C0  }
0x39b: {  	[tilespmem:s28], [sflag:$0x5] =	stream.indirect.gather [spmem:s1], $0x40, s24, s15, $0xb8;
	[tilespmem:$0x1F360] =	vst v63  }
0x39c: {  	_ =	swait.ge [sflag:s29], $0x1C00  }
0x39d: {  	[sflag:s29] =	ssyncset.done $0x0  }
0x39e: {  	s6 =	simm.s32 $0x1420;
	[sflag:s29] =	ssyncadd.s32 $0xFFFFE400  }
0x39f: {  	[spmem:s3] =	stream.indirect.scatter.add.f32 [tilespmem:s17], [sflag:$0x7], $0x40, s6, s15, $0xb8;
	[tilespmem:$0x1F360] =	vst v63  }
0x3a0: {  	_ =	swait.ge [sflag:s31], $0x1C00  }
0x3a1: {  	[sflag:s31] =	ssyncset.done $0x0  }
0x3a2: {  	s7 =	simm.s32 $0x230;
	[sflag:s31] =	ssyncadd.s32 $0xFFFFE400  }
0x3a3: {  	[tilespmem:s16], [sflag:$0x1] =	stream.indirect.gather [spmem:s1], $0x40, s7, s15, $0xb8;
	[tilespmem:$0x1F360] =	vst v63  }
0x3a4: {  	_ =	swait.ge [sflag:s2], $0x1C00  }
0x3a5: {  	[sflag:s2] =	ssyncset.done $0x0  }
0x3a6: {  	s8 =	simm.s32 $0x1490;
	[sflag:s2] =	ssyncadd.s32 $0xFFFFE400  }
0x3a7: {  	[spmem:s3] =	stream.indirect.scatter.add.f32 [tilespmem:s19], [sflag:$0x8], $0x40, s8, s15, $0xb8;
	[tilespmem:$0x1F360] =	vst v63  }
0x3a8: {  	_ =	swait.ge [sflag:s10], $0x1C00  }
0x3a9: {  	[sflag:s10] =	ssyncset.done $0x0  }
0x3aa: {  	s9 =	simm.s32 $0x2A0;
	[sflag:s10] =	ssyncadd.s32 $0xFFFFE400  }
0x3ab: {  	[tilespmem:s17], [sflag:$0x2] =	stream.indirect.gather [spmem:s1], $0x40, s9, s15, $0xb8;
	[tilespmem:$0x1F360] =	vst v63  }
0x3ac: {  	_ =	swait.ge [sflag:s23], $0x1C00  }
0x3ad: {  	[sflag:s23] =	ssyncset.done $0x0  }
0x3ae: {  	s13 =	simm.s32 $0x1500;
	[sflag:s23] =	ssyncadd.s32 $0xFFFFE400  }
0x3af: {  	[spmem:s3] =	stream.indirect.scatter.add.f32 [tilespmem:s21], [sflag:$0x9], $0x40, s13, s15, $0xb8;
	[tilespmem:$0x1F360] =	vst v63  }
0x3b0: {  	_ =	swait.ge [sflag:s4], $0x1C00  }
0x3b1: {  	[sflag:s4] =	ssyncset.done $0x0  }
0x3b2: {  	s20 =	simm.s32 $0x310;
	[sflag:s4] =	ssyncadd.s32 $0xFFFFE400  }
0x3b3: {  	[tilespmem:s19], [sflag:$0x3] =	stream.indirect.gather [spmem:s1], $0x40, s20, s15, $0xb8;
	[tilespmem:$0x1F360] =	vst v63  }
0x3b4: {  	_ =	swait.ge [sflag:s11], $0x1C00  }
0x3b5: {  	[sflag:s11] =	ssyncset.done $0x0  }
0x3b6: {  	s22 =	simm.s32 $0x1570;
	[sflag:s11] =	ssyncadd.s32 $0xFFFFE400  }
0x3b7: {  	[spmem:s3] =	stream.indirect.scatter.add.f32 [tilespmem:s28], [sflag:$0xA], $0x40, s22, s15, $0xb8;
	[tilespmem:$0x1F360] =	vst v63  }
0x3b8: {  	_ =	swait.ge [sflag:s18], $0x1C00  }
0x3b9: {  	[sflag:s18] =	ssyncset.done $0x0  }
0x3ba: {  	s24 =	simm.s32 $0x380;
	[sflag:s18] =	ssyncadd.s32 $0xFFFFE400  }
0x3bb: {  	[tilespmem:s21], [sflag:$0x4] =	stream.indirect.gather [spmem:s1], $0x40, s24, s15, $0xb8;
	[tilespmem:$0x1F360] =	vst v63  }
.LBB2_23:
0x3bc: {  	_ =	swait.ge [sflag:s25], $0x1C00  }
0x3bd: {  	s5 =	sshra.s32 s0, $0x2;
	[sflag:s25] =	ssyncset.done $0x0  }
0x3be: {  	s6 =	sadd.s32 $0x15E0, s5;
	[sflag:s25] =	ssyncadd.s32 $0xFFFFE400  }
0x3bf: {  	[spmem:s3] =	stream.indirect.scatter.add.f32 [tilespmem:s16], [sflag:$0x6], $0x40, s6, s15, $0xb8;
	[tilespmem:$0x1F360] =	vst v63  }
0x3c0: {  	_ =	swait.ge [sflag:s26], $0x1C00  }
0x3c1: {  	[sflag:s26] =	ssyncset.done $0x0  }
0x3c2: {  	s20 =	sadd.s32 $0x3F0, s5;
	[sflag:s26] =	ssyncadd.s32 $0xFFFFE400  }
0x3c3: {  	[tilespmem:s28], [sflag:$0x5] =	stream.indirect.gather [spmem:s1], $0x40, s20, s15, $0xb8;
	[tilespmem:$0x1F360] =	vst v63  }
0x3c4: {  	_ =	swait.ge [sflag:s29], $0x1C00  }
0x3c5: {  	[sflag:s29] =	ssyncset.done $0x0  }
0x3c6: {  	s22 =	sadd.s32 $0x1650, s5;
	[sflag:s29] =	ssyncadd.s32 $0xFFFFE400  }
0x3c7: {  	[spmem:s3] =	stream.indirect.scatter.add.f32 [tilespmem:s17], [sflag:$0x7], $0x40, s22, s15, $0xb8;
	[tilespmem:$0x1F360] =	vst v63  }
0x3c8: {  	_ =	swait.ge [sflag:s31], $0x1C00  }
0x3c9: {  	p0 =	seq.s32 s0, $0x3D40;
	[sflag:s31] =	ssyncset.done $0x0  }
0x3ca: {  	s6 =	simm.s32 @p0 $0x3;
	[sflag:s31] =	ssyncadd.s32 $0xFFFFE400  }
0x3cb: {  	_ =	swait.ge @p0 [sflag:s6], $0x1C00  }
0x3cc: {  	[sflag:s6] =	ssyncset.done @p0 $0x0  }
0x3cd: {  	[sflag:s6] =	ssyncadd.s32 @p0 $0xFFFFE400;
	s6 =	sshra.s32 @p0 s0, $0x2  }
0x3ce: {  	s7 =	simm.s32 @p0 $0x70;
	s8 =	simm.s32 @p0 $0x5F60;
	s6 =	sadd.s32 @p0 $0x16C0, s6  }
0x3cf: {  	[spmem:s3] =	stream.indirect.scatter.add.f32 @p0 [tilespmem:s8], [sflag:$0x8], $0x40, s6, s7, $0xb8;
	[tilespmem:$0x1F360] =	vst v63  }
0x3d0: {  	s6 =	simm.s32 @p0 $0x7  }
0x3d1: {  	_ =	swait.ge @p0 [sflag:s6], $0x1C00  }
0x3d2: {  	[sflag:s6] =	ssyncset.done @p0 $0x0  }
0x3d3: {  	[sflag:s6] =	ssyncadd.s32 @p0 $0xFFFFE400;
	s6 =	sshra.s32 @!p0 s0, $0x2  }
0x3d4: {  	s9 =	simm.s32 @!p0 $0x2760;
	s8 =	simm.s32 @!p0 $0x70;
	s7 =	sadd.s32 @!p0 $0x460, s6  }
0x3d5: {  	[tilespmem:s9], [sflag:$0x1] =	stream.indirect.gather @!p0 [spmem:s1], $0x40, s7, s8, $0xb8;
	[tilespmem:$0x1F360] =	vst v63  }
0x3d6: {  	s7 =	simm.s32 @!p0 $0x3  }
0x3d7: {  	_ =	swait.ge @!p0 [sflag:s7], $0x1C00  }
0x3d8: {  	[sflag:s7] =	ssyncset.done @!p0 $0x0  }
0x3d9: {  	s9 =	simm.s32 @!p0 $0x5F60;
	[sflag:s7] =	ssyncadd.s32 @!p0 $0xFFFFE400;
	s7 =	sadd.s32 @!p0 $0x16C0, s6  }
0x3da: {  	[spmem:s3] =	stream.indirect.scatter.add.f32 @!p0 [tilespmem:s9], [sflag:$0x8], $0x40, s7, s8, $0xb8;
	[tilespmem:$0x1F360] =	vst v63  }
0x3db: {  	s7 =	simm.s32 @!p0 $0x7  }
0x3dc: {  	_ =	swait.ge @!p0 [sflag:s7], $0x1C00  }
0x3dd: {  	[sflag:s7] =	ssyncset.done @!p0 $0x0  }
0x3de: {  	s6 =	sadd.s32 @!p0 $0x4D0, s6;
	[sflag:s7] =	ssyncadd.s32 @!p0 $0xFFFFE400;
	s7 =	simm.s32 @!p0 $0x4360  }
0x3df: {  	[tilespmem:s7], [sflag:$0x2] =	stream.indirect.gather @!p0 [spmem:s1], $0x40, s6, s8, $0xb8;
	[tilespmem:$0x1F360] =	vst v63  }
0x3e0: {  	_ =	swait.ge [sflag:s23], $0x1C00  }
0x3e1: {  	[sflag:s23] =	ssyncset.done $0x0  }
.Ltmp16:
0x3e2: {  	s24 =	sadd.s32 $0x1730, s5;
	[sflag:s23] =	ssyncadd.s32 $0xFFFFE400;
	(pc) =	sbr.rel @p0 .LBB2_25-.Ltmp16, $4  }
0x3e3: {  	[spmem:s3] =	stream.indirect.scatter.add.f32 [tilespmem:s21], [sflag:$0x9], $0x40, s24, s15, $0xb8;
	[tilespmem:$0x1F360] =	vst v63  }
0x3e4: {  	_ =	swait.ge [sflag:s4], $0x1C00  }
0x3e5: {  	[sflag:s4] =	ssyncset.done $0x0  }
0x3e6: {  	s6 =	sadd.s32 $0x17A0, s5;
	[sflag:s4] =	ssyncadd.s32 $0xFFFFE400  }
0x3e7: {  	s7 =	sadd.s32 $0x540, s5  }
0x3e8: {  	[tilespmem:s19], [sflag:$0x3] =	stream.indirect.gather [spmem:s1], $0x40, s7, s15, $0xb8;
	[tilespmem:$0x1F360] =	vst v63  }
0x3e9: {  	_ =	swait.ge [sflag:s11], $0x1C00  }
0x3ea: {  	[sflag:s11] =	ssyncset.done $0x0  }
0x3eb: {  	[sflag:s11] =	ssyncadd.s32 $0xFFFFE400  }
0x3ec: {  	[spmem:s3] =	stream.indirect.scatter.add.f32 [tilespmem:s28], [sflag:$0xA], $0x40, s6, s15, $0xb8;
	[tilespmem:$0x1F360] =	vst v63  }
.Ltmp17:
0x3ed: {  	_ = 	snop;
	(pc) =	sbr.rel .LBB2_23-.Ltmp17, $4  }
0x3ee: {  	_ =	swait.ge [sflag:s18], $0x1C00  }
0x3ef: {  	[sflag:s18] =	ssyncset.done $0x0  }
0x3f0: {  	s24 =	sadd.s32 $0x5B0, s5;
	s0 =	sadd.s32 $0x8C0, s0;
	[sflag:s18] =	ssyncadd.s32 $0xFFFFE400  }
0x3f1: {  	[tilespmem:s21], [sflag:$0x4] =	stream.indirect.gather [spmem:s1], $0x40, s24, s15, $0xb8;
	[tilespmem:$0x1F360] =	vst v63  }
.LBB2_26:
0x3f2: {  	_ =	sfence.sel $0x180000  }
0x3f3: {  	[bflag:$0x0] =	sbarrier.arrive $0xFFFF  }
0x3f4: {  	_ =	strace $0x90000047  }
0x3f5: {  	s0 =	stileid.u32;
	[bflag:$0x2] =	sbarrier.arrive $0xFFFF  }
0x3f6: {  	p0 =	sne.s32 s0, $0x0;
	s0 =	rddreg [dreg:$0x4]  }
0x3f7: {  	s0 =	sadd.s32 @!p0 $0x100000, s0  }
0x3f8: {  	[sflag:s0] =	ssyncadd.tile.s32 @!p0 $0x1;
	_ =	shalt  }
.Lfunc_end2:
_tile_overlayer_lowered:
.L_overlay_start_2:
0x3f9: {  	(tag) =	ssettag $0x2  }
0x3fa: {  	s0 =	rddreg [dreg:$0x0];
	s2 =	stileid.u32  }
0x3fb: {  	s1 =	rddreg [dreg:$0x1];
	p0 =	sne.s32 s2, $0x0  }
0x3fc: {  	s3 =	rddreg [dreg:$0x2];
	[bflag:$0x3] =	sbarrier.arrive $0xFFFF;
	s2 =	simm.s32 @!p0 $0x1C0B  }
0x3fd: {  	[timem:s3], [sflag:s2] =	dma.local @!p0 [hbm:s0], s1  }
0x3fe: {  	s0 =	simm.s32 @!p0 $0xB  }
0x3ff: {  	_ =	swait.ge @!p0 [sflag:s0], s1  }
0x400: {  	s1 =	ssub.s32 @!p0 $0x0, s1;
	[sflag:s0] =	ssyncset.done @!p0 $0x0  }
0x401: {  	[sflag:s0] =	ssyncadd.s32 @!p0 s1  }
0x402: {  	[bflag:$0x3] =	sbarrier.arrive $0xFFFF  }
0x403: {  	_ =	shalt  }

</sc_bundles>
